<compile_context>
chip_gen: v7x
topology: tpu7x:2x2x1
jax: 0.10.2.dev20260603
libtpu: 0.0.44.dev20260713+nightly
codegen_flags: <defaults>
</compile_context>

<pallas_src>
import functools
import jax
import jax.numpy as jnp
from jax import lax
from jax.experimental import pallas as pl
from jax.experimental.pallas import tpu as pltpu
from jax.experimental.pallas import tpu_sc as plsc

E = 8
K = 2
D = 1024
FF = 4096
T = 2048
B = 256
NBLK = (T * K) // B + E
P = NBLK * B
FC = 1024
NFF = FF // FC

BMAP_PAD = 64
NC, NS = 2, 16
NW = NC * NS
RPW = P // NW
GCH = 48
TPW = T // NW
CCH = 16

_mesh = plsc.VectorSubcoreMesh(core_axis_name="c", subcore_axis_name="s")



def _router_body(x_ref, wg_ref, logits_ref, e1_ref, e2_ref, g1_ref, g2_ref):
    x = x_ref[...]
    wg = wg_ref[...]
    logits = jax.lax.dot_general(
        x, wg, (((1,), (1,)), ((), ())), preferred_element_type=jnp.float32)
    logits_ref[...] = logits
    m = jnp.max(logits, axis=1, keepdims=True)
    ex = jnp.exp(logits - m)
    gates = ex / jnp.sum(ex, axis=1, keepdims=True)
    iota = jax.lax.broadcasted_iota(jnp.int32, (T, E), 1)
    g1 = jnp.max(gates, axis=1, keepdims=True)
    i1 = jnp.min(jnp.where(gates == g1, iota, E), axis=1, keepdims=True)
    gm = jnp.where(iota == i1, -jnp.inf, gates)
    g2 = jnp.max(gm, axis=1, keepdims=True)
    i2 = jnp.min(jnp.where(gm == g2, iota, E), axis=1, keepdims=True)
    s = g1 + g2
    e1_ref[...] = i1
    e2_ref[...] = i2
    g1_ref[...] = g1 / s
    g2_ref[...] = g2 / s


def _router(xf, wg):
    return pl.pallas_call(
        _router_body,
        out_shape=(
            jax.ShapeDtypeStruct((T, E), jnp.float32),
            jax.ShapeDtypeStruct((T, 1), jnp.int32),
            jax.ShapeDtypeStruct((T, 1), jnp.int32),
            jax.ShapeDtypeStruct((T, 1), jnp.float32),
            jax.ShapeDtypeStruct((T, 1), jnp.float32),
        ),
    )(xf, wg)



def _gemm_body(bmap_ref, xs_ref, w1_ref, w2_ref, w3_ref, ws_ref, out_ref,
               acc_ref):
    f = pl.program_id(0)
    b = pl.program_id(1)
    x = xs_ref[...]
    a = jnp.dot(x, w1_ref[0], preferred_element_type=jnp.float32)
    g = jnp.dot(x, w2_ref[0], preferred_element_type=jnp.float32)
    h = (a / (1.0 + jnp.exp(-a))) * g
    contrib = jnp.dot(h, w3_ref[0], preferred_element_type=jnp.float32)

    rows = pl.ds(b * B, B)

    @pl.when(f == 0)
    def _():
        acc_ref[rows, :] = contrib

    @pl.when(jnp.logical_and(f > 0, f < NFF - 1))
    def _():
        acc_ref[rows, :] += contrib

    @pl.when(f == NFF - 1)
    def _():
        out_ref[...] = (acc_ref[rows, :] + contrib) * ws_ref[...]


def _grouped_gemm(bmap, xs, w1, w2, w3, ws):
    grid_spec = pltpu.PrefetchScalarGridSpec(
        num_scalar_prefetch=1,
        grid=(NFF, NBLK),
        in_specs=[
            pl.BlockSpec((B, D), lambda f, b, m: (b, 0)),
            pl.BlockSpec((1, D, FC), lambda f, b, m: (m[b], 0, f)),
            pl.BlockSpec((1, D, FC), lambda f, b, m: (m[b], 0, f)),
            pl.BlockSpec((1, FC, D), lambda f, b, m: (m[b], f, 0)),
            pl.BlockSpec((B, 1), lambda f, b, m: (b, 0)),
        ],
        out_specs=pl.BlockSpec(
            (B, D), lambda f, b, m: (jnp.where(f == NFF - 1, b, NBLK), 0)),
        scratch_shapes=[pltpu.VMEM((P, D), jnp.float32)],
    )
    return pl.pallas_call(
        _gemm_body,
        grid_spec=grid_spec,
        out_shape=jax.ShapeDtypeStruct((P + B, D), jnp.float32),
        compiler_params=pltpu.CompilerParams(
            vmem_limit_bytes=110 * 1024 * 1024),
    )(bmap, xs, w1, w2, w3, ws)



NV = T // 16


def _sort_body(e1_hbm, e2_hbm, g1_hbm, g2_hbm,
               dst_hbm, row_hbm, ws_hbm, bmap_hbm,
               e1v, e2v, g1v, g2v, dstv, rowv, wsv, mapv):
    cid = lax.axis_index("c")
    sid = lax.axis_index("s")

    @pl.when(jnp.logical_and(cid == 0, sid == 0))
    def _():
        pltpu.sync_copy(e1_hbm, e1v)
        pltpu.sync_copy(e2_hbm, e2v)
        pltpu.sync_copy(g1_hbm, g1v)
        pltpu.sync_copy(g2_hbm, g2v)

        iot = lax.iota(jnp.int32, 16)
        zi = jnp.zeros((16,), jnp.int32)
        zf = jnp.zeros((16,), jnp.float32)

        def zrow(i, _):
            rowv[pl.ds(i * 16, 16)] = zi
            wsv[pl.ds(i * 16, 16)] = zf
            return 0
        lax.fori_loop(0, P // 16, zrow, 0)

        def hbody(i, cnts):
            va = e1v[pl.ds(16 * i, 16)]
            vb = e2v[pl.ds(16 * i, 16)]
            out = []
            for e in range(E):
                ca = jnp.sum(jnp.where(va == e, 1, 0))
                cb = jnp.sum(jnp.where(vb == e, 1, 0))
                out.append(cnts[e] + ca + cb)
            return tuple(out)
        zero = jnp.zeros((), jnp.int32)
        cnts = lax.fori_loop(0, NV, hbody, (zero,) * E)

        cnt_vec = zi
        for e in range(E):
            cnt_vec = jnp.where(iot == e, cnts[e], cnt_vec)
        nblk_vec = (cnt_vec + B - 1) // B
        end_vec = jnp.cumsum(nblk_vec)
        base_vec = (end_vec - nblk_vec) * B
        used = end_vec[E - 1]
        nz = jnp.where(jnp.logical_and(nblk_vec > 0, iot < E), iot, 0)
        last_e = jnp.max(nz)
        ends = [end_vec[e] for e in range(E)]
        for j in range(BMAP_PAD // 16):
            bidx = iot + 16 * j
            val = zi
            for e in range(E):
                val = val + jnp.where(bidx >= ends[e], 1, 0)
            mval = jnp.where(bidx < used, jnp.minimum(val, E - 1), last_e)
            mapv[pl.ds(16 * j, 16)] = mval

        def make_abody(ev, gv_ref, off):
            def abody(i, runs):
                va = ev[pl.ds(16 * i, 16)]
                gv = gv_ref[pl.ds(16 * i, 16)]
                tok = iot + 16 * i
                slot = zi
                out = []
                for e in range(E):
                    ind = jnp.where(va == e, 1, 0)
                    c = jnp.cumsum(ind)
                    slot = jnp.where(va == e, runs[e] + c - 1, slot)
                    out.append(runs[e] + c[15])
                plsc.store_scatter(rowv, [slot], tok)
                plsc.store_scatter(wsv, [slot], gv)
                dstv[pl.ds(off + 16 * i, 16)] = slot
                return tuple(out)
            return abody

        runs = tuple(base_vec[e] for e in range(E))
        runs = lax.fori_loop(0, NV, make_abody(e1v, g1v, 0), runs)
        lax.fori_loop(0, NV, make_abody(e2v, g2v, T), runs)

        pltpu.sync_copy(dstv, dst_hbm)
        pltpu.sync_copy(rowv, row_hbm)
        pltpu.sync_copy(wsv, ws_hbm)
        pltpu.sync_copy(mapv, bmap_hbm)


def _sc_sort(e1, e2, g1, g2):
    f = pl.kernel(
        _sort_body,
        out_type=(
            jax.ShapeDtypeStruct((K * T,), jnp.int32),
            jax.ShapeDtypeStruct((P,), jnp.int32),
            jax.ShapeDtypeStruct((P,), jnp.float32),
            jax.ShapeDtypeStruct((BMAP_PAD,), jnp.int32),
        ),
        mesh=_mesh,
        scratch_types=[
            pltpu.VMEM((T,), jnp.int32),
            pltpu.VMEM((T,), jnp.int32),
            pltpu.VMEM((T,), jnp.float32),
            pltpu.VMEM((T,), jnp.float32),
            pltpu.VMEM((K * T,), jnp.int32),
            pltpu.VMEM((P,), jnp.int32),
            pltpu.VMEM((P,), jnp.float32),
            pltpu.VMEM((BMAP_PAD,), jnp.int32),
        ],
        compiler_params=pltpu.CompilerParams(needs_layout_passes=False),
    )
    return f(e1, e2, g1, g2)



def _gather_body(x_hbm, row_hbm, xs_hbm, idxv, buf0, buf1,
                 gsem0, gsem1, wsem0, wsem1):
    cid = lax.axis_index("c")
    sid = lax.axis_index("s")
    wid = sid * NC + cid
    base = wid * RPW
    bufs = (buf0, buf1)
    gsems = (gsem0, gsem1)
    wsems = (wsem0, wsem1)
    nch = RPW // GCH

    pltpu.sync_copy(row_hbm.at[pl.ds(base, RPW)], idxv)

    def gstart(c):
        return pltpu.async_copy(x_hbm.at[idxv.at[pl.ds(c * GCH, GCH)]],
                                bufs[c % 2], gsems[c % 2])

    gcp = {0: gstart(0), 1: gstart(1)}
    wcp = {}
    for c in range(nch):
        gcp[c].wait()
        wcp[c] = pltpu.async_copy(
            bufs[c % 2], xs_hbm.at[pl.ds(base + c * GCH, GCH)], wsems[c % 2])
        if c + 2 < nch:
            wcp[c].wait()
            gcp[c + 2] = gstart(c + 2)
    wcp[nch - 2].wait()
    wcp[nch - 1].wait()


def _sc_gather(xf, row_ids):
    f = pl.kernel(
        _gather_body,
        out_type=jax.ShapeDtypeStruct((P, D), jnp.float32),
        mesh=_mesh,
        scratch_types=[
            pltpu.VMEM((RPW,), jnp.int32),
            pltpu.VMEM((GCH, D), jnp.float32),
            pltpu.VMEM((GCH, D), jnp.float32),
            pltpu.SemaphoreType.DMA,
            pltpu.SemaphoreType.DMA,
            pltpu.SemaphoreType.DMA,
            pltpu.SemaphoreType.DMA,
        ],
    )
    return f(xf, row_ids)



def _combine_body(op_hbm, dst_hbm, out_hbm, idx0, idx1, gbuf0, gbuf1, obufv,
                  sem0, sem1):
    cid = lax.axis_index("c")
    sid = lax.axis_index("s")
    wid = sid * NC + cid
    tbase = wid * TPW
    idxs = (idx0, idx1)
    gbufs = (gbuf0, gbuf1)
    sems = (sem0, sem1)
    nch = TPW // CCH

    def start(c):
        tb = tbase + c * CCH
        pltpu.sync_copy(dst_hbm.at[pl.ds(tb, CCH)],
                        idxs[c % 2].at[pl.ds(0, CCH)])
        pltpu.sync_copy(dst_hbm.at[pl.ds(T + tb, CCH)],
                        idxs[c % 2].at[pl.ds(CCH, CCH)])
        return pltpu.async_copy(op_hbm.at[idxs[c % 2]], gbufs[c % 2],
                                sems[c % 2])

    cps = {0: start(0), 1: start(1)}
    for c in range(nch):
        cps[c].wait()
        gb = gbufs[c % 2]

        def jbody(j, _):
            def qbody(q, _):
                s = pl.ds(q * 64, 16)
                s1 = pl.ds(q * 64 + 16, 16)
                s2 = pl.ds(q * 64 + 32, 16)
                s3 = pl.ds(q * 64 + 48, 16)
                obufv[j, s] = gb[j, s] + gb[CCH + j, s]
                obufv[j, s1] = gb[j, s1] + gb[CCH + j, s1]
                obufv[j, s2] = gb[j, s2] + gb[CCH + j, s2]
                obufv[j, s3] = gb[j, s3] + gb[CCH + j, s3]
                return 0
            lax.fori_loop(0, D // 64, qbody, 0)
            return 0
        lax.fori_loop(0, CCH, jbody, 0)
        if c + 2 < nch:
            cps[c + 2] = start(c + 2)
        pltpu.sync_copy(obufv, out_hbm.at[pl.ds(tbase + c * CCH, CCH)])


def _sc_combine(op, dst):
    f = pl.kernel(
        _combine_body,
        out_type=jax.ShapeDtypeStruct((T, D), jnp.float32),
        mesh=_mesh,
        scratch_types=[
            pltpu.VMEM((2 * CCH,), jnp.int32),
            pltpu.VMEM((2 * CCH,), jnp.int32),
            pltpu.VMEM((2 * CCH, D), jnp.float32),
            pltpu.VMEM((2 * CCH, D), jnp.float32),
            pltpu.VMEM((CCH, D), jnp.float32),
            pltpu.SemaphoreType.DMA,
            pltpu.SemaphoreType.DMA,
        ],
    )
    return f(op, dst)



def kernel(x, wg, w1, w2, w3):
    hidden_shape = x.shape
    xf = x.reshape(-1, D)

    logits, e1, e2, g1, g2 = _router(xf, wg)
    dst, row_ids, ws, bmap = _sc_sort(
        e1.reshape(T), e2.reshape(T), g1.reshape(T), g2.reshape(T))
    xs = _sc_gather(xf, row_ids)
    op = _grouped_gemm(bmap, xs, w1, w2, w3, ws.reshape(P, 1))
    out = _sc_combine(op, dst)
    return out.reshape(hidden_shape), logits

# --- scband reference (transcript-rebuilt; emitter-appended) ---
"""Pipeline reference for scband-dropless-mo-elayer-70300024701272 (READ-ONLY COPY).

The authoritative reference and input builder live on the scoring server;
editing this copy changes nothing except your own understanding.
"""

import jax, jax.numpy as jnp
import numpy as np

NUM_EXPERTS = 8
TOPK = 2
HIDDEN = 1024
FF = 4096
ROUTED_SCALING = 1.0


def setup_inputs(seed: int = 0) -> dict:
    key = jax.random.key(seed)
    k1, k2, k3, k4, k5 = jax.random.split(key, 5)
    x = jax.random.normal(k1, (1, 2048, HIDDEN), dtype=jnp.float32)
    # gate (router) weight: Linear(model_dim -> num_experts, bias=False)
    wg = jax.random.normal(k2, (NUM_EXPERTS, HIDDEN), dtype=jnp.float32) * 0.02
    # grouped expert weights (swiglu): w1, w2: [E, d, ff], w3: [E, ff, d]
    w1 = jax.random.normal(k3, (NUM_EXPERTS, HIDDEN, FF), dtype=jnp.float32) * 0.02
    w2 = jax.random.normal(k4, (NUM_EXPERTS, HIDDEN, FF), dtype=jnp.float32) * 0.02
    w3 = jax.random.normal(k5, (NUM_EXPERTS, FF, HIDDEN), dtype=jnp.float32) * 0.02
    return {"x": x, "wg": wg, "w1": w1, "w2": w2, "w3": w3}


def reference(x, wg, w1, w2, w3):
    E, K = NUM_EXPERTS, TOPK
    hidden_shape = x.shape
    d = x.shape[-1]
    xf = x.reshape(-1, d)
    # TopKGate: logits = wg(x); gates = softmax(logits, dim=1)
    logits = xf @ wg.T
    gates = jax.nn.softmax(logits, axis=1)
    # topk_softmax_with_capacity
    expert_weights, indices = jax.lax.top_k(gates, K)
    expert_weights = expert_weights / jnp.sum(expert_weights, axis=-1, keepdims=True)
    expert_weights = expert_weights * ROUTED_SCALING
    # token permutation: sort token copies by expert id (stable sort)
    flat_indices = indices.reshape(-1)  # [T*K]
    order = jnp.argsort(flat_indices)
    permuted = xf[order // K]
    # grouped GEMM experts with SwiGLU
    expert_ids = flat_indices[order]
    expert_out = jnp.zeros((permuted.shape[0], d), dtype=permuted.dtype)
    for e in range(E):
        h = jax.nn.silu(permuted @ w1[e]) * (permuted @ w2[e])
        out_e = h @ w3[e]
        mask = (expert_ids == e)[:, None]
        expert_out = jnp.where(mask, out_e, expert_out)
    # token unpermutation + weighted combine
    unperm = jnp.zeros_like(expert_out).at[order].set(expert_out)
    unperm = unperm.reshape(-1, K, d)
    out = jnp.sum(unperm * expert_weights[..., None], axis=1)
    out = out.reshape(hidden_shape)
    # output_router_logits=True -> return (output, logits)
    return out, logits

if __name__ == "__main__":
    import jax
    _d = setup_inputs()
    print(jax.jit(kernel)(*tuple(_d.values())))

</pallas_src>

<mosaic_0001>
#map = affine_map<(d0, d1) -> (0, 0)>
#map1 = affine_map<(d0, d1) -> (0)>
module attributes {stable_mosaic.version = 14 : i64} {
  func.func @_gather_body(%arg0: i32, %arg1: i32, %arg2: memref<2048x1024xf32, #tpu.memory_space<hbm>>, %arg3: memref<6144xi32, #tpu.memory_space<hbm>>, %arg4: memref<6144x1024xf32, #tpu.memory_space<hbm>>, %arg5: memref<192xi32, #tpu.memory_space<vmem>>, %arg6: memref<48x1024xf32, #tpu.memory_space<vmem>>, %arg7: memref<48x1024xf32, #tpu.memory_space<vmem>>, %arg8: memref<!tpu.dma_semaphore, #tpu.memory_space<semaphore_mem>>, %arg9: memref<!tpu.dma_semaphore, #tpu.memory_space<semaphore_mem>>, %arg10: memref<!tpu.dma_semaphore, #tpu.memory_space<semaphore_mem>>, %arg11: memref<!tpu.dma_semaphore, #tpu.memory_space<semaphore_mem>>) attributes {dimension_semantics = [#tpu.dimension_semantics<core_parallel>, #tpu.dimension_semantics<subcore_parallel>], iteration_bounds = array<i64: 2, 16>, scalar_prefetch = 0 : i64, scratch_operands = 7 : i64, tpu.core_type = #tpu.core_type<sc_vector_subcore>, window_params = [{transform_indices = #map}, {transform_indices = #map1}, {transform_indices = #map}]} {
    %mul3A = arith.constant 2 : i32
    %mul3A_0 = arith.muli %arg1, %mul3A : i32
    %add3A = arith.addi %mul3A_0, %arg0 : i32
    %mul3A_1 = arith.constant 192 : i32
    %mul3A_2 = arith.muli %add3A, %mul3A_1 : i32
    "tpu.region"() ({
      %run_scoped3A = tpu.sem_alloc : memref<!tpu.dma_semaphore, #tpu.memory_space<semaphore_mem>>
      %dma_start3A_81 = tpu.memref_slice %arg3[%mul3A_2] : memref<6144xi32, #tpu.memory_space<hbm>> -> memref<192xi32, #tpu.memory_space<hbm>>
      %dma_start3A_82 = tpu.memref_slice %arg3[%mul3A_2] : memref<6144xi32, #tpu.memory_space<hbm>> -> memref<192xi32, #tpu.memory_space<hbm>>
      tpu.enqueue_dma source(%dma_start3A_82 : memref<192xi32, #tpu.memory_space<hbm>>) target(%arg5 : memref<192xi32, #tpu.memory_space<vmem>>) target_semaphore(%run_scoped3A : memref<!tpu.dma_semaphore, #tpu.memory_space<semaphore_mem>>)
      %dma_wait3A_83 = tpu.memref_slice %arg3[%mul3A_2] : memref<6144xi32, #tpu.memory_space<hbm>> -> memref<192xi32, #tpu.memory_space<hbm>>
      %dma_wait3A_84 = tpu.memref_slice %arg3[%mul3A_2] : memref<6144xi32, #tpu.memory_space<hbm>> -> memref<192xi32, #tpu.memory_space<hbm>>
      tpu.wait_dma2 semaphore(%run_scoped3A : memref<!tpu.dma_semaphore, #tpu.memory_space<semaphore_mem>>) src(%dma_wait3A_84 : memref<192xi32, #tpu.memory_space<hbm>>) dst(%arg5 : memref<192xi32, #tpu.memory_space<vmem>>)
      tpu.yield
    }) : () -> ()
    %dma_start3A = arith.constant 0 : i32
    %dma_start3A_3 = tpu.memref_slice %arg5[%dma_start3A] : memref<192xi32, #tpu.memory_space<vmem>> -> memref<48xi32, #tpu.memory_space<vmem>>
    %dma_start3A_4 = arith.constant 0 : i32
    %dma_start3A_5 = arith.constant 0 : i32
    %dma_start3A_6 = tpu.memref_slice %arg2[%dma_start3A_4, %dma_start3A_5] : memref<2048x1024xf32, #tpu.memory_space<hbm>> -> memref<2048x1024xf32, #tpu.memory_space<hbm>>
    tpu.enqueue_indirect_dma source(%dma_start3A_6 : memref<2048x1024xf32, #tpu.memory_space<hbm>>) target(%arg6 : memref<48x1024xf32, #tpu.memory_space<vmem>>) offsets(%dma_start3A_3 : memref<48xi32, #tpu.memory_space<vmem>>) semaphore(%arg8 : memref<!tpu.dma_semaphore, #tpu.memory_space<semaphore_mem>>)
    %dma_start3A_7 = arith.constant 48 : i32
    %dma_start3A_8 = tpu.memref_slice %arg5[%dma_start3A_7] : memref<192xi32, #tpu.memory_space<vmem>> -> memref<48xi32, #tpu.memory_space<vmem>>
    %dma_start3A_9 = arith.constant 0 : i32
    %dma_start3A_10 = arith.constant 0 : i32
    %dma_start3A_11 = tpu.memref_slice %arg2[%dma_start3A_9, %dma_start3A_10] : memref<2048x1024xf32, #tpu.memory_space<hbm>> -> memref<2048x1024xf32, #tpu.memory_space<hbm>>
    tpu.enqueue_indirect_dma source(%dma_start3A_11 : memref<2048x1024xf32, #tpu.memory_space<hbm>>) target(%arg7 : memref<48x1024xf32, #tpu.memory_space<vmem>>) offsets(%dma_start3A_8 : memref<48xi32, #tpu.memory_space<vmem>>) semaphore(%arg9 : memref<!tpu.dma_semaphore, #tpu.memory_space<semaphore_mem>>)
    %dma_wait3A = arith.constant 0 : i32
    %dma_wait3A_12 = tpu.memref_slice %arg5[%dma_wait3A] : memref<192xi32, #tpu.memory_space<vmem>> -> memref<48xi32, #tpu.memory_space<vmem>>
    %dma_wait3A_13 = arith.constant 0 : i32
    %dma_wait3A_14 = arith.constant 0 : i32
    %dma_wait3A_15 = tpu.memref_slice %arg2[%dma_wait3A_13, %dma_wait3A_14] : memref<2048x1024xf32, #tpu.memory_space<hbm>> -> memref<2048x1024xf32, #tpu.memory_space<hbm>>
    tpu.wait_indirect_dma semaphore(%arg8 : memref<!tpu.dma_semaphore, #tpu.memory_space<semaphore_mem>>) src(%dma_wait3A_15 : memref<2048x1024xf32, #tpu.memory_space<hbm>>) dst(%arg6 : memref<48x1024xf32, #tpu.memory_space<vmem>>)
    %add3A_16 = arith.constant 0 : i32
    %add3A_17 = arith.addi %mul3A_2, %add3A_16 : i32
    %dma_start3A_18 = arith.constant 0 : i32
    %dma_start3A_19 = tpu.memref_slice %arg4[%add3A_17, %dma_start3A_18] : memref<6144x1024xf32, #tpu.memory_space<hbm>> -> memref<48x1024xf32, #tpu.memory_space<hbm>>
    %dma_start3A_20 = arith.constant 0 : i32
    %dma_start3A_21 = tpu.memref_slice %arg4[%add3A_17, %dma_start3A_20] : memref<6144x1024xf32, #tpu.memory_space<hbm>> -> memref<48x1024xf32, #tpu.memory_space<hbm>>
    tpu.enqueue_dma source(%arg6 : memref<48x1024xf32, #tpu.memory_space<vmem>>) target(%dma_start3A_21 : memref<48x1024xf32, #tpu.memory_space<hbm>>) target_semaphore(%arg10 : memref<!tpu.dma_semaphore, #tpu.memory_space<semaphore_mem>>)
    %dma_wait3A_22 = arith.constant 0 : i32
    %dma_wait3A_23 = tpu.memref_slice %arg4[%add3A_17, %dma_wait3A_22] : memref<6144x1024xf32, #tpu.memory_space<hbm>> -> memref<48x1024xf32, #tpu.memory_space<hbm>>
    %dma_wait3A_24 = arith.constant 0 : i32
    %dma_wait3A_25 = tpu.memref_slice %arg4[%add3A_17, %dma_wait3A_24] : memref<6144x1024xf32, #tpu.memory_space<hbm>> -> memref<48x1024xf32, #tpu.memory_space<hbm>>
    tpu.wait_dma2 semaphore(%arg10 : memref<!tpu.dma_semaphore, #tpu.memory_space<semaphore_mem>>) src(%arg6 : memref<48x1024xf32, #tpu.memory_space<vmem>>) dst(%dma_wait3A_25 : memref<48x1024xf32, #tpu.memory_space<hbm>>)
    %dma_start3A_26 = arith.constant 96 : i32
    %dma_start3A_27 = tpu.memref_slice %arg5[%dma_start3A_26] : memref<192xi32, #tpu.memory_space<vmem>> -> memref<48xi32, #tpu.memory_space<vmem>>
    %dma_start3A_28 = arith.constant 0 : i32
    %dma_start3A_29 = arith.constant 0 : i32
    %dma_start3A_30 = tpu.memref_slice %arg2[%dma_start3A_28, %dma_start3A_29] : memref<2048x1024xf32, #tpu.memory_space<hbm>> -> memref<2048x1024xf32, #tpu.memory_space<hbm>>
    tpu.enqueue_indirect_dma source(%dma_start3A_30 : memref<2048x1024xf32, #tpu.memory_space<hbm>>) target(%arg6 : memref<48x1024xf32, #tpu.memory_space<vmem>>) offsets(%dma_start3A_27 : memref<48xi32, #tpu.memory_space<vmem>>) semaphore(%arg8 : memref<!tpu.dma_semaphore, #tpu.memory_space<semaphore_mem>>)
    %dma_wait3A_31 = arith.constant 48 : i32
    %dma_wait3A_32 = tpu.memref_slice %arg5[%dma_wait3A_31] : memref<192xi32, #tpu.memory_space<vmem>> -> memref<48xi32, #tpu.memory_space<vmem>>
    %dma_wait3A_33 = arith.constant 0 : i32
    %dma_wait3A_34 = arith.constant 0 : i32
    %dma_wait3A_35 = tpu.memref_slice %arg2[%dma_wait3A_33, %dma_wait3A_34] : memref<2048x1024xf32, #tpu.memory_space<hbm>> -> memref<2048x1024xf32, #tpu.memory_space<hbm>>
    tpu.wait_indirect_dma semaphore(%arg9 : memref<!tpu.dma_semaphore, #tpu.memory_space<semaphore_mem>>) src(%dma_wait3A_35 : memref<2048x1024xf32, #tpu.memory_space<hbm>>) dst(%arg7 : memref<48x1024xf32, #tpu.memory_space<vmem>>)
    %add3A_36 = arith.constant 48 : i32
    %add3A_37 = arith.addi %mul3A_2, %add3A_36 : i32
    %dma_start3A_38 = arith.constant 0 : i32
    %dma_start3A_39 = tpu.memref_slice %arg4[%add3A_37, %dma_start3A_38] : memref<6144x1024xf32, #tpu.memory_space<hbm>> -> memref<48x1024xf32, #tpu.memory_space<hbm>>
    %dma_start3A_40 = arith.constant 0 : i32
    %dma_start3A_41 = tpu.memref_slice %arg4[%add3A_37, %dma_start3A_40] : memref<6144x1024xf32, #tpu.memory_space<hbm>> -> memref<48x1024xf32, #tpu.memory_space<hbm>>
    tpu.enqueue_dma source(%arg7 : memref<48x1024xf32, #tpu.memory_space<vmem>>) target(%dma_start3A_41 : memref<48x1024xf32, #tpu.memory_space<hbm>>) target_semaphore(%arg11 : memref<!tpu.dma_semaphore, #tpu.memory_space<semaphore_mem>>)
    %dma_wait3A_42 = arith.constant 0 : i32
    %dma_wait3A_43 = tpu.memref_slice %arg4[%add3A_37, %dma_wait3A_42] : memref<6144x1024xf32, #tpu.memory_space<hbm>> -> memref<48x1024xf32, #tpu.memory_space<hbm>>
    %dma_wait3A_44 = arith.constant 0 : i32
    %dma_wait3A_45 = tpu.memref_slice %arg4[%add3A_37, %dma_wait3A_44] : memref<6144x1024xf32, #tpu.memory_space<hbm>> -> memref<48x1024xf32, #tpu.memory_space<hbm>>
    tpu.wait_dma2 semaphore(%arg11 : memref<!tpu.dma_semaphore, #tpu.memory_space<semaphore_mem>>) src(%arg7 : memref<48x1024xf32, #tpu.memory_space<vmem>>) dst(%dma_wait3A_45 : memref<48x1024xf32, #tpu.memory_space<hbm>>)
    %dma_start3A_46 = arith.constant 144 : i32
    %dma_start3A_47 = tpu.memref_slice %arg5[%dma_start3A_46] : memref<192xi32, #tpu.memory_space<vmem>> -> memref<48xi32, #tpu.memory_space<vmem>>
    %dma_start3A_48 = arith.constant 0 : i32
    %dma_start3A_49 = arith.constant 0 : i32
    %dma_start3A_50 = tpu.memref_slice %arg2[%dma_start3A_48, %dma_start3A_49] : memref<2048x1024xf32, #tpu.memory_space<hbm>> -> memref<2048x1024xf32, #tpu.memory_space<hbm>>
    tpu.enqueue_indirect_dma source(%dma_start3A_50 : memref<2048x1024xf32, #tpu.memory_space<hbm>>) target(%arg7 : memref<48x1024xf32, #tpu.memory_space<vmem>>) offsets(%dma_start3A_47 : memref<48xi32, #tpu.memory_space<vmem>>) semaphore(%arg9 : memref<!tpu.dma_semaphore, #tpu.memory_space<semaphore_mem>>)
    %dma_wait3A_51 = arith.constant 96 : i32
    %dma_wait3A_52 = tpu.memref_slice %arg5[%dma_wait3A_51] : memref<192xi32, #tpu.memory_space<vmem>> -> memref<48xi32, #tpu.memory_space<vmem>>
    %dma_wait3A_53 = arith.constant 0 : i32
    %dma_wait3A_54 = arith.constant 0 : i32
    %dma_wait3A_55 = tpu.memref_slice %arg2[%dma_wait3A_53, %dma_wait3A_54] : memref<2048x1024xf32, #tpu.memory_space<hbm>> -> memref<2048x1024xf32, #tpu.memory_space<hbm>>
    tpu.wait_indirect_dma semaphore(%arg8 : memref<!tpu.dma_semaphore, #tpu.memory_space<semaphore_mem>>) src(%dma_wait3A_55 : memref<2048x1024xf32, #tpu.memory_space<hbm>>) dst(%arg6 : memref<48x1024xf32, #tpu.memory_space<vmem>>)
    %add3A_56 = arith.constant 96 : i32
    %add3A_57 = arith.addi %mul3A_2, %add3A_56 : i32
    %dma_start3A_58 = arith.constant 0 : i32
    %dma_start3A_59 = tpu.memref_slice %arg4[%add3A_57, %dma_start3A_58] : memref<6144x1024xf32, #tpu.memory_space<hbm>> -> memref<48x1024xf32, #tpu.memory_space<hbm>>
    %dma_start3A_60 = arith.constant 0 : i32
    %dma_start3A_61 = tpu.memref_slice %arg4[%add3A_57, %dma_start3A_60] : memref<6144x1024xf32, #tpu.memory_space<hbm>> -> memref<48x1024xf32, #tpu.memory_space<hbm>>
    tpu.enqueue_dma source(%arg6 : memref<48x1024xf32, #tpu.memory_space<vmem>>) target(%dma_start3A_61 : memref<48x1024xf32, #tpu.memory_space<hbm>>) target_semaphore(%arg10 : memref<!tpu.dma_semaphore, #tpu.memory_space<semaphore_mem>>)
    %dma_wait3A_62 = arith.constant 144 : i32
    %dma_wait3A_63 = tpu.memref_slice %arg5[%dma_wait3A_62] : memref<192xi32, #tpu.memory_space<vmem>> -> memref<48xi32, #tpu.memory_space<vmem>>
    %dma_wait3A_64 = arith.constant 0 : i32
    %dma_wait3A_65 = arith.constant 0 : i32
    %dma_wait3A_66 = tpu.memref_slice %arg2[%dma_wait3A_64, %dma_wait3A_65] : memref<2048x1024xf32, #tpu.memory_space<hbm>> -> memref<2048x1024xf32, #tpu.memory_space<hbm>>
    tpu.wait_indirect_dma semaphore(%arg9 : memref<!tpu.dma_semaphore, #tpu.memory_space<semaphore_mem>>) src(%dma_wait3A_66 : memref<2048x1024xf32, #tpu.memory_space<hbm>>) dst(%arg7 : memref<48x1024xf32, #tpu.memory_space<vmem>>)
    %add3A_67 = arith.constant 144 : i32
    %add3A_68 = arith.addi %mul3A_2, %add3A_67 : i32
    %dma_start3A_69 = arith.constant 0 : i32
    %dma_start3A_70 = tpu.memref_slice %arg4[%add3A_68, %dma_start3A_69] : memref<6144x1024xf32, #tpu.memory_space<hbm>> -> memref<48x1024xf32, #tpu.memory_space<hbm>>
    %dma_start3A_71 = arith.constant 0 : i32
    %dma_start3A_72 = tpu.memref_slice %arg4[%add3A_68, %dma_start3A_71] : memref<6144x1024xf32, #tpu.memory_space<hbm>> -> memref<48x1024xf32, #tpu.memory_space<hbm>>
    tpu.enqueue_dma source(%arg7 : memref<48x1024xf32, #tpu.memory_space<vmem>>) target(%dma_start3A_72 : memref<48x1024xf32, #tpu.memory_space<hbm>>) target_semaphore(%arg11 : memref<!tpu.dma_semaphore, #tpu.memory_space<semaphore_mem>>)
    %dma_wait3A_73 = arith.constant 0 : i32
    %dma_wait3A_74 = tpu.memref_slice %arg4[%add3A_57, %dma_wait3A_73] : memref<6144x1024xf32, #tpu.memory_space<hbm>> -> memref<48x1024xf32, #tpu.memory_space<hbm>>
    %dma_wait3A_75 = arith.constant 0 : i32
    %dma_wait3A_76 = tpu.memref_slice %arg4[%add3A_57, %dma_wait3A_75] : memref<6144x1024xf32, #tpu.memory_space<hbm>> -> memref<48x1024xf32, #tpu.memory_space<hbm>>
    tpu.wait_dma2 semaphore(%arg10 : memref<!tpu.dma_semaphore, #tpu.memory_space<semaphore_mem>>) src(%arg6 : memref<48x1024xf32, #tpu.memory_space<vmem>>) dst(%dma_wait3A_76 : memref<48x1024xf32, #tpu.memory_space<hbm>>)
    %dma_wait3A_77 = arith.constant 0 : i32
    %dma_wait3A_78 = tpu.memref_slice %arg4[%add3A_68, %dma_wait3A_77] : memref<6144x1024xf32, #tpu.memory_space<hbm>> -> memref<48x1024xf32, #tpu.memory_space<hbm>>
    %dma_wait3A_79 = arith.constant 0 : i32
    %dma_wait3A_80 = tpu.memref_slice %arg4[%add3A_68, %dma_wait3A_79] : memref<6144x1024xf32, #tpu.memory_space<hbm>> -> memref<48x1024xf32, #tpu.memory_space<hbm>>
    tpu.wait_dma2 semaphore(%arg11 : memref<!tpu.dma_semaphore, #tpu.memory_space<semaphore_mem>>) src(%arg7 : memref<48x1024xf32, #tpu.memory_space<vmem>>) dst(%dma_wait3A_80 : memref<48x1024xf32, #tpu.memory_space<hbm>>)
    return
  }
}

#map = affine_map<(d0, d1) -> (0)>
module attributes {stable_mosaic.version = 14 : i64} {
  func.func @_sort_body(%arg0: i32, %arg1: i32, %arg2: memref<2048xi32, #tpu.memory_space<hbm>>, %arg3: memref<2048xi32, #tpu.memory_space<hbm>>, %arg4: memref<2048xf32, #tpu.memory_space<hbm>>, %arg5: memref<2048xf32, #tpu.memory_space<hbm>>, %arg6: memref<4096xi32, #tpu.memory_space<hbm>>, %arg7: memref<6144xi32, #tpu.memory_space<hbm>>, %arg8: memref<6144xf32, #tpu.memory_space<hbm>>, %arg9: memref<64xi32, #tpu.memory_space<hbm>>, %arg10: memref<2048xi32, #tpu.memory_space<vmem>>, %arg11: memref<2048xi32, #tpu.memory_space<vmem>>, %arg12: memref<2048xf32, #tpu.memory_space<vmem>>, %arg13: memref<2048xf32, #tpu.memory_space<vmem>>, %arg14: memref<4096xi32, #tpu.memory_space<vmem>>, %arg15: memref<6144xi32, #tpu.memory_space<vmem>>, %arg16: memref<6144xf32, #tpu.memory_space<vmem>>, %arg17: memref<64xi32, #tpu.memory_space<vmem>>) attributes {dimension_semantics = [#tpu.dimension_semantics<core_parallel>, #tpu.dimension_semantics<subcore_parallel>], iteration_bounds = array<i64: 2, 16>, scalar_prefetch = 0 : i64, scratch_operands = 8 : i64, tpu.core_type = #tpu.core_type<sc_vector_subcore>, window_params = [{transform_indices = #map}, {transform_indices = #map}, {transform_indices = #map}, {transform_indices = #map}, {transform_indices = #map}, {transform_indices = #map}, {transform_indices = #map}, {transform_indices = #map}]} {
    %eq3A = arith.constant 0 : i32
    %eq3A_0 = arith.cmpi eq, %arg0, %eq3A : i32
    %eq3A_1 = arith.constant 0 : i32
    %eq3A_2 = arith.cmpi eq, %arg1, %eq3A_1 : i32
    %and3A = arith.andi %eq3A_0, %eq3A_2 : i1
    %convert_element_type3A = arith.extui %and3A : i1 to i32
    %cond3A = arith.constant 0 : i32
    %cond3A_3 = arith.cmpi ne, %convert_element_type3A, %cond3A : i32
    scf.if %cond3A_3 {
      "tpu.region"() ({
        %run_scoped3A = tpu.sem_alloc : memref<!tpu.dma_semaphore, #tpu.memory_space<semaphore_mem>>
        tpu.enqueue_dma source(%arg2 : memref<2048xi32, #tpu.memory_space<hbm>>) target(%arg10 : memref<2048xi32, #tpu.memory_space<vmem>>) target_semaphore(%run_scoped3A : memref<!tpu.dma_semaphore, #tpu.memory_space<semaphore_mem>>)
        tpu.wait_dma2 semaphore(%run_scoped3A : memref<!tpu.dma_semaphore, #tpu.memory_space<semaphore_mem>>) src(%arg2 : memref<2048xi32, #tpu.memory_space<hbm>>) dst(%arg10 : memref<2048xi32, #tpu.memory_space<vmem>>)
        tpu.yield
      }) : () -> ()
      "tpu.region"() ({
        %run_scoped3A = tpu.sem_alloc : memref<!tpu.dma_semaphore, #tpu.memory_space<semaphore_mem>>
        tpu.enqueue_dma source(%arg3 : memref<2048xi32, #tpu.memory_space<hbm>>) target(%arg11 : memref<2048xi32, #tpu.memory_space<vmem>>) target_semaphore(%run_scoped3A : memref<!tpu.dma_semaphore, #tpu.memory_space<semaphore_mem>>)
        tpu.wait_dma2 semaphore(%run_scoped3A : memref<!tpu.dma_semaphore, #tpu.memory_space<semaphore_mem>>) src(%arg3 : memref<2048xi32, #tpu.memory_space<hbm>>) dst(%arg11 : memref<2048xi32, #tpu.memory_space<vmem>>)
        tpu.yield
      }) : () -> ()
      "tpu.region"() ({
        %run_scoped3A = tpu.sem_alloc : memref<!tpu.dma_semaphore, #tpu.memory_space<semaphore_mem>>
        tpu.enqueue_dma source(%arg4 : memref<2048xf32, #tpu.memory_space<hbm>>) target(%arg12 : memref<2048xf32, #tpu.memory_space<vmem>>) target_semaphore(%run_scoped3A : memref<!tpu.dma_semaphore, #tpu.memory_space<semaphore_mem>>)
        tpu.wait_dma2 semaphore(%run_scoped3A : memref<!tpu.dma_semaphore, #tpu.memory_space<semaphore_mem>>) src(%arg4 : memref<2048xf32, #tpu.memory_space<hbm>>) dst(%arg12 : memref<2048xf32, #tpu.memory_space<vmem>>)
        tpu.yield
      }) : () -> ()
      "tpu.region"() ({
        %run_scoped3A = tpu.sem_alloc : memref<!tpu.dma_semaphore, #tpu.memory_space<semaphore_mem>>
        tpu.enqueue_dma source(%arg5 : memref<2048xf32, #tpu.memory_space<hbm>>) target(%arg13 : memref<2048xf32, #tpu.memory_space<vmem>>) target_semaphore(%run_scoped3A : memref<!tpu.dma_semaphore, #tpu.memory_space<semaphore_mem>>)
        tpu.wait_dma2 semaphore(%run_scoped3A : memref<!tpu.dma_semaphore, #tpu.memory_space<semaphore_mem>>) src(%arg5 : memref<2048xf32, #tpu.memory_space<hbm>>) dst(%arg13 : memref<2048xf32, #tpu.memory_space<vmem>>)
        tpu.yield
      }) : () -> ()
      %iota3A = tpu.iota {dimensions = array<i32: 0>} : vector<16xi32>
      %broadcast_in_dim3A = arith.constant 0 : i32
      %broadcast_in_dim3A_4 = vector.broadcast %broadcast_in_dim3A : i32 to vector<16xi32>
      %broadcast_in_dim3A_5 = arith.constant 0.000000e+00 : f32
      %broadcast_in_dim3A_6 = vector.broadcast %broadcast_in_dim3A_5 : f32 to vector<16xf32>
      %scan3A = arith.constant 0 : i32
      %scan3A_7 = arith.constant 0 : i32
      %scan3A_8 = arith.constant 384 : i32
      %scan3A_9 = arith.addi %scan3A_7, %scan3A_8 : i32
      %scan3A_10 = arith.constant 1 : i32
      %scan3A_11 = scf.for %scan3A_461 = %scan3A_7 to %scan3A_9 step %scan3A_10 iter_args(%scan3A_462 = %scan3A) -> (i32)  : i32 {
        %mul3A_463 = arith.constant 16 : i32
        %mul3A_464 = arith.muli %scan3A_461, %mul3A_463 : i32
        %swap3A_465 = arith.index_cast %mul3A_464 : i32 to index
        %swap3A_466 = tpu.vector_load %arg15[%swap3A_465] {strides = array<i32>} : memref<6144xi32, #tpu.memory_space<vmem>>, vector<16xi32>,
        tpu.vector_store %arg15[%swap3A_465], %broadcast_in_dim3A_4 {strides = array<i32>} : memref<6144xi32, #tpu.memory_space<vmem>>, vector<16xi32>,
        %mul3A_467 = arith.constant 16 : i32
        %mul3A_468 = arith.muli %scan3A_461, %mul3A_467 : i32
        %swap3A_469 = arith.index_cast %mul3A_468 : i32 to index
        %swap3A_470 = tpu.vector_load %arg16[%swap3A_469] {strides = array<i32>} : memref<6144xf32, #tpu.memory_space<vmem>>, vector<16xf32>,
        tpu.vector_store %arg16[%swap3A_469], %broadcast_in_dim3A_6 {strides = array<i32>} : memref<6144xf32, #tpu.memory_space<vmem>>, vector<16xf32>,
        %scan3A_471 = arith.constant 0 : i32
        scf.yield %scan3A_471 : i32
      }
      %scan3A_12 = arith.constant 384 : i32
      %scan3A_13 = arith.constant 0 : i32
      %scan3A_14 = arith.constant 0 : i32
      %scan3A_15 = arith.constant 0 : i32
      %scan3A_16 = arith.constant 0 : i32
      %scan3A_17 = arith.constant 0 : i32
      %scan3A_18 = arith.constant 0 : i32
      %scan3A_19 = arith.constant 0 : i32
      %scan3A_20 = arith.constant 0 : i32
      %scan3A_21 = arith.constant 0 : i32
      %scan3A_22 = arith.constant 128 : i32
      %scan3A_23 = arith.addi %scan3A_21, %scan3A_22 : i32
      %scan3A_24 = arith.constant 1 : i32
      %scan3A_25:8 = scf.for %scan3A_461 = %scan3A_21 to %scan3A_23 step %scan3A_24 iter_args(%scan3A_462 = %scan3A_13, %scan3A_463 = %scan3A_14, %scan3A_464 = %scan3A_15, %scan3A_465 = %scan3A_16, %scan3A_466 = %scan3A_17, %scan3A_467 = %scan3A_18, %scan3A_468 = %scan3A_19, %scan3A_469 = %scan3A_20) -> (i32, i32, i32, i32, i32, i32, i32, i32)  : i32 {
        %mul3A_470 = arith.constant 16 : i32
        %mul3A_471 = arith.muli %mul3A_470, %scan3A_461 : i32
        %get3A = arith.index_cast %mul3A_471 : i32 to index
        %get3A_472 = tpu.vector_load %arg10[%get3A] {strides = array<i32>} : memref<2048xi32, #tpu.memory_space<vmem>>, vector<16xi32>,
        %mul3A_473 = arith.constant 16 : i32
        %mul3A_474 = arith.muli %mul3A_473, %scan3A_461 : i32
        %get3A_475 = arith.index_cast %mul3A_474 : i32 to index
        %get3A_476 = tpu.vector_load %arg11[%get3A_475] {strides = array<i32>} : memref<2048xi32, #tpu.memory_space<vmem>>, vector<16xi32>,
        %eq3A_477 = arith.constant 0 : i32
        %eq3A_478 = vector.broadcast %eq3A_477 : i32 to vector<16xi32>
        %eq3A_479 = arith.cmpi eq, %get3A_472, %eq3A_478 : vector<16xi32>
        %jit3A_480 = arith.constant 1 : i32
        %jit3A_481 = arith.constant 0 : i32
        %broadcast_in_dim3A_482 = vector.broadcast %jit3A_480 : i32 to vector<16xi32>
        %broadcast_in_dim3A_483 = vector.broadcast %jit3A_481 : i32 to vector<16xi32>
        %select_n3A_484 = arith.select %eq3A_479, %broadcast_in_dim3A_482, %broadcast_in_dim3A_483 : vector<16xi1>, vector<16xi32>
        %reduce_sum3A = arith.constant true
        %reduce_sum3A_485 = vector.broadcast %reduce_sum3A : i1 to vector<16xi1>
        %reduce_sum3A_486 = tpu.scan <sum>, %select_n3A_484 masked %reduce_sum3A_485 : vector<16xi32>, vector<16xi1> -> vector<16xi32>
        %reduce_sum3A_487 = vector.extract %reduce_sum3A_486[15] : i32 from vector<16xi32>
        %eq3A_488 = arith.constant 0 : i32
        %eq3A_489 = vector.broadcast %eq3A_488 : i32 to vector<16xi32>
        %eq3A_490 = arith.cmpi eq, %get3A_476, %eq3A_489 : vector<16xi32>
        %jit3A_491 = arith.constant 1 : i32
        %jit3A_492 = arith.constant 0 : i32
        %broadcast_in_dim3A_493 = vector.broadcast %jit3A_491 : i32 to vector<16xi32>
        %broadcast_in_dim3A_494 = vector.broadcast %jit3A_492 : i32 to vector<16xi32>
        %select_n3A_495 = arith.select %eq3A_490, %broadcast_in_dim3A_493, %broadcast_in_dim3A_494 : vector<16xi1>, vector<16xi32>
        %reduce_sum3A_496 = arith.constant true
        %reduce_sum3A_497 = vector.broadcast %reduce_sum3A_496 : i1 to vector<16xi1>
        %reduce_sum3A_498 = tpu.scan <sum>, %select_n3A_495 masked %reduce_sum3A_497 : vector<16xi32>, vector<16xi1> -> vector<16xi32>
        %reduce_sum3A_499 = vector.extract %reduce_sum3A_498[15] : i32 from vector<16xi32>
        %add3A_500 = arith.addi %scan3A_462, %reduce_sum3A_487 : i32
        %add3A_501 = arith.addi %add3A_500, %reduce_sum3A_499 : i32
        %eq3A_502 = arith.constant 1 : i32
        %eq3A_503 = vector.broadcast %eq3A_502 : i32 to vector<16xi32>
        %eq3A_504 = arith.cmpi eq, %get3A_472, %eq3A_503 : vector<16xi32>
        %jit3A_505 = arith.constant 1 : i32
        %jit3A_506 = arith.constant 0 : i32
        %broadcast_in_dim3A_507 = vector.broadcast %jit3A_505 : i32 to vector<16xi32>
        %broadcast_in_dim3A_508 = vector.broadcast %jit3A_506 : i32 to vector<16xi32>
        %select_n3A_509 = arith.select %eq3A_504, %broadcast_in_dim3A_507, %broadcast_in_dim3A_508 : vector<16xi1>, vector<16xi32>
        %reduce_sum3A_510 = arith.constant true
        %reduce_sum3A_511 = vector.broadcast %reduce_sum3A_510 : i1 to vector<16xi1>
        %reduce_sum3A_512 = tpu.scan <sum>, %select_n3A_509 masked %reduce_sum3A_511 : vector<16xi32>, vector<16xi1> -> vector<16xi32>
        %reduce_sum3A_513 = vector.extract %reduce_sum3A_512[15] : i32 from vector<16xi32>
        %eq3A_514 = arith.constant 1 : i32
        %eq3A_515 = vector.broadcast %eq3A_514 : i32 to vector<16xi32>
        %eq3A_516 = arith.cmpi eq, %get3A_476, %eq3A_515 : vector<16xi32>
        %jit3A_517 = arith.constant 1 : i32
        %jit3A_518 = arith.constant 0 : i32
        %broadcast_in_dim3A_519 = vector.broadcast %jit3A_517 : i32 to vector<16xi32>
        %broadcast_in_dim3A_520 = vector.broadcast %jit3A_518 : i32 to vector<16xi32>
        %select_n3A_521 = arith.select %eq3A_516, %broadcast_in_dim3A_519, %broadcast_in_dim3A_520 : vector<16xi1>, vector<16xi32>
        %reduce_sum3A_522 = arith.constant true
        %reduce_sum3A_523 = vector.broadcast %reduce_sum3A_522 : i1 to vector<16xi1>
        %reduce_sum3A_524 = tpu.scan <sum>, %select_n3A_521 masked %reduce_sum3A_523 : vector<16xi32>, vector<16xi1> -> vector<16xi32>
        %reduce_sum3A_525 = vector.extract %reduce_sum3A_524[15] : i32 from vector<16xi32>
        %add3A_526 = arith.addi %scan3A_463, %reduce_sum3A_513 : i32
        %add3A_527 = arith.addi %add3A_526, %reduce_sum3A_525 : i32
        %eq3A_528 = arith.constant 2 : i32
        %eq3A_529 = vector.broadcast %eq3A_528 : i32 to vector<16xi32>
        %eq3A_530 = arith.cmpi eq, %get3A_472, %eq3A_529 : vector<16xi32>
        %jit3A_531 = arith.constant 1 : i32
        %jit3A_532 = arith.constant 0 : i32
        %broadcast_in_dim3A_533 = vector.broadcast %jit3A_531 : i32 to vector<16xi32>
        %broadcast_in_dim3A_534 = vector.broadcast %jit3A_532 : i32 to vector<16xi32>
        %select_n3A_535 = arith.select %eq3A_530, %broadcast_in_dim3A_533, %broadcast_in_dim3A_534 : vector<16xi1>, vector<16xi32>
        %reduce_sum3A_536 = arith.constant true
        %reduce_sum3A_537 = vector.broadcast %reduce_sum3A_536 : i1 to vector<16xi1>
        %reduce_sum3A_538 = tpu.scan <sum>, %select_n3A_535 masked %reduce_sum3A_537 : vector<16xi32>, vector<16xi1> -> vector<16xi32>
        %reduce_sum3A_539 = vector.extract %reduce_sum3A_538[15] : i32 from vector<16xi32>
        %eq3A_540 = arith.constant 2 : i32
        %eq3A_541 = vector.broadcast %eq3A_540 : i32 to vector<16xi32>
        %eq3A_542 = arith.cmpi eq, %get3A_476, %eq3A_541 : vector<16xi32>
        %jit3A_543 = arith.constant 1 : i32
        %jit3A_544 = arith.constant 0 : i32
        %broadcast_in_dim3A_545 = vector.broadcast %jit3A_543 : i32 to vector<16xi32>
        %broadcast_in_dim3A_546 = vector.broadcast %jit3A_544 : i32 to vector<16xi32>
        %select_n3A_547 = arith.select %eq3A_542, %broadcast_in_dim3A_545, %broadcast_in_dim3A_546 : vector<16xi1>, vector<16xi32>
        %reduce_sum3A_548 = arith.constant true
        %reduce_sum3A_549 = vector.broadcast %reduce_sum3A_548 : i1 to vector<16xi1>
        %reduce_sum3A_550 = tpu.scan <sum>, %select_n3A_547 masked %reduce_sum3A_549 : vector<16xi32>, vector<16xi1> -> vector<16xi32>
        %reduce_sum3A_551 = vector.extract %reduce_sum3A_550[15] : i32 from vector<16xi32>
        %add3A_552 = arith.addi %scan3A_464, %reduce_sum3A_539 : i32
        %add3A_553 = arith.addi %add3A_552, %reduce_sum3A_551 : i32
        %eq3A_554 = arith.constant 3 : i32
        %eq3A_555 = vector.broadcast %eq3A_554 : i32 to vector<16xi32>
        %eq3A_556 = arith.cmpi eq, %get3A_472, %eq3A_555 : vector<16xi32>
        %jit3A_557 = arith.constant 1 : i32
        %jit3A_558 = arith.constant 0 : i32
        %broadcast_in_dim3A_559 = vector.broadcast %jit3A_557 : i32 to vector<16xi32>
        %broadcast_in_dim3A_560 = vector.broadcast %jit3A_558 : i32 to vector<16xi32>
        %select_n3A_561 = arith.select %eq3A_556, %broadcast_in_dim3A_559, %broadcast_in_dim3A_560 : vector<16xi1>, vector<16xi32>
        %reduce_sum3A_562 = arith.constant true
        %reduce_sum3A_563 = vector.broadcast %reduce_sum3A_562 : i1 to vector<16xi1>
        %reduce_sum3A_564 = tpu.scan <sum>, %select_n3A_561 masked %reduce_sum3A_563 : vector<16xi32>, vector<16xi1> -> vector<16xi32>
        %reduce_sum3A_565 = vector.extract %reduce_sum3A_564[15] : i32 from vector<16xi32>
        %eq3A_566 = arith.constant 3 : i32
        %eq3A_567 = vector.broadcast %eq3A_566 : i32 to vector<16xi32>
        %eq3A_568 = arith.cmpi eq, %get3A_476, %eq3A_567 : vector<16xi32>
        %jit3A_569 = arith.constant 1 : i32
        %jit3A_570 = arith.constant 0 : i32
        %broadcast_in_dim3A_571 = vector.broadcast %jit3A_569 : i32 to vector<16xi32>
        %broadcast_in_dim3A_572 = vector.broadcast %jit3A_570 : i32 to vector<16xi32>
        %select_n3A_573 = arith.select %eq3A_568, %broadcast_in_dim3A_571, %broadcast_in_dim3A_572 : vector<16xi1>, vector<16xi32>
        %reduce_sum3A_574 = arith.constant true
        %reduce_sum3A_575 = vector.broadcast %reduce_sum3A_574 : i1 to vector<16xi1>
        %reduce_sum3A_576 = tpu.scan <sum>, %select_n3A_573 masked %reduce_sum3A_575 : vector<16xi32>, vector<16xi1> -> vector<16xi32>
        %reduce_sum3A_577 = vector.extract %reduce_sum3A_576[15] : i32 from vector<16xi32>
        %add3A_578 = arith.addi %scan3A_465, %reduce_sum3A_565 : i32
        %add3A_579 = arith.addi %add3A_578, %reduce_sum3A_577 : i32
        %eq3A_580 = arith.constant 4 : i32
        %eq3A_581 = vector.broadcast %eq3A_580 : i32 to vector<16xi32>
        %eq3A_582 = arith.cmpi eq, %get3A_472, %eq3A_581 : vector<16xi32>
        %jit3A_583 = arith.constant 1 : i32
        %jit3A_584 = arith.constant 0 : i32
        %broadcast_in_dim3A_585 = vector.broadcast %jit3A_583 : i32 to vector<16xi32>
        %broadcast_in_dim3A_586 = vector.broadcast %jit3A_584 : i32 to vector<16xi32>
        %select_n3A_587 = arith.select %eq3A_582, %broadcast_in_dim3A_585, %broadcast_in_dim3A_586 : vector<16xi1>, vector<16xi32>
        %reduce_sum3A_588 = arith.constant true
        %reduce_sum3A_589 = vector.broadcast %reduce_sum3A_588 : i1 to vector<16xi1>
        %reduce_sum3A_590 = tpu.scan <sum>, %select_n3A_587 masked %reduce_sum3A_589 : vector<16xi32>, vector<16xi1> -> vector<16xi32>
        %reduce_sum3A_591 = vector.extract %reduce_sum3A_590[15] : i32 from vector<16xi32>
        %eq3A_592 = arith.constant 4 : i32
        %eq3A_593 = vector.broadcast %eq3A_592 : i32 to vector<16xi32>
        %eq3A_594 = arith.cmpi eq, %get3A_476, %eq3A_593 : vector<16xi32>
        %jit3A_595 = arith.constant 1 : i32
        %jit3A_596 = arith.constant 0 : i32
        %broadcast_in_dim3A_597 = vector.broadcast %jit3A_595 : i32 to vector<16xi32>
        %broadcast_in_dim3A_598 = vector.broadcast %jit3A_596 : i32 to vector<16xi32>
        %select_n3A_599 = arith.select %eq3A_594, %broadcast_in_dim3A_597, %broadcast_in_dim3A_598 : vector<16xi1>, vector<16xi32>
        %reduce_sum3A_600 = arith.constant true
        %reduce_sum3A_601 = vector.broadcast %reduce_sum3A_600 : i1 to vector<16xi1>
        %reduce_sum3A_602 = tpu.scan <sum>, %select_n3A_599 masked %reduce_sum3A_601 : vector<16xi32>, vector<16xi1> -> vector<16xi32>
        %reduce_sum3A_603 = vector.extract %reduce_sum3A_602[15] : i32 from vector<16xi32>
        %add3A_604 = arith.addi %scan3A_466, %reduce_sum3A_591 : i32
        %add3A_605 = arith.addi %add3A_604, %reduce_sum3A_603 : i32
        %eq3A_606 = arith.constant 5 : i32
        %eq3A_607 = vector.broadcast %eq3A_606 : i32 to vector<16xi32>
        %eq3A_608 = arith.cmpi eq, %get3A_472, %eq3A_607 : vector<16xi32>
        %jit3A_609 = arith.constant 1 : i32
        %jit3A_610 = arith.constant 0 : i32
        %broadcast_in_dim3A_611 = vector.broadcast %jit3A_609 : i32 to vector<16xi32>
        %broadcast_in_dim3A_612 = vector.broadcast %jit3A_610 : i32 to vector<16xi32>
        %select_n3A_613 = arith.select %eq3A_608, %broadcast_in_dim3A_611, %broadcast_in_dim3A_612 : vector<16xi1>, vector<16xi32>
        %reduce_sum3A_614 = arith.constant true
        %reduce_sum3A_615 = vector.broadcast %reduce_sum3A_614 : i1 to vector<16xi1>
        %reduce_sum3A_616 = tpu.scan <sum>, %select_n3A_613 masked %reduce_sum3A_615 : vector<16xi32>, vector<16xi1> -> vector<16xi32>
        %reduce_sum3A_617 = vector.extract %reduce_sum3A_616[15] : i32 from vector<16xi32>
        %eq3A_618 = arith.constant 5 : i32
        %eq3A_619 = vector.broadcast %eq3A_618 : i32 to vector<16xi32>
        %eq3A_620 = arith.cmpi eq, %get3A_476, %eq3A_619 : vector<16xi32>
        %jit3A_621 = arith.constant 1 : i32
        %jit3A_622 = arith.constant 0 : i32
        %broadcast_in_dim3A_623 = vector.broadcast %jit3A_621 : i32 to vector<16xi32>
        %broadcast_in_dim3A_624 = vector.broadcast %jit3A_622 : i32 to vector<16xi32>
        %select_n3A_625 = arith.select %eq3A_620, %broadcast_in_dim3A_623, %broadcast_in_dim3A_624 : vector<16xi1>, vector<16xi32>
        %reduce_sum3A_626 = arith.constant true
        %reduce_sum3A_627 = vector.broadcast %reduce_sum3A_626 : i1 to vector<16xi1>
        %reduce_sum3A_628 = tpu.scan <sum>, %select_n3A_625 masked %reduce_sum3A_627 : vector<16xi32>, vector<16xi1> -> vector<16xi32>
        %reduce_sum3A_629 = vector.extract %reduce_sum3A_628[15] : i32 from vector<16xi32>
        %add3A_630 = arith.addi %scan3A_467, %reduce_sum3A_617 : i32
        %add3A_631 = arith.addi %add3A_630, %reduce_sum3A_629 : i32
        %eq3A_632 = arith.constant 6 : i32
        %eq3A_633 = vector.broadcast %eq3A_632 : i32 to vector<16xi32>
        %eq3A_634 = arith.cmpi eq, %get3A_472, %eq3A_633 : vector<16xi32>
        %jit3A_635 = arith.constant 1 : i32
        %jit3A_636 = arith.constant 0 : i32
        %broadcast_in_dim3A_637 = vector.broadcast %jit3A_635 : i32 to vector<16xi32>
        %broadcast_in_dim3A_638 = vector.broadcast %jit3A_636 : i32 to vector<16xi32>
        %select_n3A_639 = arith.select %eq3A_634, %broadcast_in_dim3A_637, %broadcast_in_dim3A_638 : vector<16xi1>, vector<16xi32>
        %reduce_sum3A_640 = arith.constant true
        %reduce_sum3A_641 = vector.broadcast %reduce_sum3A_640 : i1 to vector<16xi1>
        %reduce_sum3A_642 = tpu.scan <sum>, %select_n3A_639 masked %reduce_sum3A_641 : vector<16xi32>, vector<16xi1> -> vector<16xi32>
        %reduce_sum3A_643 = vector.extract %reduce_sum3A_642[15] : i32 from vector<16xi32>
        %eq3A_644 = arith.constant 6 : i32
        %eq3A_645 = vector.broadcast %eq3A_644 : i32 to vector<16xi32>
        %eq3A_646 = arith.cmpi eq, %get3A_476, %eq3A_645 : vector<16xi32>
        %jit3A_647 = arith.constant 1 : i32
        %jit3A_648 = arith.constant 0 : i32
        %broadcast_in_dim3A_649 = vector.broadcast %jit3A_647 : i32 to vector<16xi32>
        %broadcast_in_dim3A_650 = vector.broadcast %jit3A_648 : i32 to vector<16xi32>
        %select_n3A_651 = arith.select %eq3A_646, %broadcast_in_dim3A_649, %broadcast_in_dim3A_650 : vector<16xi1>, vector<16xi32>
        %reduce_sum3A_652 = arith.constant true
        %reduce_sum3A_653 = vector.broadcast %reduce_sum3A_652 : i1 to vector<16xi1>
        %reduce_sum3A_654 = tpu.scan <sum>, %select_n3A_651 masked %reduce_sum3A_653 : vector<16xi32>, vector<16xi1> -> vector<16xi32>
        %reduce_sum3A_655 = vector.extract %reduce_sum3A_654[15] : i32 from vector<16xi32>
        %add3A_656 = arith.addi %scan3A_468, %reduce_sum3A_643 : i32
        %add3A_657 = arith.addi %add3A_656, %reduce_sum3A_655 : i32
        %eq3A_658 = arith.constant 7 : i32
        %eq3A_659 = vector.broadcast %eq3A_658 : i32 to vector<16xi32>
        %eq3A_660 = arith.cmpi eq, %get3A_472, %eq3A_659 : vector<16xi32>
        %jit3A_661 = arith.constant 1 : i32
        %jit3A_662 = arith.constant 0 : i32
        %broadcast_in_dim3A_663 = vector.broadcast %jit3A_661 : i32 to vector<16xi32>
        %broadcast_in_dim3A_664 = vector.broadcast %jit3A_662 : i32 to vector<16xi32>
        %select_n3A_665 = arith.select %eq3A_660, %broadcast_in_dim3A_663, %broadcast_in_dim3A_664 : vector<16xi1>, vector<16xi32>
        %reduce_sum3A_666 = arith.constant true
        %reduce_sum3A_667 = vector.broadcast %reduce_sum3A_666 : i1 to vector<16xi1>
        %reduce_sum3A_668 = tpu.scan <sum>, %select_n3A_665 masked %reduce_sum3A_667 : vector<16xi32>, vector<16xi1> -> vector<16xi32>
        %reduce_sum3A_669 = vector.extract %reduce_sum3A_668[15] : i32 from vector<16xi32>
        %eq3A_670 = arith.constant 7 : i32
        %eq3A_671 = vector.broadcast %eq3A_670 : i32 to vector<16xi32>
        %eq3A_672 = arith.cmpi eq, %get3A_476, %eq3A_671 : vector<16xi32>
        %jit3A_673 = arith.constant 1 : i32
        %jit3A_674 = arith.constant 0 : i32
        %broadcast_in_dim3A_675 = vector.broadcast %jit3A_673 : i32 to vector<16xi32>
        %broadcast_in_dim3A_676 = vector.broadcast %jit3A_674 : i32 to vector<16xi32>
        %select_n3A_677 = arith.select %eq3A_672, %broadcast_in_dim3A_675, %broadcast_in_dim3A_676 : vector<16xi1>, vector<16xi32>
        %reduce_sum3A_678 = arith.constant true
        %reduce_sum3A_679 = vector.broadcast %reduce_sum3A_678 : i1 to vector<16xi1>
        %reduce_sum3A_680 = tpu.scan <sum>, %select_n3A_677 masked %reduce_sum3A_679 : vector<16xi32>, vector<16xi1> -> vector<16xi32>
        %reduce_sum3A_681 = vector.extract %reduce_sum3A_680[15] : i32 from vector<16xi32>
        %add3A_682 = arith.addi %scan3A_469, %reduce_sum3A_669 : i32
        %add3A_683 = arith.addi %add3A_682, %reduce_sum3A_681 : i32
        scf.yield %add3A_501, %add3A_527, %add3A_553, %add3A_579, %add3A_605, %add3A_631, %add3A_657, %add3A_683 : i32, i32, i32, i32, i32, i32, i32, i32
      }
      %scan3A_26 = arith.constant 128 : i32
      %eq3A_27 = arith.constant 0 : i32
      %eq3A_28 = vector.broadcast %eq3A_27 : i32 to vector<16xi32>
      %eq3A_29 = arith.cmpi eq, %iota3A, %eq3A_28 : vector<16xi32>
      %broadcast_in_dim3A_30 = vector.broadcast %scan3A_25#0 : i32 to vector<16xi32>
      %select_n3A = arith.select %eq3A_29, %broadcast_in_dim3A_30, %broadcast_in_dim3A_4 : vector<16xi1>, vector<16xi32>
      %eq3A_31 = arith.constant 1 : i32
      %eq3A_32 = vector.broadcast %eq3A_31 : i32 to vector<16xi32>
      %eq3A_33 = arith.cmpi eq, %iota3A, %eq3A_32 : vector<16xi32>
      %broadcast_in_dim3A_34 = vector.broadcast %scan3A_25#1 : i32 to vector<16xi32>
      %select_n3A_35 = arith.select %eq3A_33, %broadcast_in_dim3A_34, %select_n3A : vector<16xi1>, vector<16xi32>
      %eq3A_36 = arith.constant 2 : i32
      %eq3A_37 = vector.broadcast %eq3A_36 : i32 to vector<16xi32>
      %eq3A_38 = arith.cmpi eq, %iota3A, %eq3A_37 : vector<16xi32>
      %broadcast_in_dim3A_39 = vector.broadcast %scan3A_25#2 : i32 to vector<16xi32>
      %select_n3A_40 = arith.select %eq3A_38, %broadcast_in_dim3A_39, %select_n3A_35 : vector<16xi1>, vector<16xi32>
      %eq3A_41 = arith.constant 3 : i32
      %eq3A_42 = vector.broadcast %eq3A_41 : i32 to vector<16xi32>
      %eq3A_43 = arith.cmpi eq, %iota3A, %eq3A_42 : vector<16xi32>
      %broadcast_in_dim3A_44 = vector.broadcast %scan3A_25#3 : i32 to vector<16xi32>
      %select_n3A_45 = arith.select %eq3A_43, %broadcast_in_dim3A_44, %select_n3A_40 : vector<16xi1>, vector<16xi32>
      %eq3A_46 = arith.constant 4 : i32
      %eq3A_47 = vector.broadcast %eq3A_46 : i32 to vector<16xi32>
      %eq3A_48 = arith.cmpi eq, %iota3A, %eq3A_47 : vector<16xi32>
      %broadcast_in_dim3A_49 = vector.broadcast %scan3A_25#4 : i32 to vector<16xi32>
      %select_n3A_50 = arith.select %eq3A_48, %broadcast_in_dim3A_49, %select_n3A_45 : vector<16xi1>, vector<16xi32>
      %eq3A_51 = arith.constant 5 : i32
      %eq3A_52 = vector.broadcast %eq3A_51 : i32 to vector<16xi32>
      %eq3A_53 = arith.cmpi eq, %iota3A, %eq3A_52 : vector<16xi32>
      %broadcast_in_dim3A_54 = vector.broadcast %scan3A_25#5 : i32 to vector<16xi32>
      %select_n3A_55 = arith.select %eq3A_53, %broadcast_in_dim3A_54, %select_n3A_50 : vector<16xi1>, vector<16xi32>
      %eq3A_56 = arith.constant 6 : i32
      %eq3A_57 = vector.broadcast %eq3A_56 : i32 to vector<16xi32>
      %eq3A_58 = arith.cmpi eq, %iota3A, %eq3A_57 : vector<16xi32>
      %broadcast_in_dim3A_59 = vector.broadcast %scan3A_25#6 : i32 to vector<16xi32>
      %select_n3A_60 = arith.select %eq3A_58, %broadcast_in_dim3A_59, %select_n3A_55 : vector<16xi1>, vector<16xi32>
      %eq3A_61 = arith.constant 7 : i32
      %eq3A_62 = vector.broadcast %eq3A_61 : i32 to vector<16xi32>
      %eq3A_63 = arith.cmpi eq, %iota3A, %eq3A_62 : vector<16xi32>
      %broadcast_in_dim3A_64 = vector.broadcast %scan3A_25#7 : i32 to vector<16xi32>
      %select_n3A_65 = arith.select %eq3A_63, %broadcast_in_dim3A_64, %select_n3A_60 : vector<16xi1>, vector<16xi32>
      %add3A = arith.constant 256 : i32
      %add3A_66 = vector.broadcast %add3A : i32 to vector<16xi32>
      %add3A_67 = arith.addi %select_n3A_65, %add3A_66 : vector<16xi32>
      %sub3A = arith.constant 1 : i32
      %sub3A_68 = vector.broadcast %sub3A : i32 to vector<16xi32>
      %sub3A_69 = arith.subi %add3A_67, %sub3A_68 : vector<16xi32>
      %jit3A = arith.constant 256 : i32
      %div3A = vector.broadcast %jit3A : i32 to vector<16xi32>
      %div3A_70 = arith.divsi %sub3A_69, %div3A : vector<16xi32>
      %sign3A = arith.constant 0 : i32
      %sign3A_71 = vector.broadcast %sign3A : i32 to vector<16xi32>
      %sign3A_72 = arith.cmpi sgt, %sub3A_69, %sign3A_71 : vector<16xi32>
      %sign3A_73 = arith.extui %sign3A_72 : vector<16xi1> to vector<16xi32>
      %sign3A_74 = arith.constant 0 : i32
      %sign3A_75 = vector.broadcast %sign3A_74 : i32 to vector<16xi32>
      %sign3A_76 = arith.cmpi slt, %sub3A_69, %sign3A_75 : vector<16xi32>
      %sign3A_77 = arith.extui %sign3A_76 : vector<16xi1> to vector<16xi32>
      %sign3A_78 = arith.subi %sign3A_73, %sign3A_77 : vector<16xi32>
      %sign3A_79 = arith.constant 0 : i32
      %sign3A_80 = arith.cmpi sgt, %jit3A, %sign3A_79 : i32
      %sign3A_81 = arith.extui %sign3A_80 : i1 to i32
      %sign3A_82 = arith.constant 0 : i32
      %sign3A_83 = arith.cmpi slt, %jit3A, %sign3A_82 : i32
      %sign3A_84 = arith.extui %sign3A_83 : i1 to i32
      %sign3A_85 = arith.subi %sign3A_81, %sign3A_84 : i32
      %ne3A = vector.broadcast %sign3A_85 : i32 to vector<16xi32>
      %ne3A_86 = arith.cmpi ne, %sign3A_78, %ne3A : vector<16xi32>
      %rem3A = vector.broadcast %jit3A : i32 to vector<16xi32>
      %rem3A_87 = arith.remsi %sub3A_69, %rem3A : vector<16xi32>
      %ne3A_88 = arith.constant 0 : i32
      %ne3A_89 = vector.broadcast %ne3A_88 : i32 to vector<16xi32>
      %ne3A_90 = arith.cmpi ne, %rem3A_87, %ne3A_89 : vector<16xi32>
      %and3A_91 = arith.andi %ne3A_86, %ne3A_90 : vector<16xi1>
      %sub3A_92 = arith.constant 1 : i32
      %sub3A_93 = vector.broadcast %sub3A_92 : i32 to vector<16xi32>
      %sub3A_94 = arith.subi %div3A_70, %sub3A_93 : vector<16xi32>
      %select_n3A_95 = arith.select %and3A_91, %sub3A_94, %div3A_70 : vector<16xi1>, vector<16xi32>
      %cumsum3A = arith.constant true
      %cumsum3A_96 = vector.broadcast %cumsum3A : i1 to vector<16xi1>
      %cumsum3A_97 = tpu.scan <sum>, %select_n3A_95 masked %cumsum3A_96 : vector<16xi32>, vector<16xi1> -> vector<16xi32>
      %sub3A_98 = arith.subi %cumsum3A_97, %select_n3A_95 : vector<16xi32>
      %mul3A = arith.constant 256 : i32
      %mul3A_99 = vector.broadcast %mul3A : i32 to vector<16xi32>
      %mul3A_100 = arith.muli %sub3A_98, %mul3A_99 : vector<16xi32>
      %slice3A = vector.extract_strided_slice %cumsum3A_97 {offsets = [7], sizes = [1], strides = [1]} : vector<16xi32> to vector<1xi32>
      %squeeze3A = vector.extract %slice3A[0] : i32 from vector<1xi32>
      %gt3A = arith.constant 0 : i32
      %gt3A_101 = vector.broadcast %gt3A : i32 to vector<16xi32>
      %gt3A_102 = arith.cmpi sgt, %select_n3A_95, %gt3A_101 : vector<16xi32>
      %lt3A = arith.constant 8 : i32
      %lt3A_103 = vector.broadcast %lt3A : i32 to vector<16xi32>
      %lt3A_104 = arith.cmpi slt, %iota3A, %lt3A_103 : vector<16xi32>
      %and3A_105 = arith.andi %gt3A_102, %lt3A_104 : vector<16xi1>
      %jit3A_106 = arith.constant 0 : i32
      %broadcast_in_dim3A_107 = vector.broadcast %jit3A_106 : i32 to vector<16xi32>
      %select_n3A_108 = arith.select %and3A_105, %iota3A, %broadcast_in_dim3A_107 : vector<16xi1>, vector<16xi32>
      %reduce_max3A = arith.constant true
      %reduce_max3A_109 = vector.broadcast %reduce_max3A : i1 to vector<16xi1>
      %reduce_max3A_110 = arith.constant -2147483648 : i32
      %reduce_max3A_111 = vector.broadcast %reduce_max3A_110 : i32 to vector<16xi32>
      %reduce_max3A_112 = arith.xori %select_n3A_108, %reduce_max3A_111 : vector<16xi32>
      %reduce_max3A_113 = tpu.scan <max>, %reduce_max3A_112 masked %reduce_max3A_109 : vector<16xi32>, vector<16xi1> -> vector<16xi32>
      %reduce_max3A_114 = arith.xori %reduce_max3A_113, %reduce_max3A_111 : vector<16xi32>
      %reduce_max3A_115 = vector.extract %reduce_max3A_114[15] : i32 from vector<16xi32>
      %slice3A_116 = vector.extract_strided_slice %cumsum3A_97 {offsets = [0], sizes = [1], strides = [1]} : vector<16xi32> to vector<1xi32>
      %squeeze3A_117 = vector.extract %slice3A_116[0] : i32 from vector<1xi32>
      %slice3A_118 = vector.extract_strided_slice %cumsum3A_97 {offsets = [1], sizes = [1], strides = [1]} : vector<16xi32> to vector<1xi32>
      %squeeze3A_119 = vector.extract %slice3A_118[0] : i32 from vector<1xi32>
      %slice3A_120 = vector.extract_strided_slice %cumsum3A_97 {offsets = [2], sizes = [1], strides = [1]} : vector<16xi32> to vector<1xi32>
      %squeeze3A_121 = vector.extract %slice3A_120[0] : i32 from vector<1xi32>
      %slice3A_122 = vector.extract_strided_slice %cumsum3A_97 {offsets = [3], sizes = [1], strides = [1]} : vector<16xi32> to vector<1xi32>
      %squeeze3A_123 = vector.extract %slice3A_122[0] : i32 from vector<1xi32>
      %slice3A_124 = vector.extract_strided_slice %cumsum3A_97 {offsets = [4], sizes = [1], strides = [1]} : vector<16xi32> to vector<1xi32>
      %squeeze3A_125 = vector.extract %slice3A_124[0] : i32 from vector<1xi32>
      %slice3A_126 = vector.extract_strided_slice %cumsum3A_97 {offsets = [5], sizes = [1], strides = [1]} : vector<16xi32> to vector<1xi32>
      %squeeze3A_127 = vector.extract %slice3A_126[0] : i32 from vector<1xi32>
      %slice3A_128 = vector.extract_strided_slice %cumsum3A_97 {offsets = [6], sizes = [1], strides = [1]} : vector<16xi32> to vector<1xi32>
      %squeeze3A_129 = vector.extract %slice3A_128[0] : i32 from vector<1xi32>
      %slice3A_130 = vector.extract_strided_slice %cumsum3A_97 {offsets = [7], sizes = [1], strides = [1]} : vector<16xi32> to vector<1xi32>
      %squeeze3A_131 = vector.extract %slice3A_130[0] : i32 from vector<1xi32>
      %add3A_132 = arith.constant 0 : i32
      %add3A_133 = vector.broadcast %add3A_132 : i32 to vector<16xi32>
      %add3A_134 = arith.addi %iota3A, %add3A_133 : vector<16xi32>
      %ge3A = vector.broadcast %squeeze3A_117 : i32 to vector<16xi32>
      %ge3A_135 = arith.cmpi sge, %add3A_134, %ge3A : vector<16xi32>
      %jit3A_136 = arith.constant 1 : i32
      %jit3A_137 = arith.constant 0 : i32
      %broadcast_in_dim3A_138 = vector.broadcast %jit3A_136 : i32 to vector<16xi32>
      %broadcast_in_dim3A_139 = vector.broadcast %jit3A_137 : i32 to vector<16xi32>
      %select_n3A_140 = arith.select %ge3A_135, %broadcast_in_dim3A_138, %broadcast_in_dim3A_139 : vector<16xi1>, vector<16xi32>
      %add3A_141 = arith.addi %broadcast_in_dim3A_4, %select_n3A_140 : vector<16xi32>
      %ge3A_142 = vector.broadcast %squeeze3A_119 : i32 to vector<16xi32>
      %ge3A_143 = arith.cmpi sge, %add3A_134, %ge3A_142 : vector<16xi32>
      %jit3A_144 = arith.constant 1 : i32
      %jit3A_145 = arith.constant 0 : i32
      %broadcast_in_dim3A_146 = vector.broadcast %jit3A_144 : i32 to vector<16xi32>
      %broadcast_in_dim3A_147 = vector.broadcast %jit3A_145 : i32 to vector<16xi32>
      %select_n3A_148 = arith.select %ge3A_143, %broadcast_in_dim3A_146, %broadcast_in_dim3A_147 : vector<16xi1>, vector<16xi32>
      %add3A_149 = arith.addi %add3A_141, %select_n3A_148 : vector<16xi32>
      %ge3A_150 = vector.broadcast %squeeze3A_121 : i32 to vector<16xi32>
      %ge3A_151 = arith.cmpi sge, %add3A_134, %ge3A_150 : vector<16xi32>
      %jit3A_152 = arith.constant 1 : i32
      %jit3A_153 = arith.constant 0 : i32
      %broadcast_in_dim3A_154 = vector.broadcast %jit3A_152 : i32 to vector<16xi32>
      %broadcast_in_dim3A_155 = vector.broadcast %jit3A_153 : i32 to vector<16xi32>
      %select_n3A_156 = arith.select %ge3A_151, %broadcast_in_dim3A_154, %broadcast_in_dim3A_155 : vector<16xi1>, vector<16xi32>
      %add3A_157 = arith.addi %add3A_149, %select_n3A_156 : vector<16xi32>
      %ge3A_158 = vector.broadcast %squeeze3A_123 : i32 to vector<16xi32>
      %ge3A_159 = arith.cmpi sge, %add3A_134, %ge3A_158 : vector<16xi32>
      %jit3A_160 = arith.constant 1 : i32
      %jit3A_161 = arith.constant 0 : i32
      %broadcast_in_dim3A_162 = vector.broadcast %jit3A_160 : i32 to vector<16xi32>
      %broadcast_in_dim3A_163 = vector.broadcast %jit3A_161 : i32 to vector<16xi32>
      %select_n3A_164 = arith.select %ge3A_159, %broadcast_in_dim3A_162, %broadcast_in_dim3A_163 : vector<16xi1>, vector<16xi32>
      %add3A_165 = arith.addi %add3A_157, %select_n3A_164 : vector<16xi32>
      %ge3A_166 = vector.broadcast %squeeze3A_125 : i32 to vector<16xi32>
      %ge3A_167 = arith.cmpi sge, %add3A_134, %ge3A_166 : vector<16xi32>
      %jit3A_168 = arith.constant 1 : i32
      %jit3A_169 = arith.constant 0 : i32
      %broadcast_in_dim3A_170 = vector.broadcast %jit3A_168 : i32 to vector<16xi32>
      %broadcast_in_dim3A_171 = vector.broadcast %jit3A_169 : i32 to vector<16xi32>
      %select_n3A_172 = arith.select %ge3A_167, %broadcast_in_dim3A_170, %broadcast_in_dim3A_171 : vector<16xi1>, vector<16xi32>
      %add3A_173 = arith.addi %add3A_165, %select_n3A_172 : vector<16xi32>
      %ge3A_174 = vector.broadcast %squeeze3A_127 : i32 to vector<16xi32>
      %ge3A_175 = arith.cmpi sge, %add3A_134, %ge3A_174 : vector<16xi32>
      %jit3A_176 = arith.constant 1 : i32
      %jit3A_177 = arith.constant 0 : i32
      %broadcast_in_dim3A_178 = vector.broadcast %jit3A_176 : i32 to vector<16xi32>
      %broadcast_in_dim3A_179 = vector.broadcast %jit3A_177 : i32 to vector<16xi32>
      %select_n3A_180 = arith.select %ge3A_175, %broadcast_in_dim3A_178, %broadcast_in_dim3A_179 : vector<16xi1>, vector<16xi32>
      %add3A_181 = arith.addi %add3A_173, %select_n3A_180 : vector<16xi32>
      %ge3A_182 = vector.broadcast %squeeze3A_129 : i32 to vector<16xi32>
      %ge3A_183 = arith.cmpi sge, %add3A_134, %ge3A_182 : vector<16xi32>
      %jit3A_184 = arith.constant 1 : i32
      %jit3A_185 = arith.constant 0 : i32
      %broadcast_in_dim3A_186 = vector.broadcast %jit3A_184 : i32 to vector<16xi32>
      %broadcast_in_dim3A_187 = vector.broadcast %jit3A_185 : i32 to vector<16xi32>
      %select_n3A_188 = arith.select %ge3A_183, %broadcast_in_dim3A_186, %broadcast_in_dim3A_187 : vector<16xi1>, vector<16xi32>
      %add3A_189 = arith.addi %add3A_181, %select_n3A_188 : vector<16xi32>
      %ge3A_190 = vector.broadcast %squeeze3A_131 : i32 to vector<16xi32>
      %ge3A_191 = arith.cmpi sge, %add3A_134, %ge3A_190 : vector<16xi32>
      %jit3A_192 = arith.constant 1 : i32
      %jit3A_193 = arith.constant 0 : i32
      %broadcast_in_dim3A_194 = vector.broadcast %jit3A_192 : i32 to vector<16xi32>
      %broadcast_in_dim3A_195 = vector.broadcast %jit3A_193 : i32 to vector<16xi32>
      %select_n3A_196 = arith.select %ge3A_191, %broadcast_in_dim3A_194, %broadcast_in_dim3A_195 : vector<16xi1>, vector<16xi32>
      %add3A_197 = arith.addi %add3A_189, %select_n3A_196 : vector<16xi32>
      %lt3A_198 = vector.broadcast %squeeze3A : i32 to vector<16xi32>
      %lt3A_199 = arith.cmpi slt, %add3A_134, %lt3A_198 : vector<16xi32>
      %min3A = arith.constant 7 : i32
      %min3A_200 = vector.broadcast %min3A : i32 to vector<16xi32>
      %min3A_201 = arith.minsi %add3A_197, %min3A_200 : vector<16xi32>
      %broadcast_in_dim3A_202 = vector.broadcast %reduce_max3A_115 : i32 to vector<16xi32>
      %select_n3A_203 = arith.select %lt3A_199, %min3A_201, %broadcast_in_dim3A_202 : vector<16xi1>, vector<16xi32>
      %swap3A = arith.constant 0 : index
      %swap3A_204 = tpu.vector_load %arg17[%swap3A] {strides = array<i32>} : memref<64xi32, #tpu.memory_space<vmem>>, vector<16xi32>,
      tpu.vector_store %arg17[%swap3A], %select_n3A_203 {strides = array<i32>} : memref<64xi32, #tpu.memory_space<vmem>>, vector<16xi32>,
      %add3A_205 = arith.constant 16 : i32
      %add3A_206 = vector.broadcast %add3A_205 : i32 to vector<16xi32>
      %add3A_207 = arith.addi %iota3A, %add3A_206 : vector<16xi32>
      %ge3A_208 = vector.broadcast %squeeze3A_117 : i32 to vector<16xi32>
      %ge3A_209 = arith.cmpi sge, %add3A_207, %ge3A_208 : vector<16xi32>
      %jit3A_210 = arith.constant 1 : i32
      %jit3A_211 = arith.constant 0 : i32
      %broadcast_in_dim3A_212 = vector.broadcast %jit3A_210 : i32 to vector<16xi32>
      %broadcast_in_dim3A_213 = vector.broadcast %jit3A_211 : i32 to vector<16xi32>
      %select_n3A_214 = arith.select %ge3A_209, %broadcast_in_dim3A_212, %broadcast_in_dim3A_213 : vector<16xi1>, vector<16xi32>
      %add3A_215 = arith.addi %broadcast_in_dim3A_4, %select_n3A_214 : vector<16xi32>
      %ge3A_216 = vector.broadcast %squeeze3A_119 : i32 to vector<16xi32>
      %ge3A_217 = arith.cmpi sge, %add3A_207, %ge3A_216 : vector<16xi32>
      %jit3A_218 = arith.constant 1 : i32
      %jit3A_219 = arith.constant 0 : i32
      %broadcast_in_dim3A_220 = vector.broadcast %jit3A_218 : i32 to vector<16xi32>
      %broadcast_in_dim3A_221 = vector.broadcast %jit3A_219 : i32 to vector<16xi32>
      %select_n3A_222 = arith.select %ge3A_217, %broadcast_in_dim3A_220, %broadcast_in_dim3A_221 : vector<16xi1>, vector<16xi32>
      %add3A_223 = arith.addi %add3A_215, %select_n3A_222 : vector<16xi32>
      %ge3A_224 = vector.broadcast %squeeze3A_121 : i32 to vector<16xi32>
      %ge3A_225 = arith.cmpi sge, %add3A_207, %ge3A_224 : vector<16xi32>
      %jit3A_226 = arith.constant 1 : i32
      %jit3A_227 = arith.constant 0 : i32
      %broadcast_in_dim3A_228 = vector.broadcast %jit3A_226 : i32 to vector<16xi32>
      %broadcast_in_dim3A_229 = vector.broadcast %jit3A_227 : i32 to vector<16xi32>
      %select_n3A_230 = arith.select %ge3A_225, %broadcast_in_dim3A_228, %broadcast_in_dim3A_229 : vector<16xi1>, vector<16xi32>
      %add3A_231 = arith.addi %add3A_223, %select_n3A_230 : vector<16xi32>
      %ge3A_232 = vector.broadcast %squeeze3A_123 : i32 to vector<16xi32>
      %ge3A_233 = arith.cmpi sge, %add3A_207, %ge3A_232 : vector<16xi32>
      %jit3A_234 = arith.constant 1 : i32
      %jit3A_235 = arith.constant 0 : i32
      %broadcast_in_dim3A_236 = vector.broadcast %jit3A_234 : i32 to vector<16xi32>
      %broadcast_in_dim3A_237 = vector.broadcast %jit3A_235 : i32 to vector<16xi32>
      %select_n3A_238 = arith.select %ge3A_233, %broadcast_in_dim3A_236, %broadcast_in_dim3A_237 : vector<16xi1>, vector<16xi32>
      %add3A_239 = arith.addi %add3A_231, %select_n3A_238 : vector<16xi32>
      %ge3A_240 = vector.broadcast %squeeze3A_125 : i32 to vector<16xi32>
      %ge3A_241 = arith.cmpi sge, %add3A_207, %ge3A_240 : vector<16xi32>
      %jit3A_242 = arith.constant 1 : i32
      %jit3A_243 = arith.constant 0 : i32
      %broadcast_in_dim3A_244 = vector.broadcast %jit3A_242 : i32 to vector<16xi32>
      %broadcast_in_dim3A_245 = vector.broadcast %jit3A_243 : i32 to vector<16xi32>
      %select_n3A_246 = arith.select %ge3A_241, %broadcast_in_dim3A_244, %broadcast_in_dim3A_245 : vector<16xi1>, vector<16xi32>
      %add3A_247 = arith.addi %add3A_239, %select_n3A_246 : vector<16xi32>
      %ge3A_248 = vector.broadcast %squeeze3A_127 : i32 to vector<16xi32>
      %ge3A_249 = arith.cmpi sge, %add3A_207, %ge3A_248 : vector<16xi32>
      %jit3A_250 = arith.constant 1 : i32
      %jit3A_251 = arith.constant 0 : i32
      %broadcast_in_dim3A_252 = vector.broadcast %jit3A_250 : i32 to vector<16xi32>
      %broadcast_in_dim3A_253 = vector.broadcast %jit3A_251 : i32 to vector<16xi32>
      %select_n3A_254 = arith.select %ge3A_249, %broadcast_in_dim3A_252, %broadcast_in_dim3A_253 : vector<16xi1>, vector<16xi32>
      %add3A_255 = arith.addi %add3A_247, %select_n3A_254 : vector<16xi32>
      %ge3A_256 = vector.broadcast %squeeze3A_129 : i32 to vector<16xi32>
      %ge3A_257 = arith.cmpi sge, %add3A_207, %ge3A_256 : vector<16xi32>
      %jit3A_258 = arith.constant 1 : i32
      %jit3A_259 = arith.constant 0 : i32
      %broadcast_in_dim3A_260 = vector.broadcast %jit3A_258 : i32 to vector<16xi32>
      %broadcast_in_dim3A_261 = vector.broadcast %jit3A_259 : i32 to vector<16xi32>
      %select_n3A_262 = arith.select %ge3A_257, %broadcast_in_dim3A_260, %broadcast_in_dim3A_261 : vector<16xi1>, vector<16xi32>
      %add3A_263 = arith.addi %add3A_255, %select_n3A_262 : vector<16xi32>
      %ge3A_264 = vector.broadcast %squeeze3A_131 : i32 to vector<16xi32>
      %ge3A_265 = arith.cmpi sge, %add3A_207, %ge3A_264 : vector<16xi32>
      %jit3A_266 = arith.constant 1 : i32
      %jit3A_267 = arith.constant 0 : i32
      %broadcast_in_dim3A_268 = vector.broadcast %jit3A_266 : i32 to vector<16xi32>
      %broadcast_in_dim3A_269 = vector.broadcast %jit3A_267 : i32 to vector<16xi32>
      %select_n3A_270 = arith.select %ge3A_265, %broadcast_in_dim3A_268, %broadcast_in_dim3A_269 : vector<16xi1>, vector<16xi32>
      %add3A_271 = arith.addi %add3A_263, %select_n3A_270 : vector<16xi32>
      %lt3A_272 = vector.broadcast %squeeze3A : i32 to vector<16xi32>
      %lt3A_273 = arith.cmpi slt, %add3A_207, %lt3A_272 : vector<16xi32>
      %min3A_274 = arith.constant 7 : i32
      %min3A_275 = vector.broadcast %min3A_274 : i32 to vector<16xi32>
      %min3A_276 = arith.minsi %add3A_271, %min3A_275 : vector<16xi32>
      %broadcast_in_dim3A_277 = vector.broadcast %reduce_max3A_115 : i32 to vector<16xi32>
      %select_n3A_278 = arith.select %lt3A_273, %min3A_276, %broadcast_in_dim3A_277 : vector<16xi1>, vector<16xi32>
      %swap3A_279 = arith.constant 16 : index
      %swap3A_280 = tpu.vector_load %arg17[%swap3A_279] {strides = array<i32>} : memref<64xi32, #tpu.memory_space<vmem>>, vector<16xi32>,
      tpu.vector_store %arg17[%swap3A_279], %select_n3A_278 {strides = array<i32>} : memref<64xi32, #tpu.memory_space<vmem>>, vector<16xi32>,
      %add3A_281 = arith.constant 32 : i32
      %add3A_282 = vector.broadcast %add3A_281 : i32 to vector<16xi32>
      %add3A_283 = arith.addi %iota3A, %add3A_282 : vector<16xi32>
      %ge3A_284 = vector.broadcast %squeeze3A_117 : i32 to vector<16xi32>
      %ge3A_285 = arith.cmpi sge, %add3A_283, %ge3A_284 : vector<16xi32>
      %jit3A_286 = arith.constant 1 : i32
      %jit3A_287 = arith.constant 0 : i32
      %broadcast_in_dim3A_288 = vector.broadcast %jit3A_286 : i32 to vector<16xi32>
      %broadcast_in_dim3A_289 = vector.broadcast %jit3A_287 : i32 to vector<16xi32>
      %select_n3A_290 = arith.select %ge3A_285, %broadcast_in_dim3A_288, %broadcast_in_dim3A_289 : vector<16xi1>, vector<16xi32>
      %add3A_291 = arith.addi %broadcast_in_dim3A_4, %select_n3A_290 : vector<16xi32>
      %ge3A_292 = vector.broadcast %squeeze3A_119 : i32 to vector<16xi32>
      %ge3A_293 = arith.cmpi sge, %add3A_283, %ge3A_292 : vector<16xi32>
      %jit3A_294 = arith.constant 1 : i32
      %jit3A_295 = arith.constant 0 : i32
      %broadcast_in_dim3A_296 = vector.broadcast %jit3A_294 : i32 to vector<16xi32>
      %broadcast_in_dim3A_297 = vector.broadcast %jit3A_295 : i32 to vector<16xi32>
      %select_n3A_298 = arith.select %ge3A_293, %broadcast_in_dim3A_296, %broadcast_in_dim3A_297 : vector<16xi1>, vector<16xi32>
      %add3A_299 = arith.addi %add3A_291, %select_n3A_298 : vector<16xi32>
      %ge3A_300 = vector.broadcast %squeeze3A_121 : i32 to vector<16xi32>
      %ge3A_301 = arith.cmpi sge, %add3A_283, %ge3A_300 : vector<16xi32>
      %jit3A_302 = arith.constant 1 : i32
      %jit3A_303 = arith.constant 0 : i32
      %broadcast_in_dim3A_304 = vector.broadcast %jit3A_302 : i32 to vector<16xi32>
      %broadcast_in_dim3A_305 = vector.broadcast %jit3A_303 : i32 to vector<16xi32>
      %select_n3A_306 = arith.select %ge3A_301, %broadcast_in_dim3A_304, %broadcast_in_dim3A_305 : vector<16xi1>, vector<16xi32>
      %add3A_307 = arith.addi %add3A_299, %select_n3A_306 : vector<16xi32>
      %ge3A_308 = vector.broadcast %squeeze3A_123 : i32 to vector<16xi32>
      %ge3A_309 = arith.cmpi sge, %add3A_283, %ge3A_308 : vector<16xi32>
      %jit3A_310 = arith.constant 1 : i32
      %jit3A_311 = arith.constant 0 : i32
      %broadcast_in_dim3A_312 = vector.broadcast %jit3A_310 : i32 to vector<16xi32>
      %broadcast_in_dim3A_313 = vector.broadcast %jit3A_311 : i32 to vector<16xi32>
      %select_n3A_314 = arith.select %ge3A_309, %broadcast_in_dim3A_312, %broadcast_in_dim3A_313 : vector<16xi1>, vector<16xi32>
      %add3A_315 = arith.addi %add3A_307, %select_n3A_314 : vector<16xi32>
      %ge3A_316 = vector.broadcast %squeeze3A_125 : i32 to vector<16xi32>
      %ge3A_317 = arith.cmpi sge, %add3A_283, %ge3A_316 : vector<16xi32>
      %jit3A_318 = arith.constant 1 : i32
      %jit3A_319 = arith.constant 0 : i32
      %broadcast_in_dim3A_320 = vector.broadcast %jit3A_318 : i32 to vector<16xi32>
      %broadcast_in_dim3A_321 = vector.broadcast %jit3A_319 : i32 to vector<16xi32>
      %select_n3A_322 = arith.select %ge3A_317, %broadcast_in_dim3A_320, %broadcast_in_dim3A_321 : vector<16xi1>, vector<16xi32>
      %add3A_323 = arith.addi %add3A_315, %select_n3A_322 : vector<16xi32>
      %ge3A_324 = vector.broadcast %squeeze3A_127 : i32 to vector<16xi32>
      %ge3A_325 = arith.cmpi sge, %add3A_283, %ge3A_324 : vector<16xi32>
      %jit3A_326 = arith.constant 1 : i32
      %jit3A_327 = arith.constant 0 : i32
      %broadcast_in_dim3A_328 = vector.broadcast %jit3A_326 : i32 to vector<16xi32>
      %broadcast_in_dim3A_329 = vector.broadcast %jit3A_327 : i32 to vector<16xi32>
      %select_n3A_330 = arith.select %ge3A_325, %broadcast_in_dim3A_328, %broadcast_in_dim3A_329 : vector<16xi1>, vector<16xi32>
      %add3A_331 = arith.addi %add3A_323, %select_n3A_330 : vector<16xi32>
      %ge3A_332 = vector.broadcast %squeeze3A_129 : i32 to vector<16xi32>
      %ge3A_333 = arith.cmpi sge, %add3A_283, %ge3A_332 : vector<16xi32>
      %jit3A_334 = arith.constant 1 : i32
      %jit3A_335 = arith.constant 0 : i32
      %broadcast_in_dim3A_336 = vector.broadcast %jit3A_334 : i32 to vector<16xi32>
      %broadcast_in_dim3A_337 = vector.broadcast %jit3A_335 : i32 to vector<16xi32>
      %select_n3A_338 = arith.select %ge3A_333, %broadcast_in_dim3A_336, %broadcast_in_dim3A_337 : vector<16xi1>, vector<16xi32>
      %add3A_339 = arith.addi %add3A_331, %select_n3A_338 : vector<16xi32>
      %ge3A_340 = vector.broadcast %squeeze3A_131 : i32 to vector<16xi32>
      %ge3A_341 = arith.cmpi sge, %add3A_283, %ge3A_340 : vector<16xi32>
      %jit3A_342 = arith.constant 1 : i32
      %jit3A_343 = arith.constant 0 : i32
      %broadcast_in_dim3A_344 = vector.broadcast %jit3A_342 : i32 to vector<16xi32>
      %broadcast_in_dim3A_345 = vector.broadcast %jit3A_343 : i32 to vector<16xi32>
      %select_n3A_346 = arith.select %ge3A_341, %broadcast_in_dim3A_344, %broadcast_in_dim3A_345 : vector<16xi1>, vector<16xi32>
      %add3A_347 = arith.addi %add3A_339, %select_n3A_346 : vector<16xi32>
      %lt3A_348 = vector.broadcast %squeeze3A : i32 to vector<16xi32>
      %lt3A_349 = arith.cmpi slt, %add3A_283, %lt3A_348 : vector<16xi32>
      %min3A_350 = arith.constant 7 : i32
      %min3A_351 = vector.broadcast %min3A_350 : i32 to vector<16xi32>
      %min3A_352 = arith.minsi %add3A_347, %min3A_351 : vector<16xi32>
      %broadcast_in_dim3A_353 = vector.broadcast %reduce_max3A_115 : i32 to vector<16xi32>
      %select_n3A_354 = arith.select %lt3A_349, %min3A_352, %broadcast_in_dim3A_353 : vector<16xi1>, vector<16xi32>
      %swap3A_355 = arith.constant 32 : index
      %swap3A_356 = tpu.vector_load %arg17[%swap3A_355] {strides = array<i32>} : memref<64xi32, #tpu.memory_space<vmem>>, vector<16xi32>,
      tpu.vector_store %arg17[%swap3A_355], %select_n3A_354 {strides = array<i32>} : memref<64xi32, #tpu.memory_space<vmem>>, vector<16xi32>,
      %add3A_357 = arith.constant 48 : i32
      %add3A_358 = vector.broadcast %add3A_357 : i32 to vector<16xi32>
      %add3A_359 = arith.addi %iota3A, %add3A_358 : vector<16xi32>
      %ge3A_360 = vector.broadcast %squeeze3A_117 : i32 to vector<16xi32>
      %ge3A_361 = arith.cmpi sge, %add3A_359, %ge3A_360 : vector<16xi32>
      %jit3A_362 = arith.constant 1 : i32
      %jit3A_363 = arith.constant 0 : i32
      %broadcast_in_dim3A_364 = vector.broadcast %jit3A_362 : i32 to vector<16xi32>
      %broadcast_in_dim3A_365 = vector.broadcast %jit3A_363 : i32 to vector<16xi32>
      %select_n3A_366 = arith.select %ge3A_361, %broadcast_in_dim3A_364, %broadcast_in_dim3A_365 : vector<16xi1>, vector<16xi32>
      %add3A_367 = arith.addi %broadcast_in_dim3A_4, %select_n3A_366 : vector<16xi32>
      %ge3A_368 = vector.broadcast %squeeze3A_119 : i32 to vector<16xi32>
      %ge3A_369 = arith.cmpi sge, %add3A_359, %ge3A_368 : vector<16xi32>
      %jit3A_370 = arith.constant 1 : i32
      %jit3A_371 = arith.constant 0 : i32
      %broadcast_in_dim3A_372 = vector.broadcast %jit3A_370 : i32 to vector<16xi32>
      %broadcast_in_dim3A_373 = vector.broadcast %jit3A_371 : i32 to vector<16xi32>
      %select_n3A_374 = arith.select %ge3A_369, %broadcast_in_dim3A_372, %broadcast_in_dim3A_373 : vector<16xi1>, vector<16xi32>
      %add3A_375 = arith.addi %add3A_367, %select_n3A_374 : vector<16xi32>
      %ge3A_376 = vector.broadcast %squeeze3A_121 : i32 to vector<16xi32>
      %ge3A_377 = arith.cmpi sge, %add3A_359, %ge3A_376 : vector<16xi32>
      %jit3A_378 = arith.constant 1 : i32
      %jit3A_379 = arith.constant 0 : i32
      %broadcast_in_dim3A_380 = vector.broadcast %jit3A_378 : i32 to vector<16xi32>
      %broadcast_in_dim3A_381 = vector.broadcast %jit3A_379 : i32 to vector<16xi32>
      %select_n3A_382 = arith.select %ge3A_377, %broadcast_in_dim3A_380, %broadcast_in_dim3A_381 : vector<16xi1>, vector<16xi32>
      %add3A_383 = arith.addi %add3A_375, %select_n3A_382 : vector<16xi32>
      %ge3A_384 = vector.broadcast %squeeze3A_123 : i32 to vector<16xi32>
      %ge3A_385 = arith.cmpi sge, %add3A_359, %ge3A_384 : vector<16xi32>
      %jit3A_386 = arith.constant 1 : i32
      %jit3A_387 = arith.constant 0 : i32
      %broadcast_in_dim3A_388 = vector.broadcast %jit3A_386 : i32 to vector<16xi32>
      %broadcast_in_dim3A_389 = vector.broadcast %jit3A_387 : i32 to vector<16xi32>
      %select_n3A_390 = arith.select %ge3A_385, %broadcast_in_dim3A_388, %broadcast_in_dim3A_389 : vector<16xi1>, vector<16xi32>
      %add3A_391 = arith.addi %add3A_383, %select_n3A_390 : vector<16xi32>
      %ge3A_392 = vector.broadcast %squeeze3A_125 : i32 to vector<16xi32>
      %ge3A_393 = arith.cmpi sge, %add3A_359, %ge3A_392 : vector<16xi32>
      %jit3A_394 = arith.constant 1 : i32
      %jit3A_395 = arith.constant 0 : i32
      %broadcast_in_dim3A_396 = vector.broadcast %jit3A_394 : i32 to vector<16xi32>
      %broadcast_in_dim3A_397 = vector.broadcast %jit3A_395 : i32 to vector<16xi32>
      %select_n3A_398 = arith.select %ge3A_393, %broadcast_in_dim3A_396, %broadcast_in_dim3A_397 : vector<16xi1>, vector<16xi32>
      %add3A_399 = arith.addi %add3A_391, %select_n3A_398 : vector<16xi32>
      %ge3A_400 = vector.broadcast %squeeze3A_127 : i32 to vector<16xi32>
      %ge3A_401 = arith.cmpi sge, %add3A_359, %ge3A_400 : vector<16xi32>
      %jit3A_402 = arith.constant 1 : i32
      %jit3A_403 = arith.constant 0 : i32
      %broadcast_in_dim3A_404 = vector.broadcast %jit3A_402 : i32 to vector<16xi32>
      %broadcast_in_dim3A_405 = vector.broadcast %jit3A_403 : i32 to vector<16xi32>
      %select_n3A_406 = arith.select %ge3A_401, %broadcast_in_dim3A_404, %broadcast_in_dim3A_405 : vector<16xi1>, vector<16xi32>
      %add3A_407 = arith.addi %add3A_399, %select_n3A_406 : vector<16xi32>
      %ge3A_408 = vector.broadcast %squeeze3A_129 : i32 to vector<16xi32>
      %ge3A_409 = arith.cmpi sge, %add3A_359, %ge3A_408 : vector<16xi32>
      %jit3A_410 = arith.constant 1 : i32
      %jit3A_411 = arith.constant 0 : i32
      %broadcast_in_dim3A_412 = vector.broadcast %jit3A_410 : i32 to vector<16xi32>
      %broadcast_in_dim3A_413 = vector.broadcast %jit3A_411 : i32 to vector<16xi32>
      %select_n3A_414 = arith.select %ge3A_409, %broadcast_in_dim3A_412, %broadcast_in_dim3A_413 : vector<16xi1>, vector<16xi32>
      %add3A_415 = arith.addi %add3A_407, %select_n3A_414 : vector<16xi32>
      %ge3A_416 = vector.broadcast %squeeze3A_131 : i32 to vector<16xi32>
      %ge3A_417 = arith.cmpi sge, %add3A_359, %ge3A_416 : vector<16xi32>
      %jit3A_418 = arith.constant 1 : i32
      %jit3A_419 = arith.constant 0 : i32
      %broadcast_in_dim3A_420 = vector.broadcast %jit3A_418 : i32 to vector<16xi32>
      %broadcast_in_dim3A_421 = vector.broadcast %jit3A_419 : i32 to vector<16xi32>
      %select_n3A_422 = arith.select %ge3A_417, %broadcast_in_dim3A_420, %broadcast_in_dim3A_421 : vector<16xi1>, vector<16xi32>
      %add3A_423 = arith.addi %add3A_415, %select_n3A_422 : vector<16xi32>
      %lt3A_424 = vector.broadcast %squeeze3A : i32 to vector<16xi32>
      %lt3A_425 = arith.cmpi slt, %add3A_359, %lt3A_424 : vector<16xi32>
      %min3A_426 = arith.constant 7 : i32
      %min3A_427 = vector.broadcast %min3A_426 : i32 to vector<16xi32>
      %min3A_428 = arith.minsi %add3A_423, %min3A_427 : vector<16xi32>
      %broadcast_in_dim3A_429 = vector.broadcast %reduce_max3A_115 : i32 to vector<16xi32>
      %select_n3A_430 = arith.select %lt3A_425, %min3A_428, %broadcast_in_dim3A_429 : vector<16xi1>, vector<16xi32>
      %swap3A_431 = arith.constant 48 : index
      %swap3A_432 = tpu.vector_load %arg17[%swap3A_431] {strides = array<i32>} : memref<64xi32, #tpu.memory_space<vmem>>, vector<16xi32>,
      tpu.vector_store %arg17[%swap3A_431], %select_n3A_430 {strides = array<i32>} : memref<64xi32, #tpu.memory_space<vmem>>, vector<16xi32>,
      %slice3A_433 = vector.extract_strided_slice %mul3A_100 {offsets = [0], sizes = [1], strides = [1]} : vector<16xi32> to vector<1xi32>
      %squeeze3A_434 = vector.extract %slice3A_433[0] : i32 from vector<1xi32>
      %slice3A_435 = vector.extract_strided_slice %mul3A_100 {offsets = [1], sizes = [1], strides = [1]} : vector<16xi32> to vector<1xi32>
      %squeeze3A_436 = vector.extract %slice3A_435[0] : i32 from vector<1xi32>
      %slice3A_437 = vector.extract_strided_slice %mul3A_100 {offsets = [2], sizes = [1], strides = [1]} : vector<16xi32> to vector<1xi32>
      %squeeze3A_438 = vector.extract %slice3A_437[0] : i32 from vector<1xi32>
      %slice3A_439 = vector.extract_strided_slice %mul3A_100 {offsets = [3], sizes = [1], strides = [1]} : vector<16xi32> to vector<1xi32>
      %squeeze3A_440 = vector.extract %slice3A_439[0] : i32 from vector<1xi32>
      %slice3A_441 = vector.extract_strided_slice %mul3A_100 {offsets = [4], sizes = [1], strides = [1]} : vector<16xi32> to vector<1xi32>
      %squeeze3A_442 = vector.extract %slice3A_441[0] : i32 from vector<1xi32>
      %slice3A_443 = vector.extract_strided_slice %mul3A_100 {offsets = [5], sizes = [1], strides = [1]} : vector<16xi32> to vector<1xi32>
      %squeeze3A_444 = vector.extract %slice3A_443[0] : i32 from vector<1xi32>
      %slice3A_445 = vector.extract_strided_slice %mul3A_100 {offsets = [6], sizes = [1], strides = [1]} : vector<16xi32> to vector<1xi32>
      %squeeze3A_446 = vector.extract %slice3A_445[0] : i32 from vector<1xi32>
      %slice3A_447 = vector.extract_strided_slice %mul3A_100 {offsets = [7], sizes = [1], strides = [1]} : vector<16xi32> to vector<1xi32>
      %squeeze3A_448 = vector.extract %slice3A_447[0] : i32 from vector<1xi32>
      %scan3A_449 = arith.constant 0 : i32
      %scan3A_450 = arith.constant 128 : i32
      %scan3A_451 = arith.addi %scan3A_449, %scan3A_450 : i32
      %scan3A_452 = arith.constant 1 : i32
      %scan3A_453:8 = scf.for %scan3A_461 = %scan3A_449 to %scan3A_451 step %scan3A_452 iter_args(%scan3A_462 = %squeeze3A_434, %scan3A_463 = %squeeze3A_436, %scan3A_464 = %squeeze3A_438, %scan3A_465 = %squeeze3A_440, %scan3A_466 = %squeeze3A_442, %scan3A_467 = %squeeze3A_444, %scan3A_468 = %squeeze3A_446, %scan3A_469 = %squeeze3A_448) -> (i32, i32, i32, i32, i32, i32, i32, i32)  : i32 {
        %mul3A_470 = arith.constant 16 : i32
        %mul3A_471 = arith.muli %mul3A_470, %scan3A_461 : i32
        %get3A = arith.index_cast %mul3A_471 : i32 to index
        %get3A_472 = tpu.vector_load %arg10[%get3A] {strides = array<i32>} : memref<2048xi32, #tpu.memory_space<vmem>>, vector<16xi32>,
        %mul3A_473 = arith.constant 16 : i32
        %mul3A_474 = arith.muli %mul3A_473, %scan3A_461 : i32
        %get3A_475 = arith.index_cast %mul3A_474 : i32 to index
        %get3A_476 = tpu.vector_load %arg12[%get3A_475] {strides = array<i32>} : memref<2048xf32, #tpu.memory_space<vmem>>, vector<16xf32>,
        %mul3A_477 = arith.constant 16 : i32
        %mul3A_478 = arith.muli %mul3A_477, %scan3A_461 : i32
        %add3A_479 = vector.broadcast %mul3A_478 : i32 to vector<16xi32>
        %add3A_480 = arith.addi %iota3A, %add3A_479 : vector<16xi32>
        %eq3A_481 = arith.constant 0 : i32
        %eq3A_482 = vector.broadcast %eq3A_481 : i32 to vector<16xi32>
        %eq3A_483 = arith.cmpi eq, %get3A_472, %eq3A_482 : vector<16xi32>
        %jit3A_484 = arith.constant 1 : i32
        %jit3A_485 = arith.constant 0 : i32
        %broadcast_in_dim3A_486 = vector.broadcast %jit3A_484 : i32 to vector<16xi32>
        %broadcast_in_dim3A_487 = vector.broadcast %jit3A_485 : i32 to vector<16xi32>
        %select_n3A_488 = arith.select %eq3A_483, %broadcast_in_dim3A_486, %broadcast_in_dim3A_487 : vector<16xi1>, vector<16xi32>
        %cumsum3A_489 = arith.constant true
        %cumsum3A_490 = vector.broadcast %cumsum3A_489 : i1 to vector<16xi1>
        %cumsum3A_491 = tpu.scan <sum>, %select_n3A_488 masked %cumsum3A_490 : vector<16xi32>, vector<16xi1> -> vector<16xi32>
        %eq3A_492 = arith.constant 0 : i32
        %eq3A_493 = vector.broadcast %eq3A_492 : i32 to vector<16xi32>
        %eq3A_494 = arith.cmpi eq, %get3A_472, %eq3A_493 : vector<16xi32>
        %add3A_495 = vector.broadcast %scan3A_462 : i32 to vector<16xi32>
        %add3A_496 = arith.addi %add3A_495, %cumsum3A_491 : vector<16xi32>
        %sub3A_497 = arith.constant 1 : i32
        %sub3A_498 = vector.broadcast %sub3A_497 : i32 to vector<16xi32>
        %sub3A_499 = arith.subi %add3A_496, %sub3A_498 : vector<16xi32>
        %select_n3A_500 = arith.select %eq3A_494, %sub3A_499, %broadcast_in_dim3A_4 : vector<16xi1>, vector<16xi32>
        %slice3A_501 = vector.extract_strided_slice %cumsum3A_491 {offsets = [15], sizes = [1], strides = [1]} : vector<16xi32> to vector<1xi32>
        %squeeze3A_502 = vector.extract %slice3A_501[0] : i32 from vector<1xi32>
        %add3A_503 = arith.addi %scan3A_462, %squeeze3A_502 : i32
        %eq3A_504 = arith.constant 1 : i32
        %eq3A_505 = vector.broadcast %eq3A_504 : i32 to vector<16xi32>
        %eq3A_506 = arith.cmpi eq, %get3A_472, %eq3A_505 : vector<16xi32>
        %jit3A_507 = arith.constant 1 : i32
        %jit3A_508 = arith.constant 0 : i32
        %broadcast_in_dim3A_509 = vector.broadcast %jit3A_507 : i32 to vector<16xi32>
        %broadcast_in_dim3A_510 = vector.broadcast %jit3A_508 : i32 to vector<16xi32>
        %select_n3A_511 = arith.select %eq3A_506, %broadcast_in_dim3A_509, %broadcast_in_dim3A_510 : vector<16xi1>, vector<16xi32>
        %cumsum3A_512 = arith.constant true
        %cumsum3A_513 = vector.broadcast %cumsum3A_512 : i1 to vector<16xi1>
        %cumsum3A_514 = tpu.scan <sum>, %select_n3A_511 masked %cumsum3A_513 : vector<16xi32>, vector<16xi1> -> vector<16xi32>
        %eq3A_515 = arith.constant 1 : i32
        %eq3A_516 = vector.broadcast %eq3A_515 : i32 to vector<16xi32>
        %eq3A_517 = arith.cmpi eq, %get3A_472, %eq3A_516 : vector<16xi32>
        %add3A_518 = vector.broadcast %scan3A_463 : i32 to vector<16xi32>
        %add3A_519 = arith.addi %add3A_518, %cumsum3A_514 : vector<16xi32>
        %sub3A_520 = arith.constant 1 : i32
        %sub3A_521 = vector.broadcast %sub3A_520 : i32 to vector<16xi32>
        %sub3A_522 = arith.subi %add3A_519, %sub3A_521 : vector<16xi32>
        %select_n3A_523 = arith.select %eq3A_517, %sub3A_522, %select_n3A_500 : vector<16xi1>, vector<16xi32>
        %slice3A_524 = vector.extract_strided_slice %cumsum3A_514 {offsets = [15], sizes = [1], strides = [1]} : vector<16xi32> to vector<1xi32>
        %squeeze3A_525 = vector.extract %slice3A_524[0] : i32 from vector<1xi32>
        %add3A_526 = arith.addi %scan3A_463, %squeeze3A_525 : i32
        %eq3A_527 = arith.constant 2 : i32
        %eq3A_528 = vector.broadcast %eq3A_527 : i32 to vector<16xi32>
        %eq3A_529 = arith.cmpi eq, %get3A_472, %eq3A_528 : vector<16xi32>
        %jit3A_530 = arith.constant 1 : i32
        %jit3A_531 = arith.constant 0 : i32
        %broadcast_in_dim3A_532 = vector.broadcast %jit3A_530 : i32 to vector<16xi32>
        %broadcast_in_dim3A_533 = vector.broadcast %jit3A_531 : i32 to vector<16xi32>
        %select_n3A_534 = arith.select %eq3A_529, %broadcast_in_dim3A_532, %broadcast_in_dim3A_533 : vector<16xi1>, vector<16xi32>
        %cumsum3A_535 = arith.constant true
        %cumsum3A_536 = vector.broadcast %cumsum3A_535 : i1 to vector<16xi1>
        %cumsum3A_537 = tpu.scan <sum>, %select_n3A_534 masked %cumsum3A_536 : vector<16xi32>, vector<16xi1> -> vector<16xi32>
        %eq3A_538 = arith.constant 2 : i32
        %eq3A_539 = vector.broadcast %eq3A_538 : i32 to vector<16xi32>
        %eq3A_540 = arith.cmpi eq, %get3A_472, %eq3A_539 : vector<16xi32>
        %add3A_541 = vector.broadcast %scan3A_464 : i32 to vector<16xi32>
        %add3A_542 = arith.addi %add3A_541, %cumsum3A_537 : vector<16xi32>
        %sub3A_543 = arith.constant 1 : i32
        %sub3A_544 = vector.broadcast %sub3A_543 : i32 to vector<16xi32>
        %sub3A_545 = arith.subi %add3A_542, %sub3A_544 : vector<16xi32>
        %select_n3A_546 = arith.select %eq3A_540, %sub3A_545, %select_n3A_523 : vector<16xi1>, vector<16xi32>
        %slice3A_547 = vector.extract_strided_slice %cumsum3A_537 {offsets = [15], sizes = [1], strides = [1]} : vector<16xi32> to vector<1xi32>
        %squeeze3A_548 = vector.extract %slice3A_547[0] : i32 from vector<1xi32>
        %add3A_549 = arith.addi %scan3A_464, %squeeze3A_548 : i32
        %eq3A_550 = arith.constant 3 : i32
        %eq3A_551 = vector.broadcast %eq3A_550 : i32 to vector<16xi32>
        %eq3A_552 = arith.cmpi eq, %get3A_472, %eq3A_551 : vector<16xi32>
        %jit3A_553 = arith.constant 1 : i32
        %jit3A_554 = arith.constant 0 : i32
        %broadcast_in_dim3A_555 = vector.broadcast %jit3A_553 : i32 to vector<16xi32>
        %broadcast_in_dim3A_556 = vector.broadcast %jit3A_554 : i32 to vector<16xi32>
        %select_n3A_557 = arith.select %eq3A_552, %broadcast_in_dim3A_555, %broadcast_in_dim3A_556 : vector<16xi1>, vector<16xi32>
        %cumsum3A_558 = arith.constant true
        %cumsum3A_559 = vector.broadcast %cumsum3A_558 : i1 to vector<16xi1>
        %cumsum3A_560 = tpu.scan <sum>, %select_n3A_557 masked %cumsum3A_559 : vector<16xi32>, vector<16xi1> -> vector<16xi32>
        %eq3A_561 = arith.constant 3 : i32
        %eq3A_562 = vector.broadcast %eq3A_561 : i32 to vector<16xi32>
        %eq3A_563 = arith.cmpi eq, %get3A_472, %eq3A_562 : vector<16xi32>
        %add3A_564 = vector.broadcast %scan3A_465 : i32 to vector<16xi32>
        %add3A_565 = arith.addi %add3A_564, %cumsum3A_560 : vector<16xi32>
        %sub3A_566 = arith.constant 1 : i32
        %sub3A_567 = vector.broadcast %sub3A_566 : i32 to vector<16xi32>
        %sub3A_568 = arith.subi %add3A_565, %sub3A_567 : vector<16xi32>
        %select_n3A_569 = arith.select %eq3A_563, %sub3A_568, %select_n3A_546 : vector<16xi1>, vector<16xi32>
        %slice3A_570 = vector.extract_strided_slice %cumsum3A_560 {offsets = [15], sizes = [1], strides = [1]} : vector<16xi32> to vector<1xi32>
        %squeeze3A_571 = vector.extract %slice3A_570[0] : i32 from vector<1xi32>
        %add3A_572 = arith.addi %scan3A_465, %squeeze3A_571 : i32
        %eq3A_573 = arith.constant 4 : i32
        %eq3A_574 = vector.broadcast %eq3A_573 : i32 to vector<16xi32>
        %eq3A_575 = arith.cmpi eq, %get3A_472, %eq3A_574 : vector<16xi32>
        %jit3A_576 = arith.constant 1 : i32
        %jit3A_577 = arith.constant 0 : i32
        %broadcast_in_dim3A_578 = vector.broadcast %jit3A_576 : i32 to vector<16xi32>
        %broadcast_in_dim3A_579 = vector.broadcast %jit3A_577 : i32 to vector<16xi32>
        %select_n3A_580 = arith.select %eq3A_575, %broadcast_in_dim3A_578, %broadcast_in_dim3A_579 : vector<16xi1>, vector<16xi32>
        %cumsum3A_581 = arith.constant true
        %cumsum3A_582 = vector.broadcast %cumsum3A_581 : i1 to vector<16xi1>
        %cumsum3A_583 = tpu.scan <sum>, %select_n3A_580 masked %cumsum3A_582 : vector<16xi32>, vector<16xi1> -> vector<16xi32>
        %eq3A_584 = arith.constant 4 : i32
        %eq3A_585 = vector.broadcast %eq3A_584 : i32 to vector<16xi32>
        %eq3A_586 = arith.cmpi eq, %get3A_472, %eq3A_585 : vector<16xi32>
        %add3A_587 = vector.broadcast %scan3A_466 : i32 to vector<16xi32>
        %add3A_588 = arith.addi %add3A_587, %cumsum3A_583 : vector<16xi32>
        %sub3A_589 = arith.constant 1 : i32
        %sub3A_590 = vector.broadcast %sub3A_589 : i32 to vector<16xi32>
        %sub3A_591 = arith.subi %add3A_588, %sub3A_590 : vector<16xi32>
        %select_n3A_592 = arith.select %eq3A_586, %sub3A_591, %select_n3A_569 : vector<16xi1>, vector<16xi32>
        %slice3A_593 = vector.extract_strided_slice %cumsum3A_583 {offsets = [15], sizes = [1], strides = [1]} : vector<16xi32> to vector<1xi32>
        %squeeze3A_594 = vector.extract %slice3A_593[0] : i32 from vector<1xi32>
        %add3A_595 = arith.addi %scan3A_466, %squeeze3A_594 : i32
        %eq3A_596 = arith.constant 5 : i32
        %eq3A_597 = vector.broadcast %eq3A_596 : i32 to vector<16xi32>
        %eq3A_598 = arith.cmpi eq, %get3A_472, %eq3A_597 : vector<16xi32>
        %jit3A_599 = arith.constant 1 : i32
        %jit3A_600 = arith.constant 0 : i32
        %broadcast_in_dim3A_601 = vector.broadcast %jit3A_599 : i32 to vector<16xi32>
        %broadcast_in_dim3A_602 = vector.broadcast %jit3A_600 : i32 to vector<16xi32>
        %select_n3A_603 = arith.select %eq3A_598, %broadcast_in_dim3A_601, %broadcast_in_dim3A_602 : vector<16xi1>, vector<16xi32>
        %cumsum3A_604 = arith.constant true
        %cumsum3A_605 = vector.broadcast %cumsum3A_604 : i1 to vector<16xi1>
        %cumsum3A_606 = tpu.scan <sum>, %select_n3A_603 masked %cumsum3A_605 : vector<16xi32>, vector<16xi1> -> vector<16xi32>
        %eq3A_607 = arith.constant 5 : i32
        %eq3A_608 = vector.broadcast %eq3A_607 : i32 to vector<16xi32>
        %eq3A_609 = arith.cmpi eq, %get3A_472, %eq3A_608 : vector<16xi32>
        %add3A_610 = vector.broadcast %scan3A_467 : i32 to vector<16xi32>
        %add3A_611 = arith.addi %add3A_610, %cumsum3A_606 : vector<16xi32>
        %sub3A_612 = arith.constant 1 : i32
        %sub3A_613 = vector.broadcast %sub3A_612 : i32 to vector<16xi32>
        %sub3A_614 = arith.subi %add3A_611, %sub3A_613 : vector<16xi32>
        %select_n3A_615 = arith.select %eq3A_609, %sub3A_614, %select_n3A_592 : vector<16xi1>, vector<16xi32>
        %slice3A_616 = vector.extract_strided_slice %cumsum3A_606 {offsets = [15], sizes = [1], strides = [1]} : vector<16xi32> to vector<1xi32>
        %squeeze3A_617 = vector.extract %slice3A_616[0] : i32 from vector<1xi32>
        %add3A_618 = arith.addi %scan3A_467, %squeeze3A_617 : i32
        %eq3A_619 = arith.constant 6 : i32
        %eq3A_620 = vector.broadcast %eq3A_619 : i32 to vector<16xi32>
        %eq3A_621 = arith.cmpi eq, %get3A_472, %eq3A_620 : vector<16xi32>
        %jit3A_622 = arith.constant 1 : i32
        %jit3A_623 = arith.constant 0 : i32
        %broadcast_in_dim3A_624 = vector.broadcast %jit3A_622 : i32 to vector<16xi32>
        %broadcast_in_dim3A_625 = vector.broadcast %jit3A_623 : i32 to vector<16xi32>
        %select_n3A_626 = arith.select %eq3A_621, %broadcast_in_dim3A_624, %broadcast_in_dim3A_625 : vector<16xi1>, vector<16xi32>
        %cumsum3A_627 = arith.constant true
        %cumsum3A_628 = vector.broadcast %cumsum3A_627 : i1 to vector<16xi1>
        %cumsum3A_629 = tpu.scan <sum>, %select_n3A_626 masked %cumsum3A_628 : vector<16xi32>, vector<16xi1> -> vector<16xi32>
        %eq3A_630 = arith.constant 6 : i32
        %eq3A_631 = vector.broadcast %eq3A_630 : i32 to vector<16xi32>
        %eq3A_632 = arith.cmpi eq, %get3A_472, %eq3A_631 : vector<16xi32>
        %add3A_633 = vector.broadcast %scan3A_468 : i32 to vector<16xi32>
        %add3A_634 = arith.addi %add3A_633, %cumsum3A_629 : vector<16xi32>
        %sub3A_635 = arith.constant 1 : i32
        %sub3A_636 = vector.broadcast %sub3A_635 : i32 to vector<16xi32>
        %sub3A_637 = arith.subi %add3A_634, %sub3A_636 : vector<16xi32>
        %select_n3A_638 = arith.select %eq3A_632, %sub3A_637, %select_n3A_615 : vector<16xi1>, vector<16xi32>
        %slice3A_639 = vector.extract_strided_slice %cumsum3A_629 {offsets = [15], sizes = [1], strides = [1]} : vector<16xi32> to vector<1xi32>
        %squeeze3A_640 = vector.extract %slice3A_639[0] : i32 from vector<1xi32>
        %add3A_641 = arith.addi %scan3A_468, %squeeze3A_640 : i32
        %eq3A_642 = arith.constant 7 : i32
        %eq3A_643 = vector.broadcast %eq3A_642 : i32 to vector<16xi32>
        %eq3A_644 = arith.cmpi eq, %get3A_472, %eq3A_643 : vector<16xi32>
        %jit3A_645 = arith.constant 1 : i32
        %jit3A_646 = arith.constant 0 : i32
        %broadcast_in_dim3A_647 = vector.broadcast %jit3A_645 : i32 to vector<16xi32>
        %broadcast_in_dim3A_648 = vector.broadcast %jit3A_646 : i32 to vector<16xi32>
        %select_n3A_649 = arith.select %eq3A_644, %broadcast_in_dim3A_647, %broadcast_in_dim3A_648 : vector<16xi1>, vector<16xi32>
        %cumsum3A_650 = arith.constant true
        %cumsum3A_651 = vector.broadcast %cumsum3A_650 : i1 to vector<16xi1>
        %cumsum3A_652 = tpu.scan <sum>, %select_n3A_649 masked %cumsum3A_651 : vector<16xi32>, vector<16xi1> -> vector<16xi32>
        %eq3A_653 = arith.constant 7 : i32
        %eq3A_654 = vector.broadcast %eq3A_653 : i32 to vector<16xi32>
        %eq3A_655 = arith.cmpi eq, %get3A_472, %eq3A_654 : vector<16xi32>
        %add3A_656 = vector.broadcast %scan3A_469 : i32 to vector<16xi32>
        %add3A_657 = arith.addi %add3A_656, %cumsum3A_652 : vector<16xi32>
        %sub3A_658 = arith.constant 1 : i32
        %sub3A_659 = vector.broadcast %sub3A_658 : i32 to vector<16xi32>
        %sub3A_660 = arith.subi %add3A_657, %sub3A_659 : vector<16xi32>
        %select_n3A_661 = arith.select %eq3A_655, %sub3A_660, %select_n3A_638 : vector<16xi1>, vector<16xi32>
        %slice3A_662 = vector.extract_strided_slice %cumsum3A_652 {offsets = [15], sizes = [1], strides = [1]} : vector<16xi32> to vector<1xi32>
        %squeeze3A_663 = vector.extract %slice3A_662[0] : i32 from vector<1xi32>
        %add3A_664 = arith.addi %scan3A_469, %squeeze3A_663 : i32
        tpu.vector_store_idx %arg15[%select_n3A_661], %add3A_480 : memref<6144xi32, #tpu.memory_space<vmem>>[vector<16xi32>], vector<16xi32>,
        tpu.vector_store_idx %arg16[%select_n3A_661], %get3A_476 : memref<6144xf32, #tpu.memory_space<vmem>>[vector<16xi32>], vector<16xf32>,
        %mul3A_665 = arith.constant 16 : i32
        %mul3A_666 = arith.muli %mul3A_665, %scan3A_461 : i32
        %add3A_667 = arith.constant 0 : i32
        %add3A_668 = arith.addi %add3A_667, %mul3A_666 : i32
        %swap3A_669 = arith.index_cast %add3A_668 : i32 to index
        %swap3A_670 = tpu.vector_load %arg14[%swap3A_669] {strides = array<i32>} : memref<4096xi32, #tpu.memory_space<vmem>>, vector<16xi32>,
        tpu.vector_store %arg14[%swap3A_669], %select_n3A_661 {strides = array<i32>} : memref<4096xi32, #tpu.memory_space<vmem>>, vector<16xi32>,
        scf.yield %add3A_503, %add3A_526, %add3A_549, %add3A_572, %add3A_595, %add3A_618, %add3A_641, %add3A_664 : i32, i32, i32, i32, i32, i32, i32, i32
      }
      %scan3A_454 = arith.constant 128 : i32
      %scan3A_455 = arith.constant 0 : i32
      %scan3A_456 = arith.constant 128 : i32
      %scan3A_457 = arith.addi %scan3A_455, %scan3A_456 : i32
      %scan3A_458 = arith.constant 1 : i32
      %scan3A_459:8 = scf.for %scan3A_461 = %scan3A_455 to %scan3A_457 step %scan3A_458 iter_args(%scan3A_462 = %scan3A_453#0, %scan3A_463 = %scan3A_453#1, %scan3A_464 = %scan3A_453#2, %scan3A_465 = %scan3A_453#3, %scan3A_466 = %scan3A_453#4, %scan3A_467 = %scan3A_453#5, %scan3A_468 = %scan3A_453#6, %scan3A_469 = %scan3A_453#7) -> (i32, i32, i32, i32, i32, i32, i32, i32)  : i32 {
        %mul3A_470 = arith.constant 16 : i32
        %mul3A_471 = arith.muli %mul3A_470, %scan3A_461 : i32
        %get3A = arith.index_cast %mul3A_471 : i32 to index
        %get3A_472 = tpu.vector_load %arg11[%get3A] {strides = array<i32>} : memref<2048xi32, #tpu.memory_space<vmem>>, vector<16xi32>,
        %mul3A_473 = arith.constant 16 : i32
        %mul3A_474 = arith.muli %mul3A_473, %scan3A_461 : i32
        %get3A_475 = arith.index_cast %mul3A_474 : i32 to index
        %get3A_476 = tpu.vector_load %arg13[%get3A_475] {strides = array<i32>} : memref<2048xf32, #tpu.memory_space<vmem>>, vector<16xf32>,
        %mul3A_477 = arith.constant 16 : i32
        %mul3A_478 = arith.muli %mul3A_477, %scan3A_461 : i32
        %add3A_479 = vector.broadcast %mul3A_478 : i32 to vector<16xi32>
        %add3A_480 = arith.addi %iota3A, %add3A_479 : vector<16xi32>
        %eq3A_481 = arith.constant 0 : i32
        %eq3A_482 = vector.broadcast %eq3A_481 : i32 to vector<16xi32>
        %eq3A_483 = arith.cmpi eq, %get3A_472, %eq3A_482 : vector<16xi32>
        %jit3A_484 = arith.constant 1 : i32
        %jit3A_485 = arith.constant 0 : i32
        %broadcast_in_dim3A_486 = vector.broadcast %jit3A_484 : i32 to vector<16xi32>
        %broadcast_in_dim3A_487 = vector.broadcast %jit3A_485 : i32 to vector<16xi32>
        %select_n3A_488 = arith.select %eq3A_483, %broadcast_in_dim3A_486, %broadcast_in_dim3A_487 : vector<16xi1>, vector<16xi32>
        %cumsum3A_489 = arith.constant true
        %cumsum3A_490 = vector.broadcast %cumsum3A_489 : i1 to vector<16xi1>
        %cumsum3A_491 = tpu.scan <sum>, %select_n3A_488 masked %cumsum3A_490 : vector<16xi32>, vector<16xi1> -> vector<16xi32>
        %eq3A_492 = arith.constant 0 : i32
        %eq3A_493 = vector.broadcast %eq3A_492 : i32 to vector<16xi32>
        %eq3A_494 = arith.cmpi eq, %get3A_472, %eq3A_493 : vector<16xi32>
        %add3A_495 = vector.broadcast %scan3A_462 : i32 to vector<16xi32>
        %add3A_496 = arith.addi %add3A_495, %cumsum3A_491 : vector<16xi32>
        %sub3A_497 = arith.constant 1 : i32
        %sub3A_498 = vector.broadcast %sub3A_497 : i32 to vector<16xi32>
        %sub3A_499 = arith.subi %add3A_496, %sub3A_498 : vector<16xi32>
        %select_n3A_500 = arith.select %eq3A_494, %sub3A_499, %broadcast_in_dim3A_4 : vector<16xi1>, vector<16xi32>
        %slice3A_501 = vector.extract_strided_slice %cumsum3A_491 {offsets = [15], sizes = [1], strides = [1]} : vector<16xi32> to vector<1xi32>
        %squeeze3A_502 = vector.extract %slice3A_501[0] : i32 from vector<1xi32>
        %add3A_503 = arith.addi %scan3A_462, %squeeze3A_502 : i32
        %eq3A_504 = arith.constant 1 : i32
        %eq3A_505 = vector.broadcast %eq3A_504 : i32 to vector<16xi32>
        %eq3A_506 = arith.cmpi eq, %get3A_472, %eq3A_505 : vector<16xi32>
        %jit3A_507 = arith.constant 1 : i32
        %jit3A_508 = arith.constant 0 : i32
        %broadcast_in_dim3A_509 = vector.broadcast %jit3A_507 : i32 to vector<16xi32>
        %broadcast_in_dim3A_510 = vector.broadcast %jit3A_508 : i32 to vector<16xi32>
        %select_n3A_511 = arith.select %eq3A_506, %broadcast_in_dim3A_509, %broadcast_in_dim3A_510 : vector<16xi1>, vector<16xi32>
        %cumsum3A_512 = arith.constant true
        %cumsum3A_513 = vector.broadcast %cumsum3A_512 : i1 to vector<16xi1>
        %cumsum3A_514 = tpu.scan <sum>, %select_n3A_511 masked %cumsum3A_513 : vector<16xi32>, vector<16xi1> -> vector<16xi32>
        %eq3A_515 = arith.constant 1 : i32
        %eq3A_516 = vector.broadcast %eq3A_515 : i32 to vector<16xi32>
        %eq3A_517 = arith.cmpi eq, %get3A_472, %eq3A_516 : vector<16xi32>
        %add3A_518 = vector.broadcast %scan3A_463 : i32 to vector<16xi32>
        %add3A_519 = arith.addi %add3A_518, %cumsum3A_514 : vector<16xi32>
        %sub3A_520 = arith.constant 1 : i32
        %sub3A_521 = vector.broadcast %sub3A_520 : i32 to vector<16xi32>
        %sub3A_522 = arith.subi %add3A_519, %sub3A_521 : vector<16xi32>
        %select_n3A_523 = arith.select %eq3A_517, %sub3A_522, %select_n3A_500 : vector<16xi1>, vector<16xi32>
        %slice3A_524 = vector.extract_strided_slice %cumsum3A_514 {offsets = [15], sizes = [1], strides = [1]} : vector<16xi32> to vector<1xi32>
        %squeeze3A_525 = vector.extract %slice3A_524[0] : i32 from vector<1xi32>
        %add3A_526 = arith.addi %scan3A_463, %squeeze3A_525 : i32
        %eq3A_527 = arith.constant 2 : i32
        %eq3A_528 = vector.broadcast %eq3A_527 : i32 to vector<16xi32>
        %eq3A_529 = arith.cmpi eq, %get3A_472, %eq3A_528 : vector<16xi32>
        %jit3A_530 = arith.constant 1 : i32
        %jit3A_531 = arith.constant 0 : i32
        %broadcast_in_dim3A_532 = vector.broadcast %jit3A_530 : i32 to vector<16xi32>
        %broadcast_in_dim3A_533 = vector.broadcast %jit3A_531 : i32 to vector<16xi32>
        %select_n3A_534 = arith.select %eq3A_529, %broadcast_in_dim3A_532, %broadcast_in_dim3A_533 : vector<16xi1>, vector<16xi32>
        %cumsum3A_535 = arith.constant true
        %cumsum3A_536 = vector.broadcast %cumsum3A_535 : i1 to vector<16xi1>
        %cumsum3A_537 = tpu.scan <sum>, %select_n3A_534 masked %cumsum3A_536 : vector<16xi32>, vector<16xi1> -> vector<16xi32>
        %eq3A_538 = arith.constant 2 : i32
        %eq3A_539 = vector.broadcast %eq3A_538 : i32 to vector<16xi32>
        %eq3A_540 = arith.cmpi eq, %get3A_472, %eq3A_539 : vector<16xi32>
        %add3A_541 = vector.broadcast %scan3A_464 : i32 to vector<16xi32>
        %add3A_542 = arith.addi %add3A_541, %cumsum3A_537 : vector<16xi32>
        %sub3A_543 = arith.constant 1 : i32
        %sub3A_544 = vector.broadcast %sub3A_543 : i32 to vector<16xi32>
        %sub3A_545 = arith.subi %add3A_542, %sub3A_544 : vector<16xi32>
        %select_n3A_546 = arith.select %eq3A_540, %sub3A_545, %select_n3A_523 : vector<16xi1>, vector<16xi32>
        %slice3A_547 = vector.extract_strided_slice %cumsum3A_537 {offsets = [15], sizes = [1], strides = [1]} : vector<16xi32> to vector<1xi32>
        %squeeze3A_548 = vector.extract %slice3A_547[0] : i32 from vector<1xi32>
        %add3A_549 = arith.addi %scan3A_464, %squeeze3A_548 : i32
        %eq3A_550 = arith.constant 3 : i32
        %eq3A_551 = vector.broadcast %eq3A_550 : i32 to vector<16xi32>
        %eq3A_552 = arith.cmpi eq, %get3A_472, %eq3A_551 : vector<16xi32>
        %jit3A_553 = arith.constant 1 : i32
        %jit3A_554 = arith.constant 0 : i32
        %broadcast_in_dim3A_555 = vector.broadcast %jit3A_553 : i32 to vector<16xi32>
        %broadcast_in_dim3A_556 = vector.broadcast %jit3A_554 : i32 to vector<16xi32>
        %select_n3A_557 = arith.select %eq3A_552, %broadcast_in_dim3A_555, %broadcast_in_dim3A_556 : vector<16xi1>, vector<16xi32>
        %cumsum3A_558 = arith.constant true
        %cumsum3A_559 = vector.broadcast %cumsum3A_558 : i1 to vector<16xi1>
        %cumsum3A_560 = tpu.scan <sum>, %select_n3A_557 masked %cumsum3A_559 : vector<16xi32>, vector<16xi1> -> vector<16xi32>
        %eq3A_561 = arith.constant 3 : i32
        %eq3A_562 = vector.broadcast %eq3A_561 : i32 to vector<16xi32>
        %eq3A_563 = arith.cmpi eq, %get3A_472, %eq3A_562 : vector<16xi32>
        %add3A_564 = vector.broadcast %scan3A_465 : i32 to vector<16xi32>
        %add3A_565 = arith.addi %add3A_564, %cumsum3A_560 : vector<16xi32>
        %sub3A_566 = arith.constant 1 : i32
        %sub3A_567 = vector.broadcast %sub3A_566 : i32 to vector<16xi32>
        %sub3A_568 = arith.subi %add3A_565, %sub3A_567 : vector<16xi32>
        %select_n3A_569 = arith.select %eq3A_563, %sub3A_568, %select_n3A_546 : vector<16xi1>, vector<16xi32>
        %slice3A_570 = vector.extract_strided_slice %cumsum3A_560 {offsets = [15], sizes = [1], strides = [1]} : vector<16xi32> to vector<1xi32>
        %squeeze3A_571 = vector.extract %slice3A_570[0] : i32 from vector<1xi32>
        %add3A_572 = arith.addi %scan3A_465, %squeeze3A_571 : i32
        %eq3A_573 = arith.constant 4 : i32
        %eq3A_574 = vector.broadcast %eq3A_573 : i32 to vector<16xi32>
        %eq3A_575 = arith.cmpi eq, %get3A_472, %eq3A_574 : vector<16xi32>
        %jit3A_576 = arith.constant 1 : i32
        %jit3A_577 = arith.constant 0 : i32
        %broadcast_in_dim3A_578 = vector.broadcast %jit3A_576 : i32 to vector<16xi32>
        %broadcast_in_dim3A_579 = vector.broadcast %jit3A_577 : i32 to vector<16xi32>
        %select_n3A_580 = arith.select %eq3A_575, %broadcast_in_dim3A_578, %broadcast_in_dim3A_579 : vector<16xi1>, vector<16xi32>
        %cumsum3A_581 = arith.constant true
        %cumsum3A_582 = vector.broadcast %cumsum3A_581 : i1 to vector<16xi1>
        %cumsum3A_583 = tpu.scan <sum>, %select_n3A_580 masked %cumsum3A_582 : vector<16xi32>, vector<16xi1> -> vector<16xi32>
        %eq3A_584 = arith.constant 4 : i32
        %eq3A_585 = vector.broadcast %eq3A_584 : i32 to vector<16xi32>
        %eq3A_586 = arith.cmpi eq, %get3A_472, %eq3A_585 : vector<16xi32>
        %add3A_587 = vector.broadcast %scan3A_466 : i32 to vector<16xi32>
        %add3A_588 = arith.addi %add3A_587, %cumsum3A_583 : vector<16xi32>
        %sub3A_589 = arith.constant 1 : i32
        %sub3A_590 = vector.broadcast %sub3A_589 : i32 to vector<16xi32>
        %sub3A_591 = arith.subi %add3A_588, %sub3A_590 : vector<16xi32>
        %select_n3A_592 = arith.select %eq3A_586, %sub3A_591, %select_n3A_569 : vector<16xi1>, vector<16xi32>
        %slice3A_593 = vector.extract_strided_slice %cumsum3A_583 {offsets = [15], sizes = [1], strides = [1]} : vector<16xi32> to vector<1xi32>
        %squeeze3A_594 = vector.extract %slice3A_593[0] : i32 from vector<1xi32>
        %add3A_595 = arith.addi %scan3A_466, %squeeze3A_594 : i32
        %eq3A_596 = arith.constant 5 : i32
        %eq3A_597 = vector.broadcast %eq3A_596 : i32 to vector<16xi32>
        %eq3A_598 = arith.cmpi eq, %get3A_472, %eq3A_597 : vector<16xi32>
        %jit3A_599 = arith.constant 1 : i32
        %jit3A_600 = arith.constant 0 : i32
        %broadcast_in_dim3A_601 = vector.broadcast %jit3A_599 : i32 to vector<16xi32>
        %broadcast_in_dim3A_602 = vector.broadcast %jit3A_600 : i32 to vector<16xi32>
        %select_n3A_603 = arith.select %eq3A_598, %broadcast_in_dim3A_601, %broadcast_in_dim3A_602 : vector<16xi1>, vector<16xi32>
        %cumsum3A_604 = arith.constant true
        %cumsum3A_605 = vector.broadcast %cumsum3A_604 : i1 to vector<16xi1>
        %cumsum3A_606 = tpu.scan <sum>, %select_n3A_603 masked %cumsum3A_605 : vector<16xi32>, vector<16xi1> -> vector<16xi32>
        %eq3A_607 = arith.constant 5 : i32
        %eq3A_608 = vector.broadcast %eq3A_607 : i32 to vector<16xi32>
        %eq3A_609 = arith.cmpi eq, %get3A_472, %eq3A_608 : vector<16xi32>
        %add3A_610 = vector.broadcast %scan3A_467 : i32 to vector<16xi32>
        %add3A_611 = arith.addi %add3A_610, %cumsum3A_606 : vector<16xi32>
        %sub3A_612 = arith.constant 1 : i32
        %sub3A_613 = vector.broadcast %sub3A_612 : i32 to vector<16xi32>
        %sub3A_614 = arith.subi %add3A_611, %sub3A_613 : vector<16xi32>
        %select_n3A_615 = arith.select %eq3A_609, %sub3A_614, %select_n3A_592 : vector<16xi1>, vector<16xi32>
        %slice3A_616 = vector.extract_strided_slice %cumsum3A_606 {offsets = [15], sizes = [1], strides = [1]} : vector<16xi32> to vector<1xi32>
        %squeeze3A_617 = vector.extract %slice3A_616[0] : i32 from vector<1xi32>
        %add3A_618 = arith.addi %scan3A_467, %squeeze3A_617 : i32
        %eq3A_619 = arith.constant 6 : i32
        %eq3A_620 = vector.broadcast %eq3A_619 : i32 to vector<16xi32>
        %eq3A_621 = arith.cmpi eq, %get3A_472, %eq3A_620 : vector<16xi32>
        %jit3A_622 = arith.constant 1 : i32
        %jit3A_623 = arith.constant 0 : i32
        %broadcast_in_dim3A_624 = vector.broadcast %jit3A_622 : i32 to vector<16xi32>
        %broadcast_in_dim3A_625 = vector.broadcast %jit3A_623 : i32 to vector<16xi32>
        %select_n3A_626 = arith.select %eq3A_621, %broadcast_in_dim3A_624, %broadcast_in_dim3A_625 : vector<16xi1>, vector<16xi32>
        %cumsum3A_627 = arith.constant true
        %cumsum3A_628 = vector.broadcast %cumsum3A_627 : i1 to vector<16xi1>
        %cumsum3A_629 = tpu.scan <sum>, %select_n3A_626 masked %cumsum3A_628 : vector<16xi32>, vector<16xi1> -> vector<16xi32>
        %eq3A_630 = arith.constant 6 : i32
        %eq3A_631 = vector.broadcast %eq3A_630 : i32 to vector<16xi32>
        %eq3A_632 = arith.cmpi eq, %get3A_472, %eq3A_631 : vector<16xi32>
        %add3A_633 = vector.broadcast %scan3A_468 : i32 to vector<16xi32>
        %add3A_634 = arith.addi %add3A_633, %cumsum3A_629 : vector<16xi32>
        %sub3A_635 = arith.constant 1 : i32
        %sub3A_636 = vector.broadcast %sub3A_635 : i32 to vector<16xi32>
        %sub3A_637 = arith.subi %add3A_634, %sub3A_636 : vector<16xi32>
        %select_n3A_638 = arith.select %eq3A_632, %sub3A_637, %select_n3A_615 : vector<16xi1>, vector<16xi32>
        %slice3A_639 = vector.extract_strided_slice %cumsum3A_629 {offsets = [15], sizes = [1], strides = [1]} : vector<16xi32> to vector<1xi32>
        %squeeze3A_640 = vector.extract %slice3A_639[0] : i32 from vector<1xi32>
        %add3A_641 = arith.addi %scan3A_468, %squeeze3A_640 : i32
        %eq3A_642 = arith.constant 7 : i32
        %eq3A_643 = vector.broadcast %eq3A_642 : i32 to vector<16xi32>
        %eq3A_644 = arith.cmpi eq, %get3A_472, %eq3A_643 : vector<16xi32>
        %jit3A_645 = arith.constant 1 : i32
        %jit3A_646 = arith.constant 0 : i32
        %broadcast_in_dim3A_647 = vector.broadcast %jit3A_645 : i32 to vector<16xi32>
        %broadcast_in_dim3A_648 = vector.broadcast %jit3A_646 : i32 to vector<16xi32>
        %select_n3A_649 = arith.select %eq3A_644, %broadcast_in_dim3A_647, %broadcast_in_dim3A_648 : vector<16xi1>, vector<16xi32>
        %cumsum3A_650 = arith.constant true
        %cumsum3A_651 = vector.broadcast %cumsum3A_650 : i1 to vector<16xi1>
        %cumsum3A_652 = tpu.scan <sum>, %select_n3A_649 masked %cumsum3A_651 : vector<16xi32>, vector<16xi1> -> vector<16xi32>
        %eq3A_653 = arith.constant 7 : i32
        %eq3A_654 = vector.broadcast %eq3A_653 : i32 to vector<16xi32>
        %eq3A_655 = arith.cmpi eq, %get3A_472, %eq3A_654 : vector<16xi32>
        %add3A_656 = vector.broadcast %scan3A_469 : i32 to vector<16xi32>
        %add3A_657 = arith.addi %add3A_656, %cumsum3A_652 : vector<16xi32>
        %sub3A_658 = arith.constant 1 : i32
        %sub3A_659 = vector.broadcast %sub3A_658 : i32 to vector<16xi32>
        %sub3A_660 = arith.subi %add3A_657, %sub3A_659 : vector<16xi32>
        %select_n3A_661 = arith.select %eq3A_655, %sub3A_660, %select_n3A_638 : vector<16xi1>, vector<16xi32>
        %slice3A_662 = vector.extract_strided_slice %cumsum3A_652 {offsets = [15], sizes = [1], strides = [1]} : vector<16xi32> to vector<1xi32>
        %squeeze3A_663 = vector.extract %slice3A_662[0] : i32 from vector<1xi32>
        %add3A_664 = arith.addi %scan3A_469, %squeeze3A_663 : i32
        tpu.vector_store_idx %arg15[%select_n3A_661], %add3A_480 : memref<6144xi32, #tpu.memory_space<vmem>>[vector<16xi32>], vector<16xi32>,
        tpu.vector_store_idx %arg16[%select_n3A_661], %get3A_476 : memref<6144xf32, #tpu.memory_space<vmem>>[vector<16xi32>], vector<16xf32>,
        %mul3A_665 = arith.constant 16 : i32
        %mul3A_666 = arith.muli %mul3A_665, %scan3A_461 : i32
        %add3A_667 = arith.constant 2048 : i32
        %add3A_668 = arith.addi %add3A_667, %mul3A_666 : i32
        %swap3A_669 = arith.index_cast %add3A_668 : i32 to index
        %swap3A_670 = tpu.vector_load %arg14[%swap3A_669] {strides = array<i32>} : memref<4096xi32, #tpu.memory_space<vmem>>, vector<16xi32>,
        tpu.vector_store %arg14[%swap3A_669], %select_n3A_661 {strides = array<i32>} : memref<4096xi32, #tpu.memory_space<vmem>>, vector<16xi32>,
        scf.yield %add3A_503, %add3A_526, %add3A_549, %add3A_572, %add3A_595, %add3A_618, %add3A_641, %add3A_664 : i32, i32, i32, i32, i32, i32, i32, i32
      }
      %scan3A_460 = arith.constant 128 : i32
      "tpu.region"() ({
        %run_scoped3A = tpu.sem_alloc : memref<!tpu.dma_semaphore, #tpu.memory_space<semaphore_mem>>
        tpu.enqueue_dma source(%arg14 : memref<4096xi32, #tpu.memory_space<vmem>>) target(%arg6 : memref<4096xi32, #tpu.memory_space<hbm>>) target_semaphore(%run_scoped3A : memref<!tpu.dma_semaphore, #tpu.memory_space<semaphore_mem>>)
        tpu.wait_dma2 semaphore(%run_scoped3A : memref<!tpu.dma_semaphore, #tpu.memory_space<semaphore_mem>>) src(%arg14 : memref<4096xi32, #tpu.memory_space<vmem>>) dst(%arg6 : memref<4096xi32, #tpu.memory_space<hbm>>)
        tpu.yield
      }) : () -> ()
      "tpu.region"() ({
        %run_scoped3A = tpu.sem_alloc : memref<!tpu.dma_semaphore, #tpu.memory_space<semaphore_mem>>
        tpu.enqueue_dma source(%arg15 : memref<6144xi32, #tpu.memory_space<vmem>>) target(%arg7 : memref<6144xi32, #tpu.memory_space<hbm>>) target_semaphore(%run_scoped3A : memref<!tpu.dma_semaphore, #tpu.memory_space<semaphore_mem>>)
        tpu.wait_dma2 semaphore(%run_scoped3A : memref<!tpu.dma_semaphore, #tpu.memory_space<semaphore_mem>>) src(%arg15 : memref<6144xi32, #tpu.memory_space<vmem>>) dst(%arg7 : memref<6144xi32, #tpu.memory_space<hbm>>)
        tpu.yield
      }) : () -> ()
      "tpu.region"() ({
        %run_scoped3A = tpu.sem_alloc : memref<!tpu.dma_semaphore, #tpu.memory_space<semaphore_mem>>
        tpu.enqueue_dma source(%arg16 : memref<6144xf32, #tpu.memory_space<vmem>>) target(%arg8 : memref<6144xf32, #tpu.memory_space<hbm>>) target_semaphore(%run_scoped3A : memref<!tpu.dma_semaphore, #tpu.memory_space<semaphore_mem>>)
        tpu.wait_dma2 semaphore(%run_scoped3A : memref<!tpu.dma_semaphore, #tpu.memory_space<semaphore_mem>>) src(%arg16 : memref<6144xf32, #tpu.memory_space<vmem>>) dst(%arg8 : memref<6144xf32, #tpu.memory_space<hbm>>)
        tpu.yield
      }) : () -> ()
      "tpu.region"() ({
        %run_scoped3A = tpu.sem_alloc : memref<!tpu.dma_semaphore, #tpu.memory_space<semaphore_mem>>
        tpu.enqueue_dma source(%arg17 : memref<64xi32, #tpu.memory_space<vmem>>) target(%arg9 : memref<64xi32, #tpu.memory_space<hbm>>) target_semaphore(%run_scoped3A : memref<!tpu.dma_semaphore, #tpu.memory_space<semaphore_mem>>)
        tpu.wait_dma2 semaphore(%run_scoped3A : memref<!tpu.dma_semaphore, #tpu.memory_space<semaphore_mem>>) src(%arg17 : memref<64xi32, #tpu.memory_space<vmem>>) dst(%arg9 : memref<64xi32, #tpu.memory_space<hbm>>)
        tpu.yield
      }) : () -> ()
    } else {
    }
    return
  }
}

#map = affine_map<(d0, d1) -> (0, 0)>
#map1 = affine_map<(d0, d1) -> (0)>
module attributes {stable_mosaic.version = 14 : i64} {
  func.func @_combine_body(%arg0: i32, %arg1: i32, %arg2: memref<6400x1024xf32, #tpu.memory_space<hbm>>, %arg3: memref<4096xi32, #tpu.memory_space<hbm>>, %arg4: memref<2048x1024xf32, #tpu.memory_space<hbm>>, %arg5: memref<32xi32, #tpu.memory_space<vmem>>, %arg6: memref<32xi32, #tpu.memory_space<vmem>>, %arg7: memref<32x1024xf32, #tpu.memory_space<vmem>>, %arg8: memref<32x1024xf32, #tpu.memory_space<vmem>>, %arg9: memref<16x1024xf32, #tpu.memory_space<vmem>>, %arg10: memref<!tpu.dma_semaphore, #tpu.memory_space<semaphore_mem>>, %arg11: memref<!tpu.dma_semaphore, #tpu.memory_space<semaphore_mem>>) attributes {dimension_semantics = [#tpu.dimension_semantics<core_parallel>, #tpu.dimension_semantics<subcore_parallel>], iteration_bounds = array<i64: 2, 16>, scalar_prefetch = 0 : i64, scratch_operands = 7 : i64, tpu.core_type = #tpu.core_type<sc_vector_subcore>, window_params = [{transform_indices = #map}, {transform_indices = #map1}, {transform_indices = #map}]} {
    %mul3A = arith.constant 2 : i32
    %mul3A_0 = arith.muli %arg1, %mul3A : i32
    %add3A = arith.addi %mul3A_0, %arg0 : i32
    %mul3A_1 = arith.constant 64 : i32
    %mul3A_2 = arith.muli %add3A, %mul3A_1 : i32
    %add3A_3 = arith.constant 0 : i32
    %add3A_4 = arith.addi %mul3A_2, %add3A_3 : i32
    "tpu.region"() ({
      %run_scoped3A = tpu.sem_alloc : memref<!tpu.dma_semaphore, #tpu.memory_space<semaphore_mem>>
      %dma_start3A_76 = arith.constant 0 : i32
      %dma_start3A_77 = tpu.memref_slice %arg5[%dma_start3A_76] : memref<32xi32, #tpu.memory_space<vmem>> -> memref<16xi32, #tpu.memory_space<vmem>>
      %dma_start3A_78 = tpu.memref_slice %arg3[%add3A_4] : memref<4096xi32, #tpu.memory_space<hbm>> -> memref<16xi32, #tpu.memory_space<hbm>>
      %dma_start3A_79 = arith.constant 0 : i32
      %dma_start3A_80 = tpu.memref_slice %arg5[%dma_start3A_79] : memref<32xi32, #tpu.memory_space<vmem>> -> memref<16xi32, #tpu.memory_space<vmem>>
      %dma_start3A_81 = tpu.memref_slice %arg3[%add3A_4] : memref<4096xi32, #tpu.memory_space<hbm>> -> memref<16xi32, #tpu.memory_space<hbm>>
      tpu.enqueue_dma source(%dma_start3A_81 : memref<16xi32, #tpu.memory_space<hbm>>) target(%dma_start3A_80 : memref<16xi32, #tpu.memory_space<vmem>>) target_semaphore(%run_scoped3A : memref<!tpu.dma_semaphore, #tpu.memory_space<semaphore_mem>>)
      %dma_wait3A_82 = arith.constant 0 : i32
      %dma_wait3A_83 = tpu.memref_slice %arg5[%dma_wait3A_82] : memref<32xi32, #tpu.memory_space<vmem>> -> memref<16xi32, #tpu.memory_space<vmem>>
      %dma_wait3A_84 = tpu.memref_slice %arg3[%add3A_4] : memref<4096xi32, #tpu.memory_space<hbm>> -> memref<16xi32, #tpu.memory_space<hbm>>
      %dma_wait3A_85 = arith.constant 0 : i32
      %dma_wait3A_86 = tpu.memref_slice %arg5[%dma_wait3A_85] : memref<32xi32, #tpu.memory_space<vmem>> -> memref<16xi32, #tpu.memory_space<vmem>>
      %dma_wait3A_87 = tpu.memref_slice %arg3[%add3A_4] : memref<4096xi32, #tpu.memory_space<hbm>> -> memref<16xi32, #tpu.memory_space<hbm>>
      tpu.wait_dma2 semaphore(%run_scoped3A : memref<!tpu.dma_semaphore, #tpu.memory_space<semaphore_mem>>) src(%dma_wait3A_87 : memref<16xi32, #tpu.memory_space<hbm>>) dst(%dma_wait3A_86 : memref<16xi32, #tpu.memory_space<vmem>>)
      tpu.yield
    }) : () -> ()
    %add3A_5 = arith.constant 2048 : i32
    %add3A_6 = arith.addi %add3A_5, %add3A_4 : i32
    "tpu.region"() ({
      %run_scoped3A = tpu.sem_alloc : memref<!tpu.dma_semaphore, #tpu.memory_space<semaphore_mem>>
      %dma_start3A_76 = arith.constant 16 : i32
      %dma_start3A_77 = tpu.memref_slice %arg5[%dma_start3A_76] : memref<32xi32, #tpu.memory_space<vmem>> -> memref<16xi32, #tpu.memory_space<vmem>>
      %dma_start3A_78 = tpu.memref_slice %arg3[%add3A_6] : memref<4096xi32, #tpu.memory_space<hbm>> -> memref<16xi32, #tpu.memory_space<hbm>>
      %dma_start3A_79 = arith.constant 16 : i32
      %dma_start3A_80 = tpu.memref_slice %arg5[%dma_start3A_79] : memref<32xi32, #tpu.memory_space<vmem>> -> memref<16xi32, #tpu.memory_space<vmem>>
      %dma_start3A_81 = tpu.memref_slice %arg3[%add3A_6] : memref<4096xi32, #tpu.memory_space<hbm>> -> memref<16xi32, #tpu.memory_space<hbm>>
      tpu.enqueue_dma source(%dma_start3A_81 : memref<16xi32, #tpu.memory_space<hbm>>) target(%dma_start3A_80 : memref<16xi32, #tpu.memory_space<vmem>>) target_semaphore(%run_scoped3A : memref<!tpu.dma_semaphore, #tpu.memory_space<semaphore_mem>>)
      %dma_wait3A_82 = arith.constant 16 : i32
      %dma_wait3A_83 = tpu.memref_slice %arg5[%dma_wait3A_82] : memref<32xi32, #tpu.memory_space<vmem>> -> memref<16xi32, #tpu.memory_space<vmem>>
      %dma_wait3A_84 = tpu.memref_slice %arg3[%add3A_6] : memref<4096xi32, #tpu.memory_space<hbm>> -> memref<16xi32, #tpu.memory_space<hbm>>
      %dma_wait3A_85 = arith.constant 16 : i32
      %dma_wait3A_86 = tpu.memref_slice %arg5[%dma_wait3A_85] : memref<32xi32, #tpu.memory_space<vmem>> -> memref<16xi32, #tpu.memory_space<vmem>>
      %dma_wait3A_87 = tpu.memref_slice %arg3[%add3A_6] : memref<4096xi32, #tpu.memory_space<hbm>> -> memref<16xi32, #tpu.memory_space<hbm>>
      tpu.wait_dma2 semaphore(%run_scoped3A : memref<!tpu.dma_semaphore, #tpu.memory_space<semaphore_mem>>) src(%dma_wait3A_87 : memref<16xi32, #tpu.memory_space<hbm>>) dst(%dma_wait3A_86 : memref<16xi32, #tpu.memory_space<vmem>>)
      tpu.yield
    }) : () -> ()
    %dma_start3A = arith.constant 0 : i32
    %dma_start3A_7 = arith.constant 0 : i32
    %dma_start3A_8 = tpu.memref_slice %arg2[%dma_start3A, %dma_start3A_7] : memref<6400x1024xf32, #tpu.memory_space<hbm>> -> memref<6400x1024xf32, #tpu.memory_space<hbm>>
    tpu.enqueue_indirect_dma source(%dma_start3A_8 : memref<6400x1024xf32, #tpu.memory_space<hbm>>) target(%arg7 : memref<32x1024xf32, #tpu.memory_space<vmem>>) offsets(%arg5 : memref<32xi32, #tpu.memory_space<vmem>>) semaphore(%arg10 : memref<!tpu.dma_semaphore, #tpu.memory_space<semaphore_mem>>)
    %add3A_9 = arith.constant 16 : i32
    %add3A_10 = arith.addi %mul3A_2, %add3A_9 : i32
    "tpu.region"() ({
      %run_scoped3A = tpu.sem_alloc : memref<!tpu.dma_semaphore, #tpu.memory_space<semaphore_mem>>
      %dma_start3A_76 = arith.constant 0 : i32
      %dma_start3A_77 = tpu.memref_slice %arg6[%dma_start3A_76] : memref<32xi32, #tpu.memory_space<vmem>> -> memref<16xi32, #tpu.memory_space<vmem>>
      %dma_start3A_78 = tpu.memref_slice %arg3[%add3A_10] : memref<4096xi32, #tpu.memory_space<hbm>> -> memref<16xi32, #tpu.memory_space<hbm>>
      %dma_start3A_79 = arith.constant 0 : i32
      %dma_start3A_80 = tpu.memref_slice %arg6[%dma_start3A_79] : memref<32xi32, #tpu.memory_space<vmem>> -> memref<16xi32, #tpu.memory_space<vmem>>
      %dma_start3A_81 = tpu.memref_slice %arg3[%add3A_10] : memref<4096xi32, #tpu.memory_space<hbm>> -> memref<16xi32, #tpu.memory_space<hbm>>
      tpu.enqueue_dma source(%dma_start3A_81 : memref<16xi32, #tpu.memory_space<hbm>>) target(%dma_start3A_80 : memref<16xi32, #tpu.memory_space<vmem>>) target_semaphore(%run_scoped3A : memref<!tpu.dma_semaphore, #tpu.memory_space<semaphore_mem>>)
      %dma_wait3A_82 = arith.constant 0 : i32
      %dma_wait3A_83 = tpu.memref_slice %arg6[%dma_wait3A_82] : memref<32xi32, #tpu.memory_space<vmem>> -> memref<16xi32, #tpu.memory_space<vmem>>
      %dma_wait3A_84 = tpu.memref_slice %arg3[%add3A_10] : memref<4096xi32, #tpu.memory_space<hbm>> -> memref<16xi32, #tpu.memory_space<hbm>>
      %dma_wait3A_85 = arith.constant 0 : i32
      %dma_wait3A_86 = tpu.memref_slice %arg6[%dma_wait3A_85] : memref<32xi32, #tpu.memory_space<vmem>> -> memref<16xi32, #tpu.memory_space<vmem>>
      %dma_wait3A_87 = tpu.memref_slice %arg3[%add3A_10] : memref<4096xi32, #tpu.memory_space<hbm>> -> memref<16xi32, #tpu.memory_space<hbm>>
      tpu.wait_dma2 semaphore(%run_scoped3A : memref<!tpu.dma_semaphore, #tpu.memory_space<semaphore_mem>>) src(%dma_wait3A_87 : memref<16xi32, #tpu.memory_space<hbm>>) dst(%dma_wait3A_86 : memref<16xi32, #tpu.memory_space<vmem>>)
      tpu.yield
    }) : () -> ()
    %add3A_11 = arith.constant 2048 : i32
    %add3A_12 = arith.addi %add3A_11, %add3A_10 : i32
    "tpu.region"() ({
      %run_scoped3A = tpu.sem_alloc : memref<!tpu.dma_semaphore, #tpu.memory_space<semaphore_mem>>
      %dma_start3A_76 = arith.constant 16 : i32
      %dma_start3A_77 = tpu.memref_slice %arg6[%dma_start3A_76] : memref<32xi32, #tpu.memory_space<vmem>> -> memref<16xi32, #tpu.memory_space<vmem>>
      %dma_start3A_78 = tpu.memref_slice %arg3[%add3A_12] : memref<4096xi32, #tpu.memory_space<hbm>> -> memref<16xi32, #tpu.memory_space<hbm>>
      %dma_start3A_79 = arith.constant 16 : i32
      %dma_start3A_80 = tpu.memref_slice %arg6[%dma_start3A_79] : memref<32xi32, #tpu.memory_space<vmem>> -> memref<16xi32, #tpu.memory_space<vmem>>
      %dma_start3A_81 = tpu.memref_slice %arg3[%add3A_12] : memref<4096xi32, #tpu.memory_space<hbm>> -> memref<16xi32, #tpu.memory_space<hbm>>
      tpu.enqueue_dma source(%dma_start3A_81 : memref<16xi32, #tpu.memory_space<hbm>>) target(%dma_start3A_80 : memref<16xi32, #tpu.memory_space<vmem>>) target_semaphore(%run_scoped3A : memref<!tpu.dma_semaphore, #tpu.memory_space<semaphore_mem>>)
      %dma_wait3A_82 = arith.constant 16 : i32
      %dma_wait3A_83 = tpu.memref_slice %arg6[%dma_wait3A_82] : memref<32xi32, #tpu.memory_space<vmem>> -> memref<16xi32, #tpu.memory_space<vmem>>
      %dma_wait3A_84 = tpu.memref_slice %arg3[%add3A_12] : memref<4096xi32, #tpu.memory_space<hbm>> -> memref<16xi32, #tpu.memory_space<hbm>>
      %dma_wait3A_85 = arith.constant 16 : i32
      %dma_wait3A_86 = tpu.memref_slice %arg6[%dma_wait3A_85] : memref<32xi32, #tpu.memory_space<vmem>> -> memref<16xi32, #tpu.memory_space<vmem>>
      %dma_wait3A_87 = tpu.memref_slice %arg3[%add3A_12] : memref<4096xi32, #tpu.memory_space<hbm>> -> memref<16xi32, #tpu.memory_space<hbm>>
      tpu.wait_dma2 semaphore(%run_scoped3A : memref<!tpu.dma_semaphore, #tpu.memory_space<semaphore_mem>>) src(%dma_wait3A_87 : memref<16xi32, #tpu.memory_space<hbm>>) dst(%dma_wait3A_86 : memref<16xi32, #tpu.memory_space<vmem>>)
      tpu.yield
    }) : () -> ()
    %dma_start3A_13 = arith.constant 0 : i32
    %dma_start3A_14 = arith.constant 0 : i32
    %dma_start3A_15 = tpu.memref_slice %arg2[%dma_start3A_13, %dma_start3A_14] : memref<6400x1024xf32, #tpu.memory_space<hbm>> -> memref<6400x1024xf32, #tpu.memory_space<hbm>>
    tpu.enqueue_indirect_dma source(%dma_start3A_15 : memref<6400x1024xf32, #tpu.memory_space<hbm>>) target(%arg8 : memref<32x1024xf32, #tpu.memory_space<vmem>>) offsets(%arg6 : memref<32xi32, #tpu.memory_space<vmem>>) semaphore(%arg11 : memref<!tpu.dma_semaphore, #tpu.memory_space<semaphore_mem>>)
    %dma_wait3A = arith.constant 0 : i32
    %dma_wait3A_16 = arith.constant 0 : i32
    %dma_wait3A_17 = tpu.memref_slice %arg2[%dma_wait3A, %dma_wait3A_16] : memref<6400x1024xf32, #tpu.memory_space<hbm>> -> memref<6400x1024xf32, #tpu.memory_space<hbm>>
    tpu.wait_indirect_dma semaphore(%arg10 : memref<!tpu.dma_semaphore, #tpu.memory_space<semaphore_mem>>) src(%dma_wait3A_17 : memref<6400x1024xf32, #tpu.memory_space<hbm>>) dst(%arg7 : memref<32x1024xf32, #tpu.memory_space<vmem>>)
    %scan3A = arith.constant 0 : i32
    %scan3A_18 = arith.constant 0 : i32
    %scan3A_19 = arith.constant 16 : i32
    %scan3A_20 = arith.addi %scan3A_18, %scan3A_19 : i32
    %scan3A_21 = arith.constant 1 : i32
    %scan3A_22 = scf.for %scan3A_76 = %scan3A_18 to %scan3A_20 step %scan3A_21 iter_args(%scan3A_77 = %scan3A) -> (i32)  : i32 {
      %scan3A_78 = arith.constant 0 : i32
      %scan3A_79 = arith.constant 0 : i32
      %scan3A_80 = arith.constant 16 : i32
      %scan3A_81 = arith.addi %scan3A_79, %scan3A_80 : i32
      %scan3A_82 = arith.constant 1 : i32
      %scan3A_83 = scf.for %scan3A_86 = %scan3A_79 to %scan3A_81 step %scan3A_82 iter_args(%scan3A_87 = %scan3A_78) -> (i32)  : i32 {
        %mul3A_88 = arith.constant 64 : i32
        %mul3A_89 = arith.muli %scan3A_86, %mul3A_88 : i32
        %mul3A_90 = arith.constant 64 : i32
        %mul3A_91 = arith.muli %scan3A_86, %mul3A_90 : i32
        %add3A_92 = arith.constant 16 : i32
        %add3A_93 = arith.addi %mul3A_91, %add3A_92 : i32
        %mul3A_94 = arith.constant 64 : i32
        %mul3A_95 = arith.muli %scan3A_86, %mul3A_94 : i32
        %add3A_96 = arith.constant 32 : i32
        %add3A_97 = arith.addi %mul3A_95, %add3A_96 : i32
        %mul3A_98 = arith.constant 64 : i32
        %mul3A_99 = arith.muli %scan3A_86, %mul3A_98 : i32
        %add3A_100 = arith.constant 48 : i32
        %add3A_101 = arith.addi %mul3A_99, %add3A_100 : i32
        %get3A = arith.index_cast %scan3A_76 : i32 to index
        %get3A_102 = arith.index_cast %mul3A_89 : i32 to index
        %get3A_103 = tpu.vector_load %arg7[%get3A, %get3A_102] {strides = array<i32>} : memref<32x1024xf32, #tpu.memory_space<vmem>>, vector<1x16xf32>,
        %get3A_104 = vector.shape_cast %get3A_103 : vector<1x16xf32> to vector<16xf32>
        %add3A_105 = arith.constant 16 : i32
        %add3A_106 = arith.addi %add3A_105, %scan3A_76 : i32
        %get3A_107 = arith.index_cast %add3A_106 : i32 to index
        %get3A_108 = arith.index_cast %mul3A_89 : i32 to index
        %get3A_109 = tpu.vector_load %arg7[%get3A_107, %get3A_108] {strides = array<i32>} : memref<32x1024xf32, #tpu.memory_space<vmem>>, vector<1x16xf32>,
        %get3A_110 = vector.shape_cast %get3A_109 : vector<1x16xf32> to vector<16xf32>
        %add3A_111 = arith.addf %get3A_104, %get3A_110 : vector<16xf32>
        %swap3A = arith.index_cast %scan3A_76 : i32 to index
        %swap3A_112 = arith.index_cast %mul3A_89 : i32 to index
        %swap3A_113 = tpu.vector_load %arg9[%swap3A, %swap3A_112] {strides = array<i32>} : memref<16x1024xf32, #tpu.memory_space<vmem>>, vector<1x16xf32>,
        %swap3A_114 = vector.shape_cast %swap3A_113 : vector<1x16xf32> to vector<16xf32>
        %swap3A_115 = vector.shape_cast %add3A_111 : vector<16xf32> to vector<1x16xf32>
        tpu.vector_store %arg9[%swap3A, %swap3A_112], %swap3A_115 {strides = array<i32>} : memref<16x1024xf32, #tpu.memory_space<vmem>>, vector<1x16xf32>,
        %get3A_116 = arith.index_cast %scan3A_76 : i32 to index
        %get3A_117 = arith.index_cast %add3A_93 : i32 to index
        %get3A_118 = tpu.vector_load %arg7[%get3A_116, %get3A_117] {strides = array<i32>} : memref<32x1024xf32, #tpu.memory_space<vmem>>, vector<1x16xf32>,
        %get3A_119 = vector.shape_cast %get3A_118 : vector<1x16xf32> to vector<16xf32>
        %add3A_120 = arith.constant 16 : i32
        %add3A_121 = arith.addi %add3A_120, %scan3A_76 : i32
        %get3A_122 = arith.index_cast %add3A_121 : i32 to index
        %get3A_123 = arith.index_cast %add3A_93 : i32 to index
        %get3A_124 = tpu.vector_load %arg7[%get3A_122, %get3A_123] {strides = array<i32>} : memref<32x1024xf32, #tpu.memory_space<vmem>>, vector<1x16xf32>,
        %get3A_125 = vector.shape_cast %get3A_124 : vector<1x16xf32> to vector<16xf32>
        %add3A_126 = arith.addf %get3A_119, %get3A_125 : vector<16xf32>
        %swap3A_127 = arith.index_cast %scan3A_76 : i32 to index
        %swap3A_128 = arith.index_cast %add3A_93 : i32 to index
        %swap3A_129 = tpu.vector_load %arg9[%swap3A_127, %swap3A_128] {strides = array<i32>} : memref<16x1024xf32, #tpu.memory_space<vmem>>, vector<1x16xf32>,
        %swap3A_130 = vector.shape_cast %swap3A_129 : vector<1x16xf32> to vector<16xf32>
        %swap3A_131 = vector.shape_cast %add3A_126 : vector<16xf32> to vector<1x16xf32>
        tpu.vector_store %arg9[%swap3A_127, %swap3A_128], %swap3A_131 {strides = array<i32>} : memref<16x1024xf32, #tpu.memory_space<vmem>>, vector<1x16xf32>,
        %get3A_132 = arith.index_cast %scan3A_76 : i32 to index
        %get3A_133 = arith.index_cast %add3A_97 : i32 to index
        %get3A_134 = tpu.vector_load %arg7[%get3A_132, %get3A_133] {strides = array<i32>} : memref<32x1024xf32, #tpu.memory_space<vmem>>, vector<1x16xf32>,
        %get3A_135 = vector.shape_cast %get3A_134 : vector<1x16xf32> to vector<16xf32>
        %add3A_136 = arith.constant 16 : i32
        %add3A_137 = arith.addi %add3A_136, %scan3A_76 : i32
        %get3A_138 = arith.index_cast %add3A_137 : i32 to index
        %get3A_139 = arith.index_cast %add3A_97 : i32 to index
        %get3A_140 = tpu.vector_load %arg7[%get3A_138, %get3A_139] {strides = array<i32>} : memref<32x1024xf32, #tpu.memory_space<vmem>>, vector<1x16xf32>,
        %get3A_141 = vector.shape_cast %get3A_140 : vector<1x16xf32> to vector<16xf32>
        %add3A_142 = arith.addf %get3A_135, %get3A_141 : vector<16xf32>
        %swap3A_143 = arith.index_cast %scan3A_76 : i32 to index
        %swap3A_144 = arith.index_cast %add3A_97 : i32 to index
        %swap3A_145 = tpu.vector_load %arg9[%swap3A_143, %swap3A_144] {strides = array<i32>} : memref<16x1024xf32, #tpu.memory_space<vmem>>, vector<1x16xf32>,
        %swap3A_146 = vector.shape_cast %swap3A_145 : vector<1x16xf32> to vector<16xf32>
        %swap3A_147 = vector.shape_cast %add3A_142 : vector<16xf32> to vector<1x16xf32>
        tpu.vector_store %arg9[%swap3A_143, %swap3A_144], %swap3A_147 {strides = array<i32>} : memref<16x1024xf32, #tpu.memory_space<vmem>>, vector<1x16xf32>,
        %get3A_148 = arith.index_cast %scan3A_76 : i32 to index
        %get3A_149 = arith.index_cast %add3A_101 : i32 to index
        %get3A_150 = tpu.vector_load %arg7[%get3A_148, %get3A_149] {strides = array<i32>} : memref<32x1024xf32, #tpu.memory_space<vmem>>, vector<1x16xf32>,
        %get3A_151 = vector.shape_cast %get3A_150 : vector<1x16xf32> to vector<16xf32>
        %add3A_152 = arith.constant 16 : i32
        %add3A_153 = arith.addi %add3A_152, %scan3A_76 : i32
        %get3A_154 = arith.index_cast %add3A_153 : i32 to index
        %get3A_155 = arith.index_cast %add3A_101 : i32 to index
        %get3A_156 = tpu.vector_load %arg7[%get3A_154, %get3A_155] {strides = array<i32>} : memref<32x1024xf32, #tpu.memory_space<vmem>>, vector<1x16xf32>,
        %get3A_157 = vector.shape_cast %get3A_156 : vector<1x16xf32> to vector<16xf32>
        %add3A_158 = arith.addf %get3A_151, %get3A_157 : vector<16xf32>
        %swap3A_159 = arith.index_cast %scan3A_76 : i32 to index
        %swap3A_160 = arith.index_cast %add3A_101 : i32 to index
        %swap3A_161 = tpu.vector_load %arg9[%swap3A_159, %swap3A_160] {strides = array<i32>} : memref<16x1024xf32, #tpu.memory_space<vmem>>, vector<1x16xf32>,
        %swap3A_162 = vector.shape_cast %swap3A_161 : vector<1x16xf32> to vector<16xf32>
        %swap3A_163 = vector.shape_cast %add3A_158 : vector<16xf32> to vector<1x16xf32>
        tpu.vector_store %arg9[%swap3A_159, %swap3A_160], %swap3A_163 {strides = array<i32>} : memref<16x1024xf32, #tpu.memory_space<vmem>>, vector<1x16xf32>,
        %scan3A_164 = arith.constant 0 : i32
        scf.yield %scan3A_164 : i32
      }
      %scan3A_84 = arith.constant 16 : i32
      %scan3A_85 = arith.constant 0 : i32
      scf.yield %scan3A_85 : i32
    }
    %scan3A_23 = arith.constant 16 : i32
    %add3A_24 = arith.constant 32 : i32
    %add3A_25 = arith.addi %mul3A_2, %add3A_24 : i32
    "tpu.region"() ({
      %run_scoped3A = tpu.sem_alloc : memref<!tpu.dma_semaphore, #tpu.memory_space<semaphore_mem>>
      %dma_start3A_76 = arith.constant 0 : i32
      %dma_start3A_77 = tpu.memref_slice %arg5[%dma_start3A_76] : memref<32xi32, #tpu.memory_space<vmem>> -> memref<16xi32, #tpu.memory_space<vmem>>
      %dma_start3A_78 = tpu.memref_slice %arg3[%add3A_25] : memref<4096xi32, #tpu.memory_space<hbm>> -> memref<16xi32, #tpu.memory_space<hbm>>
      %dma_start3A_79 = arith.constant 0 : i32
      %dma_start3A_80 = tpu.memref_slice %arg5[%dma_start3A_79] : memref<32xi32, #tpu.memory_space<vmem>> -> memref<16xi32, #tpu.memory_space<vmem>>
      %dma_start3A_81 = tpu.memref_slice %arg3[%add3A_25] : memref<4096xi32, #tpu.memory_space<hbm>> -> memref<16xi32, #tpu.memory_space<hbm>>
      tpu.enqueue_dma source(%dma_start3A_81 : memref<16xi32, #tpu.memory_space<hbm>>) target(%dma_start3A_80 : memref<16xi32, #tpu.memory_space<vmem>>) target_semaphore(%run_scoped3A : memref<!tpu.dma_semaphore, #tpu.memory_space<semaphore_mem>>)
      %dma_wait3A_82 = arith.constant 0 : i32
      %dma_wait3A_83 = tpu.memref_slice %arg5[%dma_wait3A_82] : memref<32xi32, #tpu.memory_space<vmem>> -> memref<16xi32, #tpu.memory_space<vmem>>
      %dma_wait3A_84 = tpu.memref_slice %arg3[%add3A_25] : memref<4096xi32, #tpu.memory_space<hbm>> -> memref<16xi32, #tpu.memory_space<hbm>>
      %dma_wait3A_85 = arith.constant 0 : i32
      %dma_wait3A_86 = tpu.memref_slice %arg5[%dma_wait3A_85] : memref<32xi32, #tpu.memory_space<vmem>> -> memref<16xi32, #tpu.memory_space<vmem>>
      %dma_wait3A_87 = tpu.memref_slice %arg3[%add3A_25] : memref<4096xi32, #tpu.memory_space<hbm>> -> memref<16xi32, #tpu.memory_space<hbm>>
      tpu.wait_dma2 semaphore(%run_scoped3A : memref<!tpu.dma_semaphore, #tpu.memory_space<semaphore_mem>>) src(%dma_wait3A_87 : memref<16xi32, #tpu.memory_space<hbm>>) dst(%dma_wait3A_86 : memref<16xi32, #tpu.memory_space<vmem>>)
      tpu.yield
    }) : () -> ()
    %add3A_26 = arith.constant 2048 : i32
    %add3A_27 = arith.addi %add3A_26, %add3A_25 : i32
    "tpu.region"() ({
      %run_scoped3A = tpu.sem_alloc : memref<!tpu.dma_semaphore, #tpu.memory_space<semaphore_mem>>
      %dma_start3A_76 = arith.constant 16 : i32
      %dma_start3A_77 = tpu.memref_slice %arg5[%dma_start3A_76] : memref<32xi32, #tpu.memory_space<vmem>> -> memref<16xi32, #tpu.memory_space<vmem>>
      %dma_start3A_78 = tpu.memref_slice %arg3[%add3A_27] : memref<4096xi32, #tpu.memory_space<hbm>> -> memref<16xi32, #tpu.memory_space<hbm>>
      %dma_start3A_79 = arith.constant 16 : i32
      %dma_start3A_80 = tpu.memref_slice %arg5[%dma_start3A_79] : memref<32xi32, #tpu.memory_space<vmem>> -> memref<16xi32, #tpu.memory_space<vmem>>
      %dma_start3A_81 = tpu.memref_slice %arg3[%add3A_27] : memref<4096xi32, #tpu.memory_space<hbm>> -> memref<16xi32, #tpu.memory_space<hbm>>
      tpu.enqueue_dma source(%dma_start3A_81 : memref<16xi32, #tpu.memory_space<hbm>>) target(%dma_start3A_80 : memref<16xi32, #tpu.memory_space<vmem>>) target_semaphore(%run_scoped3A : memref<!tpu.dma_semaphore, #tpu.memory_space<semaphore_mem>>)
      %dma_wait3A_82 = arith.constant 16 : i32
      %dma_wait3A_83 = tpu.memref_slice %arg5[%dma_wait3A_82] : memref<32xi32, #tpu.memory_space<vmem>> -> memref<16xi32, #tpu.memory_space<vmem>>
      %dma_wait3A_84 = tpu.memref_slice %arg3[%add3A_27] : memref<4096xi32, #tpu.memory_space<hbm>> -> memref<16xi32, #tpu.memory_space<hbm>>
      %dma_wait3A_85 = arith.constant 16 : i32
      %dma_wait3A_86 = tpu.memref_slice %arg5[%dma_wait3A_85] : memref<32xi32, #tpu.memory_space<vmem>> -> memref<16xi32, #tpu.memory_space<vmem>>
      %dma_wait3A_87 = tpu.memref_slice %arg3[%add3A_27] : memref<4096xi32, #tpu.memory_space<hbm>> -> memref<16xi32, #tpu.memory_space<hbm>>
      tpu.wait_dma2 semaphore(%run_scoped3A : memref<!tpu.dma_semaphore, #tpu.memory_space<semaphore_mem>>) src(%dma_wait3A_87 : memref<16xi32, #tpu.memory_space<hbm>>) dst(%dma_wait3A_86 : memref<16xi32, #tpu.memory_space<vmem>>)
      tpu.yield
    }) : () -> ()
    %dma_start3A_28 = arith.constant 0 : i32
    %dma_start3A_29 = arith.constant 0 : i32
    %dma_start3A_30 = tpu.memref_slice %arg2[%dma_start3A_28, %dma_start3A_29] : memref<6400x1024xf32, #tpu.memory_space<hbm>> -> memref<6400x1024xf32, #tpu.memory_space<hbm>>
    tpu.enqueue_indirect_dma source(%dma_start3A_30 : memref<6400x1024xf32, #tpu.memory_space<hbm>>) target(%arg7 : memref<32x1024xf32, #tpu.memory_space<vmem>>) offsets(%arg5 : memref<32xi32, #tpu.memory_space<vmem>>) semaphore(%arg10 : memref<!tpu.dma_semaphore, #tpu.memory_space<semaphore_mem>>)
    %add3A_31 = arith.constant 0 : i32
    %add3A_32 = arith.addi %mul3A_2, %add3A_31 : i32
    "tpu.region"() ({
      %run_scoped3A = tpu.sem_alloc : memref<!tpu.dma_semaphore, #tpu.memory_space<semaphore_mem>>
      %dma_start3A_76 = arith.constant 0 : i32
      %dma_start3A_77 = tpu.memref_slice %arg4[%add3A_32, %dma_start3A_76] : memref<2048x1024xf32, #tpu.memory_space<hbm>> -> memref<16x1024xf32, #tpu.memory_space<hbm>>
      %dma_start3A_78 = arith.constant 0 : i32
      %dma_start3A_79 = tpu.memref_slice %arg4[%add3A_32, %dma_start3A_78] : memref<2048x1024xf32, #tpu.memory_space<hbm>> -> memref<16x1024xf32, #tpu.memory_space<hbm>>
      tpu.enqueue_dma source(%arg9 : memref<16x1024xf32, #tpu.memory_space<vmem>>) target(%dma_start3A_79 : memref<16x1024xf32, #tpu.memory_space<hbm>>) target_semaphore(%run_scoped3A : memref<!tpu.dma_semaphore, #tpu.memory_space<semaphore_mem>>)
      %dma_wait3A_80 = arith.constant 0 : i32
      %dma_wait3A_81 = tpu.memref_slice %arg4[%add3A_32, %dma_wait3A_80] : memref<2048x1024xf32, #tpu.memory_space<hbm>> -> memref<16x1024xf32, #tpu.memory_space<hbm>>
      %dma_wait3A_82 = arith.constant 0 : i32
      %dma_wait3A_83 = tpu.memref_slice %arg4[%add3A_32, %dma_wait3A_82] : memref<2048x1024xf32, #tpu.memory_space<hbm>> -> memref<16x1024xf32, #tpu.memory_space<hbm>>
      tpu.wait_dma2 semaphore(%run_scoped3A : memref<!tpu.dma_semaphore, #tpu.memory_space<semaphore_mem>>) src(%arg9 : memref<16x1024xf32, #tpu.memory_space<vmem>>) dst(%dma_wait3A_83 : memref<16x1024xf32, #tpu.memory_space<hbm>>)
      tpu.yield
    }) : () -> ()
    %dma_wait3A_33 = arith.constant 0 : i32
    %dma_wait3A_34 = arith.constant 0 : i32
    %dma_wait3A_35 = tpu.memref_slice %arg2[%dma_wait3A_33, %dma_wait3A_34] : memref<6400x1024xf32, #tpu.memory_space<hbm>> -> memref<6400x1024xf32, #tpu.memory_space<hbm>>
    tpu.wait_indirect_dma semaphore(%arg11 : memref<!tpu.dma_semaphore, #tpu.memory_space<semaphore_mem>>) src(%dma_wait3A_35 : memref<6400x1024xf32, #tpu.memory_space<hbm>>) dst(%arg8 : memref<32x1024xf32, #tpu.memory_space<vmem>>)
    %scan3A_36 = arith.constant 0 : i32
    %scan3A_37 = arith.constant 0 : i32
    %scan3A_38 = arith.constant 16 : i32
    %scan3A_39 = arith.addi %scan3A_37, %scan3A_38 : i32
    %scan3A_40 = arith.constant 1 : i32
    %scan3A_41 = scf.for %scan3A_76 = %scan3A_37 to %scan3A_39 step %scan3A_40 iter_args(%scan3A_77 = %scan3A_36) -> (i32)  : i32 {
      %scan3A_78 = arith.constant 0 : i32
      %scan3A_79 = arith.constant 0 : i32
      %scan3A_80 = arith.constant 16 : i32
      %scan3A_81 = arith.addi %scan3A_79, %scan3A_80 : i32
      %scan3A_82 = arith.constant 1 : i32
      %scan3A_83 = scf.for %scan3A_86 = %scan3A_79 to %scan3A_81 step %scan3A_82 iter_args(%scan3A_87 = %scan3A_78) -> (i32)  : i32 {
        %mul3A_88 = arith.constant 64 : i32
        %mul3A_89 = arith.muli %scan3A_86, %mul3A_88 : i32
        %mul3A_90 = arith.constant 64 : i32
        %mul3A_91 = arith.muli %scan3A_86, %mul3A_90 : i32
        %add3A_92 = arith.constant 16 : i32
        %add3A_93 = arith.addi %mul3A_91, %add3A_92 : i32
        %mul3A_94 = arith.constant 64 : i32
        %mul3A_95 = arith.muli %scan3A_86, %mul3A_94 : i32
        %add3A_96 = arith.constant 32 : i32
        %add3A_97 = arith.addi %mul3A_95, %add3A_96 : i32
        %mul3A_98 = arith.constant 64 : i32
        %mul3A_99 = arith.muli %scan3A_86, %mul3A_98 : i32
        %add3A_100 = arith.constant 48 : i32
        %add3A_101 = arith.addi %mul3A_99, %add3A_100 : i32
        %get3A = arith.index_cast %scan3A_76 : i32 to index
        %get3A_102 = arith.index_cast %mul3A_89 : i32 to index
        %get3A_103 = tpu.vector_load %arg8[%get3A, %get3A_102] {strides = array<i32>} : memref<32x1024xf32, #tpu.memory_space<vmem>>, vector<1x16xf32>,
        %get3A_104 = vector.shape_cast %get3A_103 : vector<1x16xf32> to vector<16xf32>
        %add3A_105 = arith.constant 16 : i32
        %add3A_106 = arith.addi %add3A_105, %scan3A_76 : i32
        %get3A_107 = arith.index_cast %add3A_106 : i32 to index
        %get3A_108 = arith.index_cast %mul3A_89 : i32 to index
        %get3A_109 = tpu.vector_load %arg8[%get3A_107, %get3A_108] {strides = array<i32>} : memref<32x1024xf32, #tpu.memory_space<vmem>>, vector<1x16xf32>,
        %get3A_110 = vector.shape_cast %get3A_109 : vector<1x16xf32> to vector<16xf32>
        %add3A_111 = arith.addf %get3A_104, %get3A_110 : vector<16xf32>
        %swap3A = arith.index_cast %scan3A_76 : i32 to index
        %swap3A_112 = arith.index_cast %mul3A_89 : i32 to index
        %swap3A_113 = tpu.vector_load %arg9[%swap3A, %swap3A_112] {strides = array<i32>} : memref<16x1024xf32, #tpu.memory_space<vmem>>, vector<1x16xf32>,
        %swap3A_114 = vector.shape_cast %swap3A_113 : vector<1x16xf32> to vector<16xf32>
        %swap3A_115 = vector.shape_cast %add3A_111 : vector<16xf32> to vector<1x16xf32>
        tpu.vector_store %arg9[%swap3A, %swap3A_112], %swap3A_115 {strides = array<i32>} : memref<16x1024xf32, #tpu.memory_space<vmem>>, vector<1x16xf32>,
        %get3A_116 = arith.index_cast %scan3A_76 : i32 to index
        %get3A_117 = arith.index_cast %add3A_93 : i32 to index
        %get3A_118 = tpu.vector_load %arg8[%get3A_116, %get3A_117] {strides = array<i32>} : memref<32x1024xf32, #tpu.memory_space<vmem>>, vector<1x16xf32>,
        %get3A_119 = vector.shape_cast %get3A_118 : vector<1x16xf32> to vector<16xf32>
        %add3A_120 = arith.constant 16 : i32
        %add3A_121 = arith.addi %add3A_120, %scan3A_76 : i32
        %get3A_122 = arith.index_cast %add3A_121 : i32 to index
        %get3A_123 = arith.index_cast %add3A_93 : i32 to index
        %get3A_124 = tpu.vector_load %arg8[%get3A_122, %get3A_123] {strides = array<i32>} : memref<32x1024xf32, #tpu.memory_space<vmem>>, vector<1x16xf32>,
        %get3A_125 = vector.shape_cast %get3A_124 : vector<1x16xf32> to vector<16xf32>
        %add3A_126 = arith.addf %get3A_119, %get3A_125 : vector<16xf32>
        %swap3A_127 = arith.index_cast %scan3A_76 : i32 to index
        %swap3A_128 = arith.index_cast %add3A_93 : i32 to index
        %swap3A_129 = tpu.vector_load %arg9[%swap3A_127, %swap3A_128] {strides = array<i32>} : memref<16x1024xf32, #tpu.memory_space<vmem>>, vector<1x16xf32>,
        %swap3A_130 = vector.shape_cast %swap3A_129 : vector<1x16xf32> to vector<16xf32>
        %swap3A_131 = vector.shape_cast %add3A_126 : vector<16xf32> to vector<1x16xf32>
        tpu.vector_store %arg9[%swap3A_127, %swap3A_128], %swap3A_131 {strides = array<i32>} : memref<16x1024xf32, #tpu.memory_space<vmem>>, vector<1x16xf32>,
        %get3A_132 = arith.index_cast %scan3A_76 : i32 to index
        %get3A_133 = arith.index_cast %add3A_97 : i32 to index
        %get3A_134 = tpu.vector_load %arg8[%get3A_132, %get3A_133] {strides = array<i32>} : memref<32x1024xf32, #tpu.memory_space<vmem>>, vector<1x16xf32>,
        %get3A_135 = vector.shape_cast %get3A_134 : vector<1x16xf32> to vector<16xf32>
        %add3A_136 = arith.constant 16 : i32
        %add3A_137 = arith.addi %add3A_136, %scan3A_76 : i32
        %get3A_138 = arith.index_cast %add3A_137 : i32 to index
        %get3A_139 = arith.index_cast %add3A_97 : i32 to index
        %get3A_140 = tpu.vector_load %arg8[%get3A_138, %get3A_139] {strides = array<i32>} : memref<32x1024xf32, #tpu.memory_space<vmem>>, vector<1x16xf32>,
        %get3A_141 = vector.shape_cast %get3A_140 : vector<1x16xf32> to vector<16xf32>
        %add3A_142 = arith.addf %get3A_135, %get3A_141 : vector<16xf32>
        %swap3A_143 = arith.index_cast %scan3A_76 : i32 to index
        %swap3A_144 = arith.index_cast %add3A_97 : i32 to index
        %swap3A_145 = tpu.vector_load %arg9[%swap3A_143, %swap3A_144] {strides = array<i32>} : memref<16x1024xf32, #tpu.memory_space<vmem>>, vector<1x16xf32>,
        %swap3A_146 = vector.shape_cast %swap3A_145 : vector<1x16xf32> to vector<16xf32>
        %swap3A_147 = vector.shape_cast %add3A_142 : vector<16xf32> to vector<1x16xf32>
        tpu.vector_store %arg9[%swap3A_143, %swap3A_144], %swap3A_147 {strides = array<i32>} : memref<16x1024xf32, #tpu.memory_space<vmem>>, vector<1x16xf32>,
        %get3A_148 = arith.index_cast %scan3A_76 : i32 to index
        %get3A_149 = arith.index_cast %add3A_101 : i32 to index
        %get3A_150 = tpu.vector_load %arg8[%get3A_148, %get3A_149] {strides = array<i32>} : memref<32x1024xf32, #tpu.memory_space<vmem>>, vector<1x16xf32>,
        %get3A_151 = vector.shape_cast %get3A_150 : vector<1x16xf32> to vector<16xf32>
        %add3A_152 = arith.constant 16 : i32
        %add3A_153 = arith.addi %add3A_152, %scan3A_76 : i32
        %get3A_154 = arith.index_cast %add3A_153 : i32 to index
        %get3A_155 = arith.index_cast %add3A_101 : i32 to index
        %get3A_156 = tpu.vector_load %arg8[%get3A_154, %get3A_155] {strides = array<i32>} : memref<32x1024xf32, #tpu.memory_space<vmem>>, vector<1x16xf32>,
        %get3A_157 = vector.shape_cast %get3A_156 : vector<1x16xf32> to vector<16xf32>
        %add3A_158 = arith.addf %get3A_151, %get3A_157 : vector<16xf32>
        %swap3A_159 = arith.index_cast %scan3A_76 : i32 to index
        %swap3A_160 = arith.index_cast %add3A_101 : i32 to index
        %swap3A_161 = tpu.vector_load %arg9[%swap3A_159, %swap3A_160] {strides = array<i32>} : memref<16x1024xf32, #tpu.memory_space<vmem>>, vector<1x16xf32>,
        %swap3A_162 = vector.shape_cast %swap3A_161 : vector<1x16xf32> to vector<16xf32>
        %swap3A_163 = vector.shape_cast %add3A_158 : vector<16xf32> to vector<1x16xf32>
        tpu.vector_store %arg9[%swap3A_159, %swap3A_160], %swap3A_163 {strides = array<i32>} : memref<16x1024xf32, #tpu.memory_space<vmem>>, vector<1x16xf32>,
        %scan3A_164 = arith.constant 0 : i32
        scf.yield %scan3A_164 : i32
      }
      %scan3A_84 = arith.constant 16 : i32
      %scan3A_85 = arith.constant 0 : i32
      scf.yield %scan3A_85 : i32
    }
    %scan3A_42 = arith.constant 16 : i32
    %add3A_43 = arith.constant 48 : i32
    %add3A_44 = arith.addi %mul3A_2, %add3A_43 : i32
    "tpu.region"() ({
      %run_scoped3A = tpu.sem_alloc : memref<!tpu.dma_semaphore, #tpu.memory_space<semaphore_mem>>
      %dma_start3A_76 = arith.constant 0 : i32
      %dma_start3A_77 = tpu.memref_slice %arg6[%dma_start3A_76] : memref<32xi32, #tpu.memory_space<vmem>> -> memref<16xi32, #tpu.memory_space<vmem>>
      %dma_start3A_78 = tpu.memref_slice %arg3[%add3A_44] : memref<4096xi32, #tpu.memory_space<hbm>> -> memref<16xi32, #tpu.memory_space<hbm>>
      %dma_start3A_79 = arith.constant 0 : i32
      %dma_start3A_80 = tpu.memref_slice %arg6[%dma_start3A_79] : memref<32xi32, #tpu.memory_space<vmem>> -> memref<16xi32, #tpu.memory_space<vmem>>
      %dma_start3A_81 = tpu.memref_slice %arg3[%add3A_44] : memref<4096xi32, #tpu.memory_space<hbm>> -> memref<16xi32, #tpu.memory_space<hbm>>
      tpu.enqueue_dma source(%dma_start3A_81 : memref<16xi32, #tpu.memory_space<hbm>>) target(%dma_start3A_80 : memref<16xi32, #tpu.memory_space<vmem>>) target_semaphore(%run_scoped3A : memref<!tpu.dma_semaphore, #tpu.memory_space<semaphore_mem>>)
      %dma_wait3A_82 = arith.constant 0 : i32
      %dma_wait3A_83 = tpu.memref_slice %arg6[%dma_wait3A_82] : memref<32xi32, #tpu.memory_space<vmem>> -> memref<16xi32, #tpu.memory_space<vmem>>
      %dma_wait3A_84 = tpu.memref_slice %arg3[%add3A_44] : memref<4096xi32, #tpu.memory_space<hbm>> -> memref<16xi32, #tpu.memory_space<hbm>>
      %dma_wait3A_85 = arith.constant 0 : i32
      %dma_wait3A_86 = tpu.memref_slice %arg6[%dma_wait3A_85] : memref<32xi32, #tpu.memory_space<vmem>> -> memref<16xi32, #tpu.memory_space<vmem>>
      %dma_wait3A_87 = tpu.memref_slice %arg3[%add3A_44] : memref<4096xi32, #tpu.memory_space<hbm>> -> memref<16xi32, #tpu.memory_space<hbm>>
      tpu.wait_dma2 semaphore(%run_scoped3A : memref<!tpu.dma_semaphore, #tpu.memory_space<semaphore_mem>>) src(%dma_wait3A_87 : memref<16xi32, #tpu.memory_space<hbm>>) dst(%dma_wait3A_86 : memref<16xi32, #tpu.memory_space<vmem>>)
      tpu.yield
    }) : () -> ()
    %add3A_45 = arith.constant 2048 : i32
    %add3A_46 = arith.addi %add3A_45, %add3A_44 : i32
    "tpu.region"() ({
      %run_scoped3A = tpu.sem_alloc : memref<!tpu.dma_semaphore, #tpu.memory_space<semaphore_mem>>
      %dma_start3A_76 = arith.constant 16 : i32
      %dma_start3A_77 = tpu.memref_slice %arg6[%dma_start3A_76] : memref<32xi32, #tpu.memory_space<vmem>> -> memref<16xi32, #tpu.memory_space<vmem>>
      %dma_start3A_78 = tpu.memref_slice %arg3[%add3A_46] : memref<4096xi32, #tpu.memory_space<hbm>> -> memref<16xi32, #tpu.memory_space<hbm>>
      %dma_start3A_79 = arith.constant 16 : i32
      %dma_start3A_80 = tpu.memref_slice %arg6[%dma_start3A_79] : memref<32xi32, #tpu.memory_space<vmem>> -> memref<16xi32, #tpu.memory_space<vmem>>
      %dma_start3A_81 = tpu.memref_slice %arg3[%add3A_46] : memref<4096xi32, #tpu.memory_space<hbm>> -> memref<16xi32, #tpu.memory_space<hbm>>
      tpu.enqueue_dma source(%dma_start3A_81 : memref<16xi32, #tpu.memory_space<hbm>>) target(%dma_start3A_80 : memref<16xi32, #tpu.memory_space<vmem>>) target_semaphore(%run_scoped3A : memref<!tpu.dma_semaphore, #tpu.memory_space<semaphore_mem>>)
      %dma_wait3A_82 = arith.constant 16 : i32
      %dma_wait3A_83 = tpu.memref_slice %arg6[%dma_wait3A_82] : memref<32xi32, #tpu.memory_space<vmem>> -> memref<16xi32, #tpu.memory_space<vmem>>
      %dma_wait3A_84 = tpu.memref_slice %arg3[%add3A_46] : memref<4096xi32, #tpu.memory_space<hbm>> -> memref<16xi32, #tpu.memory_space<hbm>>
      %dma_wait3A_85 = arith.constant 16 : i32
      %dma_wait3A_86 = tpu.memref_slice %arg6[%dma_wait3A_85] : memref<32xi32, #tpu.memory_space<vmem>> -> memref<16xi32, #tpu.memory_space<vmem>>
      %dma_wait3A_87 = tpu.memref_slice %arg3[%add3A_46] : memref<4096xi32, #tpu.memory_space<hbm>> -> memref<16xi32, #tpu.memory_space<hbm>>
      tpu.wait_dma2 semaphore(%run_scoped3A : memref<!tpu.dma_semaphore, #tpu.memory_space<semaphore_mem>>) src(%dma_wait3A_87 : memref<16xi32, #tpu.memory_space<hbm>>) dst(%dma_wait3A_86 : memref<16xi32, #tpu.memory_space<vmem>>)
      tpu.yield
    }) : () -> ()
    %dma_start3A_47 = arith.constant 0 : i32
    %dma_start3A_48 = arith.constant 0 : i32
    %dma_start3A_49 = tpu.memref_slice %arg2[%dma_start3A_47, %dma_start3A_48] : memref<6400x1024xf32, #tpu.memory_space<hbm>> -> memref<6400x1024xf32, #tpu.memory_space<hbm>>
    tpu.enqueue_indirect_dma source(%dma_start3A_49 : memref<6400x1024xf32, #tpu.memory_space<hbm>>) target(%arg8 : memref<32x1024xf32, #tpu.memory_space<vmem>>) offsets(%arg6 : memref<32xi32, #tpu.memory_space<vmem>>) semaphore(%arg11 : memref<!tpu.dma_semaphore, #tpu.memory_space<semaphore_mem>>)
    %add3A_50 = arith.constant 16 : i32
    %add3A_51 = arith.addi %mul3A_2, %add3A_50 : i32
    "tpu.region"() ({
      %run_scoped3A = tpu.sem_alloc : memref<!tpu.dma_semaphore, #tpu.memory_space<semaphore_mem>>
      %dma_start3A_76 = arith.constant 0 : i32
      %dma_start3A_77 = tpu.memref_slice %arg4[%add3A_51, %dma_start3A_76] : memref<2048x1024xf32, #tpu.memory_space<hbm>> -> memref<16x1024xf32, #tpu.memory_space<hbm>>
      %dma_start3A_78 = arith.constant 0 : i32
      %dma_start3A_79 = tpu.memref_slice %arg4[%add3A_51, %dma_start3A_78] : memref<2048x1024xf32, #tpu.memory_space<hbm>> -> memref<16x1024xf32, #tpu.memory_space<hbm>>
      tpu.enqueue_dma source(%arg9 : memref<16x1024xf32, #tpu.memory_space<vmem>>) target(%dma_start3A_79 : memref<16x1024xf32, #tpu.memory_space<hbm>>) target_semaphore(%run_scoped3A : memref<!tpu.dma_semaphore, #tpu.memory_space<semaphore_mem>>)
      %dma_wait3A_80 = arith.constant 0 : i32
      %dma_wait3A_81 = tpu.memref_slice %arg4[%add3A_51, %dma_wait3A_80] : memref<2048x1024xf32, #tpu.memory_space<hbm>> -> memref<16x1024xf32, #tpu.memory_space<hbm>>
      %dma_wait3A_82 = arith.constant 0 : i32
      %dma_wait3A_83 = tpu.memref_slice %arg4[%add3A_51, %dma_wait3A_82] : memref<2048x1024xf32, #tpu.memory_space<hbm>> -> memref<16x1024xf32, #tpu.memory_space<hbm>>
      tpu.wait_dma2 semaphore(%run_scoped3A : memref<!tpu.dma_semaphore, #tpu.memory_space<semaphore_mem>>) src(%arg9 : memref<16x1024xf32, #tpu.memory_space<vmem>>) dst(%dma_wait3A_83 : memref<16x1024xf32, #tpu.memory_space<hbm>>)
      tpu.yield
    }) : () -> ()
    %dma_wait3A_52 = arith.constant 0 : i32
    %dma_wait3A_53 = arith.constant 0 : i32
    %dma_wait3A_54 = tpu.memref_slice %arg2[%dma_wait3A_52, %dma_wait3A_53] : memref<6400x1024xf32, #tpu.memory_space<hbm>> -> memref<6400x1024xf32, #tpu.memory_space<hbm>>
    tpu.wait_indirect_dma semaphore(%arg10 : memref<!tpu.dma_semaphore, #tpu.memory_space<semaphore_mem>>) src(%dma_wait3A_54 : memref<6400x1024xf32, #tpu.memory_space<hbm>>) dst(%arg7 : memref<32x1024xf32, #tpu.memory_space<vmem>>)
    %scan3A_55 = arith.constant 0 : i32
    %scan3A_56 = arith.constant 0 : i32
    %scan3A_57 = arith.constant 16 : i32
    %scan3A_58 = arith.addi %scan3A_56, %scan3A_57 : i32
    %scan3A_59 = arith.constant 1 : i32
    %scan3A_60 = scf.for %scan3A_76 = %scan3A_56 to %scan3A_58 step %scan3A_59 iter_args(%scan3A_77 = %scan3A_55) -> (i32)  : i32 {
      %scan3A_78 = arith.constant 0 : i32
      %scan3A_79 = arith.constant 0 : i32
      %scan3A_80 = arith.constant 16 : i32
      %scan3A_81 = arith.addi %scan3A_79, %scan3A_80 : i32
      %scan3A_82 = arith.constant 1 : i32
      %scan3A_83 = scf.for %scan3A_86 = %scan3A_79 to %scan3A_81 step %scan3A_82 iter_args(%scan3A_87 = %scan3A_78) -> (i32)  : i32 {
        %mul3A_88 = arith.constant 64 : i32
        %mul3A_89 = arith.muli %scan3A_86, %mul3A_88 : i32
        %mul3A_90 = arith.constant 64 : i32
        %mul3A_91 = arith.muli %scan3A_86, %mul3A_90 : i32
        %add3A_92 = arith.constant 16 : i32
        %add3A_93 = arith.addi %mul3A_91, %add3A_92 : i32
        %mul3A_94 = arith.constant 64 : i32
        %mul3A_95 = arith.muli %scan3A_86, %mul3A_94 : i32
        %add3A_96 = arith.constant 32 : i32
        %add3A_97 = arith.addi %mul3A_95, %add3A_96 : i32
        %mul3A_98 = arith.constant 64 : i32
        %mul3A_99 = arith.muli %scan3A_86, %mul3A_98 : i32
        %add3A_100 = arith.constant 48 : i32
        %add3A_101 = arith.addi %mul3A_99, %add3A_100 : i32
        %get3A = arith.index_cast %scan3A_76 : i32 to index
        %get3A_102 = arith.index_cast %mul3A_89 : i32 to index
        %get3A_103 = tpu.vector_load %arg7[%get3A, %get3A_102] {strides = array<i32>} : memref<32x1024xf32, #tpu.memory_space<vmem>>, vector<1x16xf32>,
        %get3A_104 = vector.shape_cast %get3A_103 : vector<1x16xf32> to vector<16xf32>
        %add3A_105 = arith.constant 16 : i32
        %add3A_106 = arith.addi %add3A_105, %scan3A_76 : i32
        %get3A_107 = arith.index_cast %add3A_106 : i32 to index
        %get3A_108 = arith.index_cast %mul3A_89 : i32 to index
        %get3A_109 = tpu.vector_load %arg7[%get3A_107, %get3A_108] {strides = array<i32>} : memref<32x1024xf32, #tpu.memory_space<vmem>>, vector<1x16xf32>,
        %get3A_110 = vector.shape_cast %get3A_109 : vector<1x16xf32> to vector<16xf32>
        %add3A_111 = arith.addf %get3A_104, %get3A_110 : vector<16xf32>
        %swap3A = arith.index_cast %scan3A_76 : i32 to index
        %swap3A_112 = arith.index_cast %mul3A_89 : i32 to index
        %swap3A_113 = tpu.vector_load %arg9[%swap3A, %swap3A_112] {strides = array<i32>} : memref<16x1024xf32, #tpu.memory_space<vmem>>, vector<1x16xf32>,
        %swap3A_114 = vector.shape_cast %swap3A_113 : vector<1x16xf32> to vector<16xf32>
        %swap3A_115 = vector.shape_cast %add3A_111 : vector<16xf32> to vector<1x16xf32>
        tpu.vector_store %arg9[%swap3A, %swap3A_112], %swap3A_115 {strides = array<i32>} : memref<16x1024xf32, #tpu.memory_space<vmem>>, vector<1x16xf32>,
        %get3A_116 = arith.index_cast %scan3A_76 : i32 to index
        %get3A_117 = arith.index_cast %add3A_93 : i32 to index
        %get3A_118 = tpu.vector_load %arg7[%get3A_116, %get3A_117] {strides = array<i32>} : memref<32x1024xf32, #tpu.memory_space<vmem>>, vector<1x16xf32>,
        %get3A_119 = vector.shape_cast %get3A_118 : vector<1x16xf32> to vector<16xf32>
        %add3A_120 = arith.constant 16 : i32
        %add3A_121 = arith.addi %add3A_120, %scan3A_76 : i32
        %get3A_122 = arith.index_cast %add3A_121 : i32 to index
        %get3A_123 = arith.index_cast %add3A_93 : i32 to index
        %get3A_124 = tpu.vector_load %arg7[%get3A_122, %get3A_123] {strides = array<i32>} : memref<32x1024xf32, #tpu.memory_space<vmem>>, vector<1x16xf32>,
        %get3A_125 = vector.shape_cast %get3A_124 : vector<1x16xf32> to vector<16xf32>
        %add3A_126 = arith.addf %get3A_119, %get3A_125 : vector<16xf32>
        %swap3A_127 = arith.index_cast %scan3A_76 : i32 to index
        %swap3A_128 = arith.index_cast %add3A_93 : i32 to index
        %swap3A_129 = tpu.vector_load %arg9[%swap3A_127, %swap3A_128] {strides = array<i32>} : memref<16x1024xf32, #tpu.memory_space<vmem>>, vector<1x16xf32>,
        %swap3A_130 = vector.shape_cast %swap3A_129 : vector<1x16xf32> to vector<16xf32>
        %swap3A_131 = vector.shape_cast %add3A_126 : vector<16xf32> to vector<1x16xf32>
        tpu.vector_store %arg9[%swap3A_127, %swap3A_128], %swap3A_131 {strides = array<i32>} : memref<16x1024xf32, #tpu.memory_space<vmem>>, vector<1x16xf32>,
        %get3A_132 = arith.index_cast %scan3A_76 : i32 to index
        %get3A_133 = arith.index_cast %add3A_97 : i32 to index
        %get3A_134 = tpu.vector_load %arg7[%get3A_132, %get3A_133] {strides = array<i32>} : memref<32x1024xf32, #tpu.memory_space<vmem>>, vector<1x16xf32>,
        %get3A_135 = vector.shape_cast %get3A_134 : vector<1x16xf32> to vector<16xf32>
        %add3A_136 = arith.constant 16 : i32
        %add3A_137 = arith.addi %add3A_136, %scan3A_76 : i32
        %get3A_138 = arith.index_cast %add3A_137 : i32 to index
        %get3A_139 = arith.index_cast %add3A_97 : i32 to index
        %get3A_140 = tpu.vector_load %arg7[%get3A_138, %get3A_139] {strides = array<i32>} : memref<32x1024xf32, #tpu.memory_space<vmem>>, vector<1x16xf32>,
        %get3A_141 = vector.shape_cast %get3A_140 : vector<1x16xf32> to vector<16xf32>
        %add3A_142 = arith.addf %get3A_135, %get3A_141 : vector<16xf32>
        %swap3A_143 = arith.index_cast %scan3A_76 : i32 to index
        %swap3A_144 = arith.index_cast %add3A_97 : i32 to index
        %swap3A_145 = tpu.vector_load %arg9[%swap3A_143, %swap3A_144] {strides = array<i32>} : memref<16x1024xf32, #tpu.memory_space<vmem>>, vector<1x16xf32>,
        %swap3A_146 = vector.shape_cast %swap3A_145 : vector<1x16xf32> to vector<16xf32>
        %swap3A_147 = vector.shape_cast %add3A_142 : vector<16xf32> to vector<1x16xf32>
        tpu.vector_store %arg9[%swap3A_143, %swap3A_144], %swap3A_147 {strides = array<i32>} : memref<16x1024xf32, #tpu.memory_space<vmem>>, vector<1x16xf32>,
        %get3A_148 = arith.index_cast %scan3A_76 : i32 to index
        %get3A_149 = arith.index_cast %add3A_101 : i32 to index
        %get3A_150 = tpu.vector_load %arg7[%get3A_148, %get3A_149] {strides = array<i32>} : memref<32x1024xf32, #tpu.memory_space<vmem>>, vector<1x16xf32>,
        %get3A_151 = vector.shape_cast %get3A_150 : vector<1x16xf32> to vector<16xf32>
        %add3A_152 = arith.constant 16 : i32
        %add3A_153 = arith.addi %add3A_152, %scan3A_76 : i32
        %get3A_154 = arith.index_cast %add3A_153 : i32 to index
        %get3A_155 = arith.index_cast %add3A_101 : i32 to index
        %get3A_156 = tpu.vector_load %arg7[%get3A_154, %get3A_155] {strides = array<i32>} : memref<32x1024xf32, #tpu.memory_space<vmem>>, vector<1x16xf32>,
        %get3A_157 = vector.shape_cast %get3A_156 : vector<1x16xf32> to vector<16xf32>
        %add3A_158 = arith.addf %get3A_151, %get3A_157 : vector<16xf32>
        %swap3A_159 = arith.index_cast %scan3A_76 : i32 to index
        %swap3A_160 = arith.index_cast %add3A_101 : i32 to index
        %swap3A_161 = tpu.vector_load %arg9[%swap3A_159, %swap3A_160] {strides = array<i32>} : memref<16x1024xf32, #tpu.memory_space<vmem>>, vector<1x16xf32>,
        %swap3A_162 = vector.shape_cast %swap3A_161 : vector<1x16xf32> to vector<16xf32>
        %swap3A_163 = vector.shape_cast %add3A_158 : vector<16xf32> to vector<1x16xf32>
        tpu.vector_store %arg9[%swap3A_159, %swap3A_160], %swap3A_163 {strides = array<i32>} : memref<16x1024xf32, #tpu.memory_space<vmem>>, vector<1x16xf32>,
        %scan3A_164 = arith.constant 0 : i32
        scf.yield %scan3A_164 : i32
      }
      %scan3A_84 = arith.constant 16 : i32
      %scan3A_85 = arith.constant 0 : i32
      scf.yield %scan3A_85 : i32
    }
    %scan3A_61 = arith.constant 16 : i32
    %add3A_62 = arith.constant 32 : i32
    %add3A_63 = arith.addi %mul3A_2, %add3A_62 : i32
    "tpu.region"() ({
      %run_scoped3A = tpu.sem_alloc : memref<!tpu.dma_semaphore, #tpu.memory_space<semaphore_mem>>
      %dma_start3A_76 = arith.constant 0 : i32
      %dma_start3A_77 = tpu.memref_slice %arg4[%add3A_63, %dma_start3A_76] : memref<2048x1024xf32, #tpu.memory_space<hbm>> -> memref<16x1024xf32, #tpu.memory_space<hbm>>
      %dma_start3A_78 = arith.constant 0 : i32
      %dma_start3A_79 = tpu.memref_slice %arg4[%add3A_63, %dma_start3A_78] : memref<2048x1024xf32, #tpu.memory_space<hbm>> -> memref<16x1024xf32, #tpu.memory_space<hbm>>
      tpu.enqueue_dma source(%arg9 : memref<16x1024xf32, #tpu.memory_space<vmem>>) target(%dma_start3A_79 : memref<16x1024xf32, #tpu.memory_space<hbm>>) target_semaphore(%run_scoped3A : memref<!tpu.dma_semaphore, #tpu.memory_space<semaphore_mem>>)
      %dma_wait3A_80 = arith.constant 0 : i32
      %dma_wait3A_81 = tpu.memref_slice %arg4[%add3A_63, %dma_wait3A_80] : memref<2048x1024xf32, #tpu.memory_space<hbm>> -> memref<16x1024xf32, #tpu.memory_space<hbm>>
      %dma_wait3A_82 = arith.constant 0 : i32
      %dma_wait3A_83 = tpu.memref_slice %arg4[%add3A_63, %dma_wait3A_82] : memref<2048x1024xf32, #tpu.memory_space<hbm>> -> memref<16x1024xf32, #tpu.memory_space<hbm>>
      tpu.wait_dma2 semaphore(%run_scoped3A : memref<!tpu.dma_semaphore, #tpu.memory_space<semaphore_mem>>) src(%arg9 : memref<16x1024xf32, #tpu.memory_space<vmem>>) dst(%dma_wait3A_83 : memref<16x1024xf32, #tpu.memory_space<hbm>>)
      tpu.yield
    }) : () -> ()
    %dma_wait3A_64 = arith.constant 0 : i32
    %dma_wait3A_65 = arith.constant 0 : i32
    %dma_wait3A_66 = tpu.memref_slice %arg2[%dma_wait3A_64, %dma_wait3A_65] : memref<6400x1024xf32, #tpu.memory_space<hbm>> -> memref<6400x1024xf32, #tpu.memory_space<hbm>>
    tpu.wait_indirect_dma semaphore(%arg11 : memref<!tpu.dma_semaphore, #tpu.memory_space<semaphore_mem>>) src(%dma_wait3A_66 : memref<6400x1024xf32, #tpu.memory_space<hbm>>) dst(%arg8 : memref<32x1024xf32, #tpu.memory_space<vmem>>)
    %scan3A_67 = arith.constant 0 : i32
    %scan3A_68 = arith.constant 0 : i32
    %scan3A_69 = arith.constant 16 : i32
    %scan3A_70 = arith.addi %scan3A_68, %scan3A_69 : i32
    %scan3A_71 = arith.constant 1 : i32
    %scan3A_72 = scf.for %scan3A_76 = %scan3A_68 to %scan3A_70 step %scan3A_71 iter_args(%scan3A_77 = %scan3A_67) -> (i32)  : i32 {
      %scan3A_78 = arith.constant 0 : i32
      %scan3A_79 = arith.constant 0 : i32
      %scan3A_80 = arith.constant 16 : i32
      %scan3A_81 = arith.addi %scan3A_79, %scan3A_80 : i32
      %scan3A_82 = arith.constant 1 : i32
      %scan3A_83 = scf.for %scan3A_86 = %scan3A_79 to %scan3A_81 step %scan3A_82 iter_args(%scan3A_87 = %scan3A_78) -> (i32)  : i32 {
        %mul3A_88 = arith.constant 64 : i32
        %mul3A_89 = arith.muli %scan3A_86, %mul3A_88 : i32
        %mul3A_90 = arith.constant 64 : i32
        %mul3A_91 = arith.muli %scan3A_86, %mul3A_90 : i32
        %add3A_92 = arith.constant 16 : i32
        %add3A_93 = arith.addi %mul3A_91, %add3A_92 : i32
        %mul3A_94 = arith.constant 64 : i32
        %mul3A_95 = arith.muli %scan3A_86, %mul3A_94 : i32
        %add3A_96 = arith.constant 32 : i32
        %add3A_97 = arith.addi %mul3A_95, %add3A_96 : i32
        %mul3A_98 = arith.constant 64 : i32
        %mul3A_99 = arith.muli %scan3A_86, %mul3A_98 : i32
        %add3A_100 = arith.constant 48 : i32
        %add3A_101 = arith.addi %mul3A_99, %add3A_100 : i32
        %get3A = arith.index_cast %scan3A_76 : i32 to index
        %get3A_102 = arith.index_cast %mul3A_89 : i32 to index
        %get3A_103 = tpu.vector_load %arg8[%get3A, %get3A_102] {strides = array<i32>} : memref<32x1024xf32, #tpu.memory_space<vmem>>, vector<1x16xf32>,
        %get3A_104 = vector.shape_cast %get3A_103 : vector<1x16xf32> to vector<16xf32>
        %add3A_105 = arith.constant 16 : i32
        %add3A_106 = arith.addi %add3A_105, %scan3A_76 : i32
        %get3A_107 = arith.index_cast %add3A_106 : i32 to index
        %get3A_108 = arith.index_cast %mul3A_89 : i32 to index
        %get3A_109 = tpu.vector_load %arg8[%get3A_107, %get3A_108] {strides = array<i32>} : memref<32x1024xf32, #tpu.memory_space<vmem>>, vector<1x16xf32>,
        %get3A_110 = vector.shape_cast %get3A_109 : vector<1x16xf32> to vector<16xf32>
        %add3A_111 = arith.addf %get3A_104, %get3A_110 : vector<16xf32>
        %swap3A = arith.index_cast %scan3A_76 : i32 to index
        %swap3A_112 = arith.index_cast %mul3A_89 : i32 to index
        %swap3A_113 = tpu.vector_load %arg9[%swap3A, %swap3A_112] {strides = array<i32>} : memref<16x1024xf32, #tpu.memory_space<vmem>>, vector<1x16xf32>,
        %swap3A_114 = vector.shape_cast %swap3A_113 : vector<1x16xf32> to vector<16xf32>
        %swap3A_115 = vector.shape_cast %add3A_111 : vector<16xf32> to vector<1x16xf32>
        tpu.vector_store %arg9[%swap3A, %swap3A_112], %swap3A_115 {strides = array<i32>} : memref<16x1024xf32, #tpu.memory_space<vmem>>, vector<1x16xf32>,
        %get3A_116 = arith.index_cast %scan3A_76 : i32 to index
        %get3A_117 = arith.index_cast %add3A_93 : i32 to index
        %get3A_118 = tpu.vector_load %arg8[%get3A_116, %get3A_117] {strides = array<i32>} : memref<32x1024xf32, #tpu.memory_space<vmem>>, vector<1x16xf32>,
        %get3A_119 = vector.shape_cast %get3A_118 : vector<1x16xf32> to vector<16xf32>
        %add3A_120 = arith.constant 16 : i32
        %add3A_121 = arith.addi %add3A_120, %scan3A_76 : i32
        %get3A_122 = arith.index_cast %add3A_121 : i32 to index
        %get3A_123 = arith.index_cast %add3A_93 : i32 to index
        %get3A_124 = tpu.vector_load %arg8[%get3A_122, %get3A_123] {strides = array<i32>} : memref<32x1024xf32, #tpu.memory_space<vmem>>, vector<1x16xf32>,
        %get3A_125 = vector.shape_cast %get3A_124 : vector<1x16xf32> to vector<16xf32>
        %add3A_126 = arith.addf %get3A_119, %get3A_125 : vector<16xf32>
        %swap3A_127 = arith.index_cast %scan3A_76 : i32 to index
        %swap3A_128 = arith.index_cast %add3A_93 : i32 to index
        %swap3A_129 = tpu.vector_load %arg9[%swap3A_127, %swap3A_128] {strides = array<i32>} : memref<16x1024xf32, #tpu.memory_space<vmem>>, vector<1x16xf32>,
        %swap3A_130 = vector.shape_cast %swap3A_129 : vector<1x16xf32> to vector<16xf32>
        %swap3A_131 = vector.shape_cast %add3A_126 : vector<16xf32> to vector<1x16xf32>
        tpu.vector_store %arg9[%swap3A_127, %swap3A_128], %swap3A_131 {strides = array<i32>} : memref<16x1024xf32, #tpu.memory_space<vmem>>, vector<1x16xf32>,
        %get3A_132 = arith.index_cast %scan3A_76 : i32 to index
        %get3A_133 = arith.index_cast %add3A_97 : i32 to index
        %get3A_134 = tpu.vector_load %arg8[%get3A_132, %get3A_133] {strides = array<i32>} : memref<32x1024xf32, #tpu.memory_space<vmem>>, vector<1x16xf32>,
        %get3A_135 = vector.shape_cast %get3A_134 : vector<1x16xf32> to vector<16xf32>
        %add3A_136 = arith.constant 16 : i32
        %add3A_137 = arith.addi %add3A_136, %scan3A_76 : i32
        %get3A_138 = arith.index_cast %add3A_137 : i32 to index
        %get3A_139 = arith.index_cast %add3A_97 : i32 to index
        %get3A_140 = tpu.vector_load %arg8[%get3A_138, %get3A_139] {strides = array<i32>} : memref<32x1024xf32, #tpu.memory_space<vmem>>, vector<1x16xf32>,
        %get3A_141 = vector.shape_cast %get3A_140 : vector<1x16xf32> to vector<16xf32>
        %add3A_142 = arith.addf %get3A_135, %get3A_141 : vector<16xf32>
        %swap3A_143 = arith.index_cast %scan3A_76 : i32 to index
        %swap3A_144 = arith.index_cast %add3A_97 : i32 to index
        %swap3A_145 = tpu.vector_load %arg9[%swap3A_143, %swap3A_144] {strides = array<i32>} : memref<16x1024xf32, #tpu.memory_space<vmem>>, vector<1x16xf32>,
        %swap3A_146 = vector.shape_cast %swap3A_145 : vector<1x16xf32> to vector<16xf32>
        %swap3A_147 = vector.shape_cast %add3A_142 : vector<16xf32> to vector<1x16xf32>
        tpu.vector_store %arg9[%swap3A_143, %swap3A_144], %swap3A_147 {strides = array<i32>} : memref<16x1024xf32, #tpu.memory_space<vmem>>, vector<1x16xf32>,
        %get3A_148 = arith.index_cast %scan3A_76 : i32 to index
        %get3A_149 = arith.index_cast %add3A_101 : i32 to index
        %get3A_150 = tpu.vector_load %arg8[%get3A_148, %get3A_149] {strides = array<i32>} : memref<32x1024xf32, #tpu.memory_space<vmem>>, vector<1x16xf32>,
        %get3A_151 = vector.shape_cast %get3A_150 : vector<1x16xf32> to vector<16xf32>
        %add3A_152 = arith.constant 16 : i32
        %add3A_153 = arith.addi %add3A_152, %scan3A_76 : i32
        %get3A_154 = arith.index_cast %add3A_153 : i32 to index
        %get3A_155 = arith.index_cast %add3A_101 : i32 to index
        %get3A_156 = tpu.vector_load %arg8[%get3A_154, %get3A_155] {strides = array<i32>} : memref<32x1024xf32, #tpu.memory_space<vmem>>, vector<1x16xf32>,
        %get3A_157 = vector.shape_cast %get3A_156 : vector<1x16xf32> to vector<16xf32>
        %add3A_158 = arith.addf %get3A_151, %get3A_157 : vector<16xf32>
        %swap3A_159 = arith.index_cast %scan3A_76 : i32 to index
        %swap3A_160 = arith.index_cast %add3A_101 : i32 to index
        %swap3A_161 = tpu.vector_load %arg9[%swap3A_159, %swap3A_160] {strides = array<i32>} : memref<16x1024xf32, #tpu.memory_space<vmem>>, vector<1x16xf32>,
        %swap3A_162 = vector.shape_cast %swap3A_161 : vector<1x16xf32> to vector<16xf32>
        %swap3A_163 = vector.shape_cast %add3A_158 : vector<16xf32> to vector<1x16xf32>
        tpu.vector_store %arg9[%swap3A_159, %swap3A_160], %swap3A_163 {strides = array<i32>} : memref<16x1024xf32, #tpu.memory_space<vmem>>, vector<1x16xf32>,
        %scan3A_164 = arith.constant 0 : i32
        scf.yield %scan3A_164 : i32
      }
      %scan3A_84 = arith.constant 16 : i32
      %scan3A_85 = arith.constant 0 : i32
      scf.yield %scan3A_85 : i32
    }
    %scan3A_73 = arith.constant 16 : i32
    %add3A_74 = arith.constant 48 : i32
    %add3A_75 = arith.addi %mul3A_2, %add3A_74 : i32
    "tpu.region"() ({
      %run_scoped3A = tpu.sem_alloc : memref<!tpu.dma_semaphore, #tpu.memory_space<semaphore_mem>>
      %dma_start3A_76 = arith.constant 0 : i32
      %dma_start3A_77 = tpu.memref_slice %arg4[%add3A_75, %dma_start3A_76] : memref<2048x1024xf32, #tpu.memory_space<hbm>> -> memref<16x1024xf32, #tpu.memory_space<hbm>>
      %dma_start3A_78 = arith.constant 0 : i32
      %dma_start3A_79 = tpu.memref_slice %arg4[%add3A_75, %dma_start3A_78] : memref<2048x1024xf32, #tpu.memory_space<hbm>> -> memref<16x1024xf32, #tpu.memory_space<hbm>>
      tpu.enqueue_dma source(%arg9 : memref<16x1024xf32, #tpu.memory_space<vmem>>) target(%dma_start3A_79 : memref<16x1024xf32, #tpu.memory_space<hbm>>) target_semaphore(%run_scoped3A : memref<!tpu.dma_semaphore, #tpu.memory_space<semaphore_mem>>)
      %dma_wait3A_80 = arith.constant 0 : i32
      %dma_wait3A_81 = tpu.memref_slice %arg4[%add3A_75, %dma_wait3A_80] : memref<2048x1024xf32, #tpu.memory_space<hbm>> -> memref<16x1024xf32, #tpu.memory_space<hbm>>
      %dma_wait3A_82 = arith.constant 0 : i32
      %dma_wait3A_83 = tpu.memref_slice %arg4[%add3A_75, %dma_wait3A_82] : memref<2048x1024xf32, #tpu.memory_space<hbm>> -> memref<16x1024xf32, #tpu.memory_space<hbm>>
      tpu.wait_dma2 semaphore(%run_scoped3A : memref<!tpu.dma_semaphore, #tpu.memory_space<semaphore_mem>>) src(%arg9 : memref<16x1024xf32, #tpu.memory_space<vmem>>) dst(%dma_wait3A_83 : memref<16x1024xf32, #tpu.memory_space<hbm>>)
      tpu.yield
    }) : () -> ()
    return
  }
}

module attributes {stable_mosaic.version = 14 : i64} {
  func.func @_gemm_body(%arg0: i32, %arg1: i32, %arg2: memref<64xi32, #tpu.memory_space<smem>>, %arg3: memref<256x1024xf32, #tpu.memory_space<vmem>>, %arg4: memref<1x1024x1024xf32, #tpu.memory_space<vmem>>, %arg5: memref<1x1024x1024xf32, #tpu.memory_space<vmem>>, %arg6: memref<1x1024x1024xf32, #tpu.memory_space<vmem>>, %arg7: memref<256x1xf32, #tpu.memory_space<vmem>>, %arg8: memref<256x1024xf32, #tpu.memory_space<vmem>>, %arg9: memref<6144x1024xf32, #tpu.memory_space<vmem>>) attributes {dimension_semantics = [#tpu.dimension_semantics<arbitrary>, #tpu.dimension_semantics<arbitrary>], iteration_bounds = array<i64: 4, 24>, scalar_prefetch = 1 : i64, scratch_operands = 1 : i64, tpu.core_type = #tpu.core_type<tc>, window_params = [{transform_indices = @transform_0, window_bounds = array<i64: 256, 1024>}, {transform_indices = @transform_1, window_bounds = array<i64: 1, 1024, 1024>}, {transform_indices = @transform_2, window_bounds = array<i64: 1, 1024, 1024>}, {transform_indices = @transform_3, window_bounds = array<i64: 1, 1024, 1024>}, {transform_indices = @transform_4, window_bounds = array<i64: 256, 1>}, {transform_indices = @transform_5, window_bounds = array<i64: 256, 1024>}]} {
    %get3A = arith.constant 0 : index
    %get3A_0 = arith.constant 0 : index
    %get3A_1 = vector.load %arg3[%get3A, %get3A_0] : memref<256x1024xf32, #tpu.memory_space<vmem>>, vector<256x1024xf32>
    %get3A_2 = arith.constant 0 : index
    %get3A_3 = arith.constant 0 : index
    %get3A_4 = arith.constant 0 : index
    %get3A_5 = vector.load %arg4[%get3A_2, %get3A_3, %get3A_4] : memref<1x1024x1024xf32, #tpu.memory_space<vmem>>, vector<1x1024x1024xf32>
    %get3A_6 = vector.shape_cast %get3A_5 : vector<1x1024x1024xf32> to vector<1024x1024xf32>
    %dot_general3A = arith.constant dense<0.000000e+00> : vector<256x1024xf32>
    %dot_general3A_7 = tpu.matmul %get3A_1, %get3A_6, %dot_general3A {dimension_numbers = #tpu.dot_dimension_numbers<[1], [0], [0], [1], [0, 0, 1, 1], [], []>, transpose_lhs_hint = false} : vector<256x1024xf32>, vector<1024x1024xf32>, vector<256x1024xf32> -> vector<256x1024xf32>
    %get3A_8 = arith.constant 0 : index
    %get3A_9 = arith.constant 0 : index
    %get3A_10 = arith.constant 0 : index
    %get3A_11 = vector.load %arg5[%get3A_8, %get3A_9, %get3A_10] : memref<1x1024x1024xf32, #tpu.memory_space<vmem>>, vector<1x1024x1024xf32>
    %get3A_12 = vector.shape_cast %get3A_11 : vector<1x1024x1024xf32> to vector<1024x1024xf32>
    %dot_general3A_13 = arith.constant dense<0.000000e+00> : vector<256x1024xf32>
    %dot_general3A_14 = tpu.matmul %get3A_1, %get3A_12, %dot_general3A_13 {dimension_numbers = #tpu.dot_dimension_numbers<[1], [0], [0], [1], [0, 0, 1, 1], [], []>, transpose_lhs_hint = false} : vector<256x1024xf32>, vector<1024x1024xf32>, vector<256x1024xf32> -> vector<256x1024xf32>
    %neg3A = arith.constant 0.000000e+00 : f32
    %neg3A_15 = vector.broadcast %neg3A : f32 to vector<256x1024xf32>
    %neg3A_16 = arith.subf %neg3A_15, %dot_general3A_7 : vector<256x1024xf32>
    %exp3A = math.exp %neg3A_16 : vector<256x1024xf32>
    %add3A = arith.constant 1.000000e+00 : f32
    %add3A_17 = vector.broadcast %add3A : f32 to vector<256x1024xf32>
    %add3A_18 = arith.addf %add3A_17, %exp3A : vector<256x1024xf32>
    %div3A = arith.divf %dot_general3A_7, %add3A_18 : vector<256x1024xf32>
    %mul3A = arith.mulf %div3A, %dot_general3A_14 : vector<256x1024xf32>
    %get3A_19 = arith.constant 0 : index
    %get3A_20 = arith.constant 0 : index
    %get3A_21 = arith.constant 0 : index
    %get3A_22 = vector.load %arg6[%get3A_19, %get3A_20, %get3A_21] : memref<1x1024x1024xf32, #tpu.memory_space<vmem>>, vector<1x1024x1024xf32>
    %get3A_23 = vector.shape_cast %get3A_22 : vector<1x1024x1024xf32> to vector<1024x1024xf32>
    %dot_general3A_24 = arith.constant dense<0.000000e+00> : vector<256x1024xf32>
    %dot_general3A_25 = tpu.matmul %mul3A, %get3A_23, %dot_general3A_24 {dimension_numbers = #tpu.dot_dimension_numbers<[1], [0], [0], [1], [0, 0, 1, 1], [], []>, transpose_lhs_hint = false} : vector<256x1024xf32>, vector<1024x1024xf32>, vector<256x1024xf32> -> vector<256x1024xf32>
    %mul3A_26 = arith.constant 256 : i32
    %mul3A_27 = arith.muli %arg1, %mul3A_26 : i32
    %eq3A = arith.constant 0 : i32
    %eq3A_28 = arith.cmpi eq, %arg0, %eq3A : i32
    %convert_element_type3A = arith.extui %eq3A_28 : i1 to i32
    %cond3A = arith.constant 0 : i32
    %cond3A_29 = arith.cmpi ne, %convert_element_type3A, %cond3A : i32
    scf.if %cond3A_29 {
      %swap3A = arith.index_cast %mul3A_27 : i32 to index
      %swap3A_40 = arith.constant 0 : index
      %swap3A_41 = vector.load %arg9[%swap3A, %swap3A_40] : memref<6144x1024xf32, #tpu.memory_space<vmem>>, vector<256x1024xf32>
      tpu.vector_store %arg9[%swap3A, %swap3A_40], %dot_general3A_25 {strides = array<i32>} : memref<6144x1024xf32, #tpu.memory_space<vmem>>, vector<256x1024xf32>,
    } else {
    }
    %gt3A = arith.constant 0 : i32
    %gt3A_30 = arith.cmpi sgt, %arg0, %gt3A : i32
    %lt3A = arith.constant 3 : i32
    %lt3A_31 = arith.cmpi slt, %arg0, %lt3A : i32
    %and3A = arith.andi %gt3A_30, %lt3A_31 : i1
    %convert_element_type3A_32 = arith.extui %and3A : i1 to i32
    %cond3A_33 = arith.constant 0 : i32
    %cond3A_34 = arith.cmpi ne, %convert_element_type3A_32, %cond3A_33 : i32
    scf.if %cond3A_34 {
      %get3A_40 = arith.index_cast %mul3A_27 : i32 to index
      %get3A_41 = arith.constant 0 : index
      %get3A_42 = vector.load %arg9[%get3A_40, %get3A_41] : memref<6144x1024xf32, #tpu.memory_space<vmem>>, vector<256x1024xf32>
      %add3A_43 = arith.addf %get3A_42, %dot_general3A_25 : vector<256x1024xf32>
      %swap3A = arith.index_cast %mul3A_27 : i32 to index
      %swap3A_44 = arith.constant 0 : index
      %swap3A_45 = vector.load %arg9[%swap3A, %swap3A_44] : memref<6144x1024xf32, #tpu.memory_space<vmem>>, vector<256x1024xf32>
      tpu.vector_store %arg9[%swap3A, %swap3A_44], %add3A_43 {strides = array<i32>} : memref<6144x1024xf32, #tpu.memory_space<vmem>>, vector<256x1024xf32>,
    } else {
    }
    %eq3A_35 = arith.constant 3 : i32
    %eq3A_36 = arith.cmpi eq, %arg0, %eq3A_35 : i32
    %convert_element_type3A_37 = arith.extui %eq3A_36 : i1 to i32
    %cond3A_38 = arith.constant 0 : i32
    %cond3A_39 = arith.cmpi ne, %convert_element_type3A_37, %cond3A_38 : i32
    scf.if %cond3A_39 {
      %get3A_40 = arith.index_cast %mul3A_27 : i32 to index
      %get3A_41 = arith.constant 0 : index
      %get3A_42 = vector.load %arg9[%get3A_40, %get3A_41] : memref<6144x1024xf32, #tpu.memory_space<vmem>>, vector<256x1024xf32>
      %add3A_43 = arith.addf %get3A_42, %dot_general3A_25 : vector<256x1024xf32>
      %get3A_44 = arith.constant 0 : index
      %get3A_45 = arith.constant 0 : index
      %get3A_46 = vector.load %arg7[%get3A_44, %get3A_45] : memref<256x1xf32, #tpu.memory_space<vmem>>, vector<256x1xf32>
      %mul3A_47 = vector.broadcast %get3A_46 : vector<256x1xf32> to vector<256x1024xf32>
      %mul3A_48 = arith.mulf %add3A_43, %mul3A_47 : vector<256x1024xf32>
      %swap3A = arith.constant 0 : index
      %swap3A_49 = arith.constant 0 : index
      %swap3A_50 = vector.load %arg8[%swap3A, %swap3A_49] : memref<256x1024xf32, #tpu.memory_space<vmem>>, vector<256x1024xf32>
      tpu.vector_store %arg8[%swap3A, %swap3A_49], %mul3A_48 {strides = array<i32>} : memref<256x1024xf32, #tpu.memory_space<vmem>>, vector<256x1024xf32>,
    } else {
    }
    return
  }
  func.func @transform_0(%arg0: i32, %arg1: i32, %arg2: memref<64xi32, #tpu.memory_space<smem>>) -> (i32, i32) {
    %c0_i32 = arith.constant 0 : i32
    %c0_i32_0 = arith.constant 0 : i32
    return %arg1, %c0_i32 : i32, i32
  }
  func.func @transform_1(%arg0: i32, %arg1: i32, %arg2: memref<64xi32, #tpu.memory_space<smem>>) -> (i32, i32, i32) {
    %get3A = arith.index_cast %arg1 : i32 to index
    %get3A_0 = memref.load %arg2[%get3A] : memref<64xi32, #tpu.memory_space<smem>>
    %c0_i32 = arith.constant 0 : i32
    %c0_i32_1 = arith.constant 0 : i32
    return %get3A_0, %c0_i32, %arg0 : i32, i32, i32
  }
  func.func @transform_2(%arg0: i32, %arg1: i32, %arg2: memref<64xi32, #tpu.memory_space<smem>>) -> (i32, i32, i32) {
    %get3A = arith.index_cast %arg1 : i32 to index
    %get3A_0 = memref.load %arg2[%get3A] : memref<64xi32, #tpu.memory_space<smem>>
    %c0_i32 = arith.constant 0 : i32
    %c0_i32_1 = arith.constant 0 : i32
    return %get3A_0, %c0_i32, %arg0 : i32, i32, i32
  }
  func.func @transform_3(%arg0: i32, %arg1: i32, %arg2: memref<64xi32, #tpu.memory_space<smem>>) -> (i32, i32, i32) {
    %get3A = arith.index_cast %arg1 : i32 to index
    %get3A_0 = memref.load %arg2[%get3A] : memref<64xi32, #tpu.memory_space<smem>>
    %c0_i32 = arith.constant 0 : i32
    %c0_i32_1 = arith.constant 0 : i32
    return %get3A_0, %arg0, %c0_i32 : i32, i32, i32
  }
  func.func @transform_4(%arg0: i32, %arg1: i32, %arg2: memref<64xi32, #tpu.memory_space<smem>>) -> (i32, i32) {
    %c0_i32 = arith.constant 0 : i32
    %c0_i32_0 = arith.constant 0 : i32
    return %arg1, %c0_i32 : i32, i32
  }
  func.func @transform_5(%arg0: i32, %arg1: i32, %arg2: memref<64xi32, #tpu.memory_space<smem>>) -> (i32, i32) {
    %eq3A = arith.constant 3 : i32
    %eq3A_0 = arith.cmpi eq, %arg0, %eq3A : i32
    %jit3A = arith.constant 24 : i32
    %select_n3A = arith.select %eq3A_0, %arg1, %jit3A : i32
    %c0_i32 = arith.constant 0 : i32
    %c0_i32_1 = arith.constant 0 : i32
    return %select_n3A, %c0_i32 : i32, i32
  }
}

module attributes {stable_mosaic.version = 14 : i64} {
  func.func @_router_body(%arg0: memref<2048x1024xf32, #tpu.memory_space<vmem>>, %arg1: memref<8x1024xf32, #tpu.memory_space<vmem>>, %arg2: memref<2048x8xf32, #tpu.memory_space<vmem>>, %arg3: memref<2048x1xi32, #tpu.memory_space<vmem>>, %arg4: memref<2048x1xi32, #tpu.memory_space<vmem>>, %arg5: memref<2048x1xf32, #tpu.memory_space<vmem>>, %arg6: memref<2048x1xf32, #tpu.memory_space<vmem>>) attributes {dimension_semantics = [], scalar_prefetch = 0 : i64, scratch_operands = 0 : i64, tpu.core_type = #tpu.core_type<tc>} {
    %get3A = arith.constant 0 : index
    %get3A_0 = arith.constant 0 : index
    %get3A_1 = vector.load %arg0[%get3A, %get3A_0] : memref<2048x1024xf32, #tpu.memory_space<vmem>>, vector<2048x1024xf32>
    %get3A_2 = arith.constant 0 : index
    %get3A_3 = arith.constant 0 : index
    %get3A_4 = vector.load %arg1[%get3A_2, %get3A_3] : memref<8x1024xf32, #tpu.memory_space<vmem>>, vector<8x1024xf32>
    %dot_general3A = arith.constant dense<0.000000e+00> : vector<2048x8xf32>
    %dot_general3A_5 = tpu.matmul %get3A_1, %get3A_4, %dot_general3A {dimension_numbers = #tpu.dot_dimension_numbers<[1], [1], [0], [0], [0, 0, 1, 0], [], []>, transpose_lhs_hint = false} : vector<2048x1024xf32>, vector<8x1024xf32>, vector<2048x8xf32> -> vector<2048x8xf32>
    %swap3A = arith.constant 0 : index
    %swap3A_6 = arith.constant 0 : index
    %swap3A_7 = vector.load %arg2[%swap3A, %swap3A_6] : memref<2048x8xf32, #tpu.memory_space<vmem>>, vector<2048x8xf32>
    tpu.vector_store %arg2[%swap3A, %swap3A_6], %dot_general3A_5 {strides = array<i32>} : memref<2048x8xf32, #tpu.memory_space<vmem>>, vector<2048x8xf32>,
    %reduce_max3A = arith.constant dense<0xFF800000> : vector<2048xf32>
    %reduce_max3A_8 = vector.multi_reduction <maximumf>, %dot_general3A_5, %reduce_max3A [1] : vector<2048x8xf32> to vector<2048xf32>
    %broadcast_in_dim3A = vector.shape_cast %reduce_max3A_8 : vector<2048xf32> to vector<2048x1xf32>
    %sub3A = vector.broadcast %broadcast_in_dim3A : vector<2048x1xf32> to vector<2048x8xf32>
    %sub3A_9 = arith.subf %dot_general3A_5, %sub3A : vector<2048x8xf32>
    %exp3A = math.exp %sub3A_9 : vector<2048x8xf32>
    %reduce_sum3A = arith.constant dense<0.000000e+00> : vector<2048xf32>
    %reduce_sum3A_10 = vector.multi_reduction <add>, %exp3A, %reduce_sum3A [1] : vector<2048x8xf32> to vector<2048xf32>
    %broadcast_in_dim3A_11 = vector.shape_cast %reduce_sum3A_10 : vector<2048xf32> to vector<2048x1xf32>
    %div3A = vector.broadcast %broadcast_in_dim3A_11 : vector<2048x1xf32> to vector<2048x8xf32>
    %div3A_12 = arith.divf %exp3A, %div3A : vector<2048x8xf32>
    %iota3A = tpu.iota {dimensions = array<i32: 1>} : vector<2048x8xi32>
    %reduce_max3A_13 = arith.constant dense<0xFF800000> : vector<2048xf32>
    %reduce_max3A_14 = vector.multi_reduction <maximumf>, %div3A_12, %reduce_max3A_13 [1] : vector<2048x8xf32> to vector<2048xf32>
    %broadcast_in_dim3A_15 = vector.shape_cast %reduce_max3A_14 : vector<2048xf32> to vector<2048x1xf32>
    %eq3A = vector.broadcast %broadcast_in_dim3A_15 : vector<2048x1xf32> to vector<2048x8xf32>
    %eq3A_16 = arith.cmpf oeq, %div3A_12, %eq3A : vector<2048x8xf32>
    %jit3A = arith.constant 8 : i32
    %broadcast_in_dim3A_17 = vector.broadcast %jit3A : i32 to vector<2048x8xi32>
    %select_n3A = arith.select %eq3A_16, %iota3A, %broadcast_in_dim3A_17 : vector<2048x8xi1>, vector<2048x8xi32>
    %reduce_min3A = arith.constant dense<2147483647> : vector<2048xi32>
    %reduce_min3A_18 = vector.multi_reduction <minsi>, %select_n3A, %reduce_min3A [1] : vector<2048x8xi32> to vector<2048xi32>
    %broadcast_in_dim3A_19 = vector.shape_cast %reduce_min3A_18 : vector<2048xi32> to vector<2048x1xi32>
    %eq3A_20 = vector.broadcast %broadcast_in_dim3A_19 : vector<2048x1xi32> to vector<2048x8xi32>
    %eq3A_21 = arith.cmpi eq, %iota3A, %eq3A_20 : vector<2048x8xi32>
    %jit3A_22 = arith.constant 0xFF800000 : f32
    %broadcast_in_dim3A_23 = vector.broadcast %jit3A_22 : f32 to vector<2048x8xf32>
    %select_n3A_24 = arith.select %eq3A_21, %broadcast_in_dim3A_23, %div3A_12 : vector<2048x8xi1>, vector<2048x8xf32>
    %reduce_max3A_25 = arith.constant dense<0xFF800000> : vector<2048xf32>
    %reduce_max3A_26 = vector.multi_reduction <maximumf>, %select_n3A_24, %reduce_max3A_25 [1] : vector<2048x8xf32> to vector<2048xf32>
    %broadcast_in_dim3A_27 = vector.shape_cast %reduce_max3A_26 : vector<2048xf32> to vector<2048x1xf32>
    %eq3A_28 = vector.broadcast %broadcast_in_dim3A_27 : vector<2048x1xf32> to vector<2048x8xf32>
    %eq3A_29 = arith.cmpf oeq, %select_n3A_24, %eq3A_28 : vector<2048x8xf32>
    %jit3A_30 = arith.constant 8 : i32
    %broadcast_in_dim3A_31 = vector.broadcast %jit3A_30 : i32 to vector<2048x8xi32>
    %select_n3A_32 = arith.select %eq3A_29, %iota3A, %broadcast_in_dim3A_31 : vector<2048x8xi1>, vector<2048x8xi32>
    %reduce_min3A_33 = arith.constant dense<2147483647> : vector<2048xi32>
    %reduce_min3A_34 = vector.multi_reduction <minsi>, %select_n3A_32, %reduce_min3A_33 [1] : vector<2048x8xi32> to vector<2048xi32>
    %broadcast_in_dim3A_35 = vector.shape_cast %reduce_min3A_34 : vector<2048xi32> to vector<2048x1xi32>
    %add3A = arith.addf %broadcast_in_dim3A_15, %broadcast_in_dim3A_27 : vector<2048x1xf32>
    %swap3A_36 = arith.constant 0 : index
    %swap3A_37 = arith.constant 0 : index
    %swap3A_38 = vector.load %arg3[%swap3A_36, %swap3A_37] : memref<2048x1xi32, #tpu.memory_space<vmem>>, vector<2048x1xi32>
    tpu.vector_store %arg3[%swap3A_36, %swap3A_37], %broadcast_in_dim3A_19 {strides = array<i32>} : memref<2048x1xi32, #tpu.memory_space<vmem>>, vector<2048x1xi32>,
    %swap3A_39 = arith.constant 0 : index
    %swap3A_40 = arith.constant 0 : index
    %swap3A_41 = vector.load %arg4[%swap3A_39, %swap3A_40] : memref<2048x1xi32, #tpu.memory_space<vmem>>, vector<2048x1xi32>
    tpu.vector_store %arg4[%swap3A_39, %swap3A_40], %broadcast_in_dim3A_35 {strides = array<i32>} : memref<2048x1xi32, #tpu.memory_space<vmem>>, vector<2048x1xi32>,
    %div3A_42 = arith.divf %broadcast_in_dim3A_15, %add3A : vector<2048x1xf32>
    %swap3A_43 = arith.constant 0 : index
    %swap3A_44 = arith.constant 0 : index
    %swap3A_45 = vector.load %arg5[%swap3A_43, %swap3A_44] : memref<2048x1xf32, #tpu.memory_space<vmem>>, vector<2048x1xf32>
    tpu.vector_store %arg5[%swap3A_43, %swap3A_44], %div3A_42 {strides = array<i32>} : memref<2048x1xf32, #tpu.memory_space<vmem>>, vector<2048x1xf32>,
    %div3A_46 = arith.divf %broadcast_in_dim3A_27, %add3A : vector<2048x1xf32>
    %swap3A_47 = arith.constant 0 : index
    %swap3A_48 = arith.constant 0 : index
    %swap3A_49 = vector.load %arg6[%swap3A_47, %swap3A_48] : memref<2048x1xf32, #tpu.memory_space<vmem>>, vector<2048x1xf32>
    tpu.vector_store %arg6[%swap3A_47, %swap3A_48], %div3A_46 {strides = array<i32>} : memref<2048x1xf32, #tpu.memory_space<vmem>>, vector<2048x1xf32>,
    return
  }
}

</mosaic_0001>

<sc_bundles>
// kernel: kernel.10.cloned.1.call-start
scs
__scs_entry_jumppad:
0x0: {  	(pc) =	sbr.rel $0x88, $3  }
0x1: {  	(tag) =	ssettag $0x0;
	lr =	simm.s32 $0x1  }
0x2: {  	[smem:$0x3F9C] =	sst lr;
	_ =	strace $0xD0000000  }
0x3: {  	_ = 	snop  }
0x4: {  	_ = 	snop  }
0x5: {  	_ = 	snop  }
0x6: {  	_ = 	snop  }
0x7: {  	_ = 	snop  }
__scs_overlays_trampoline_lowered:
0x8: {  	[smem:$0x3FAB] =	sst s0  }
0x9: {  	[smem:$0x3FAC] =	sst s1  }
0xa: {  	[smem:$0x3FAD] =	sst s2  }
0xb: {  	[smem:$0x3FAE] =	sst s3  }
0xc: {  	[smem:$0x3FAF] =	sst s4  }
0xd: {  	[smem:$0x3FB0] =	sst s5  }
0xe: {  	[smem:$0x3FB1] =	sst s6  }
0xf: {  	[smem:$0x3FB2] =	sst s7  }
0x10: {  	[smem:$0x3FB3] =	sst s8  }
0x11: {  	[smem:$0x3FB4] =	sst s9;
	s0 =	simm.s32 @!p0 $0x0  }
0x12: {  	s1 =	sld [smem:$0x3F9A];
	s0 =	simm.s32 @p0 $0x1  }
0x13: {  	[smem:$0x3FB5] =	sst s0;
	s0 =	simm.s32 @!p1 $0x0  }
0x14: {  	s2 =	sld [smem:$0x3F99];
	s0 =	simm.s32 @p1 $0x1  }
0x15: {  	[smem:$0x3FB6] =	sst s0;
	s0 =	simm.s32 @!p2 $0x0  }
0x16: {  	s3 =	sld [smem:$0x3FDB];
	s0 =	simm.s32 @p2 $0x1  }
0x17: {  	s4 =	simm.s32 $0x1BF5;
	[smem:$0x3FB8] =	sst s0  }
0x18: {  	s0 =	sld [smem:$0x3F9B];
	_ =	swait.ge [sflag:s4], $0x0  }
0x19: {  	s7 =	sld [smem:$0x3F9C]  }
0x1a: {  	s8 =	sadd.s32 $0xFFFFE003, lr  }
0x1b: {  	s9 =	sadd.s32 $0xFFFFFEF7, lr;
	s5 =	simm.s32 $0xFFFFFFFF;
	p2 =	slt.u32 s8, $0xFFFFF086  }
0x1c: {  	p1 =	slt.u32 s9, $0xF7A;
	s5 =	simm.s32 @!p2 $0x0  }
0x1d: {  	s5 =	simm.s32 @p1 $0x1;
	p0 =	seq.s32 s7, s2  }
0x1e: {  	s7 =	smul.u32 @!p0 $0xF7A, s2;
	p2 =	seq.s32 @!p0 s5, $0x0  }
0x1f: {  	s9 =	smul.u32 $0xF7A, s1;
	s8 =	simm.s32 @!p0 $0x1BF5;
	p2 =	por !p2, p0  }
0x20: {  	[sflag:s8] =	ssyncset.s32 @!p0 $0xFFFFF086;
	s6 =	sadd.s32 @!p0 s3, s7;
	s7 =	simm.s32 @!p0 $0x108  }
0x21: {  	s3 =	sadd.s32 s3, s9;
	s6 =	sadd.s32 @!p0 $0x88, s6;
	s7 =	simm.s32 @p2 $0x1082  }
0x22: {  	[simem:s7], [sflag:s8] =	dma.local @!p0 [hbm:s6], $0xF7A  }
0x23: {  	s9 =	sor.u32 $0xD0000000, s2;
	s6 =	simm.s32 $0x108;
	_ =	swait.ge @!p0 [sflag:s8], $0x0  }
0x24: {  	s3 =	sadd.s32 $0x88, s3;
	s6 =	simm.s32 @!p1 $0x1082;
	[sflag:s4] =	ssyncset.s32 $0xFFFFF086  }
0x25: {  	[simem:s6], [sflag:s4] =	dma.local [hbm:s3], $0xF7A  }
0x26: {  	[smem:$0x3F9C] =	sst s1;
	(tag) =	ssettag s2;
	_ =	strace s9  }
0x27: {  	s1 =	sld [smem:$0x3FAC]  }
0x28: {  	s2 =	sld [smem:$0x3FAD]  }
0x29: {  	s4 =	sld [smem:$0x3FAF]  }
0x2a: {  	p0 =	seq.s32 s5, $0x0;
	s5 =	sld [smem:$0x3FB0]  }
0x2b: {  	s6 =	sld [smem:$0x3FB1]  }
0x2c: {  	s7 =	sld [smem:$0x3FB2]  }
0x2d: {  	s3 =	simm.s32 $0x108;
	s8 =	sld [smem:$0x3FB3]  }
0x2e: {  	s3 =	simm.s32 @!p0 $0x1082;
	s9 =	sld [smem:$0x3FB4]  }
0x2f: {  	lr =	sadd.s32 s0, s3;
	s0 =	sld [smem:$0x3FAB]  }
0x30: {  	s3 =	sld [smem:$0x3FAE]  }
0x31: {  	[smem:$0x3FB7] =	sst s10  }
0x32: {  	s10 =	sld [smem:$0x3FB5];
	_ =	sdelay $0x3  }
0x33: {  	p0 =	seq.s32 s10, $0x1;
	s10 =	sld [smem:$0x3FB7];
	_ =	sdelay $0x3  }
0x34: {  	[smem:$0x3FB7] =	sst s10  }
0x35: {  	s10 =	sld [smem:$0x3FB6];
	_ =	sdelay $0x3  }
0x36: {  	p1 =	seq.s32 s10, $0x1;
	s10 =	sld [smem:$0x3FB7];
	_ =	sdelay $0x3  }
0x37: {  	[smem:$0x3FB7] =	sst s10  }
0x38: {  	s10 =	sld [smem:$0x3FB8]  }
0x39: {  	_ = 	snop;
	(pc) =	sbr.ind lr, $3  }
0x3a: {  	_ = 	snop  }
0x3b: {  	_ = 	snop  }
0x3c: {  	p2 =	seq.s32 s10, $0x1;
	s10 =	sld [smem:$0x3FB7]  }
0x3d: {  	_ =	shalt  }
0x3e: {  	_ =	shalt  }
0x3f: {  	_ =	shalt  }
0x40: {  	_ =	shalt  }
0x41: {  	_ =	shalt  }
0x42: {  	_ =	shalt  }
0x43: {  	_ =	shalt  }
0x44: {  	_ =	shalt  }
0x45: {  	_ =	shalt  }
0x46: {  	_ =	shalt  }
0x47: {  	_ =	shalt  }
0x48: {  	_ =	shalt  }
0x49: {  	_ =	shalt  }
0x4a: {  	_ =	shalt  }
0x4b: {  	_ =	shalt  }
0x4c: {  	_ =	shalt  }
0x4d: {  	_ =	shalt  }
0x4e: {  	_ =	shalt  }
0x4f: {  	_ =	shalt  }
0x50: {  	_ =	shalt  }
0x51: {  	_ =	shalt  }
0x52: {  	_ =	shalt  }
0x53: {  	_ =	shalt  }
0x54: {  	_ =	shalt  }
0x55: {  	_ =	shalt  }
0x56: {  	_ =	shalt  }
0x57: {  	_ =	shalt  }
0x58: {  	_ =	shalt  }
0x59: {  	_ =	shalt  }
0x5a: {  	_ =	shalt  }
0x5b: {  	_ =	shalt  }
0x5c: {  	_ =	shalt  }
0x5d: {  	_ =	shalt  }
0x5e: {  	_ =	shalt  }
0x5f: {  	_ =	shalt  }
0x60: {  	_ =	shalt  }
0x61: {  	_ =	shalt  }
0x62: {  	_ =	shalt  }
0x63: {  	_ =	shalt  }
0x64: {  	_ =	shalt  }
0x65: {  	_ =	shalt  }
0x66: {  	_ =	shalt  }
0x67: {  	_ =	shalt  }
0x68: {  	_ =	shalt  }
0x69: {  	_ =	shalt  }
0x6a: {  	_ =	shalt  }
0x6b: {  	_ =	shalt  }
0x6c: {  	_ =	shalt  }
0x6d: {  	_ =	shalt  }
0x6e: {  	_ =	shalt  }
0x6f: {  	_ =	shalt  }
0x70: {  	_ =	shalt  }
0x71: {  	_ =	shalt  }
0x72: {  	_ =	shalt  }
0x73: {  	_ =	shalt  }
0x74: {  	_ =	shalt  }
0x75: {  	_ =	shalt  }
0x76: {  	_ =	shalt  }
0x77: {  	_ =	shalt  }
0x78: {  	_ =	shalt  }
0x79: {  	_ =	shalt  }
0x7a: {  	_ =	shalt  }
0x7b: {  	_ =	shalt  }
0x7c: {  	_ =	shalt  }
0x7d: {  	_ =	shalt  }
0x7e: {  	_ =	shalt  }
0x7f: {  	_ =	shalt  }
0x80: {  	_ =	shalt  }
0x81: {  	_ =	shalt  }
0x82: {  	_ =	shalt  }
0x83: {  	_ =	shalt  }
0x84: {  	_ =	shalt  }
0x85: {  	_ =	shalt  }
0x86: {  	_ =	shalt  }
0x87: {  	_ =	shalt  }
.Lfunc_end0:
.L_simem_size_0:
called_computation.1_lowered:
.L_overlay_start_0:
0x88: {  	s2 =	sld [smem:$0x3FD9]  }
0x89: {  	s3 =	sld [smem:$0x3FFE];
	_ =	sdelay $0x1  }
0x8a: {  	s1 =	srdreg.scid  }
0x8b: {  	s0 =	sand.u32 $0x1, s1  }
0x8c: {  	s14 =	sshll.u32 s0, $0xA;
	s2 =	sadd.s32 s3, s2  }
0x8d: {  	s2 =	sadd.s32 s2, s14  }
0x8e: {  	[smem:$0x3FC3] =	sst s2  }
0x8f: {  	_ = 	snop  }
0x90: {  	s2 =	sld [smem:$0x3FD0];
	_ =	sdelay $0x2  }
0x91: {  	s4 =	simm.s32 $0xA;
	s5 =	simm.s32 $0x10;
	s15 =	sld [smem:$0x3FC9]  }
0x92: {  	[smem:s5], [sflag:s4] =	dma.local [hbm:s2], $0x1  }
0x93: {  	_ =	swait.eq [sflag:s4], $0x1  }
0x94: {  	[sflag:s4] =	ssyncset.done $0x0  }
0x95: {  	[sflag:s4] =	ssyncadd.s32 $0xFFFFFFFF  }
0x96: {  	s16 =	sld [smem:$0x11];
	(tm) =	ssettm $0x1  }
0x97: {  	s17 =	sld [smem:$0x3FFB];
	_ =	sdelay $0x3  }
0x98: {  	_ =	strace s17  }
0x99: {  	s4 =	sld [smem:$0x3FFC];
	_ =	sdelay $0x3  }
0x9a: {  	_ =	strace s4  }
0x9b: {  	s4 =	sld [smem:$0x3FFD];
	_ =	sdelay $0x3  }
0x9c: {  	_ =	strace s4  }
0x9d: {  	_ =	strace $0x8FFFFFFF  }
0x9e: {  	s18 =	sld [smem:$0x3FDB];
	_ =	sdelay $0x1  }
0x9f: {  	s19 =	simm.s32 $_scs_section_size  }
0xa0: {  	s6 =	simm.s32 $_size__tile_overlayer_lowered;
	s7 =	simm.s32 $_tile_overlayer_lowered  }
0xa1: {  	s22 =	simm.s32 $0x1BFF;
	s21 =	sshll.u32 s7, $0x1;
	s4 =	sadd.s32 s19, s18  }
0xa2: {  	s8 =	simm.s32 $0x0;
	s20 =	sshll.u32 s6, $0x1;
	s6 =	sadd.s32 s21, s4  }
0xa3: {  	[timem:s8], [sflag:s22] =	dma.local [hbm:s6], s20  }
0xa4: {  	_ =	swait.ge [sflag:s22], s20  }
0xa5: {  	s5 =	ssub.s32 $0x0, s20;
	[sflag:s22] =	ssyncset.done $0x0  }
0xa6: {  	[sflag:s22] =	ssyncadd.s32 s5;
	_ =	sdelay $0x1  }
0xa7: {  	s23 =	simm.s32 $0x1B8B  }
0xa8: {  	_ =	swait.ge [sflag:s23], $0x1  }
0xa9: {  	[sflag:s23] =	ssyncset.done $0x0  }
0xaa: {  	s25 =	simm.s32 $0x1B8E;
	s24 =	sld [smem:$0x3FFE];
	[sflag:s23] =	ssyncadd.s32 $0xFFFFFFFF  }
0xab: {  	s26 =	simm.s32 $execute0_lowered;
	[smem:$0x3FD2] =	sst s25  }
0xac: {  	s6 =	sshll.u32 s26, $0x1;
	_ =	strace $0x80000049;
	[dreg:$0x1] =	wrdreg $0xFFFFFFFF  }
0xad: {  	s28 =	simm.s32 $_size_execute0_lowered;
	s4 =	sadd.s32 s4, s6;
	[dreg:$0x0] =	wrdreg $0x0  }
0xae: {  	s6 =	sshll.u32 s28, $0x1;
	[dreg:$0x2] =	wrdreg s4  }
0xaf: {  	[dreg:$0x3] =	wrdreg s6  }
0xb0: {  	[dreg:$0x4] =	wrdreg $0xC0  }
0xb1: {  	_ =	task [dreg:s8], $0x5FFFF  }
0xb2: {  	[dreg:$0x1] =	wrdreg $0xFFFFFFFF  }
0xb3: {  	[dreg:$0x0] =	wrdreg $0x60  }
0xb4: {  	[dreg:$0x2] =	wrdreg s15  }
0xb5: {  	[dreg:$0x3] =	wrdreg s16  }
0xb6: {  	[dreg:$0x4] =	wrdreg s24  }
0xb7: {  	[dreg:$0x5] =	wrdreg $0x9  }
0xb8: {  	_ =	task.clear_ibuf [dreg:s8], $0x6FFFF;
	_ =	strace $0x90000049  }
0xb9: {  	s29 =	simm.s32 $0x9;
	_ =	strace $0x8000004B  }
0xba: {  	_ =	swait.ge [sflag:s29], $0x1  }
0xbb: {  	[sflag:s29] =	ssyncadd.s32 $0xFFFFFFFF  }
0xbc: {  	_ =	strace $0x9000004B  }
0xbd: {  	_ =	sfence  }
0xbe: {  	s30 =	sld [smem:$0x0];
	_ =	sdelay $0x2  }
0xbf: {  	s31 =	sshll.u32 s1, $0xD;
	s1 =	sshrl.u32 s1, $0x2  }
0xc0: {  	s3 =	sand.u32 $0x4000, s31;
	s1 =	sadd.s32 s1, s30  }
0xc1: {  	s0 =	sor.u32 s3, s0;
	s1 =	sshll.u32 s1, $0x11  }
0xc2: {  	s0 =	sor.u32 s1, s0  }
0xc3: {  	s0 =	sadd.s32 $0x8F2B, s0  }
0xc4: {  	[sflag:s0] =	ssyncadd.remote.s32 $0x1  }
0xc5: {  	_ =	sfence.sel $0xFFFF  }
0xc6: {  	[dreg:$0x0] =	wrdreg $0xFFFFFFFF;
	(pc) =	sbr.abs _section_cstart, $3  }
0xc7: {  	[dreg:$0x1] =	wrdreg $0xFFFFFFFF  }
0xc8: {  	_ =	task.clear_ibuf [dreg:s8], $0x2FFFF;
	_ =	strace $0x9FFFFFFF  }
0xc9: {  	(tm) =	ssettm $0x7FFFFFFF  }
tec
execute0_lowered:
.L_overlay_start_1:
0x0: {  	(tag) =	ssettag $0x1  }
0x1: {  	s1 =	rddreg [dreg:$0x0]  }
0x2: {  	s0 =	srdreg.scid;
	s4 =	rddreg [dreg:$0x1]  }
0x3: {  	s2 =	stileid.u32;
	s5 =	rddreg [dreg:$0x2];
	s3 =	simm.s32 $0x0  }
0x4: {  	s18 =	simm.s32 $0x900;
	s19 =	simm.s32 $0x1100;
	s20 =	simm.s32 $0x1900  }
0x5: {  	s21 =	simm.s32 $0x2100;
	s22 =	simm.s32 $0x2900;
	s23 =	simm.s32 $0x3100  }
0x6: {  	s28 =	simm.s32 $0x5100;
	s29 =	simm.s32 $0x5900;
	s30 =	simm.s32 $0x6100  }
0x7: {  	s31 =	simm.s32 $0x6900;
	s12 =	simm.s32 $0x8900;
	s11 =	simm.s32 $0xA100  }
0x8: {  	s13 =	simm.s32 $0xA900;
	s0 =	sand.u32 $0x1, s0;
	s2 =	sshll.u32 s2, $0x1  }
0x9: {  	s14 =	simm.s32 $0xB100;
	s15 =	simm.s32 $0xB900;
	s2 =	sor.u32 s0, s2  }
0xa: {  	s16 =	simm.s32 $0xC100;
	[smem:$0x7FF] =	sst s3;
	s6 =	smul.u32 $0x18, s2  }
0xb: {  	s5 =	sadd.s32 $0x9200, s5;
	s0 =	ssub.s32 $0x2, s0;
	s7 =	smul.u32 $0x6000, s2  }
0xc: {  	_ =	strace $0x8000004A;
	s2 =	smul.u32 $0x30000, s2;
	s8 =	sshrl.u32 s0, $0x1  }
0xd: {  	s0 =	ssub.s32 s0, s8;
	s4 =	sadd.s32 s4, s6;
	s24 =	sadd.s32 s5, s7  }
0xe: {  	s2 =	sshrl.u32 s2, $0x3;
	s6 =	sadd.s32 $0x200, s1;
	[dreg:$0x4] =	wrdreg s4  }
0xf: {  	s7 =	sadd.s32 $0x300, s1;
	s10 =	smax.u32 s0, $0x1;
	[dreg:$0x8] =	wrdreg s24  }
0x10: {  	s25 =	sadd.s32 $0x1800, s24;
	s2 =	sadd.s32 s5, s2;
	s5 =	sadd.s32 $0x100, s1  }
0x11: {  	v2 =	vlaneseq.u32;
	s24 =	simm.s32 $0x3900;
	[dreg:$0x5] =	wrdreg s25;
	s26 =	sadd.s32 $0x3000, s2  }
0x12: {  	vm0 =	vmmov $0xffff;
	v1 =	vshrl.u32 v2, $0x3;
	s2 =	sadd.s32 $0x4800, s2;
	s25 =	simm.s32 $0x4100;
	[dreg:$0x6] =	wrdreg s26  }
0x13: {  	v0 =	vand.u32 $0x7, v2;
	v2 =	vor.u32 $0x8, v2;
	v1 =	vmul.u32 $0x8, v1;
	[dreg:$0x7] =	wrdreg s2;
	s26 =	simm.s32 $0x4900;
	s2 =	simm.s32 $0x3  }
.LBB2_1:
0x14: {  	s17 =	rddreg [dreg:$0x4];
	s0 =	simm.s32 $0x5  }
0x15: {  	[tilespmem:s3], [sflag:$0x5] =	stream.linear.gather [hbm4b:s17+s3], $0xC0, $0x38;
	[tilespmem:$0x18100] =	vst v63  }
0x16: {  	_ =	swait.ge [sflag:s0], $0xC0  }
0x17: {  	[sflag:s0] =	ssyncset.done $0x0  }
0x18: {  	[sflag:s0] =	ssyncadd.s32 $0xFFFFFF40  }
0x19: {  	v3 =	vld [tilespmem:$0x0];
	_ =	sdelay $0x4  }
0x1a: {  	v4 =	vshll.u32 v3, $0x3  }
0x1b: {  	v3 =	vand.u32 $0x7, v3;
	v4 =	vand.u32 $0xFFFFFFC0, v4  }
0x1c: {  	v3 =	vor.u32 v3, v4  }
0x1d: {  	v4 =	vperm.xlane v3, v0;
	_ =	sdelay $0x1  }
0x1e: {  	v4 =	vadd.s32 v1, v4;
	_ =	sdelay $0x3  }
0x1f: {  	s4 =	simm.s32 $0x100  }
0x20: {  	[tilespmem:s4], [sflag:$0x1] =	stream.indirect_vreg.gather [hbm4b:s1+s3], $0x80, v4, vm0, $0xb8;
	[tilespmem:$0x18100] =	vst v63  }
0x21: {  	v3 =	vperm.xlane v3, v2  }
0x22: {  	[tilespmem:s18], [sflag:$0x1] =	stream.indirect_vreg.gather [hbm4b:s5+s3], $0x80, v4, vm0, $0xb8;
	[tilespmem:$0x18100] =	vst v63  }
0x23: {  	v3 =	vadd.s32 v1, v3  }
0x24: {  	[tilespmem:s19], [sflag:$0x1] =	stream.indirect_vreg.gather [hbm4b:s6+s3], $0x80, v4, vm0, $0xb8;
	[tilespmem:$0x18100] =	vst v63  }
0x25: {  	_ = 	snop  }
0x26: {  	[tilespmem:s20], [sflag:$0x1] =	stream.indirect_vreg.gather [hbm4b:s7+s3], $0x80, v4, vm0, $0xb8;
	[tilespmem:$0x18100] =	vst v63  }
0x27: {  	_ = 	snop  }
0x28: {  	[tilespmem:s21], [sflag:$0x1] =	stream.indirect_vreg.gather [hbm4b:s1+s3], $0x80, v3, vm0, $0xb8;
	[tilespmem:$0x18100] =	vst v63  }
0x29: {  	_ = 	snop  }
0x2a: {  	[tilespmem:s22], [sflag:$0x1] =	stream.indirect_vreg.gather [hbm4b:s5+s3], $0x80, v3, vm0, $0xb8;
	[tilespmem:$0x18100] =	vst v63  }
0x2b: {  	_ = 	snop  }
0x2c: {  	[tilespmem:s23], [sflag:$0x1] =	stream.indirect_vreg.gather [hbm4b:s6+s3], $0x80, v3, vm0, $0xb8;
	[tilespmem:$0x18100] =	vst v63  }
0x2d: {  	_ = 	snop  }
0x2e: {  	[tilespmem:s24], [sflag:$0x1] =	stream.indirect_vreg.gather [hbm4b:s7+s3], $0x80, v3, vm0, $0xb8;
	[tilespmem:$0x18100] =	vst v63  }
0x2f: {  	v3 =	vld [tilespmem:$0x10];
	_ =	sdelay $0x4  }
0x30: {  	v53 =	vshll.u32 v3, $0x3  }
0x31: {  	v3 =	vand.u32 $0x7, v3;
	v4 =	vand.u32 $0xFFFFFFC0, v53  }
0x32: {  	v3 =	vor.u32 v3, v4  }
0x33: {  	v4 =	vperm.xlane v3, v0;
	_ =	sdelay $0x1  }
0x34: {  	v4 =	vadd.s32 v1, v4;
	_ =	sdelay $0x4  }
0x35: {  	[tilespmem:s25], [sflag:$0x1] =	stream.indirect_vreg.gather [hbm4b:s1+s3], $0x80, v4, vm0, $0xb8;
	[tilespmem:$0x18100] =	vst v63  }
0x36: {  	v3 =	vperm.xlane v3, v2  }
0x37: {  	[tilespmem:s26], [sflag:$0x1] =	stream.indirect_vreg.gather [hbm4b:s5+s3], $0x80, v4, vm0, $0xb8;
	[tilespmem:$0x18100] =	vst v63  }
0x38: {  	v3 =	vadd.s32 v1, v3  }
0x39: {  	[tilespmem:s28], [sflag:$0x1] =	stream.indirect_vreg.gather [hbm4b:s6+s3], $0x80, v4, vm0, $0xb8;
	[tilespmem:$0x18100] =	vst v63  }
0x3a: {  	_ = 	snop  }
0x3b: {  	[tilespmem:s29], [sflag:$0x1] =	stream.indirect_vreg.gather [hbm4b:s7+s3], $0x80, v4, vm0, $0xb8;
	[tilespmem:$0x18100] =	vst v63  }
0x3c: {  	_ = 	snop  }
0x3d: {  	[tilespmem:s30], [sflag:$0x1] =	stream.indirect_vreg.gather [hbm4b:s1+s3], $0x80, v3, vm0, $0xb8;
	[tilespmem:$0x18100] =	vst v63  }
0x3e: {  	_ = 	snop  }
0x3f: {  	[tilespmem:s31], [sflag:$0x1] =	stream.indirect_vreg.gather [hbm4b:s5+s3], $0x80, v3, vm0, $0xb8;
	[tilespmem:$0x18100] =	vst v63  }
0x40: {  	s8 =	simm.s32 $0x7100  }
0x41: {  	[tilespmem:s8], [sflag:$0x1] =	stream.indirect_vreg.gather [hbm4b:s6+s3], $0x80, v3, vm0, $0xb8;
	[tilespmem:$0x18100] =	vst v63  }
0x42: {  	s9 =	simm.s32 $0x7900  }
0x43: {  	[tilespmem:s9], [sflag:$0x1] =	stream.indirect_vreg.gather [hbm4b:s7+s3], $0x80, v3, vm0, $0xb8;
	[tilespmem:$0x18100] =	vst v63  }
0x44: {  	v3 =	vld [tilespmem:$0x20];
	_ =	sdelay $0x4  }
0x45: {  	v54 =	vshll.u32 v3, $0x3  }
0x46: {  	v3 =	vand.u32 $0x7, v3;
	v4 =	vand.u32 $0xFFFFFFC0, v54  }
0x47: {  	v3 =	vor.u32 v3, v4  }
0x48: {  	v4 =	vperm.xlane v3, v0;
	_ =	sdelay $0x1  }
0x49: {  	v4 =	vadd.s32 v1, v4;
	_ =	sdelay $0x3  }
0x4a: {  	s4 =	simm.s32 $0x8100  }
0x4b: {  	[tilespmem:s4], [sflag:$0x1] =	stream.indirect_vreg.gather [hbm4b:s1+s3], $0x80, v4, vm0, $0xb8;
	[tilespmem:$0x18100] =	vst v63  }
0x4c: {  	v3 =	vperm.xlane v3, v2  }
0x4d: {  	[tilespmem:s12], [sflag:$0x1] =	stream.indirect_vreg.gather [hbm4b:s5+s3], $0x80, v4, vm0, $0xb8;
	[tilespmem:$0x18100] =	vst v63  }
0x4e: {  	s9 =	simm.s32 $0x9100;
	v3 =	vadd.s32 v1, v3  }
0x4f: {  	[tilespmem:s9], [sflag:$0x1] =	stream.indirect_vreg.gather [hbm4b:s6+s3], $0x80, v4, vm0, $0xb8;
	[tilespmem:$0x18100] =	vst v63  }
0x50: {  	s17 =	simm.s32 $0x9900  }
0x51: {  	[tilespmem:s17], [sflag:$0x1] =	stream.indirect_vreg.gather [hbm4b:s7+s3], $0x80, v4, vm0, $0xb8;
	[tilespmem:$0x18100] =	vst v63  }
0x52: {  	_ = 	snop  }
0x53: {  	[tilespmem:s11], [sflag:$0x1] =	stream.indirect_vreg.gather [hbm4b:s1+s3], $0x80, v3, vm0, $0xb8;
	[tilespmem:$0x18100] =	vst v63  }
0x54: {  	_ = 	snop  }
0x55: {  	[tilespmem:s13], [sflag:$0x1] =	stream.indirect_vreg.gather [hbm4b:s5+s3], $0x80, v3, vm0, $0xb8;
	[tilespmem:$0x18100] =	vst v63  }
0x56: {  	_ = 	snop  }
0x57: {  	[tilespmem:s14], [sflag:$0x1] =	stream.indirect_vreg.gather [hbm4b:s6+s3], $0x80, v3, vm0, $0xb8;
	[tilespmem:$0x18100] =	vst v63  }
0x58: {  	_ = 	snop  }
0x59: {  	[tilespmem:s15], [sflag:$0x1] =	stream.indirect_vreg.gather [hbm4b:s7+s3], $0x80, v3, vm0, $0xb8;
	[tilespmem:$0x18100] =	vst v63  }
0x5a: {  	v3 =	vld [tilespmem:$0x30];
	_ =	sdelay $0x4  }
0x5b: {  	v55 =	vshll.u32 v3, $0x3  }
0x5c: {  	v3 =	vand.u32 $0x7, v3;
	v4 =	vand.u32 $0xFFFFFFC0, v55  }
0x5d: {  	v3 =	vor.u32 v3, v4  }
0x5e: {  	v4 =	vperm.xlane v3, v0;
	_ =	sdelay $0x1  }
0x5f: {  	v4 =	vadd.s32 v1, v4;
	_ =	sdelay $0x4  }
0x60: {  	[tilespmem:s16], [sflag:$0x2] =	stream.indirect_vreg.gather [hbm4b:s1+s3], $0x80, v4, vm0, $0xb8;
	[tilespmem:$0x18100] =	vst v63  }
0x61: {  	s8 =	simm.s32 $0xC900;
	v3 =	vperm.xlane v3, v2  }
0x62: {  	[tilespmem:s8], [sflag:$0x2] =	stream.indirect_vreg.gather [hbm4b:s5+s3], $0x80, v4, vm0, $0xb8;
	[tilespmem:$0x18100] =	vst v63  }
0x63: {  	s17 =	simm.s32 $0xD100;
	v3 =	vadd.s32 v1, v3  }
0x64: {  	[tilespmem:s17], [sflag:$0x2] =	stream.indirect_vreg.gather [hbm4b:s6+s3], $0x80, v4, vm0, $0xb8;
	[tilespmem:$0x18100] =	vst v63  }
0x65: {  	s8 =	simm.s32 $0xD900  }
0x66: {  	[tilespmem:s8], [sflag:$0x2] =	stream.indirect_vreg.gather [hbm4b:s7+s3], $0x80, v4, vm0, $0xb8;
	[tilespmem:$0x18100] =	vst v63  }
0x67: {  	s17 =	simm.s32 $0xE100  }
0x68: {  	[tilespmem:s17], [sflag:$0x2] =	stream.indirect_vreg.gather [hbm4b:s1+s3], $0x80, v3, vm0, $0xb8;
	[tilespmem:$0x18100] =	vst v63  }
0x69: {  	s8 =	simm.s32 $0xE900  }
0x6a: {  	[tilespmem:s8], [sflag:$0x2] =	stream.indirect_vreg.gather [hbm4b:s5+s3], $0x80, v3, vm0, $0xb8;
	[tilespmem:$0x18100] =	vst v63  }
0x6b: {  	s17 =	simm.s32 $0xF100  }
0x6c: {  	[tilespmem:s17], [sflag:$0x2] =	stream.indirect_vreg.gather [hbm4b:s6+s3], $0x80, v3, vm0, $0xb8;
	[tilespmem:$0x18100] =	vst v63  }
0x6d: {  	s8 =	simm.s32 $0xF900  }
0x6e: {  	[tilespmem:s8], [sflag:$0x2] =	stream.indirect_vreg.gather [hbm4b:s7+s3], $0x80, v3, vm0, $0xb8;
	[tilespmem:$0x18100] =	vst v63  }
0x6f: {  	v3 =	vld [tilespmem:$0x40];
	_ =	sdelay $0x4  }
0x70: {  	v56 =	vshll.u32 v3, $0x3  }
0x71: {  	v3 =	vand.u32 $0x7, v3;
	v4 =	vand.u32 $0xFFFFFFC0, v56  }
0x72: {  	v3 =	vor.u32 v3, v4  }
0x73: {  	v4 =	vperm.xlane v3, v0;
	_ =	sdelay $0x1  }
0x74: {  	v4 =	vadd.s32 v1, v4;
	_ =	sdelay $0x3  }
0x75: {  	s17 =	simm.s32 $0x10100  }
0x76: {  	[tilespmem:s17], [sflag:$0x2] =	stream.indirect_vreg.gather [hbm4b:s1+s3], $0x80, v4, vm0, $0xb8;
	[tilespmem:$0x18100] =	vst v63  }
0x77: {  	s8 =	simm.s32 $0x10900;
	v3 =	vperm.xlane v3, v2  }
0x78: {  	[tilespmem:s8], [sflag:$0x2] =	stream.indirect_vreg.gather [hbm4b:s5+s3], $0x80, v4, vm0, $0xb8;
	[tilespmem:$0x18100] =	vst v63  }
0x79: {  	v3 =	vadd.s32 v1, v3;
	s17 =	simm.s32 $0x11100  }
0x7a: {  	[tilespmem:s17], [sflag:$0x2] =	stream.indirect_vreg.gather [hbm4b:s6+s3], $0x80, v4, vm0, $0xb8;
	[tilespmem:$0x18100] =	vst v63  }
0x7b: {  	s8 =	simm.s32 $0x11900  }
0x7c: {  	[tilespmem:s8], [sflag:$0x2] =	stream.indirect_vreg.gather [hbm4b:s7+s3], $0x80, v4, vm0, $0xb8;
	[tilespmem:$0x18100] =	vst v63  }
0x7d: {  	s17 =	simm.s32 $0x12100  }
0x7e: {  	[tilespmem:s17], [sflag:$0x2] =	stream.indirect_vreg.gather [hbm4b:s1+s3], $0x80, v3, vm0, $0xb8;
	[tilespmem:$0x18100] =	vst v63  }
0x7f: {  	s8 =	simm.s32 $0x12900  }
0x80: {  	[tilespmem:s8], [sflag:$0x2] =	stream.indirect_vreg.gather [hbm4b:s5+s3], $0x80, v3, vm0, $0xb8;
	[tilespmem:$0x18100] =	vst v63  }
0x81: {  	s17 =	simm.s32 $0x13100  }
0x82: {  	[tilespmem:s17], [sflag:$0x2] =	stream.indirect_vreg.gather [hbm4b:s6+s3], $0x80, v3, vm0, $0xb8;
	[tilespmem:$0x18100] =	vst v63  }
0x83: {  	s8 =	simm.s32 $0x13900  }
0x84: {  	[tilespmem:s8], [sflag:$0x2] =	stream.indirect_vreg.gather [hbm4b:s7+s3], $0x80, v3, vm0, $0xb8;
	[tilespmem:$0x18100] =	vst v63  }
0x85: {  	v3 =	vld [tilespmem:$0x50];
	_ =	sdelay $0x4  }
0x86: {  	v57 =	vshll.u32 v3, $0x3  }
0x87: {  	v3 =	vand.u32 $0x7, v3;
	v4 =	vand.u32 $0xFFFFFFC0, v57  }
0x88: {  	v3 =	vor.u32 v3, v4  }
0x89: {  	v4 =	vperm.xlane v3, v0;
	_ =	sdelay $0x1  }
0x8a: {  	v4 =	vadd.s32 v1, v4;
	_ =	sdelay $0x3  }
0x8b: {  	s17 =	simm.s32 $0x14100  }
0x8c: {  	[tilespmem:s17], [sflag:$0x2] =	stream.indirect_vreg.gather [hbm4b:s1+s3], $0x80, v4, vm0, $0xb8;
	[tilespmem:$0x18100] =	vst v63  }
0x8d: {  	s8 =	simm.s32 $0x14900;
	v3 =	vperm.xlane v3, v2  }
0x8e: {  	[tilespmem:s8], [sflag:$0x2] =	stream.indirect_vreg.gather [hbm4b:s5+s3], $0x80, v4, vm0, $0xb8;
	[tilespmem:$0x18100] =	vst v63  }
0x8f: {  	v3 =	vadd.s32 v1, v3;
	s17 =	simm.s32 $0x15100  }
0x90: {  	[tilespmem:s17], [sflag:$0x2] =	stream.indirect_vreg.gather [hbm4b:s6+s3], $0x80, v4, vm0, $0xb8;
	[tilespmem:$0x18100] =	vst v63  }
0x91: {  	s8 =	simm.s32 $0x15900  }
0x92: {  	[tilespmem:s8], [sflag:$0x2] =	stream.indirect_vreg.gather [hbm4b:s7+s3], $0x80, v4, vm0, $0xb8;
	[tilespmem:$0x18100] =	vst v63  }
0x93: {  	s17 =	simm.s32 $0x16100  }
0x94: {  	[tilespmem:s17], [sflag:$0x2] =	stream.indirect_vreg.gather [hbm4b:s1+s3], $0x80, v3, vm0, $0xb8;
	[tilespmem:$0x18100] =	vst v63  }
0x95: {  	s8 =	simm.s32 $0x16900  }
0x96: {  	[tilespmem:s8], [sflag:$0x2] =	stream.indirect_vreg.gather [hbm4b:s5+s3], $0x80, v3, vm0, $0xb8;
	[tilespmem:$0x18100] =	vst v63  }
0x97: {  	s17 =	simm.s32 $0x17100  }
0x98: {  	[tilespmem:s17], [sflag:$0x2] =	stream.indirect_vreg.gather [hbm4b:s6+s3], $0x80, v3, vm0, $0xb8;
	[tilespmem:$0x18100] =	vst v63  }
0x99: {  	s0 =	simm.s32 $0x1;
	s8 =	simm.s32 $0x17900  }
0x9a: {  	[tilespmem:s8], [sflag:$0x2] =	stream.indirect_vreg.gather [hbm4b:s7+s3], $0x80, v3, vm0, $0xb8;
	[tilespmem:$0x18100] =	vst v63  }
0x9b: {  	_ =	swait.ge [sflag:s0], $0xC000  }
0x9c: {  	[sflag:s0] =	ssyncset.done $0x0  }
0x9d: {  	s8 =	simm.s32 $0x100;
	s17 =	rddreg [dreg:$0x8];
	[sflag:s0] =	ssyncadd.s32 $0xFFFF4000  }
0x9e: {  	[hbm4b:s17+s3] =	stream.linear.scatter [tilespmem:s8], [sflag:$0x3], $0xC000, $0x38;
	[tilespmem:$0x18100] =	vst v63  }
0x9f: {  	_ =	swait.ge [sflag:s2], $0xC000  }
0xa0: {  	[sflag:s2] =	ssyncset.done $0x0  }
0xa1: {  	[sflag:s2] =	ssyncadd.s32 $0xFFFF4000  }
0xa2: {  	v3 =	vld [tilespmem:$0x60];
	_ =	sdelay $0x4  }
0xa3: {  	v58 =	vshll.u32 v3, $0x3  }
0xa4: {  	v3 =	vand.u32 $0x7, v3;
	v4 =	vand.u32 $0xFFFFFFC0, v58  }
0xa5: {  	v3 =	vor.u32 v3, v4  }
0xa6: {  	v4 =	vperm.xlane v3, v0;
	_ =	sdelay $0x1  }
0xa7: {  	v4 =	vadd.s32 v1, v4;
	_ =	sdelay $0x4  }
0xa8: {  	[tilespmem:s8], [sflag:$0x1] =	stream.indirect_vreg.gather [hbm4b:s1+s3], $0x80, v4, vm0, $0xb8;
	[tilespmem:$0x18100] =	vst v63  }
0xa9: {  	v3 =	vperm.xlane v3, v2  }
0xaa: {  	[tilespmem:s18], [sflag:$0x1] =	stream.indirect_vreg.gather [hbm4b:s5+s3], $0x80, v4, vm0, $0xb8;
	[tilespmem:$0x18100] =	vst v63  }
0xab: {  	v3 =	vadd.s32 v1, v3  }
0xac: {  	[tilespmem:s19], [sflag:$0x1] =	stream.indirect_vreg.gather [hbm4b:s6+s3], $0x80, v4, vm0, $0xb8;
	[tilespmem:$0x18100] =	vst v63  }
0xad: {  	_ = 	snop  }
0xae: {  	[tilespmem:s20], [sflag:$0x1] =	stream.indirect_vreg.gather [hbm4b:s7+s3], $0x80, v4, vm0, $0xb8;
	[tilespmem:$0x18100] =	vst v63  }
0xaf: {  	_ = 	snop  }
0xb0: {  	[tilespmem:s21], [sflag:$0x1] =	stream.indirect_vreg.gather [hbm4b:s1+s3], $0x80, v3, vm0, $0xb8;
	[tilespmem:$0x18100] =	vst v63  }
0xb1: {  	_ = 	snop  }
0xb2: {  	[tilespmem:s22], [sflag:$0x1] =	stream.indirect_vreg.gather [hbm4b:s5+s3], $0x80, v3, vm0, $0xb8;
	[tilespmem:$0x18100] =	vst v63  }
0xb3: {  	_ = 	snop  }
0xb4: {  	[tilespmem:s23], [sflag:$0x1] =	stream.indirect_vreg.gather [hbm4b:s6+s3], $0x80, v3, vm0, $0xb8;
	[tilespmem:$0x18100] =	vst v63  }
0xb5: {  	_ = 	snop  }
0xb6: {  	[tilespmem:s24], [sflag:$0x1] =	stream.indirect_vreg.gather [hbm4b:s7+s3], $0x80, v3, vm0, $0xb8;
	[tilespmem:$0x18100] =	vst v63  }
0xb7: {  	v3 =	vld [tilespmem:$0x70];
	_ =	sdelay $0x4  }
0xb8: {  	v59 =	vshll.u32 v3, $0x3  }
0xb9: {  	v3 =	vand.u32 $0x7, v3;
	v4 =	vand.u32 $0xFFFFFFC0, v59  }
0xba: {  	v3 =	vor.u32 v3, v4  }
0xbb: {  	v4 =	vperm.xlane v3, v0;
	_ =	sdelay $0x1  }
0xbc: {  	v4 =	vadd.s32 v1, v4;
	_ =	sdelay $0x4  }
0xbd: {  	[tilespmem:s25], [sflag:$0x1] =	stream.indirect_vreg.gather [hbm4b:s1+s3], $0x80, v4, vm0, $0xb8;
	[tilespmem:$0x18100] =	vst v63  }
0xbe: {  	v3 =	vperm.xlane v3, v2  }
0xbf: {  	[tilespmem:s26], [sflag:$0x1] =	stream.indirect_vreg.gather [hbm4b:s5+s3], $0x80, v4, vm0, $0xb8;
	[tilespmem:$0x18100] =	vst v63  }
0xc0: {  	v3 =	vadd.s32 v1, v3  }
0xc1: {  	[tilespmem:s28], [sflag:$0x1] =	stream.indirect_vreg.gather [hbm4b:s6+s3], $0x80, v4, vm0, $0xb8;
	[tilespmem:$0x18100] =	vst v63  }
0xc2: {  	_ = 	snop  }
0xc3: {  	[tilespmem:s29], [sflag:$0x1] =	stream.indirect_vreg.gather [hbm4b:s7+s3], $0x80, v4, vm0, $0xb8;
	[tilespmem:$0x18100] =	vst v63  }
0xc4: {  	_ = 	snop  }
0xc5: {  	[tilespmem:s30], [sflag:$0x1] =	stream.indirect_vreg.gather [hbm4b:s1+s3], $0x80, v3, vm0, $0xb8;
	[tilespmem:$0x18100] =	vst v63  }
0xc6: {  	_ = 	snop  }
0xc7: {  	[tilespmem:s31], [sflag:$0x1] =	stream.indirect_vreg.gather [hbm4b:s5+s3], $0x80, v3, vm0, $0xb8;
	[tilespmem:$0x18100] =	vst v63  }
0xc8: {  	s17 =	simm.s32 $0x7100  }
0xc9: {  	[tilespmem:s17], [sflag:$0x1] =	stream.indirect_vreg.gather [hbm4b:s6+s3], $0x80, v3, vm0, $0xb8;
	[tilespmem:$0x18100] =	vst v63  }
0xca: {  	s17 =	simm.s32 $0x7900  }
0xcb: {  	[tilespmem:s17], [sflag:$0x1] =	stream.indirect_vreg.gather [hbm4b:s7+s3], $0x80, v3, vm0, $0xb8;
	[tilespmem:$0x18100] =	vst v63  }
0xcc: {  	v3 =	vld [tilespmem:$0x80];
	_ =	sdelay $0x4  }
0xcd: {  	v60 =	vshll.u32 v3, $0x3  }
0xce: {  	v3 =	vand.u32 $0x7, v3;
	v4 =	vand.u32 $0xFFFFFFC0, v60  }
0xcf: {  	v3 =	vor.u32 v3, v4  }
0xd0: {  	v4 =	vperm.xlane v3, v0;
	_ =	sdelay $0x1  }
0xd1: {  	v4 =	vadd.s32 v1, v4;
	_ =	sdelay $0x4  }
0xd2: {  	[tilespmem:s4], [sflag:$0x1] =	stream.indirect_vreg.gather [hbm4b:s1+s3], $0x80, v4, vm0, $0xb8;
	[tilespmem:$0x18100] =	vst v63  }
0xd3: {  	v3 =	vperm.xlane v3, v2  }
0xd4: {  	[tilespmem:s12], [sflag:$0x1] =	stream.indirect_vreg.gather [hbm4b:s5+s3], $0x80, v4, vm0, $0xb8;
	[tilespmem:$0x18100] =	vst v63  }
0xd5: {  	v3 =	vadd.s32 v1, v3  }
0xd6: {  	[tilespmem:s9], [sflag:$0x1] =	stream.indirect_vreg.gather [hbm4b:s6+s3], $0x80, v4, vm0, $0xb8;
	[tilespmem:$0x18100] =	vst v63  }
0xd7: {  	s8 =	simm.s32 $0x9900  }
0xd8: {  	[tilespmem:s8], [sflag:$0x1] =	stream.indirect_vreg.gather [hbm4b:s7+s3], $0x80, v4, vm0, $0xb8;
	[tilespmem:$0x18100] =	vst v63  }
0xd9: {  	_ = 	snop  }
0xda: {  	[tilespmem:s11], [sflag:$0x1] =	stream.indirect_vreg.gather [hbm4b:s1+s3], $0x80, v3, vm0, $0xb8;
	[tilespmem:$0x18100] =	vst v63  }
0xdb: {  	_ = 	snop  }
0xdc: {  	[tilespmem:s13], [sflag:$0x1] =	stream.indirect_vreg.gather [hbm4b:s5+s3], $0x80, v3, vm0, $0xb8;
	[tilespmem:$0x18100] =	vst v63  }
0xdd: {  	_ = 	snop  }
0xde: {  	[tilespmem:s14], [sflag:$0x1] =	stream.indirect_vreg.gather [hbm4b:s6+s3], $0x80, v3, vm0, $0xb8;
	[tilespmem:$0x18100] =	vst v63  }
0xdf: {  	s4 =	simm.s32 $0x2  }
0xe0: {  	[tilespmem:s15], [sflag:$0x1] =	stream.indirect_vreg.gather [hbm4b:s7+s3], $0x80, v3, vm0, $0xb8;
	[tilespmem:$0x18100] =	vst v63  }
0xe1: {  	_ =	swait.ge [sflag:s4], $0xC000  }
0xe2: {  	[sflag:s4] =	ssyncset.done $0x0  }
0xe3: {  	s9 =	rddreg [dreg:$0x5];
	[sflag:s4] =	ssyncadd.s32 $0xFFFF4000  }
0xe4: {  	[hbm4b:s9+s3] =	stream.linear.scatter [tilespmem:s16], [sflag:$0x4], $0xC000, $0x38;
	[tilespmem:$0x18100] =	vst v63  }
0xe5: {  	s9 =	simm.s32 $0x4  }
0xe6: {  	_ =	swait.ge [sflag:s9], $0xC000  }
0xe7: {  	[sflag:s9] =	ssyncset.done $0x0  }
0xe8: {  	[sflag:s9] =	ssyncadd.s32 $0xFFFF4000  }
0xe9: {  	v3 =	vld [tilespmem:$0x90];
	_ =	sdelay $0x4  }
0xea: {  	v61 =	vshll.u32 v3, $0x3  }
0xeb: {  	v3 =	vand.u32 $0x7, v3;
	v4 =	vand.u32 $0xFFFFFFC0, v61  }
0xec: {  	v3 =	vor.u32 v3, v4  }
0xed: {  	v4 =	vperm.xlane v3, v0;
	_ =	sdelay $0x1  }
0xee: {  	v4 =	vadd.s32 v1, v4;
	_ =	sdelay $0x4  }
0xef: {  	[tilespmem:s16], [sflag:$0x2] =	stream.indirect_vreg.gather [hbm4b:s1+s3], $0x80, v4, vm0, $0xb8;
	[tilespmem:$0x18100] =	vst v63  }
0xf0: {  	s17 =	simm.s32 $0xC900;
	v3 =	vperm.xlane v3, v2  }
0xf1: {  	[tilespmem:s17], [sflag:$0x2] =	stream.indirect_vreg.gather [hbm4b:s5+s3], $0x80, v4, vm0, $0xb8;
	[tilespmem:$0x18100] =	vst v63  }
0xf2: {  	v3 =	vadd.s32 v1, v3;
	s17 =	simm.s32 $0xD100  }
0xf3: {  	[tilespmem:s17], [sflag:$0x2] =	stream.indirect_vreg.gather [hbm4b:s6+s3], $0x80, v4, vm0, $0xb8;
	[tilespmem:$0x18100] =	vst v63  }
0xf4: {  	s17 =	simm.s32 $0xD900  }
0xf5: {  	[tilespmem:s17], [sflag:$0x2] =	stream.indirect_vreg.gather [hbm4b:s7+s3], $0x80, v4, vm0, $0xb8;
	[tilespmem:$0x18100] =	vst v63  }
0xf6: {  	s17 =	simm.s32 $0xE100  }
0xf7: {  	[tilespmem:s17], [sflag:$0x2] =	stream.indirect_vreg.gather [hbm4b:s1+s3], $0x80, v3, vm0, $0xb8;
	[tilespmem:$0x18100] =	vst v63  }
0xf8: {  	s17 =	simm.s32 $0xE900  }
0xf9: {  	[tilespmem:s17], [sflag:$0x2] =	stream.indirect_vreg.gather [hbm4b:s5+s3], $0x80, v3, vm0, $0xb8;
	[tilespmem:$0x18100] =	vst v63  }
0xfa: {  	s17 =	simm.s32 $0xF100  }
0xfb: {  	[tilespmem:s17], [sflag:$0x2] =	stream.indirect_vreg.gather [hbm4b:s6+s3], $0x80, v3, vm0, $0xb8;
	[tilespmem:$0x18100] =	vst v63  }
0xfc: {  	s17 =	simm.s32 $0xF900  }
0xfd: {  	[tilespmem:s17], [sflag:$0x2] =	stream.indirect_vreg.gather [hbm4b:s7+s3], $0x80, v3, vm0, $0xb8;
	[tilespmem:$0x18100] =	vst v63  }
0xfe: {  	v3 =	vld [tilespmem:$0xA0];
	_ =	sdelay $0x4  }
0xff: {  	v62 =	vshll.u32 v3, $0x3  }
0x100: {  	v3 =	vand.u32 $0x7, v3;
	v4 =	vand.u32 $0xFFFFFFC0, v62  }
0x101: {  	v3 =	vor.u32 v3, v4  }
0x102: {  	v4 =	vperm.xlane v3, v0;
	_ =	sdelay $0x1  }
0x103: {  	v4 =	vadd.s32 v1, v4;
	_ =	sdelay $0x3  }
0x104: {  	s17 =	simm.s32 $0x10100  }
0x105: {  	[tilespmem:s17], [sflag:$0x2] =	stream.indirect_vreg.gather [hbm4b:s1+s3], $0x80, v4, vm0, $0xb8;
	[tilespmem:$0x18100] =	vst v63  }
0x106: {  	v3 =	vperm.xlane v3, v2;
	s17 =	simm.s32 $0x10900  }
0x107: {  	[tilespmem:s17], [sflag:$0x2] =	stream.indirect_vreg.gather [hbm4b:s5+s3], $0x80, v4, vm0, $0xb8;
	[tilespmem:$0x18100] =	vst v63  }
0x108: {  	v3 =	vadd.s32 v1, v3;
	s17 =	simm.s32 $0x11100  }
0x109: {  	[tilespmem:s17], [sflag:$0x2] =	stream.indirect_vreg.gather [hbm4b:s6+s3], $0x80, v4, vm0, $0xb8;
	[tilespmem:$0x18100] =	vst v63  }
0x10a: {  	s17 =	simm.s32 $0x11900  }
0x10b: {  	[tilespmem:s17], [sflag:$0x2] =	stream.indirect_vreg.gather [hbm4b:s7+s3], $0x80, v4, vm0, $0xb8;
	[tilespmem:$0x18100] =	vst v63  }
0x10c: {  	s17 =	simm.s32 $0x12100  }
0x10d: {  	[tilespmem:s17], [sflag:$0x2] =	stream.indirect_vreg.gather [hbm4b:s1+s3], $0x80, v3, vm0, $0xb8;
	[tilespmem:$0x18100] =	vst v63  }
0x10e: {  	s17 =	simm.s32 $0x12900  }
0x10f: {  	[tilespmem:s17], [sflag:$0x2] =	stream.indirect_vreg.gather [hbm4b:s5+s3], $0x80, v3, vm0, $0xb8;
	[tilespmem:$0x18100] =	vst v63  }
0x110: {  	s17 =	simm.s32 $0x13100  }
0x111: {  	[tilespmem:s17], [sflag:$0x2] =	stream.indirect_vreg.gather [hbm4b:s6+s3], $0x80, v3, vm0, $0xb8;
	[tilespmem:$0x18100] =	vst v63  }
0x112: {  	s17 =	simm.s32 $0x13900  }
0x113: {  	[tilespmem:s17], [sflag:$0x2] =	stream.indirect_vreg.gather [hbm4b:s7+s3], $0x80, v3, vm0, $0xb8;
	[tilespmem:$0x18100] =	vst v63  }
0x114: {  	v3 =	vld [tilespmem:$0xB0];
	_ =	sdelay $0x4  }
0x115: {  	v63 =	vshll.u32 v3, $0x3  }
0x116: {  	v3 =	vand.u32 $0x7, v3;
	v4 =	vand.u32 $0xFFFFFFC0, v63  }
0x117: {  	v3 =	vor.u32 v3, v4  }
0x118: {  	v4 =	vperm.xlane v3, v0;
	_ =	sdelay $0x1  }
0x119: {  	v4 =	vadd.s32 v1, v4;
	_ =	sdelay $0x3  }
0x11a: {  	s17 =	simm.s32 $0x14100  }
0x11b: {  	[tilespmem:s17], [sflag:$0x2] =	stream.indirect_vreg.gather [hbm4b:s1+s3], $0x80, v4, vm0, $0xb8;
	[tilespmem:$0x18100] =	vst v63  }
0x11c: {  	v3 =	vperm.xlane v3, v2;
	s17 =	simm.s32 $0x14900  }
0x11d: {  	[tilespmem:s17], [sflag:$0x2] =	stream.indirect_vreg.gather [hbm4b:s5+s3], $0x80, v4, vm0, $0xb8;
	[tilespmem:$0x18100] =	vst v63  }
0x11e: {  	v3 =	vadd.s32 v1, v3;
	s17 =	simm.s32 $0x15100  }
0x11f: {  	[tilespmem:s17], [sflag:$0x2] =	stream.indirect_vreg.gather [hbm4b:s6+s3], $0x80, v4, vm0, $0xb8;
	[tilespmem:$0x18100] =	vst v63  }
0x120: {  	s17 =	simm.s32 $0x15900  }
0x121: {  	[tilespmem:s17], [sflag:$0x2] =	stream.indirect_vreg.gather [hbm4b:s7+s3], $0x80, v4, vm0, $0xb8;
	[tilespmem:$0x18100] =	vst v63  }
0x122: {  	s17 =	simm.s32 $0x16100  }
0x123: {  	[tilespmem:s17], [sflag:$0x2] =	stream.indirect_vreg.gather [hbm4b:s1+s3], $0x80, v3, vm0, $0xb8;
	[tilespmem:$0x18100] =	vst v63  }
0x124: {  	s17 =	simm.s32 $0x16900  }
0x125: {  	[tilespmem:s17], [sflag:$0x2] =	stream.indirect_vreg.gather [hbm4b:s5+s3], $0x80, v3, vm0, $0xb8;
	[tilespmem:$0x18100] =	vst v63  }
0x126: {  	s17 =	simm.s32 $0x17100  }
0x127: {  	[tilespmem:s17], [sflag:$0x2] =	stream.indirect_vreg.gather [hbm4b:s6+s3], $0x80, v3, vm0, $0xb8;
	[tilespmem:$0x18100] =	vst v63  }
0x128: {  	s17 =	simm.s32 $0x17900  }
0x129: {  	[tilespmem:s17], [sflag:$0x2] =	stream.indirect_vreg.gather [hbm4b:s7+s3], $0x80, v3, vm0, $0xb8;
	[tilespmem:$0x18100] =	vst v63  }
0x12a: {  	_ =	swait.ge [sflag:s0], $0xC000  }
0x12b: {  	[sflag:s0] =	ssyncset.done $0x0  }
0x12c: {  	s8 =	simm.s32 $0x100;
	s17 =	rddreg [dreg:$0x6];
	[sflag:s0] =	ssyncadd.s32 $0xFFFF4000  }
0x12d: {  	[hbm4b:s17+s3] =	stream.linear.scatter [tilespmem:s8], [sflag:$0x3], $0xC000, $0x38;
	[tilespmem:$0x18100] =	vst v63  }
0x12e: {  	_ =	swait.ge [sflag:s4], $0xC000  }
0x12f: {  	[sflag:s4] =	ssyncset.done $0x0  }
0x130: {  	s8 =	rddreg [dreg:$0x7];
	[sflag:s4] =	ssyncadd.s32 $0xFFFF4000  }
0x131: {  	[hbm4b:s8+s3] =	stream.linear.scatter [tilespmem:s16], [sflag:$0x4], $0xC000, $0x38;
	[tilespmem:$0x18100] =	vst v63  }
0x132: {  	p0 =	sne.s32 s10, $0x1;
	_ =	swait.ge [sflag:s2], $0xC000  }
.Ltmp0:
0x133: {  	[sflag:s2] =	ssyncset.done $0x0;
	(pc) =	sbr.rel @p0 .LBB2_1-.Ltmp0, $4  }
0x134: {  	[sflag:s2] =	ssyncadd.s32 $0xFFFF4000  }
0x135: {  	_ =	swait.ge [sflag:s9], $0xC000  }
0x136: {  	[sflag:s9] =	ssyncset.done $0x0  }
0x137: {  	s10 =	sadd.s32 $0xFFFFFFFF, s10;
	[sflag:s9] =	ssyncadd.s32 $0xFFFF4000  }
0x138: {  	_ =	sfence.sel $0x180000  }
0x139: {  	[bflag:$0x0] =	sbarrier.arrive $0xFFFF  }
0x13a: {  	_ =	strace $0x9000004A  }
0x13b: {  	s0 =	stileid.u32;
	[bflag:$0x2] =	sbarrier.arrive $0xFFFF  }
0x13c: {  	p0 =	sne.s32 s0, $0x0;
	s0 =	rddreg [dreg:$0x3]  }
0x13d: {  	s0 =	sadd.s32 @!p0 $0x100000, s0  }
0x13e: {  	[sflag:s0] =	ssyncadd.tile.s32 @!p0 $0x1;
	_ =	shalt  }
.Lfunc_end2:
_tile_overlayer_lowered:
.L_overlay_start_2:
0x13f: {  	(tag) =	ssettag $0x2  }
0x140: {  	s0 =	rddreg [dreg:$0x0];
	s2 =	stileid.u32  }
0x141: {  	s1 =	rddreg [dreg:$0x1];
	p0 =	sne.s32 s2, $0x0  }
0x142: {  	s3 =	rddreg [dreg:$0x2];
	[bflag:$0x3] =	sbarrier.arrive $0xFFFF;
	s2 =	simm.s32 @!p0 $0x1C05  }
0x143: {  	[timem:s3], [sflag:s2] =	dma.local @!p0 [hbm:s0], s1  }
0x144: {  	s0 =	simm.s32 @!p0 $0x5  }
0x145: {  	_ =	swait.ge @!p0 [sflag:s0], s1  }
0x146: {  	s1 =	ssub.s32 @!p0 $0x0, s1;
	[sflag:s0] =	ssyncset.done @!p0 $0x0  }
0x147: {  	[sflag:s0] =	ssyncadd.s32 @!p0 s1  }
0x148: {  	[bflag:$0x3] =	sbarrier.arrive $0xFFFF  }
0x149: {  	_ =	shalt  }

// kernel: kernel.13.cloned.1.call-start
scs
__scs_entry_jumppad:
0x0: {  	(pc) =	sbr.rel $0x88, $3  }
0x1: {  	(tag) =	ssettag $0x0;
	lr =	simm.s32 $0x1  }
0x2: {  	[smem:$0x3F9C] =	sst lr;
	_ =	strace $0xD0000000  }
0x3: {  	_ = 	snop  }
0x4: {  	_ = 	snop  }
0x5: {  	_ = 	snop  }
0x6: {  	_ = 	snop  }
0x7: {  	_ = 	snop  }
__scs_overlays_trampoline_lowered:
0x8: {  	[smem:$0x3FAB] =	sst s0  }
0x9: {  	[smem:$0x3FAC] =	sst s1  }
0xa: {  	[smem:$0x3FAD] =	sst s2  }
0xb: {  	[smem:$0x3FAE] =	sst s3  }
0xc: {  	[smem:$0x3FAF] =	sst s4  }
0xd: {  	[smem:$0x3FB0] =	sst s5  }
0xe: {  	[smem:$0x3FB1] =	sst s6  }
0xf: {  	[smem:$0x3FB2] =	sst s7  }
0x10: {  	[smem:$0x3FB3] =	sst s8  }
0x11: {  	[smem:$0x3FB4] =	sst s9;
	s0 =	simm.s32 @!p0 $0x0  }
0x12: {  	s1 =	sld [smem:$0x3F9A];
	s0 =	simm.s32 @p0 $0x1  }
0x13: {  	[smem:$0x3FB5] =	sst s0;
	s0 =	simm.s32 @!p1 $0x0  }
0x14: {  	s2 =	sld [smem:$0x3F99];
	s0 =	simm.s32 @p1 $0x1  }
0x15: {  	[smem:$0x3FB6] =	sst s0;
	s0 =	simm.s32 @!p2 $0x0  }
0x16: {  	s3 =	sld [smem:$0x3FDB];
	s0 =	simm.s32 @p2 $0x1  }
0x17: {  	s4 =	simm.s32 $0x1BF5;
	[smem:$0x3FB8] =	sst s0  }
0x18: {  	s0 =	sld [smem:$0x3F9B];
	_ =	swait.ge [sflag:s4], $0x0  }
0x19: {  	s7 =	sld [smem:$0x3F9C]  }
0x1a: {  	s8 =	sadd.s32 $0xFFFFE003, lr  }
0x1b: {  	s9 =	sadd.s32 $0xFFFFFEF7, lr;
	s5 =	simm.s32 $0xFFFFFFFF;
	p2 =	slt.u32 s8, $0xFFFFF086  }
0x1c: {  	p1 =	slt.u32 s9, $0xF7A;
	s5 =	simm.s32 @!p2 $0x0  }
0x1d: {  	s5 =	simm.s32 @p1 $0x1;
	p0 =	seq.s32 s7, s2  }
0x1e: {  	s7 =	smul.u32 @!p0 $0xF7A, s2;
	p2 =	seq.s32 @!p0 s5, $0x0  }
0x1f: {  	s9 =	smul.u32 $0xF7A, s1;
	s8 =	simm.s32 @!p0 $0x1BF5;
	p2 =	por !p2, p0  }
0x20: {  	[sflag:s8] =	ssyncset.s32 @!p0 $0xFFFFF086;
	s6 =	sadd.s32 @!p0 s3, s7;
	s7 =	simm.s32 @!p0 $0x108  }
0x21: {  	s3 =	sadd.s32 s3, s9;
	s6 =	sadd.s32 @!p0 $0x88, s6;
	s7 =	simm.s32 @p2 $0x1082  }
0x22: {  	[simem:s7], [sflag:s8] =	dma.local @!p0 [hbm:s6], $0xF7A  }
0x23: {  	s9 =	sor.u32 $0xD0000000, s2;
	s6 =	simm.s32 $0x108;
	_ =	swait.ge @!p0 [sflag:s8], $0x0  }
0x24: {  	s3 =	sadd.s32 $0x88, s3;
	s6 =	simm.s32 @!p1 $0x1082;
	[sflag:s4] =	ssyncset.s32 $0xFFFFF086  }
0x25: {  	[simem:s6], [sflag:s4] =	dma.local [hbm:s3], $0xF7A  }
0x26: {  	[smem:$0x3F9C] =	sst s1;
	(tag) =	ssettag s2;
	_ =	strace s9  }
0x27: {  	s1 =	sld [smem:$0x3FAC]  }
0x28: {  	s2 =	sld [smem:$0x3FAD]  }
0x29: {  	s4 =	sld [smem:$0x3FAF]  }
0x2a: {  	p0 =	seq.s32 s5, $0x0;
	s5 =	sld [smem:$0x3FB0]  }
0x2b: {  	s6 =	sld [smem:$0x3FB1]  }
0x2c: {  	s7 =	sld [smem:$0x3FB2]  }
0x2d: {  	s3 =	simm.s32 $0x108;
	s8 =	sld [smem:$0x3FB3]  }
0x2e: {  	s3 =	simm.s32 @!p0 $0x1082;
	s9 =	sld [smem:$0x3FB4]  }
0x2f: {  	lr =	sadd.s32 s0, s3;
	s0 =	sld [smem:$0x3FAB]  }
0x30: {  	s3 =	sld [smem:$0x3FAE]  }
0x31: {  	[smem:$0x3FB7] =	sst s10  }
0x32: {  	s10 =	sld [smem:$0x3FB5];
	_ =	sdelay $0x3  }
0x33: {  	p0 =	seq.s32 s10, $0x1;
	s10 =	sld [smem:$0x3FB7];
	_ =	sdelay $0x3  }
0x34: {  	[smem:$0x3FB7] =	sst s10  }
0x35: {  	s10 =	sld [smem:$0x3FB6];
	_ =	sdelay $0x3  }
0x36: {  	p1 =	seq.s32 s10, $0x1;
	s10 =	sld [smem:$0x3FB7];
	_ =	sdelay $0x3  }
0x37: {  	[smem:$0x3FB7] =	sst s10  }
0x38: {  	s10 =	sld [smem:$0x3FB8]  }
0x39: {  	_ = 	snop;
	(pc) =	sbr.ind lr, $3  }
0x3a: {  	_ = 	snop  }
0x3b: {  	_ = 	snop  }
0x3c: {  	p2 =	seq.s32 s10, $0x1;
	s10 =	sld [smem:$0x3FB7]  }
0x3d: {  	_ =	shalt  }
0x3e: {  	_ =	shalt  }
0x3f: {  	_ =	shalt  }
0x40: {  	_ =	shalt  }
0x41: {  	_ =	shalt  }
0x42: {  	_ =	shalt  }
0x43: {  	_ =	shalt  }
0x44: {  	_ =	shalt  }
0x45: {  	_ =	shalt  }
0x46: {  	_ =	shalt  }
0x47: {  	_ =	shalt  }
0x48: {  	_ =	shalt  }
0x49: {  	_ =	shalt  }
0x4a: {  	_ =	shalt  }
0x4b: {  	_ =	shalt  }
0x4c: {  	_ =	shalt  }
0x4d: {  	_ =	shalt  }
0x4e: {  	_ =	shalt  }
0x4f: {  	_ =	shalt  }
0x50: {  	_ =	shalt  }
0x51: {  	_ =	shalt  }
0x52: {  	_ =	shalt  }
0x53: {  	_ =	shalt  }
0x54: {  	_ =	shalt  }
0x55: {  	_ =	shalt  }
0x56: {  	_ =	shalt  }
0x57: {  	_ =	shalt  }
0x58: {  	_ =	shalt  }
0x59: {  	_ =	shalt  }
0x5a: {  	_ =	shalt  }
0x5b: {  	_ =	shalt  }
0x5c: {  	_ =	shalt  }
0x5d: {  	_ =	shalt  }
0x5e: {  	_ =	shalt  }
0x5f: {  	_ =	shalt  }
0x60: {  	_ =	shalt  }
0x61: {  	_ =	shalt  }
0x62: {  	_ =	shalt  }
0x63: {  	_ =	shalt  }
0x64: {  	_ =	shalt  }
0x65: {  	_ =	shalt  }
0x66: {  	_ =	shalt  }
0x67: {  	_ =	shalt  }
0x68: {  	_ =	shalt  }
0x69: {  	_ =	shalt  }
0x6a: {  	_ =	shalt  }
0x6b: {  	_ =	shalt  }
0x6c: {  	_ =	shalt  }
0x6d: {  	_ =	shalt  }
0x6e: {  	_ =	shalt  }
0x6f: {  	_ =	shalt  }
0x70: {  	_ =	shalt  }
0x71: {  	_ =	shalt  }
0x72: {  	_ =	shalt  }
0x73: {  	_ =	shalt  }
0x74: {  	_ =	shalt  }
0x75: {  	_ =	shalt  }
0x76: {  	_ =	shalt  }
0x77: {  	_ =	shalt  }
0x78: {  	_ =	shalt  }
0x79: {  	_ =	shalt  }
0x7a: {  	_ =	shalt  }
0x7b: {  	_ =	shalt  }
0x7c: {  	_ =	shalt  }
0x7d: {  	_ =	shalt  }
0x7e: {  	_ =	shalt  }
0x7f: {  	_ =	shalt  }
0x80: {  	_ =	shalt  }
0x81: {  	_ =	shalt  }
0x82: {  	_ =	shalt  }
0x83: {  	_ =	shalt  }
0x84: {  	_ =	shalt  }
0x85: {  	_ =	shalt  }
0x86: {  	_ =	shalt  }
0x87: {  	_ =	shalt  }
.Lfunc_end0:
.L_simem_size_0:
called_computation.2_lowered:
.L_overlay_start_0:
0x88: {  	s2 =	sld [smem:$0x3FD9]  }
0x89: {  	s3 =	sld [smem:$0x3FFE];
	_ =	sdelay $0x1  }
0x8a: {  	s1 =	srdreg.scid  }
0x8b: {  	s0 =	sand.u32 $0x1, s1  }
0x8c: {  	s14 =	sshll.u32 s0, $0xA;
	s2 =	sadd.s32 s3, s2  }
0x8d: {  	s2 =	sadd.s32 s2, s14  }
0x8e: {  	[smem:$0x3FC3] =	sst s2  }
0x8f: {  	_ = 	snop  }
0x90: {  	s2 =	sld [smem:$0x3FD0];
	_ =	sdelay $0x2  }
0x91: {  	s15 =	simm.s32 $0xA;
	s4 =	simm.s32 $0x10  }
0x92: {  	[smem:s4], [sflag:s15] =	dma.local [hbm:s2], $0x1  }
0x93: {  	_ =	swait.eq [sflag:s15], $0x1  }
0x94: {  	[sflag:s15] =	ssyncset.done $0x0  }
0x95: {  	[sflag:s15] =	ssyncadd.s32 $0xFFFFFFFF  }
0x96: {  	s16 =	sld [smem:$0x10];
	(tm) =	ssettm $0x1  }
0x97: {  	s17 =	sld [smem:$0x3FFB];
	_ =	sdelay $0x3  }
0x98: {  	_ =	strace s17  }
0x99: {  	s3 =	sld [smem:$0x3FFC];
	_ =	sdelay $0x3  }
0x9a: {  	_ =	strace s3  }
0x9b: {  	s3 =	sld [smem:$0x3FFD];
	_ =	sdelay $0x3  }
0x9c: {  	_ =	strace s3  }
0x9d: {  	_ =	strace $0x8FFFFFFF  }
0x9e: {  	s18 =	sld [smem:$0x3FDB];
	_ =	sdelay $0x1  }
0x9f: {  	s19 =	simm.s32 $_scs_section_size  }
0xa0: {  	s5 =	simm.s32 $_size__tile_overlayer_lowered;
	s6 =	simm.s32 $_tile_overlayer_lowered  }
0xa1: {  	s22 =	simm.s32 $0x1BFF;
	s21 =	sshll.u32 s6, $0x1;
	s3 =	sadd.s32 s19, s18  }
0xa2: {  	s7 =	simm.s32 $0x0;
	s20 =	sshll.u32 s5, $0x1;
	s5 =	sadd.s32 s21, s3  }
0xa3: {  	[timem:s7], [sflag:s22] =	dma.local [hbm:s5], s20  }
0xa4: {  	_ =	swait.ge [sflag:s22], s20  }
0xa5: {  	s4 =	ssub.s32 $0x0, s20;
	[sflag:s22] =	ssyncset.done $0x0  }
0xa6: {  	[sflag:s22] =	ssyncadd.s32 s4;
	_ =	sdelay $0x1  }
0xa7: {  	s23 =	simm.s32 $0x1B8B  }
0xa8: {  	_ =	swait.ge [sflag:s23], $0x1  }
0xa9: {  	[sflag:s23] =	ssyncset.done $0x0  }
0xaa: {  	s25 =	simm.s32 $0x1B8E;
	s24 =	sld [smem:$0x3FFE];
	[sflag:s23] =	ssyncadd.s32 $0xFFFFFFFF  }
0xab: {  	s26 =	simm.s32 $execute0_lowered;
	[smem:$0x3FD2] =	sst s25  }
0xac: {  	s5 =	sshll.u32 s26, $0x1;
	_ =	strace $0x8000004C;
	[dreg:$0x1] =	wrdreg $0xFFFFFFFF  }
0xad: {  	s28 =	simm.s32 $_size_execute0_lowered;
	s3 =	sadd.s32 s3, s5;
	[dreg:$0x0] =	wrdreg $0x0  }
0xae: {  	s5 =	sshll.u32 s28, $0x1;
	[dreg:$0x2] =	wrdreg s3  }
0xaf: {  	[dreg:$0x3] =	wrdreg s5  }
0xb0: {  	[dreg:$0x4] =	wrdreg $0xC0  }
0xb1: {  	_ =	task [dreg:s7], $0x5FFFF  }
0xb2: {  	[dreg:$0x1] =	wrdreg $0xFFFFFFFF  }
0xb3: {  	[dreg:$0x0] =	wrdreg $0x60  }
0xb4: {  	[dreg:$0x2] =	wrdreg s24  }
0xb5: {  	[dreg:$0x3] =	wrdreg s16  }
0xb6: {  	[dreg:$0x4] =	wrdreg $0x9  }
0xb7: {  	_ =	task.clear_ibuf [dreg:s7], $0x5FFFF;
	_ =	strace $0x9000004C  }
0xb8: {  	s29 =	simm.s32 $0x9;
	_ =	strace $0x8000004E  }
0xb9: {  	_ =	swait.ge [sflag:s29], $0x1  }
0xba: {  	[sflag:s29] =	ssyncadd.s32 $0xFFFFFFFF  }
0xbb: {  	_ =	strace $0x9000004E  }
0xbc: {  	_ =	sfence  }
0xbd: {  	s30 =	sld [smem:$0x0];
	_ =	sdelay $0x2  }
0xbe: {  	s31 =	sshll.u32 s1, $0xD;
	s1 =	sshrl.u32 s1, $0x2  }
0xbf: {  	s3 =	sand.u32 $0x4000, s31;
	s1 =	sadd.s32 s1, s30  }
0xc0: {  	s0 =	sor.u32 s3, s0;
	s1 =	sshll.u32 s1, $0x11  }
0xc1: {  	s0 =	sor.u32 s1, s0  }
0xc2: {  	s0 =	sadd.s32 $0x8F2B, s0  }
0xc3: {  	[sflag:s0] =	ssyncadd.remote.s32 $0x1  }
0xc4: {  	_ =	sfence.sel $0xFFFF  }
0xc5: {  	[dreg:$0x0] =	wrdreg $0xFFFFFFFF;
	(pc) =	sbr.abs _section_cstart, $3  }
0xc6: {  	[dreg:$0x1] =	wrdreg $0xFFFFFFFF  }
0xc7: {  	_ =	task.clear_ibuf [dreg:s7], $0x2FFFF;
	_ =	strace $0x9FFFFFFF  }
0xc8: {  	(tm) =	ssettm $0x7FFFFFFF  }
0xc9: {  	_ =	shalt  }
tec
execute0_lowered:
.L_overlay_start_1:
0x0: {  	(tag) =	ssettag $0x1  }
0x1: {  	s0 =	rddreg [dreg:$0x0]  }
0x2: {  	s1 =	rddreg [dreg:$0x1];
	s3 =	srdreg.scid;
	s2 =	simm.s32 $0x0  }
0x3: {  	s4 =	stileid.u32;
	s29 =	simm.s32 $0xD100;
	s30 =	simm.s32 $0xD900  }
0x4: {  	s31 =	simm.s32 $0xE900;
	s3 =	sand.u32 $0x1, s3;
	[smem:$0x7FF] =	sst s2  }
0x5: {  	s4 =	sshll.u32 s4, $0x7;
	s9 =	sadd.s32 $0x9000, s0;
	s8 =	sadd.s32 $0xC9500, s0  }
0x6: {  	s5 =	sshll.u32 s3, $0x6;
	_ =	strace $0x8000004D;
	s6 =	ssub.s32 $0x2, s3  }
0x7: {  	s3 =	sadd.s32 $0xC9200, s0;
	s5 =	sor.u32 s5, s4;
	s7 =	sshrl.u32 s6, $0x1  }
0x8: {  	s4 =	sshrl.u32 s5, $0x3;
	s10 =	ssub.s32 s6, s7;
	s11 =	sor.u32 $0x10, s5  }
0x9: {  	s19 =	sor.u32 $0x20, s5;
	s13 =	sor.u32 $0x30, s5;
	s5 =	sshll.u32 s5, $0x7  }
0xa: {  	s6 =	sadd.s32 $0xC9300, s0;
	s7 =	sadd.s32 $0xC9400, s0;
	s5 =	sadd.s32 s1, s5  }
0xb: {  	s4 =	sadd.s32 s9, s4;
	s28 =	smax.u32 s10, $0x1;
	[dreg:$0x8] =	wrdreg s5  }
0xc: {  	s12 =	sshrl.u32 s11, $0x3;
	s17 =	sadd.s32 $0x100, s4;
	[dreg:$0xe] =	wrdreg s28  }
0xd: {  	s21 =	sshrl.u32 s19, $0x3;
	s18 =	sadd.s32 s9, s12;
	[dreg:$0x3] =	wrdreg s17  }
0xe: {  	s22 =	sshrl.u32 s13, $0x3;
	s20 =	sadd.s32 $0x102, s4;
	[dreg:$0x4] =	wrdreg s18  }
0xf: {  	s25 =	sshll.u32 s11, $0x7;
	s12 =	sadd.s32 s9, s21;
	[dreg:$0x5] =	wrdreg s20  }
0x10: {  	s0 =	sshll.u32 s19, $0x7;
	s14 =	sadd.s32 $0x104, s4;
	[dreg:$0x6] =	wrdreg s12  }
0x11: {  	s26 =	sshll.u32 s13, $0x7;
	s23 =	sadd.s32 s9, s22;
	[dreg:$0x7] =	wrdreg s14  }
0x12: {  	s19 =	simm.s32 $0xF100;
	s24 =	sadd.s32 $0x106, s4;
	[dreg:$0x9] =	wrdreg s23  }
0x13: {  	s10 =	simm.s32 $0x0;
	s5 =	sadd.s32 s1, s25;
	[dreg:$0xa] =	wrdreg s24  }
0x14: {  	s0 =	sadd.s32 s1, s0;
	s9 =	simm.s32 $0x2;
	[dreg:$0xb] =	wrdreg s5  }
0x15: {  	v2 =	vlaneseq.u32;
	[dreg:$0xc] =	wrdreg s0;
	s0 =	sadd.s32 s1, s26;
	s20 =	simm.s32 $0x3  }
0x16: {  	vm0 =	vmmov $0xffff;
	v1 =	vshrl.u32 v2, $0x3;
	s17 =	simm.s32 $0x10;
	s18 =	simm.s32 $0xE100;
	s1 =	simm.s32 $0x1  }
0x17: {  	v0 =	vand.u32 $0x7, v2;
	v2 =	vor.u32 $0x8, v2;
	v1 =	vmul.u32 $0x8, v1;
	s5 =	simm.s32 $0x10100;
	[dreg:$0xd] =	wrdreg s0;
	s0 =	simm.s32 $0xF900  }
.LBB2_1:
0x18: {  	[tilespmem:s2], [sflag:$0x3] =	stream.linear.gather [hbm4b:s4+s2], $0x10, $0x38;
	[tilespmem:$0x14100] =	vst v63  }
0x19: {  	_ =	swait.ge [sflag:s20], $0x10  }
0x1a: {  	[sflag:s20] =	ssyncset.done $0x0  }
0x1b: {  	s11 =	rddreg [dreg:$0x3];
	[sflag:s20] =	ssyncadd.s32 $0xFFFFFFF0  }
0x1c: {  	[tilespmem:s17], [sflag:$0x3] =	stream.linear.gather [hbm4b:s11+s2], $0x10, $0x38;
	[tilespmem:$0x14100] =	vst v63  }
0x1d: {  	_ =	swait.ge [sflag:s20], $0x10  }
0x1e: {  	[sflag:s20] =	ssyncset.done $0x0  }
0x1f: {  	[sflag:s20] =	ssyncadd.s32 $0xFFFFFFF0  }
0x20: {  	v3 =	vld [tilespmem:$0x0];
	_ =	sdelay $0x4  }
0x21: {  	v4 =	vshll.u32 v3, $0x3  }
0x22: {  	v3 =	vand.u32 $0x7, v3;
	v4 =	vand.u32 $0xFFFFFFC0, v4  }
0x23: {  	v3 =	vor.u32 v3, v4  }
0x24: {  	v4 =	vperm.xlane v3, v0;
	_ =	sdelay $0x1  }
0x25: {  	v4 =	vadd.s32 v1, v4;
	_ =	sdelay $0x3  }
0x26: {  	s23 =	simm.s32 $0x100  }
0x27: {  	[tilespmem:s23], [sflag:$0x1] =	stream.indirect_vreg.gather [hbm4b:s3+s2], $0x80, v4, vm0, $0xb8;
	[tilespmem:$0x14100] =	vst v63  }
0x28: {  	s24 =	simm.s32 $0x900;
	v3 =	vperm.xlane v3, v2  }
0x29: {  	[tilespmem:s24], [sflag:$0x1] =	stream.indirect_vreg.gather [hbm4b:s6+s2], $0x80, v4, vm0, $0xb8;
	[tilespmem:$0x14100] =	vst v63  }
0x2a: {  	s25 =	simm.s32 $0x1100;
	v3 =	vadd.s32 v1, v3  }
0x2b: {  	[tilespmem:s25], [sflag:$0x1] =	stream.indirect_vreg.gather [hbm4b:s7+s2], $0x80, v4, vm0, $0xb8;
	[tilespmem:$0x14100] =	vst v63  }
0x2c: {  	s26 =	simm.s32 $0x1900  }
0x2d: {  	[tilespmem:s26], [sflag:$0x1] =	stream.indirect_vreg.gather [hbm4b:s8+s2], $0x80, v4, vm0, $0xb8;
	[tilespmem:$0x14100] =	vst v63  }
0x2e: {  	s28 =	simm.s32 $0x2100  }
0x2f: {  	[tilespmem:s28], [sflag:$0x1] =	stream.indirect_vreg.gather [hbm4b:s3+s2], $0x80, v3, vm0, $0xb8;
	[tilespmem:$0x14100] =	vst v63  }
0x30: {  	s12 =	simm.s32 $0x2900  }
0x31: {  	[tilespmem:s12], [sflag:$0x1] =	stream.indirect_vreg.gather [hbm4b:s6+s2], $0x80, v3, vm0, $0xb8;
	[tilespmem:$0x14100] =	vst v63  }
0x32: {  	s13 =	simm.s32 $0x3100  }
0x33: {  	[tilespmem:s13], [sflag:$0x1] =	stream.indirect_vreg.gather [hbm4b:s7+s2], $0x80, v3, vm0, $0xb8;
	[tilespmem:$0x14100] =	vst v63  }
0x34: {  	s14 =	simm.s32 $0x3900  }
0x35: {  	[tilespmem:s14], [sflag:$0x1] =	stream.indirect_vreg.gather [hbm4b:s8+s2], $0x80, v3, vm0, $0xb8;
	[tilespmem:$0x14100] =	vst v63  }
0x36: {  	v3 =	vld [tilespmem:$0x10];
	_ =	sdelay $0x4  }
0x37: {  	v61 =	vshll.u32 v3, $0x3  }
0x38: {  	v3 =	vand.u32 $0x7, v3;
	v4 =	vand.u32 $0xFFFFFFC0, v61  }
0x39: {  	v3 =	vor.u32 v3, v4  }
0x3a: {  	v4 =	vperm.xlane v3, v0;
	_ =	sdelay $0x1  }
0x3b: {  	v4 =	vadd.s32 v1, v4;
	_ =	sdelay $0x3  }
0x3c: {  	s15 =	simm.s32 $0x4100  }
0x3d: {  	[tilespmem:s15], [sflag:$0x1] =	stream.indirect_vreg.gather [hbm4b:s3+s2], $0x80, v4, vm0, $0xb8;
	[tilespmem:$0x14100] =	vst v63  }
0x3e: {  	s16 =	simm.s32 $0x4900;
	v3 =	vperm.xlane v3, v2  }
0x3f: {  	[tilespmem:s16], [sflag:$0x1] =	stream.indirect_vreg.gather [hbm4b:s6+s2], $0x80, v4, vm0, $0xb8;
	[tilespmem:$0x14100] =	vst v63  }
0x40: {  	s21 =	simm.s32 $0x5100;
	v3 =	vadd.s32 v1, v3  }
0x41: {  	[tilespmem:s21], [sflag:$0x1] =	stream.indirect_vreg.gather [hbm4b:s7+s2], $0x80, v4, vm0, $0xb8;
	[tilespmem:$0x14100] =	vst v63  }
0x42: {  	s22 =	simm.s32 $0x5900  }
0x43: {  	[tilespmem:s22], [sflag:$0x1] =	stream.indirect_vreg.gather [hbm4b:s8+s2], $0x80, v4, vm0, $0xb8;
	[tilespmem:$0x14100] =	vst v63  }
0x44: {  	s23 =	simm.s32 $0x6100  }
0x45: {  	[tilespmem:s23], [sflag:$0x1] =	stream.indirect_vreg.gather [hbm4b:s3+s2], $0x80, v3, vm0, $0xb8;
	[tilespmem:$0x14100] =	vst v63  }
0x46: {  	s24 =	simm.s32 $0x6900  }
0x47: {  	[tilespmem:s24], [sflag:$0x1] =	stream.indirect_vreg.gather [hbm4b:s6+s2], $0x80, v3, vm0, $0xb8;
	[tilespmem:$0x14100] =	vst v63  }
0x48: {  	s25 =	simm.s32 $0x7100  }
0x49: {  	[tilespmem:s25], [sflag:$0x1] =	stream.indirect_vreg.gather [hbm4b:s7+s2], $0x80, v3, vm0, $0xb8;
	[tilespmem:$0x14100] =	vst v63  }
0x4a: {  	s26 =	simm.s32 $0x7900  }
0x4b: {  	[tilespmem:s26], [sflag:$0x1] =	stream.indirect_vreg.gather [hbm4b:s8+s2], $0x80, v3, vm0, $0xb8;
	[tilespmem:$0x14100] =	vst v63  }
0x4c: {  	s28 =	rddreg [dreg:$0x4];
	s12 =	simm.s32 $0x80  }
0x4d: {  	[tilespmem:s12], [sflag:$0x3] =	stream.linear.gather [hbm4b:s28+s2], $0x10, $0x38;
	[tilespmem:$0x14100] =	vst v63  }
0x4e: {  	_ =	swait.ge [sflag:s20], $0x10  }
0x4f: {  	[sflag:s20] =	ssyncset.done $0x0  }
0x50: {  	s13 =	simm.s32 $0x90;
	s12 =	rddreg [dreg:$0x5];
	[sflag:s20] =	ssyncadd.s32 $0xFFFFFFF0  }
0x51: {  	[tilespmem:s13], [sflag:$0x3] =	stream.linear.gather [hbm4b:s12+s2], $0x10, $0x38;
	[tilespmem:$0x14100] =	vst v63  }
0x52: {  	_ =	swait.ge [sflag:s20], $0x10  }
0x53: {  	[sflag:s20] =	ssyncset.done $0x0  }
0x54: {  	[sflag:s20] =	ssyncadd.s32 $0xFFFFFFF0  }
0x55: {  	v3 =	vld [tilespmem:$0x80];
	_ =	sdelay $0x4  }
0x56: {  	v62 =	vshll.u32 v3, $0x3  }
0x57: {  	v3 =	vand.u32 $0x7, v3;
	v4 =	vand.u32 $0xFFFFFFC0, v62  }
0x58: {  	v3 =	vor.u32 v3, v4  }
0x59: {  	v4 =	vperm.xlane v3, v0;
	_ =	sdelay $0x1  }
0x5a: {  	v4 =	vadd.s32 v1, v4;
	_ =	sdelay $0x3  }
0x5b: {  	s14 =	simm.s32 $0x8100  }
0x5c: {  	[tilespmem:s14], [sflag:$0x2] =	stream.indirect_vreg.gather [hbm4b:s3+s2], $0x80, v4, vm0, $0xb8;
	[tilespmem:$0x14100] =	vst v63  }
0x5d: {  	s15 =	simm.s32 $0x8900;
	v3 =	vperm.xlane v3, v2  }
0x5e: {  	[tilespmem:s15], [sflag:$0x2] =	stream.indirect_vreg.gather [hbm4b:s6+s2], $0x80, v4, vm0, $0xb8;
	[tilespmem:$0x14100] =	vst v63  }
0x5f: {  	s16 =	simm.s32 $0x9100;
	v3 =	vadd.s32 v1, v3  }
0x60: {  	[tilespmem:s16], [sflag:$0x2] =	stream.indirect_vreg.gather [hbm4b:s7+s2], $0x80, v4, vm0, $0xb8;
	[tilespmem:$0x14100] =	vst v63  }
0x61: {  	s21 =	simm.s32 $0x9900  }
0x62: {  	[tilespmem:s21], [sflag:$0x2] =	stream.indirect_vreg.gather [hbm4b:s8+s2], $0x80, v4, vm0, $0xb8;
	[tilespmem:$0x14100] =	vst v63  }
0x63: {  	s22 =	simm.s32 $0xA100  }
0x64: {  	[tilespmem:s22], [sflag:$0x2] =	stream.indirect_vreg.gather [hbm4b:s3+s2], $0x80, v3, vm0, $0xb8;
	[tilespmem:$0x14100] =	vst v63  }
0x65: {  	s23 =	simm.s32 $0xA900  }
0x66: {  	[tilespmem:s23], [sflag:$0x2] =	stream.indirect_vreg.gather [hbm4b:s6+s2], $0x80, v3, vm0, $0xb8;
	[tilespmem:$0x14100] =	vst v63  }
0x67: {  	s24 =	simm.s32 $0xB100  }
0x68: {  	[tilespmem:s24], [sflag:$0x2] =	stream.indirect_vreg.gather [hbm4b:s7+s2], $0x80, v3, vm0, $0xb8;
	[tilespmem:$0x14100] =	vst v63  }
0x69: {  	s25 =	simm.s32 $0xB900  }
0x6a: {  	[tilespmem:s25], [sflag:$0x2] =	stream.indirect_vreg.gather [hbm4b:s8+s2], $0x80, v3, vm0, $0xb8;
	[tilespmem:$0x14100] =	vst v63  }
0x6b: {  	v3 =	vld [tilespmem:$0x90];
	_ =	sdelay $0x4  }
0x6c: {  	v63 =	vshll.u32 v3, $0x3  }
0x6d: {  	v3 =	vand.u32 $0x7, v3;
	v4 =	vand.u32 $0xFFFFFFC0, v63  }
0x6e: {  	v3 =	vor.u32 v3, v4  }
0x6f: {  	v4 =	vperm.xlane v3, v0;
	_ =	sdelay $0x1  }
0x70: {  	v4 =	vadd.s32 v1, v4;
	_ =	sdelay $0x3  }
0x71: {  	s26 =	simm.s32 $0xC100  }
0x72: {  	[tilespmem:s26], [sflag:$0x2] =	stream.indirect_vreg.gather [hbm4b:s3+s2], $0x80, v4, vm0, $0xb8;
	[tilespmem:$0x14100] =	vst v63  }
0x73: {  	s28 =	simm.s32 $0xC900;
	v3 =	vperm.xlane v3, v2  }
0x74: {  	[tilespmem:s28], [sflag:$0x2] =	stream.indirect_vreg.gather [hbm4b:s6+s2], $0x80, v4, vm0, $0xb8;
	[tilespmem:$0x14100] =	vst v63  }
0x75: {  	v3 =	vadd.s32 v1, v3  }
0x76: {  	[tilespmem:s29], [sflag:$0x2] =	stream.indirect_vreg.gather [hbm4b:s7+s2], $0x80, v4, vm0, $0xb8;
	[tilespmem:$0x14100] =	vst v63  }
0x77: {  	_ = 	snop  }
0x78: {  	[tilespmem:s30], [sflag:$0x2] =	stream.indirect_vreg.gather [hbm4b:s8+s2], $0x80, v4, vm0, $0xb8;
	[tilespmem:$0x14100] =	vst v63  }
0x79: {  	_ = 	snop  }
0x7a: {  	[tilespmem:s18], [sflag:$0x2] =	stream.indirect_vreg.gather [hbm4b:s3+s2], $0x80, v3, vm0, $0xb8;
	[tilespmem:$0x14100] =	vst v63  }
0x7b: {  	_ = 	snop  }
0x7c: {  	[tilespmem:s31], [sflag:$0x2] =	stream.indirect_vreg.gather [hbm4b:s6+s2], $0x80, v3, vm0, $0xb8;
	[tilespmem:$0x14100] =	vst v63  }
0x7d: {  	_ = 	snop  }
0x7e: {  	[tilespmem:s19], [sflag:$0x2] =	stream.indirect_vreg.gather [hbm4b:s7+s2], $0x80, v3, vm0, $0xb8;
	[tilespmem:$0x14100] =	vst v63  }
0x7f: {  	_ = 	snop  }
0x80: {  	[tilespmem:s0], [sflag:$0x2] =	stream.indirect_vreg.gather [hbm4b:s8+s2], $0x80, v3, vm0, $0xb8;
	[tilespmem:$0x14100] =	vst v63  }
0x81: {  	_ =	swait.ge [sflag:s1], $0x8000  }
0x82: {  	[sflag:s1] =	ssyncset.done $0x0  }
0x83: {  	s11 =	simm.s32 $0x0;
	[sflag:s1] =	ssyncadd.s32 $0xFFFF8000  }
.LBB2_2:
0x84: {  	s12 =	sshll.u32 s11, $0xA;
	s13 =	sshll.u32 s11, $0x7  }
0x85: {  	s14 =	sand.u32 $0x2000, s12;
	s13 =	sand.u32 $0x380, s13;
	s12 =	simm.s32 $0x0  }
0x86: {  	s21 =	sor.u32 s14, s13;
	s26 =	sand.u32 $0x1C00, s12  }
0x87: {  	s22 =	sand.u32 $0x40, s12;
	s13 =	sadd.s32 $0x4100, s21;
	s23 =	sor.u32 s26, s21  }
0x88: {  	s15 =	sadd.s32 s26, s13;
	s28 =	sor.u32 s22, s23  }
0x89: {  	s24 =	sadd.s32 s22, s15;
	v3 =	vld [tilespmem:s28+$0x100]  }
0x8a: {  	v4 =	vld [tilespmem:s24+$0x0];
	_ =	sdelay $0x4  }
0x8b: {  	v3 =	vadd.f32 v4, v3  }
0x8c: {  	s16 =	sor.u32 $0x10, s22  }
0x8d: {  	s25 =	sor.u32 s16, s23;
	[tilespmem:s28+$0x10100] =	vst v3  }
0x8e: {  	s24 =	sadd.s32 s16, s15;
	v3 =	vld [tilespmem:s25+$0x100]  }
0x8f: {  	v4 =	vld [tilespmem:s24+$0x0];
	_ =	sdelay $0x4  }
0x90: {  	v3 =	vadd.f32 v4, v3  }
0x91: {  	s26 =	sor.u32 $0x20, s22  }
0x92: {  	s28 =	sor.u32 s26, s23;
	[tilespmem:s25+$0x10100] =	vst v3  }
0x93: {  	s24 =	sadd.s32 s26, s15;
	v3 =	vld [tilespmem:s28+$0x100]  }
0x94: {  	v4 =	vld [tilespmem:s24+$0x0];
	_ =	sdelay $0x4  }
0x95: {  	v3 =	vadd.f32 v4, v3  }
0x96: {  	s22 =	sor.u32 $0x30, s22  }
0x97: {  	s14 =	sor.u32 s22, s23;
	[tilespmem:s28+$0x10100] =	vst v3  }
0x98: {  	s15 =	sadd.s32 s22, s15;
	v3 =	vld [tilespmem:s14+$0x100]  }
0x99: {  	s22 =	simm.s32 $0x40;
	v4 =	vld [tilespmem:s15+$0x0]  }
.LBB2_3:
0x9a: {  	_ = 	snop  }
0x9b: {  	p0 =	sne.s32 s22, $0x3C0  }
0x9c: {  	s12 =	sadd.s32 $0x200, s12;
	s15 =	smov.u32 s22;
	s22 =	sadd.s32 $0x40, s22  }
0x9d: {  	_ = 	snop  }
0x9e: {  	s23 =	sand.u32 $0x1C00, s12;
	v3 =	vadd.f32 v4, v3  }
0x9f: {  	s15 =	sand.u32 $0x40, s15;
	s24 =	sor.u32 s23, s21;
	s23 =	sadd.s32 s23, s13  }
0xa0: {  	s16 =	sor.u32 $0x20, s15;
	s25 =	sor.u32 s15, s24;
	s26 =	sadd.s32 s15, s23;
	[tilespmem:s14+$0x10100] =	vst v3  }
0xa1: {  	s28 =	sor.u32 $0x30, s15;
	s14 =	sadd.s32 s16, s23;
	v3 =	vld [tilespmem:s25+$0x100]  }
0xa2: {  	v4 =	vld [tilespmem:s26+$0x0];
	s26 =	sadd.s32 s28, s23;
	_ =	sdelay $0x4  }
0xa3: {  	v3 =	vadd.f32 v4, v3  }
0xa4: {  	s15 =	sor.u32 $0x10, s15  }
0xa5: {  	[tilespmem:s25+$0x10100] =	vst v3;
	s25 =	sor.u32 s15, s24;
	s15 =	sadd.s32 s15, s23  }
0xa6: {  	v3 =	vld [tilespmem:s25+$0x100]  }
0xa7: {  	v4 =	vld [tilespmem:s15+$0x0];
	_ =	sdelay $0x4  }
0xa8: {  	v3 =	vadd.f32 v4, v3;
	_ =	sdelay $0x1  }
0xa9: {  	s15 =	sor.u32 s16, s24;
	[tilespmem:s25+$0x10100] =	vst v3  }
0xaa: {  	v3 =	vld [tilespmem:s15+$0x100]  }
0xab: {  	v4 =	vld [tilespmem:s14+$0x0];
	_ =	sdelay $0x4  }
.Ltmp0:
0xac: {  	v3 =	vadd.f32 v4, v3;
	(pc) =	sbr.rel @p0 .LBB2_3-.Ltmp0, $4  }
0xad: {  	_ = 	snop  }
0xae: {  	s14 =	sor.u32 s28, s24;
	[tilespmem:s15+$0x10100] =	vst v3  }
0xaf: {  	v3 =	vld [tilespmem:s14+$0x100]  }
0xb0: {  	v4 =	vld [tilespmem:s26+$0x0]  }
0xb1: {  	s11 =	sadd.s32 $0x1, s11  }
0xb2: {  	p0 =	sne.s32 s11, $0x10  }
.Ltmp1:
0xb3: {  	_ = 	snop;
	(pc) =	sbr.rel @p0 .LBB2_2-.Ltmp1, $3  }
0xb4: {  	_ = 	snop  }
0xb5: {  	v3 =	vadd.f32 v4, v3;
	_ =	sdelay $0x1  }
0xb6: {  	[tilespmem:s14+$0x10100] =	vst v3  }
0xb7: {  	s11 =	simm.s32 $0x0;
	s12 =	rddreg [dreg:$0x6]  }
0xb8: {  	[tilespmem:s11], [sflag:$0x3] =	stream.linear.gather [hbm4b:s12+s11], $0x10, $0x38;
	[tilespmem:$0x14100] =	vst v63  }
0xb9: {  	_ =	swait.ge [sflag:s20], $0x10  }
0xba: {  	[sflag:s20] =	ssyncset.done $0x0  }
0xbb: {  	s22 =	rddreg [dreg:$0x7];
	[sflag:s20] =	ssyncadd.s32 $0xFFFFFFF0  }
0xbc: {  	[tilespmem:s17], [sflag:$0x3] =	stream.linear.gather [hbm4b:s22+s11], $0x10, $0x38;
	[tilespmem:$0x14100] =	vst v63  }
0xbd: {  	_ =	swait.ge [sflag:s20], $0x10  }
0xbe: {  	[sflag:s20] =	ssyncset.done $0x0  }
0xbf: {  	[sflag:s20] =	ssyncadd.s32 $0xFFFFFFF0  }
0xc0: {  	v3 =	vld [tilespmem:$0x0];
	_ =	sdelay $0x4  }
0xc1: {  	v4 =	vshll.u32 v3, $0x3  }
0xc2: {  	v3 =	vand.u32 $0x7, v3;
	v4 =	vand.u32 $0xFFFFFFC0, v4  }
0xc3: {  	v3 =	vor.u32 v3, v4  }
0xc4: {  	v4 =	vperm.xlane v3, v0;
	_ =	sdelay $0x1  }
0xc5: {  	v4 =	vadd.s32 v1, v4;
	_ =	sdelay $0x3  }
0xc6: {  	s23 =	simm.s32 $0x100  }
0xc7: {  	[tilespmem:s23], [sflag:$0x1] =	stream.indirect_vreg.gather [hbm4b:s3+s11], $0x80, v4, vm0, $0xb8;
	[tilespmem:$0x14100] =	vst v63  }
0xc8: {  	s24 =	simm.s32 $0x900;
	v3 =	vperm.xlane v3, v2  }
0xc9: {  	[tilespmem:s24], [sflag:$0x1] =	stream.indirect_vreg.gather [hbm4b:s6+s11], $0x80, v4, vm0, $0xb8;
	[tilespmem:$0x14100] =	vst v63  }
0xca: {  	s25 =	simm.s32 $0x1100;
	v3 =	vadd.s32 v1, v3  }
0xcb: {  	[tilespmem:s25], [sflag:$0x1] =	stream.indirect_vreg.gather [hbm4b:s7+s11], $0x80, v4, vm0, $0xb8;
	[tilespmem:$0x14100] =	vst v63  }
0xcc: {  	s26 =	simm.s32 $0x1900  }
0xcd: {  	[tilespmem:s26], [sflag:$0x1] =	stream.indirect_vreg.gather [hbm4b:s8+s11], $0x80, v4, vm0, $0xb8;
	[tilespmem:$0x14100] =	vst v63  }
0xce: {  	s28 =	simm.s32 $0x2100  }
0xcf: {  	[tilespmem:s28], [sflag:$0x1] =	stream.indirect_vreg.gather [hbm4b:s3+s11], $0x80, v3, vm0, $0xb8;
	[tilespmem:$0x14100] =	vst v63  }
0xd0: {  	s13 =	simm.s32 $0x2900  }
0xd1: {  	[tilespmem:s13], [sflag:$0x1] =	stream.indirect_vreg.gather [hbm4b:s6+s11], $0x80, v3, vm0, $0xb8;
	[tilespmem:$0x14100] =	vst v63  }
0xd2: {  	s14 =	simm.s32 $0x3100  }
0xd3: {  	[tilespmem:s14], [sflag:$0x1] =	stream.indirect_vreg.gather [hbm4b:s7+s11], $0x80, v3, vm0, $0xb8;
	[tilespmem:$0x14100] =	vst v63  }
0xd4: {  	s15 =	simm.s32 $0x3900  }
0xd5: {  	[tilespmem:s15], [sflag:$0x1] =	stream.indirect_vreg.gather [hbm4b:s8+s11], $0x80, v3, vm0, $0xb8;
	[tilespmem:$0x14100] =	vst v63  }
0xd6: {  	v3 =	vld [tilespmem:$0x10];
	_ =	sdelay $0x4  }
0xd7: {  	v63 =	vshll.u32 v3, $0x3  }
0xd8: {  	v3 =	vand.u32 $0x7, v3;
	v4 =	vand.u32 $0xFFFFFFC0, v63  }
0xd9: {  	v3 =	vor.u32 v3, v4  }
0xda: {  	v4 =	vperm.xlane v3, v0;
	_ =	sdelay $0x1  }
0xdb: {  	v4 =	vadd.s32 v1, v4;
	_ =	sdelay $0x3  }
0xdc: {  	s16 =	simm.s32 $0x4100  }
0xdd: {  	[tilespmem:s16], [sflag:$0x1] =	stream.indirect_vreg.gather [hbm4b:s3+s11], $0x80, v4, vm0, $0xb8;
	[tilespmem:$0x14100] =	vst v63  }
0xde: {  	s17 =	simm.s32 $0x4900;
	v3 =	vperm.xlane v3, v2  }
0xdf: {  	[tilespmem:s17], [sflag:$0x1] =	stream.indirect_vreg.gather [hbm4b:s6+s11], $0x80, v4, vm0, $0xb8;
	[tilespmem:$0x14100] =	vst v63  }
0xe0: {  	s21 =	simm.s32 $0x5100;
	v3 =	vadd.s32 v1, v3  }
0xe1: {  	[tilespmem:s21], [sflag:$0x1] =	stream.indirect_vreg.gather [hbm4b:s7+s11], $0x80, v4, vm0, $0xb8;
	[tilespmem:$0x14100] =	vst v63  }
0xe2: {  	s22 =	simm.s32 $0x5900  }
0xe3: {  	[tilespmem:s22], [sflag:$0x1] =	stream.indirect_vreg.gather [hbm4b:s8+s11], $0x80, v4, vm0, $0xb8;
	[tilespmem:$0x14100] =	vst v63  }
0xe4: {  	s23 =	simm.s32 $0x6100  }
0xe5: {  	[tilespmem:s23], [sflag:$0x1] =	stream.indirect_vreg.gather [hbm4b:s3+s11], $0x80, v3, vm0, $0xb8;
	[tilespmem:$0x14100] =	vst v63  }
0xe6: {  	s24 =	simm.s32 $0x6900  }
0xe7: {  	[tilespmem:s24], [sflag:$0x1] =	stream.indirect_vreg.gather [hbm4b:s6+s11], $0x80, v3, vm0, $0xb8;
	[tilespmem:$0x14100] =	vst v63  }
0xe8: {  	s25 =	simm.s32 $0x7100  }
0xe9: {  	[tilespmem:s25], [sflag:$0x1] =	stream.indirect_vreg.gather [hbm4b:s7+s11], $0x80, v3, vm0, $0xb8;
	[tilespmem:$0x14100] =	vst v63  }
0xea: {  	s26 =	simm.s32 $0x7900  }
0xeb: {  	[tilespmem:s26], [sflag:$0x1] =	stream.indirect_vreg.gather [hbm4b:s8+s11], $0x80, v3, vm0, $0xb8;
	[tilespmem:$0x14100] =	vst v63  }
0xec: {  	s28 =	rddreg [dreg:$0x8]  }
0xed: {  	[hbm4b:s28+s11] =	stream.linear.scatter [tilespmem:s5], [sflag:$0x3], $0x4000, $0x38;
	[tilespmem:$0x14100] =	vst v63  }
0xee: {  	_ =	swait.ge [sflag:s20], $0x4000  }
0xef: {  	[sflag:s20] =	ssyncset.done $0x0  }
0xf0: {  	[sflag:s20] =	ssyncadd.s32 $0xFFFFC000  }
0xf1: {  	_ =	swait.ge [sflag:s9], $0x8000  }
0xf2: {  	[sflag:s9] =	ssyncset.done $0x0  }
0xf3: {  	s12 =	simm.s32 $0x0;
	[sflag:s9] =	ssyncadd.s32 $0xFFFF8000  }
.LBB2_6:
0xf4: {  	s13 =	sshll.u32 s12, $0xA;
	s14 =	sshll.u32 s12, $0x7  }
0xf5: {  	s13 =	sand.u32 $0x2000, s13;
	s14 =	sand.u32 $0x380, s14  }
0xf6: {  	s23 =	sand.u32 $0x1C00, s11;
	s21 =	sor.u32 s13, s14  }
0xf7: {  	s15 =	sand.u32 $0x40, s11;
	s13 =	sadd.s32 $0xC100, s21;
	s16 =	sor.u32 s23, s21  }
0xf8: {  	s14 =	sadd.s32 s23, s13;
	s22 =	sor.u32 s15, s16  }
0xf9: {  	s23 =	sadd.s32 s15, s14;
	v3 =	vld [tilespmem:s22+$0x8100]  }
0xfa: {  	v4 =	vld [tilespmem:s23+$0x0];
	_ =	sdelay $0x4  }
0xfb: {  	v3 =	vadd.f32 v4, v3  }
0xfc: {  	s24 =	sor.u32 $0x10, s15  }
0xfd: {  	s25 =	sor.u32 s24, s16;
	[tilespmem:s22+$0x10100] =	vst v3  }
0xfe: {  	s23 =	sadd.s32 s24, s14;
	v3 =	vld [tilespmem:s25+$0x8100]  }
0xff: {  	v4 =	vld [tilespmem:s23+$0x0];
	_ =	sdelay $0x4  }
0x100: {  	v3 =	vadd.f32 v4, v3  }
0x101: {  	s26 =	sor.u32 $0x20, s15  }
0x102: {  	s28 =	sor.u32 s26, s16;
	[tilespmem:s25+$0x10100] =	vst v3  }
0x103: {  	s23 =	sadd.s32 s26, s14;
	v3 =	vld [tilespmem:s28+$0x8100]  }
0x104: {  	v4 =	vld [tilespmem:s23+$0x0];
	_ =	sdelay $0x4  }
0x105: {  	v3 =	vadd.f32 v4, v3  }
0x106: {  	s15 =	sor.u32 $0x30, s15  }
0x107: {  	s23 =	sor.u32 s15, s16;
	[tilespmem:s28+$0x10100] =	vst v3  }
0x108: {  	s14 =	sadd.s32 s15, s14;
	v3 =	vld [tilespmem:s23+$0x8100]  }
0x109: {  	s22 =	simm.s32 $0x40;
	v4 =	vld [tilespmem:s14+$0x0];
	s14 =	simm.s32 $0x0  }
.LBB2_7:
0x10a: {  	_ = 	snop  }
0x10b: {  	p0 =	sne.s32 s22, $0x3C0  }
0x10c: {  	s14 =	sadd.s32 $0x200, s14;
	s15 =	smov.u32 s22;
	s22 =	sadd.s32 $0x40, s22  }
0x10d: {  	_ = 	snop  }
0x10e: {  	s16 =	sand.u32 $0x1C00, s14;
	v3 =	vadd.f32 v4, v3  }
0x10f: {  	s15 =	sand.u32 $0x40, s15;
	s24 =	sor.u32 s16, s21;
	s16 =	sadd.s32 s16, s13  }
0x110: {  	s28 =	sor.u32 $0x20, s15;
	s25 =	sor.u32 s15, s24;
	s26 =	sadd.s32 s15, s16;
	[tilespmem:s23+$0x10100] =	vst v3  }
0x111: {  	s17 =	sor.u32 $0x30, s15;
	s23 =	sadd.s32 s28, s16;
	v3 =	vld [tilespmem:s25+$0x8100]  }
0x112: {  	v4 =	vld [tilespmem:s26+$0x0];
	s26 =	sadd.s32 s17, s16;
	_ =	sdelay $0x4  }
0x113: {  	v3 =	vadd.f32 v4, v3  }
0x114: {  	s15 =	sor.u32 $0x10, s15  }
0x115: {  	[tilespmem:s25+$0x10100] =	vst v3;
	s25 =	sor.u32 s15, s24;
	s15 =	sadd.s32 s15, s16  }
0x116: {  	v3 =	vld [tilespmem:s25+$0x8100]  }
0x117: {  	v4 =	vld [tilespmem:s15+$0x0];
	_ =	sdelay $0x4  }
0x118: {  	v3 =	vadd.f32 v4, v3;
	_ =	sdelay $0x1  }
0x119: {  	s15 =	sor.u32 s28, s24;
	[tilespmem:s25+$0x10100] =	vst v3  }
0x11a: {  	v3 =	vld [tilespmem:s15+$0x8100]  }
0x11b: {  	v4 =	vld [tilespmem:s23+$0x0];
	_ =	sdelay $0x4  }
.Ltmp2:
0x11c: {  	v3 =	vadd.f32 v4, v3;
	(pc) =	sbr.rel @p0 .LBB2_7-.Ltmp2, $4  }
0x11d: {  	_ = 	snop  }
0x11e: {  	s23 =	sor.u32 s17, s24;
	[tilespmem:s15+$0x10100] =	vst v3  }
0x11f: {  	v3 =	vld [tilespmem:s23+$0x8100]  }
0x120: {  	v4 =	vld [tilespmem:s26+$0x0]  }
0x121: {  	s12 =	sadd.s32 $0x1, s12  }
0x122: {  	p0 =	sne.s32 s12, $0x10  }
.Ltmp3:
0x123: {  	_ = 	snop;
	(pc) =	sbr.rel @p0 .LBB2_6-.Ltmp3, $3  }
0x124: {  	_ = 	snop  }
0x125: {  	v3 =	vadd.f32 v4, v3;
	_ =	sdelay $0x1  }
0x126: {  	[tilespmem:s23+$0x10100] =	vst v3  }
0x127: {  	s11 =	simm.s32 $0x0;
	s12 =	rddreg [dreg:$0x9];
	s13 =	simm.s32 $0x80  }
0x128: {  	[tilespmem:s13], [sflag:$0x3] =	stream.linear.gather [hbm4b:s12+s11], $0x10, $0x38;
	[tilespmem:$0x14100] =	vst v63  }
0x129: {  	_ =	swait.ge [sflag:s20], $0x10  }
0x12a: {  	[sflag:s20] =	ssyncset.done $0x0  }
0x12b: {  	s28 =	simm.s32 $0x90;
	s26 =	rddreg [dreg:$0xa];
	[sflag:s20] =	ssyncadd.s32 $0xFFFFFFF0  }
0x12c: {  	[tilespmem:s28], [sflag:$0x3] =	stream.linear.gather [hbm4b:s26+s11], $0x10, $0x38;
	[tilespmem:$0x14100] =	vst v63  }
0x12d: {  	_ =	swait.ge [sflag:s20], $0x10  }
0x12e: {  	[sflag:s20] =	ssyncset.done $0x0  }
0x12f: {  	[sflag:s20] =	ssyncadd.s32 $0xFFFFFFF0  }
0x130: {  	v3 =	vld [tilespmem:$0x80];
	_ =	sdelay $0x4  }
0x131: {  	v4 =	vshll.u32 v3, $0x3  }
0x132: {  	v3 =	vand.u32 $0x7, v3;
	v4 =	vand.u32 $0xFFFFFFC0, v4  }
0x133: {  	v3 =	vor.u32 v3, v4  }
0x134: {  	v4 =	vperm.xlane v3, v0;
	_ =	sdelay $0x1  }
0x135: {  	v4 =	vadd.s32 v1, v4;
	_ =	sdelay $0x3  }
0x136: {  	s14 =	simm.s32 $0x8100  }
0x137: {  	[tilespmem:s14], [sflag:$0x2] =	stream.indirect_vreg.gather [hbm4b:s3+s11], $0x80, v4, vm0, $0xb8;
	[tilespmem:$0x14100] =	vst v63  }
0x138: {  	s15 =	simm.s32 $0x8900;
	v3 =	vperm.xlane v3, v2  }
0x139: {  	[tilespmem:s15], [sflag:$0x2] =	stream.indirect_vreg.gather [hbm4b:s6+s11], $0x80, v4, vm0, $0xb8;
	[tilespmem:$0x14100] =	vst v63  }
0x13a: {  	s16 =	simm.s32 $0x9100;
	v3 =	vadd.s32 v1, v3  }
0x13b: {  	[tilespmem:s16], [sflag:$0x2] =	stream.indirect_vreg.gather [hbm4b:s7+s11], $0x80, v4, vm0, $0xb8;
	[tilespmem:$0x14100] =	vst v63  }
0x13c: {  	s17 =	simm.s32 $0x9900  }
0x13d: {  	[tilespmem:s17], [sflag:$0x2] =	stream.indirect_vreg.gather [hbm4b:s8+s11], $0x80, v4, vm0, $0xb8;
	[tilespmem:$0x14100] =	vst v63  }
0x13e: {  	s21 =	simm.s32 $0xA100  }
0x13f: {  	[tilespmem:s21], [sflag:$0x2] =	stream.indirect_vreg.gather [hbm4b:s3+s11], $0x80, v3, vm0, $0xb8;
	[tilespmem:$0x14100] =	vst v63  }
0x140: {  	s22 =	simm.s32 $0xA900  }
0x141: {  	[tilespmem:s22], [sflag:$0x2] =	stream.indirect_vreg.gather [hbm4b:s6+s11], $0x80, v3, vm0, $0xb8;
	[tilespmem:$0x14100] =	vst v63  }
0x142: {  	s23 =	simm.s32 $0xB100  }
0x143: {  	[tilespmem:s23], [sflag:$0x2] =	stream.indirect_vreg.gather [hbm4b:s7+s11], $0x80, v3, vm0, $0xb8;
	[tilespmem:$0x14100] =	vst v63  }
0x144: {  	s24 =	simm.s32 $0xB900  }
0x145: {  	[tilespmem:s24], [sflag:$0x2] =	stream.indirect_vreg.gather [hbm4b:s8+s11], $0x80, v3, vm0, $0xb8;
	[tilespmem:$0x14100] =	vst v63  }
0x146: {  	v3 =	vld [tilespmem:$0x90];
	_ =	sdelay $0x4  }
0x147: {  	v63 =	vshll.u32 v3, $0x3  }
0x148: {  	v3 =	vand.u32 $0x7, v3;
	v4 =	vand.u32 $0xFFFFFFC0, v63  }
0x149: {  	v3 =	vor.u32 v3, v4  }
0x14a: {  	v4 =	vperm.xlane v3, v0;
	_ =	sdelay $0x1  }
0x14b: {  	v4 =	vadd.s32 v1, v4;
	_ =	sdelay $0x3  }
0x14c: {  	s25 =	simm.s32 $0xC100  }
0x14d: {  	[tilespmem:s25], [sflag:$0x2] =	stream.indirect_vreg.gather [hbm4b:s3+s11], $0x80, v4, vm0, $0xb8;
	[tilespmem:$0x14100] =	vst v63  }
0x14e: {  	s26 =	simm.s32 $0xC900;
	v3 =	vperm.xlane v3, v2  }
0x14f: {  	[tilespmem:s26], [sflag:$0x2] =	stream.indirect_vreg.gather [hbm4b:s6+s11], $0x80, v4, vm0, $0xb8;
	[tilespmem:$0x14100] =	vst v63  }
0x150: {  	v3 =	vadd.s32 v1, v3  }
0x151: {  	[tilespmem:s29], [sflag:$0x2] =	stream.indirect_vreg.gather [hbm4b:s7+s11], $0x80, v4, vm0, $0xb8;
	[tilespmem:$0x14100] =	vst v63  }
0x152: {  	_ = 	snop  }
0x153: {  	[tilespmem:s30], [sflag:$0x2] =	stream.indirect_vreg.gather [hbm4b:s8+s11], $0x80, v4, vm0, $0xb8;
	[tilespmem:$0x14100] =	vst v63  }
0x154: {  	_ = 	snop  }
0x155: {  	[tilespmem:s18], [sflag:$0x2] =	stream.indirect_vreg.gather [hbm4b:s3+s11], $0x80, v3, vm0, $0xb8;
	[tilespmem:$0x14100] =	vst v63  }
0x156: {  	_ = 	snop  }
0x157: {  	[tilespmem:s31], [sflag:$0x2] =	stream.indirect_vreg.gather [hbm4b:s6+s11], $0x80, v3, vm0, $0xb8;
	[tilespmem:$0x14100] =	vst v63  }
0x158: {  	_ = 	snop  }
0x159: {  	[tilespmem:s19], [sflag:$0x2] =	stream.indirect_vreg.gather [hbm4b:s7+s11], $0x80, v3, vm0, $0xb8;
	[tilespmem:$0x14100] =	vst v63  }
0x15a: {  	_ = 	snop  }
0x15b: {  	[tilespmem:s0], [sflag:$0x2] =	stream.indirect_vreg.gather [hbm4b:s8+s11], $0x80, v3, vm0, $0xb8;
	[tilespmem:$0x14100] =	vst v63  }
0x15c: {  	s28 =	rddreg [dreg:$0xb]  }
0x15d: {  	[hbm4b:s28+s11] =	stream.linear.scatter [tilespmem:s5], [sflag:$0x3], $0x4000, $0x38;
	[tilespmem:$0x14100] =	vst v63  }
0x15e: {  	_ =	swait.ge [sflag:s20], $0x4000  }
0x15f: {  	[sflag:s20] =	ssyncset.done $0x0  }
0x160: {  	[sflag:s20] =	ssyncadd.s32 $0xFFFFC000  }
0x161: {  	_ =	swait.ge [sflag:s1], $0x8000  }
0x162: {  	[sflag:s1] =	ssyncset.done $0x0  }
0x163: {  	s12 =	simm.s32 $0x0;
	[sflag:s1] =	ssyncadd.s32 $0xFFFF8000  }
.LBB2_10:
0x164: {  	s13 =	sshll.u32 s12, $0xA;
	s14 =	sshll.u32 s12, $0x7  }
0x165: {  	s13 =	sand.u32 $0x2000, s13;
	s14 =	sand.u32 $0x380, s14  }
0x166: {  	s23 =	sand.u32 $0x1C00, s11;
	s21 =	sor.u32 s13, s14  }
0x167: {  	s15 =	sand.u32 $0x40, s11;
	s13 =	sadd.s32 $0x4100, s21;
	s16 =	sor.u32 s23, s21  }
0x168: {  	s14 =	sadd.s32 s23, s13;
	s17 =	sor.u32 s15, s16  }
0x169: {  	s22 =	sadd.s32 s15, s14;
	v3 =	vld [tilespmem:s17+$0x100]  }
0x16a: {  	v4 =	vld [tilespmem:s22+$0x0];
	_ =	sdelay $0x4  }
0x16b: {  	v3 =	vadd.f32 v4, v3  }
0x16c: {  	s24 =	sor.u32 $0x10, s15  }
0x16d: {  	s25 =	sor.u32 s24, s16;
	[tilespmem:s17+$0x10100] =	vst v3  }
0x16e: {  	s22 =	sadd.s32 s24, s14;
	v3 =	vld [tilespmem:s25+$0x100]  }
0x16f: {  	v4 =	vld [tilespmem:s22+$0x0];
	_ =	sdelay $0x4  }
0x170: {  	v3 =	vadd.f32 v4, v3  }
0x171: {  	s26 =	sor.u32 $0x20, s15  }
0x172: {  	s28 =	sor.u32 s26, s16;
	[tilespmem:s25+$0x10100] =	vst v3  }
0x173: {  	s22 =	sadd.s32 s26, s14;
	v3 =	vld [tilespmem:s28+$0x100]  }
0x174: {  	v4 =	vld [tilespmem:s22+$0x0];
	_ =	sdelay $0x4  }
0x175: {  	v3 =	vadd.f32 v4, v3  }
0x176: {  	s15 =	sor.u32 $0x30, s15  }
0x177: {  	s23 =	sor.u32 s15, s16;
	[tilespmem:s28+$0x10100] =	vst v3  }
0x178: {  	s14 =	sadd.s32 s15, s14;
	v3 =	vld [tilespmem:s23+$0x100]  }
0x179: {  	s22 =	simm.s32 $0x40;
	v4 =	vld [tilespmem:s14+$0x0];
	s14 =	simm.s32 $0x0  }
.LBB2_11:
0x17a: {  	_ = 	snop  }
0x17b: {  	p0 =	sne.s32 s22, $0x3C0  }
0x17c: {  	s14 =	sadd.s32 $0x200, s14;
	s15 =	smov.u32 s22;
	s22 =	sadd.s32 $0x40, s22  }
0x17d: {  	_ = 	snop  }
0x17e: {  	s16 =	sand.u32 $0x1C00, s14;
	v3 =	vadd.f32 v4, v3  }
0x17f: {  	s15 =	sand.u32 $0x40, s15;
	s17 =	sor.u32 s16, s21;
	s16 =	sadd.s32 s16, s13  }
0x180: {  	s26 =	sor.u32 $0x20, s15;
	s24 =	sor.u32 s15, s17;
	s25 =	sadd.s32 s15, s16;
	[tilespmem:s23+$0x10100] =	vst v3  }
0x181: {  	s28 =	sor.u32 $0x30, s15;
	s23 =	sadd.s32 s26, s16;
	v3 =	vld [tilespmem:s24+$0x100]  }
0x182: {  	v4 =	vld [tilespmem:s25+$0x0];
	s25 =	sadd.s32 s28, s16;
	_ =	sdelay $0x4  }
0x183: {  	v3 =	vadd.f32 v4, v3  }
0x184: {  	s15 =	sor.u32 $0x10, s15  }
0x185: {  	[tilespmem:s24+$0x10100] =	vst v3;
	s24 =	sor.u32 s15, s17;
	s15 =	sadd.s32 s15, s16  }
0x186: {  	v3 =	vld [tilespmem:s24+$0x100]  }
0x187: {  	v4 =	vld [tilespmem:s15+$0x0];
	_ =	sdelay $0x4  }
0x188: {  	v3 =	vadd.f32 v4, v3;
	_ =	sdelay $0x1  }
0x189: {  	s15 =	sor.u32 s26, s17;
	[tilespmem:s24+$0x10100] =	vst v3  }
0x18a: {  	v3 =	vld [tilespmem:s15+$0x100]  }
0x18b: {  	v4 =	vld [tilespmem:s23+$0x0];
	_ =	sdelay $0x4  }
.Ltmp4:
0x18c: {  	v3 =	vadd.f32 v4, v3;
	(pc) =	sbr.rel @p0 .LBB2_11-.Ltmp4, $4  }
0x18d: {  	_ = 	snop  }
0x18e: {  	s23 =	sor.u32 s28, s17;
	[tilespmem:s15+$0x10100] =	vst v3  }
0x18f: {  	v3 =	vld [tilespmem:s23+$0x100]  }
0x190: {  	v4 =	vld [tilespmem:s25+$0x0]  }
0x191: {  	s12 =	sadd.s32 $0x1, s12  }
0x192: {  	p0 =	sne.s32 s12, $0x10  }
.Ltmp5:
0x193: {  	_ = 	snop;
	(pc) =	sbr.rel @p0 .LBB2_10-.Ltmp5, $3  }
0x194: {  	_ = 	snop  }
0x195: {  	v3 =	vadd.f32 v4, v3;
	_ =	sdelay $0x1  }
0x196: {  	[tilespmem:s23+$0x10100] =	vst v3  }
0x197: {  	s11 =	simm.s32 $0x0;
	s12 =	rddreg [dreg:$0xc]  }
0x198: {  	[hbm4b:s12+s11] =	stream.linear.scatter [tilespmem:s5], [sflag:$0x3], $0x4000, $0x38;
	[tilespmem:$0x14100] =	vst v63  }
0x199: {  	_ =	swait.ge [sflag:s20], $0x4000  }
0x19a: {  	[sflag:s20] =	ssyncset.done $0x0  }
0x19b: {  	[sflag:s20] =	ssyncadd.s32 $0xFFFFC000  }
0x19c: {  	_ =	swait.ge [sflag:s9], $0x8000  }
0x19d: {  	[sflag:s9] =	ssyncset.done $0x0  }
0x19e: {  	s12 =	simm.s32 $0x0;
	[sflag:s9] =	ssyncadd.s32 $0xFFFF8000  }
.LBB2_14:
0x19f: {  	s13 =	sshll.u32 s12, $0xA;
	s14 =	sshll.u32 s12, $0x7  }
0x1a0: {  	s13 =	sand.u32 $0x2000, s13;
	s14 =	sand.u32 $0x380, s14  }
0x1a1: {  	s23 =	sand.u32 $0x1C00, s11;
	s21 =	sor.u32 s13, s14  }
0x1a2: {  	s15 =	sand.u32 $0x40, s11;
	s13 =	sadd.s32 $0xC100, s21;
	s16 =	sor.u32 s23, s21  }
0x1a3: {  	s14 =	sadd.s32 s23, s13;
	s17 =	sor.u32 s15, s16  }
0x1a4: {  	s22 =	sadd.s32 s15, s14;
	v3 =	vld [tilespmem:s17+$0x8100]  }
0x1a5: {  	v4 =	vld [tilespmem:s22+$0x0];
	_ =	sdelay $0x4  }
0x1a6: {  	v3 =	vadd.f32 v4, v3  }
0x1a7: {  	s24 =	sor.u32 $0x10, s15  }
0x1a8: {  	s25 =	sor.u32 s24, s16;
	[tilespmem:s17+$0x10100] =	vst v3  }
0x1a9: {  	s22 =	sadd.s32 s24, s14;
	v3 =	vld [tilespmem:s25+$0x8100]  }
0x1aa: {  	v4 =	vld [tilespmem:s22+$0x0];
	_ =	sdelay $0x4  }
0x1ab: {  	v3 =	vadd.f32 v4, v3  }
0x1ac: {  	s26 =	sor.u32 $0x20, s15  }
0x1ad: {  	s28 =	sor.u32 s26, s16;
	[tilespmem:s25+$0x10100] =	vst v3  }
0x1ae: {  	s22 =	sadd.s32 s26, s14;
	v3 =	vld [tilespmem:s28+$0x8100]  }
0x1af: {  	v4 =	vld [tilespmem:s22+$0x0];
	_ =	sdelay $0x4  }
0x1b0: {  	v3 =	vadd.f32 v4, v3  }
0x1b1: {  	s15 =	sor.u32 $0x30, s15  }
0x1b2: {  	s23 =	sor.u32 s15, s16;
	[tilespmem:s28+$0x10100] =	vst v3  }
0x1b3: {  	s14 =	sadd.s32 s15, s14;
	v3 =	vld [tilespmem:s23+$0x8100]  }
0x1b4: {  	s22 =	simm.s32 $0x40;
	v4 =	vld [tilespmem:s14+$0x0];
	s14 =	simm.s32 $0x0  }
.LBB2_15:
0x1b5: {  	_ = 	snop  }
0x1b6: {  	p0 =	sne.s32 s22, $0x3C0  }
0x1b7: {  	s14 =	sadd.s32 $0x200, s14;
	s15 =	smov.u32 s22;
	s22 =	sadd.s32 $0x40, s22  }
0x1b8: {  	_ = 	snop  }
0x1b9: {  	s16 =	sand.u32 $0x1C00, s14;
	v3 =	vadd.f32 v4, v3  }
0x1ba: {  	s15 =	sand.u32 $0x40, s15;
	s17 =	sor.u32 s16, s21;
	s16 =	sadd.s32 s16, s13  }
0x1bb: {  	s26 =	sor.u32 $0x20, s15;
	s24 =	sor.u32 s15, s17;
	s25 =	sadd.s32 s15, s16;
	[tilespmem:s23+$0x10100] =	vst v3  }
0x1bc: {  	s28 =	sor.u32 $0x30, s15;
	s23 =	sadd.s32 s26, s16;
	v3 =	vld [tilespmem:s24+$0x8100]  }
0x1bd: {  	v4 =	vld [tilespmem:s25+$0x0];
	s25 =	sadd.s32 s28, s16;
	_ =	sdelay $0x4  }
0x1be: {  	v3 =	vadd.f32 v4, v3  }
0x1bf: {  	s15 =	sor.u32 $0x10, s15  }
0x1c0: {  	[tilespmem:s24+$0x10100] =	vst v3;
	s24 =	sor.u32 s15, s17;
	s15 =	sadd.s32 s15, s16  }
0x1c1: {  	v3 =	vld [tilespmem:s24+$0x8100]  }
0x1c2: {  	v4 =	vld [tilespmem:s15+$0x0];
	_ =	sdelay $0x4  }
0x1c3: {  	v3 =	vadd.f32 v4, v3;
	_ =	sdelay $0x1  }
0x1c4: {  	s15 =	sor.u32 s26, s17;
	[tilespmem:s24+$0x10100] =	vst v3  }
0x1c5: {  	v3 =	vld [tilespmem:s15+$0x8100]  }
0x1c6: {  	v4 =	vld [tilespmem:s23+$0x0];
	_ =	sdelay $0x4  }
.Ltmp6:
0x1c7: {  	v3 =	vadd.f32 v4, v3;
	(pc) =	sbr.rel @p0 .LBB2_15-.Ltmp6, $4  }
0x1c8: {  	_ = 	snop  }
0x1c9: {  	s23 =	sor.u32 s28, s17;
	[tilespmem:s15+$0x10100] =	vst v3  }
0x1ca: {  	v3 =	vld [tilespmem:s23+$0x8100]  }
0x1cb: {  	v4 =	vld [tilespmem:s25+$0x0]  }
0x1cc: {  	s12 =	sadd.s32 $0x1, s12  }
0x1cd: {  	p0 =	sne.s32 s12, $0x10  }
.Ltmp7:
0x1ce: {  	_ = 	snop;
	(pc) =	sbr.rel @p0 .LBB2_14-.Ltmp7, $3  }
0x1cf: {  	_ = 	snop  }
0x1d0: {  	v3 =	vadd.f32 v4, v3;
	_ =	sdelay $0x1  }
0x1d1: {  	[tilespmem:s23+$0x10100] =	vst v3  }
0x1d2: {  	s11 =	rddreg [dreg:$0xd]  }
0x1d3: {  	[hbm4b:s11+s2] =	stream.linear.scatter [tilespmem:s5], [sflag:$0x3], $0x4000, $0x38;
	[tilespmem:$0x14100] =	vst v63  }
0x1d4: {  	_ =	swait.ge [sflag:s20], $0x4000  }
0x1d5: {  	s10 =	sadd.s32 $0x1, s10;
	s28 =	rddreg [dreg:$0xe]  }
0x1d6: {  	p0 =	sne.s32 s10, s28  }
.Ltmp8:
0x1d7: {  	_ = 	snop;
	(pc) =	sbr.rel @p0 .LBB2_1-.Ltmp8, $3  }
0x1d8: {  	_ =	sdelay $0x1  }
0x1d9: {  	[sflag:s20] =	ssyncset.done $0x0  }
0x1da: {  	s17 =	simm.s32 $0x10;
	[sflag:s20] =	ssyncadd.s32 $0xFFFFC000  }
0x1db: {  	_ =	sfence.sel $0x180000  }
0x1dc: {  	[bflag:$0x0] =	sbarrier.arrive $0xFFFF  }
0x1dd: {  	_ =	strace $0x9000004D  }
0x1de: {  	s0 =	stileid.u32;
	[bflag:$0x2] =	sbarrier.arrive $0xFFFF  }
0x1df: {  	p0 =	sne.s32 s0, $0x0;
	s0 =	rddreg [dreg:$0x2]  }
0x1e0: {  	s0 =	sadd.s32 @!p0 $0x100000, s0  }
0x1e1: {  	[sflag:s0] =	ssyncadd.tile.s32 @!p0 $0x1;
	_ =	shalt  }
.Lfunc_end2:
_tile_overlayer_lowered:
.L_overlay_start_2:
0x1e2: {  	(tag) =	ssettag $0x2  }
0x1e3: {  	s0 =	rddreg [dreg:$0x0];
	s2 =	stileid.u32  }
0x1e4: {  	s1 =	rddreg [dreg:$0x1];
	p0 =	sne.s32 s2, $0x0  }
0x1e5: {  	s3 =	rddreg [dreg:$0x2];
	[bflag:$0x3] =	sbarrier.arrive $0xFFFF;
	s2 =	simm.s32 @!p0 $0x1C03  }
0x1e6: {  	[timem:s3], [sflag:s2] =	dma.local @!p0 [hbm:s0], s1  }
0x1e7: {  	s0 =	simm.s32 @!p0 $0x3  }
0x1e8: {  	_ =	swait.ge @!p0 [sflag:s0], s1  }
0x1e9: {  	s1 =	ssub.s32 @!p0 $0x0, s1;
	[sflag:s0] =	ssyncset.done @!p0 $0x0  }
0x1ea: {  	[sflag:s0] =	ssyncadd.s32 @!p0 s1  }
0x1eb: {  	[bflag:$0x3] =	sbarrier.arrive $0xFFFF  }
0x1ec: {  	_ =	shalt  }

// kernel: kernel.7.cloned.1.call-start
scs
__scs_entry_jumppad:
0x0: {  	(pc) =	sbr.rel $0x88, $3  }
0x1: {  	(tag) =	ssettag $0x0;
	lr =	simm.s32 $0x1  }
0x2: {  	[smem:$0x3F9C] =	sst lr;
	_ =	strace $0xD0000000  }
0x3: {  	_ = 	snop  }
0x4: {  	_ = 	snop  }
0x5: {  	_ = 	snop  }
0x6: {  	_ = 	snop  }
0x7: {  	_ = 	snop  }
__scs_overlays_trampoline_lowered:
0x8: {  	[smem:$0x3FAB] =	sst s0  }
0x9: {  	[smem:$0x3FAC] =	sst s1  }
0xa: {  	[smem:$0x3FAD] =	sst s2  }
0xb: {  	[smem:$0x3FAE] =	sst s3  }
0xc: {  	[smem:$0x3FAF] =	sst s4  }
0xd: {  	[smem:$0x3FB0] =	sst s5  }
0xe: {  	[smem:$0x3FB1] =	sst s6  }
0xf: {  	[smem:$0x3FB2] =	sst s7  }
0x10: {  	[smem:$0x3FB3] =	sst s8  }
0x11: {  	[smem:$0x3FB4] =	sst s9;
	s0 =	simm.s32 @!p0 $0x0  }
0x12: {  	s1 =	sld [smem:$0x3F9A];
	s0 =	simm.s32 @p0 $0x1  }
0x13: {  	[smem:$0x3FB5] =	sst s0;
	s0 =	simm.s32 @!p1 $0x0  }
0x14: {  	s2 =	sld [smem:$0x3F99];
	s0 =	simm.s32 @p1 $0x1  }
0x15: {  	[smem:$0x3FB6] =	sst s0;
	s0 =	simm.s32 @!p2 $0x0  }
0x16: {  	s3 =	sld [smem:$0x3FDB];
	s0 =	simm.s32 @p2 $0x1  }
0x17: {  	s4 =	simm.s32 $0x1BF5;
	[smem:$0x3FB8] =	sst s0  }
0x18: {  	s0 =	sld [smem:$0x3F9B];
	_ =	swait.ge [sflag:s4], $0x0  }
0x19: {  	s7 =	sld [smem:$0x3F9C]  }
0x1a: {  	s8 =	sadd.s32 $0xFFFFE003, lr  }
0x1b: {  	s9 =	sadd.s32 $0xFFFFFEF7, lr;
	s5 =	simm.s32 $0xFFFFFFFF;
	p2 =	slt.u32 s8, $0xFFFFF086  }
0x1c: {  	p1 =	slt.u32 s9, $0xF7A;
	s5 =	simm.s32 @!p2 $0x0  }
0x1d: {  	s5 =	simm.s32 @p1 $0x1;
	p0 =	seq.s32 s7, s2  }
0x1e: {  	s7 =	smul.u32 @!p0 $0xF7A, s2;
	p2 =	seq.s32 @!p0 s5, $0x0  }
0x1f: {  	s9 =	smul.u32 $0xF7A, s1;
	s8 =	simm.s32 @!p0 $0x1BF5;
	p2 =	por !p2, p0  }
0x20: {  	[sflag:s8] =	ssyncset.s32 @!p0 $0xFFFFF086;
	s6 =	sadd.s32 @!p0 s3, s7;
	s7 =	simm.s32 @!p0 $0x108  }
0x21: {  	s3 =	sadd.s32 s3, s9;
	s6 =	sadd.s32 @!p0 $0x88, s6;
	s7 =	simm.s32 @p2 $0x1082  }
0x22: {  	[simem:s7], [sflag:s8] =	dma.local @!p0 [hbm:s6], $0xF7A  }
0x23: {  	s9 =	sor.u32 $0xD0000000, s2;
	s6 =	simm.s32 $0x108;
	_ =	swait.ge @!p0 [sflag:s8], $0x0  }
0x24: {  	s3 =	sadd.s32 $0x88, s3;
	s6 =	simm.s32 @!p1 $0x1082;
	[sflag:s4] =	ssyncset.s32 $0xFFFFF086  }
0x25: {  	[simem:s6], [sflag:s4] =	dma.local [hbm:s3], $0xF7A  }
0x26: {  	[smem:$0x3F9C] =	sst s1;
	(tag) =	ssettag s2;
	_ =	strace s9  }
0x27: {  	s1 =	sld [smem:$0x3FAC]  }
0x28: {  	s2 =	sld [smem:$0x3FAD]  }
0x29: {  	s4 =	sld [smem:$0x3FAF]  }
0x2a: {  	p0 =	seq.s32 s5, $0x0;
	s5 =	sld [smem:$0x3FB0]  }
0x2b: {  	s6 =	sld [smem:$0x3FB1]  }
0x2c: {  	s7 =	sld [smem:$0x3FB2]  }
0x2d: {  	s3 =	simm.s32 $0x108;
	s8 =	sld [smem:$0x3FB3]  }
0x2e: {  	s3 =	simm.s32 @!p0 $0x1082;
	s9 =	sld [smem:$0x3FB4]  }
0x2f: {  	lr =	sadd.s32 s0, s3;
	s0 =	sld [smem:$0x3FAB]  }
0x30: {  	s3 =	sld [smem:$0x3FAE]  }
0x31: {  	[smem:$0x3FB7] =	sst s10  }
0x32: {  	s10 =	sld [smem:$0x3FB5];
	_ =	sdelay $0x3  }
0x33: {  	p0 =	seq.s32 s10, $0x1;
	s10 =	sld [smem:$0x3FB7];
	_ =	sdelay $0x3  }
0x34: {  	[smem:$0x3FB7] =	sst s10  }
0x35: {  	s10 =	sld [smem:$0x3FB6];
	_ =	sdelay $0x3  }
0x36: {  	p1 =	seq.s32 s10, $0x1;
	s10 =	sld [smem:$0x3FB7];
	_ =	sdelay $0x3  }
0x37: {  	[smem:$0x3FB7] =	sst s10  }
0x38: {  	s10 =	sld [smem:$0x3FB8]  }
0x39: {  	_ = 	snop;
	(pc) =	sbr.ind lr, $3  }
0x3a: {  	_ = 	snop  }
0x3b: {  	_ = 	snop  }
0x3c: {  	p2 =	seq.s32 s10, $0x1;
	s10 =	sld [smem:$0x3FB7]  }
0x3d: {  	_ =	shalt  }
0x3e: {  	_ =	shalt  }
0x3f: {  	_ =	shalt  }
0x40: {  	_ =	shalt  }
0x41: {  	_ =	shalt  }
0x42: {  	_ =	shalt  }
0x43: {  	_ =	shalt  }
0x44: {  	_ =	shalt  }
0x45: {  	_ =	shalt  }
0x46: {  	_ =	shalt  }
0x47: {  	_ =	shalt  }
0x48: {  	_ =	shalt  }
0x49: {  	_ =	shalt  }
0x4a: {  	_ =	shalt  }
0x4b: {  	_ =	shalt  }
0x4c: {  	_ =	shalt  }
0x4d: {  	_ =	shalt  }
0x4e: {  	_ =	shalt  }
0x4f: {  	_ =	shalt  }
0x50: {  	_ =	shalt  }
0x51: {  	_ =	shalt  }
0x52: {  	_ =	shalt  }
0x53: {  	_ =	shalt  }
0x54: {  	_ =	shalt  }
0x55: {  	_ =	shalt  }
0x56: {  	_ =	shalt  }
0x57: {  	_ =	shalt  }
0x58: {  	_ =	shalt  }
0x59: {  	_ =	shalt  }
0x5a: {  	_ =	shalt  }
0x5b: {  	_ =	shalt  }
0x5c: {  	_ =	shalt  }
0x5d: {  	_ =	shalt  }
0x5e: {  	_ =	shalt  }
0x5f: {  	_ =	shalt  }
0x60: {  	_ =	shalt  }
0x61: {  	_ =	shalt  }
0x62: {  	_ =	shalt  }
0x63: {  	_ =	shalt  }
0x64: {  	_ =	shalt  }
0x65: {  	_ =	shalt  }
0x66: {  	_ =	shalt  }
0x67: {  	_ =	shalt  }
0x68: {  	_ =	shalt  }
0x69: {  	_ =	shalt  }
0x6a: {  	_ =	shalt  }
0x6b: {  	_ =	shalt  }
0x6c: {  	_ =	shalt  }
0x6d: {  	_ =	shalt  }
0x6e: {  	_ =	shalt  }
0x6f: {  	_ =	shalt  }
0x70: {  	_ =	shalt  }
0x71: {  	_ =	shalt  }
0x72: {  	_ =	shalt  }
0x73: {  	_ =	shalt  }
0x74: {  	_ =	shalt  }
0x75: {  	_ =	shalt  }
0x76: {  	_ =	shalt  }
0x77: {  	_ =	shalt  }
0x78: {  	_ =	shalt  }
0x79: {  	_ =	shalt  }
0x7a: {  	_ =	shalt  }
0x7b: {  	_ =	shalt  }
0x7c: {  	_ =	shalt  }
0x7d: {  	_ =	shalt  }
0x7e: {  	_ =	shalt  }
0x7f: {  	_ =	shalt  }
0x80: {  	_ =	shalt  }
0x81: {  	_ =	shalt  }
0x82: {  	_ =	shalt  }
0x83: {  	_ =	shalt  }
0x84: {  	_ =	shalt  }
0x85: {  	_ =	shalt  }
0x86: {  	_ =	shalt  }
0x87: {  	_ =	shalt  }
.Lfunc_end0:
.L_simem_size_0:
called_computation_lowered:
.L_overlay_start_0:
0x88: {  	s2 =	sld [smem:$0x3FD9]  }
0x89: {  	s3 =	sld [smem:$0x3FFE];
	_ =	sdelay $0x1  }
0x8a: {  	s1 =	srdreg.scid  }
0x8b: {  	s0 =	sand.u32 $0x1, s1  }
0x8c: {  	s14 =	sshll.u32 s0, $0xA;
	s2 =	sadd.s32 s3, s2  }
0x8d: {  	s2 =	sadd.s32 s2, s14  }
0x8e: {  	[smem:$0x3FC3] =	sst s2  }
0x8f: {  	_ = 	snop  }
0x90: {  	s2 =	sld [smem:$0x3FD0];
	_ =	sdelay $0x2  }
0x91: {  	s15 =	simm.s32 $0xA;
	s4 =	simm.s32 $0x10  }
0x92: {  	[smem:s4], [sflag:s15] =	dma.local [hbm:s2], $0x1  }
0x93: {  	_ =	swait.eq [sflag:s15], $0x1  }
0x94: {  	[sflag:s15] =	ssyncset.done $0x0  }
0x95: {  	s16 =	sld [smem:$0x10];
	[sflag:s15] =	ssyncadd.s32 $0xFFFFFFFF  }
0x96: {  	s17 =	sld [smem:$0x11];
	(tm) =	ssettm $0x1  }
0x97: {  	s18 =	sld [smem:$0x3FFB];
	_ =	sdelay $0x3  }
0x98: {  	_ =	strace s18  }
0x99: {  	s4 =	sld [smem:$0x3FFC];
	_ =	sdelay $0x3  }
0x9a: {  	_ =	strace s4  }
0x9b: {  	s4 =	sld [smem:$0x3FFD];
	_ =	sdelay $0x3  }
0x9c: {  	_ =	strace s4  }
0x9d: {  	_ =	strace $0x8FFFFFFF  }
0x9e: {  	s19 =	sld [smem:$0x3FDB];
	_ =	sdelay $0x1  }
0x9f: {  	s5 =	simm.s32 $_scs_section_size  }
0xa0: {  	s6 =	simm.s32 $_size__tile_overlayer_lowered;
	s7 =	simm.s32 $_tile_overlayer_lowered  }
0xa1: {  	s22 =	simm.s32 $0x1BFF;
	s21 =	sshll.u32 s7, $0x1;
	s4 =	sadd.s32 s5, s19  }
0xa2: {  	s8 =	simm.s32 $0x0;
	s20 =	sshll.u32 s6, $0x1;
	s6 =	sadd.s32 s21, s4  }
0xa3: {  	[timem:s8], [sflag:s22] =	dma.local [hbm:s6], s20  }
0xa4: {  	_ =	swait.ge [sflag:s22], s20  }
0xa5: {  	s5 =	ssub.s32 $0x0, s20;
	[sflag:s22] =	ssyncset.done $0x0  }
0xa6: {  	[sflag:s22] =	ssyncadd.s32 s5;
	_ =	sdelay $0x1  }
0xa7: {  	s23 =	simm.s32 $0x1B8B  }
0xa8: {  	_ =	swait.ge [sflag:s23], $0x1  }
0xa9: {  	[sflag:s23] =	ssyncset.done $0x0  }
0xaa: {  	s25 =	simm.s32 $0x1B8E;
	s24 =	sld [smem:$0x3FFE];
	[sflag:s23] =	ssyncadd.s32 $0xFFFFFFFF  }
0xab: {  	s26 =	simm.s32 $execute0_lowered;
	[smem:$0x3FD2] =	sst s25  }
0xac: {  	s6 =	sshll.u32 s26, $0x1;
	_ =	strace $0x80000046;
	[dreg:$0x1] =	wrdreg $0xFFFFFFFF  }
0xad: {  	s28 =	simm.s32 $_size_execute0_lowered;
	s4 =	sadd.s32 s4, s6;
	[dreg:$0x0] =	wrdreg $0x0  }
0xae: {  	s6 =	sshll.u32 s28, $0x1;
	[dreg:$0x2] =	wrdreg s4  }
0xaf: {  	[dreg:$0x3] =	wrdreg s6  }
0xb0: {  	[dreg:$0x4] =	wrdreg $0xC0  }
0xb1: {  	_ =	task [dreg:s8], $0x5FFFF  }
0xb2: {  	[dreg:$0x1] =	wrdreg $0xFFFFFFFF  }
0xb3: {  	[dreg:$0x0] =	wrdreg $0x60  }
0xb4: {  	[dreg:$0x2] =	wrdreg s24  }
0xb5: {  	[dreg:$0x3] =	wrdreg s17  }
0xb6: {  	[dreg:$0x4] =	wrdreg s16  }
0xb7: {  	[dreg:$0x5] =	wrdreg $0x9  }
0xb8: {  	_ =	task.clear_ibuf [dreg:s8], $0x6FFFF;
	_ =	strace $0x90000046  }
0xb9: {  	s29 =	simm.s32 $0x9;
	_ =	strace $0x80000048  }
0xba: {  	_ =	swait.ge [sflag:s29], $0x1  }
0xbb: {  	[sflag:s29] =	ssyncadd.s32 $0xFFFFFFFF  }
0xbc: {  	_ =	strace $0x90000048  }
0xbd: {  	_ =	sfence  }
0xbe: {  	s30 =	sld [smem:$0x0];
	_ =	sdelay $0x2  }
0xbf: {  	s31 =	sshll.u32 s1, $0xD;
	s1 =	sshrl.u32 s1, $0x2  }
0xc0: {  	s3 =	sand.u32 $0x4000, s31;
	s1 =	sadd.s32 s1, s30  }
0xc1: {  	s0 =	sor.u32 s3, s0;
	s1 =	sshll.u32 s1, $0x11  }
0xc2: {  	s0 =	sor.u32 s1, s0  }
0xc3: {  	s0 =	sadd.s32 $0x8F2B, s0  }
0xc4: {  	[sflag:s0] =	ssyncadd.remote.s32 $0x1  }
0xc5: {  	_ =	sfence.sel $0xFFFF  }
0xc6: {  	[dreg:$0x0] =	wrdreg $0xFFFFFFFF;
	(pc) =	sbr.abs _section_cstart, $3  }
0xc7: {  	[dreg:$0x1] =	wrdreg $0xFFFFFFFF  }
0xc8: {  	_ =	task.clear_ibuf [dreg:s8], $0x2FFFF;
	_ =	strace $0x9FFFFFFF  }
0xc9: {  	(tm) =	ssettm $0x7FFFFFFF  }
tec
execute0_lowered:
.L_overlay_start_1:
0x0: {  	(tag) =	ssettag $0x1  }
0x1: {  	s1 =	srdreg.scid  }
0x2: {  	s2 =	stileid.u32;
	s1 =	sand.u32 $0x1, s1  }
0x3: {  	s2 =	sor.u32 s2, s1  }
0x4: {  	p0 =	sne.s32 s2, $0x0  }
.Ltmp0:
0x5: {  	_ = 	snop;
	(pc) =	sbr.rel @p0 .LBB2_11-.Ltmp0, $2  }
0x6: {  	_ =	sdelay $0x2  }
0x7: {  	s0 =	rddreg [dreg:$0x0];
	_ =	strace $0x80000047  }
0x8: {  	vm0 =	vcmask $0x704;
	v0 =	vimm.s32 $0x80000000  }
0x9: {  	vm1 =	vcmask $0xB08;
	v0 =	vsel vm0, $0x80000001, v0  }
0xa: {  	vm2 =	vcmask $0xF0C;
	s2 =	sadd.s32 $0x8600, s0;
	v0 =	vsel vm1, $0x80000002, v0  }
0xb: {  	vm3 =	vcmask $0x1310;
	s24 =	sadd.s32 $0x8800, s0;
	[dreg:$0x4] =	wrdreg s2;
	v1 =	vsel vm2, $0x80000003, v0  }
0xc: {  	s25 =	sadd.s32 $0x8A00, s0;
	s1 =	ssub.s32 $0x2, s1;
	vm4 =	vcmask $0x1714;
	[dreg:$0x5] =	wrdreg s24;
	v2 =	vsel vm3, $0x80000004, v1  }
0xd: {  	s26 =	sadd.s32 $0x8C00, s0;
	s28 =	sadd.s32 $0x9000, s0;
	vm5 =	vcmask $0x1B18;
	vm6 =	vcmask $0x1F1C;
	[dreg:$0x6] =	wrdreg s25;
	v2 =	vsel vm4, $0x80000005, v2  }
0xe: {  	s30 =	sadd.s32 $0x8E00, s0;
	s16 =	simm.s32 $0x3000;
	[dreg:$0x7] =	wrdreg s26;
	v0 =	vimm.s32 $0x0;
	v3 =	vsel vm5, $0x80000006, v2;
	v2 =	vlaneseq.u32  }
0xf: {  	s17 =	simm.s32 $0x4800;
	[dreg:$0x8] =	wrdreg s28;
	s29 =	sshrl.u32 s1, $0x1;
	v1 =	vimm.f32 $0.0e+00;
	v3 =	vsel vm6, $0x80000007, v3;
	v4 =	vadd.s32 $0x1, v2  }
0x10: {  	s3 =	simm.s32 $0x0;
	[dreg:$0x9] =	wrdreg s30;
	s31 =	ssub.s32 s1, s29;
	v5 =	vadd.s32 $0x11, v2;
	v6 =	vor.u32 $0x10, v2;
	v7 =	vadd.s32 $0x21, v2  }
0x11: {  	s2 =	simm.s32 $0x1;
	s1 =	simm.s32 $0x0;
	[dreg:$0xa] =	wrdreg s31;
	v8 =	vor.u32 $0x20, v2;
	v9 =	vadd.s32 $0x31, v2;
	v10 =	vor.u32 $0x30, v2  }
.LBB2_2:
0x12: {  	[dreg:$0xb] =	wrdreg s3  }
0x13: {  	s0 =	rddreg [dreg:$0x4]  }
0x14: {  	[tilespmem:s1], [sflag:$0x1] =	stream.linear.gather [hbm4b:s0+s1], $0x800, $0x38;
	[tilespmem:$0x6080] =	vst v63  }
0x15: {  	_ =	swait.ge [sflag:s2], $0x800  }
0x16: {  	[sflag:s2] =	ssyncset.done $0x0  }
0x17: {  	s26 =	simm.s32 $0x800;
	s25 =	rddreg [dreg:$0x5];
	[sflag:s2] =	ssyncadd.s32 $0xFFFFF800  }
0x18: {  	[tilespmem:s26], [sflag:$0x1] =	stream.linear.gather [hbm4b:s25+s1], $0x800, $0x38;
	[tilespmem:$0x6080] =	vst v63  }
0x19: {  	_ =	swait.ge [sflag:s2], $0x800  }
0x1a: {  	[sflag:s2] =	ssyncset.done $0x0  }
0x1b: {  	s29 =	simm.s32 $0x1000;
	s28 =	rddreg [dreg:$0x6];
	[sflag:s2] =	ssyncadd.s32 $0xFFFFF800  }
0x1c: {  	[tilespmem:s29], [sflag:$0x1] =	stream.linear.gather [hbm4b:s28+s1], $0x800, $0x38;
	[tilespmem:$0x6080] =	vst v63  }
0x1d: {  	_ =	swait.ge [sflag:s2], $0x800  }
0x1e: {  	[sflag:s2] =	ssyncset.done $0x0  }
0x1f: {  	s31 =	simm.s32 $0x1800;
	s30 =	rddreg [dreg:$0x7];
	[sflag:s2] =	ssyncadd.s32 $0xFFFFF800  }
0x20: {  	[tilespmem:s31], [sflag:$0x1] =	stream.linear.gather [hbm4b:s30+s1], $0x800, $0x38;
	[tilespmem:$0x6080] =	vst v63  }
0x21: {  	_ =	swait.ge [sflag:s2], $0x800  }
0x22: {  	[sflag:s2] =	ssyncset.done $0x0  }
0x23: {  	s0 =	simm.s32 $0x0;
	[sflag:s2] =	ssyncadd.s32 $0xFFFFF800  }
.LBB2_3:
0x24: {  	p0 =	sne.s32 s0, $0x5FC0  }
.Ltmp1:
0x25: {  	_ = 	snop;
	(pc) =	sbr.rel @p0 .LBB2_3-.Ltmp1, $4  }
0x26: {  	_ = 	snop  }
0x27: {  	s1 =	sshra.s32 s0, $0x2  }
0x28: {  	[tilespmem:s1+$0x3000] =	vst v0  }
0x29: {  	s0 =	sadd.s32 $0x40, s0;
	[tilespmem:s1+$0x4800] =	vst v1  }
0x2a: {  	s0 =	simm.s32 $0x0  }
0x2b: {  	v11 =	vld [tilespmem:s0+$0x0];
	_ =	sdelay $0x2  }
0x2c: {  	v12 =	vld [tilespmem:s0+$0x800];
	_ =	sdelay $0x1  }
0x2d: {  	vm8 =	veq.s32 v11, $0x4  }
0x2e: {  	vm9 =	veq.s32 v11, $0x3;
	v13 =	vsel vm8, $0x1, v0  }
0x2f: {  	vm8 =	veq.s32 v11, $0x6;
	v14 =	vsel vm9, $0x1, v0;
	(xrf0) =	vadd.scan.msk.s32 $0xffff, v13  }
0x30: {  	v13 =	vsel vm8, $0x1, v0;
	vm8 =	veq.s32 v12, $0x1;
	(xrf0) =	vadd.scan.msk.s32 $0xffff, v14  }
0x31: {  	vm9 =	veq.s32 v11, $0x0;
	(xrf0) =	vadd.scan.msk.s32 $0xffff, v13;
	v13 =	vsel vm8, $0x1, v0;
	vm8 =	veq.s32 v12, $0x7  }
0x32: {  	v14 =	vsel vm9, $0x1, v0;
	vm9 =	veq.s32 v12, $0x6;
	(xrf0) =	vadd.scan.msk.s32 $0xffff, v13;
	v13 =	vsel vm8, $0x1, v0  }
0x33: {  	s24 =	simm.s32 $0x10;
	vm8 =	veq.s32 v11, $0x1;
	(xrf0) =	vadd.scan.msk.s32 $0xffff, v14;
	v14 =	vsel vm9, $0x1, v0  }
0x34: {  	v16 =	vld [tilespmem:s24+$0x0];
	vm10 =	veq.s32 v12, $0x0;
	v15 =	vsel vm8, $0x1, v0;
	(xrf0) =	vadd.scan.msk.s32 $0xffff, v13  }
0x35: {  	vm11 =	veq.s32 v12, $0x2;
	vm12 =	veq.s32 v12, $0x5;
	vm13 =	veq.s32 v12, $0x4;
	v13, _, _ =	vpop (xrf0);
	(xrf0) =	vadd.scan.msk.s32 $0xffff, v14  }
0x36: {  	v17 =	vsel vm11, $0x1, v0;
	vm11 =	veq.s32 v12, $0x3;
	vm9 =	veq.s32 v11, $0x5;
	v14, _, _ =	vpop (xrf0);
	(xrf0) =	vadd.scan.msk.s32 $0xffff, v15  }
0x37: {  	v18 =	vsel vm13, $0x1, v0;
	vm8 =	veq.s32 v11, $0x7;
	v12 =	vsel vm9, $0x1, v0;
	v15, _, _ =	vpop (xrf0);
	(xrf0) =	vadd.scan.msk.s32 $0xffff, v17  }
0x38: {  	v21 =	vld [tilespmem:s24+$0x800];
	v20 =	vsel vm11, $0x1, v0;
	v19, _, _ =	vpop (xrf0);
	(xrf0) =	vadd.scan.msk.s32 $0xffff, v12;
	v12 =	vsel vm8, $0x1, v0;
	vm8 =	veq.s32 v11, $0x2  }
0x39: {  	v17 =	vsel vm12, $0x1, v0;
	v11, _, _ =	vpop (xrf0);
	(xrf0) =	vadd.scan.msk.s32 $0xffff, v20;
	v20 =	vsel vm8, $0x1, v0;
	vm8 =	veq.s32 v16, $0x4  }
0x3a: {  	(xrf0) =	vadd.scan.msk.s32 $0xffff, v18;
	v18 =	vsel vm8, $0x1, v0  }
0x3b: {  	v22 =	vsel vm10, $0x1, v0;
	vm10 =	veq.s32 v16, $0x3;
	(v2sf) =	vpush v13, $0xF;
	v13, _, _ =	vpop (xrf0);
	(xrf0) =	vadd.scan.msk.s32 $0xffff, v17  }
0x3c: {  	vm11 =	veq.s32 v16, $0x6;
	(v2sf) =	vpush v15, $0xF;
	v15 =	vsel vm10, $0x1, v0;
	v17, _, _ =	vpop (xrf0);
	(xrf0) =	vadd.scan.msk.s32 $0xffff, v18  }
0x3d: {  	vm10 =	veq.s32 v21, $0x1;
	(v2sf) =	vpush v19, $0xF;
	v19 =	vsel vm11, $0x1, v0;
	v18, _, _ =	vpop (xrf0);
	(xrf0) =	vadd.scan.msk.s32 $0xffff, v15  }
0x3e: {  	v23, _, _ =	vpop (xrf0);
	(xrf0) =	vadd.scan.msk.s32 $0xffff, v19;
	v19 =	vsel vm10, $0x1, v0  }
0x3f: {  	vm14 =	veq.s32 v21, $0x7;
	vm7 =	veq.s32 v21, $0x5;
	(v2sf) =	vpush v14, $0xF;
	v14, _, _ =	vpop (xrf0)  }
0x40: {  	vm15 =	veq.s32 v21, $0x2;
	vm13 =	veq.s32 v21, $0x6;
	v25 =	vsel vm7, $0x1, v0;
	(xrf0) =	vadd.scan.msk.s32 $0xffff, v20;
	v20, _, _ =	vpop (xrf0)  }
0x41: {  	vm7 =	veq.s32 v21, $0x4;
	vm9 =	veq.s32 v16, $0x0;
	(v2sf) =	vpush v11, $0xF;
	(xrf0) =	vadd.scan.msk.s32 $0xffff, v19;
	v19, _, _ =	vpop (xrf0)  }
0x42: {  	vm12 =	veq.s32 v16, $0x7;
	v15 =	vsel vm9, $0x1, v0;
	(v2sf) =	vpush v18, $0xF;
	(xrf0) =	vadd.scan.msk.s32 $0xffff, v12;
	v18, _, _ =	vpop (xrf0)  }
0x43: {  	s25 =	simm.s32 $0x20;
	v27 =	vsel vm12, $0x1, v0;
	(v2sf) =	vpush v14, $0xF;
	v12 =	vsel vm13, $0x1, v0;
	(xrf0) =	vadd.scan.msk.s32 $0xffff, v15;
	v24, _, _ =	vpop (xrf0)  }
0x44: {  	vm8 =	veq.s32 v16, $0x1;
	v11 =	vld [tilespmem:s25+$0x0];
	v14 =	vsel vm14, $0x1, v0;
	(v2sf) =	vpush v19, $0xF;
	(xrf0) =	vadd.scan.msk.s32 $0xffff, v22;
	v26, _, _ =	vpop (xrf0)  }
0x45: {  	vm11 =	veq.s32 v16, $0x5;
	(v2sf) =	vpush v17, $0xF;
	(xrf0) =	vadd.scan.msk.s32 $0xffff, v14;
	v14 =	vsel vm8, $0x1, v0;
	v22, _, _ =	vpop (xrf0)  }
0x46: {  	vm9 =	veq.s32 v21, $0x0;
	vm10 =	veq.s32 v21, $0x3;
	(v2sf) =	vpush v20, $0xF;
	(xrf0) =	vadd.scan.msk.s32 $0xffff, v12;
	v12, _, _ =	vpop (xrf0)  }
0x47: {  	v21 =	vsel vm11, $0x1, v0;
	v17 =	vsel vm15, $0x1, v0;
	(xrf0) =	vadd.scan.msk.s32 $0xffff, v14;
	v28, _, _ =	vpop (xrf0);
	(v2sf) =	vpush v12, $0xF  }
0x48: {  	v19 =	vsel vm7, $0x1, v0;
	vm7 =	veq.s32 v16, $0x2;
	(xrf0) =	vadd.scan.msk.s32 $0xffff, v17;
	v12 =	vld [tilespmem:s25+$0x800];
	v14, _, _ =	vpop (xrf0);
	(v2sf) =	vpush v24, $0xF  }
0x49: {  	v16 =	vsel vm10, $0x1, v0;
	vm10 =	veq.s32 v11, $0x4;
	v29, _, _ =	vpop (xrf0);
	(xrf0) =	vadd.scan.msk.s32 $0xffff, v21;
	(v2sf) =	vpush v14, $0xF  }
0x4a: {  	v20 =	vsel vm7, $0x1, v0;
	vm8 =	veq.s32 v11, $0x3;
	s26 =	spop (v2sf);
	(xrf0) =	vadd.scan.msk.s32 $0xffff, v16;
	v17, _, _ =	vpop (xrf0);
	(v2sf) =	vpush v22, $0xF  }
0x4b: {  	vm7 =	veq.s32 v11, $0x0;
	s23 =	spop (v2sf);
	(xrf0) =	vadd.scan.msk.s32 $0xffff, v19;
	v14, _, _ =	vpop (xrf0);
	(v2sf) =	vpush v17, $0xF;
	v17 =	vsel vm8, $0x1, v0  }
0x4c: {  	v62 =	vsel vm7, $0x1, v0;
	v19 =	vsel vm10, $0x1, v0;
	vm10 =	veq.s32 v11, $0x6;
	(xrf0) =	vadd.scan.msk.s32 $0xffff, v25;
	v16, _, _ =	vpop (xrf0)  }
0x4d: {  	s21 =	spop (v2sf);
	(v2sf) =	vpush v28, $0xF;
	vm7 =	veq.s32 v12, $0x1;
	(xrf0) =	vadd.scan.msk.s32 $0xffff, v19;
	v63, _, _ =	vpop (xrf0);
	v19 =	vsel vm10, $0x1, v0  }
0x4e: {  	vm11 =	veq.s32 v11, $0x5;
	s31 =	spop (v2sf);
	(v2sf) =	vpush v26, $0xF;
	v22 =	vsel vm7, $0x1, v0;
	(xrf0) =	vadd.scan.msk.s32 $0xffff, v17;
	v17, _, _ =	vpop (xrf0)  }
0x4f: {  	v15 =	vsel vm9, $0x1, v0;
	vm9 =	veq.s32 v11, $0x1;
	(v2sf) =	vpush v23, $0xF;
	(xrf0) =	vadd.scan.msk.s32 $0xffff, v19;
	v21, _, _ =	vpop (xrf0)  }
0x50: {  	s2 =	simm.s32 $0xC0;
	s28 =	simm.s32 $0x0;
	s30 =	spop (v2sf);
	vm8 =	veq.s32 v12, $0x0;
	vm14 =	veq.s32 v12, $0x6;
	(v2sf) =	vpush v13, $0xF;
	(xrf0) =	vadd.scan.msk.s32 $0xffff, v20;
	v19, _, _ =	vpop (xrf0)  }
0x51: {  	s29 =	simm.s32 $0x0;
	s24 =	simm.s32 $0x0;
	vm15 =	veq.s32 v12, $0x7;
	vm13 =	veq.s32 v12, $0x2;
	s1 =	spop (v2sf);
	(v2sf) =	vpush v18, $0xF;
	(xrf0) =	vadd.scan.msk.s32 $0xffff, v22;
	v22, _, _ =	vpop (xrf0)  }
0x52: {  	s13 =	sadd.s32 $0x0, s26;
	s26 =	simm.s32 $0x0;
	s25 =	simm.s32 $0x0;
	vm12 =	veq.s32 v12, $0x3;
	vm7 =	veq.s32 v12, $0x5;
	(v2sf) =	vpush v29, $0xF;
	v13, _, _ =	vpop (xrf0);
	(xrf0) =	vadd.scan.msk.s32 $0xffff, v27  }
0x53: {  	vm10 =	veq.s32 v11, $0x7;
	s22 =	sadd.s32 $0x0, s1;
	s1 =	simm.s32 $0x0;
	s0 =	spop (v2sf);
	v18 =	vsel vm7, $0x1, v0;
	(v2sf) =	vpush v63, $0xF;
	(xrf0) =	vadd.scan.msk.s32 $0xffff, v62;
	v20, _, _ =	vpop (xrf0)  }
.LBB2_5:
0x54: {  	s3 =	sshra.s32 s2, $0x2;
	v28 =	vsel vm14, $0x1, v0;
	v24 =	vsel vm15, $0x1, v0;
	v25, _, _ =	vpop (xrf0)  }
0x55: {  	(xrf0) =	vadd.scan.msk.s32 $0xffff, v15;
	(v2sf) =	vpush v21, $0xF;
	s4 =	spop (v2sf);
	v21 =	vmovc v11;
	v26 =	vmov v14;
	v27 =	vmov v17;
	s5 =	smov.u32 s2;
	s14 =	sadd.s32 $0x40, s2  }
0x56: {  	p0 =	sne.s32 s2, $0x1FC0;
	vm7 =	veq.s32 v12, $0x4;
	v14 =	vsel vm11, $0x1, v0;
	s2 =	sadd.s32 s24, s23;
	v11 =	vld [tilespmem:s3+$0x0];
	v17, _, _ =	vpop (xrf0);
	(xrf0) =	vadd.scan.msk.s32 $0xffff, v24;
	(v2sf) =	vpush v22, $0xF;
	s5 =	spop (v2sf)  }
0x57: {  	v12 =	vsel vm9, $0x1, v0;
	s6 =	sadd.s32 s28, s31;
	v22 =	vsel vm7, $0x1, v0;
	s13 =	sadd.s32 s4, s13;
	(xrf0) =	vadd.scan.msk.s32 $0xffff, v28;
	v23, _, _ =	vpop (xrf0);
	(v2sf) =	vpush v16, $0xF;
	s4 =	spop (v2sf)  }
0x58: {  	v29 =	vsel vm13, $0x1, v0;
	v24 =	vsel vm10, $0x1, v0;
	s24 =	sadd.s32 s5, s2;
	(xrf0) =	vadd.scan.msk.s32 $0xffff, v12;
	v28, _, _ =	vpop (xrf0);
	(v2sf) =	vpush v19, $0xF;
	s28 =	sadd.s32 s4, s6;
	s4 =	spop (v2sf)  }
0x59: {  	v15 =	vsel vm8, $0x1, v0;
	vm7 =	veq.s32 v21, $0x2;
	v12 =	vld [tilespmem:s3+$0x800];
	(xrf0) =	vadd.scan.msk.s32 $0xffff, v29;
	(v2sf) =	vpush v23, $0xF;
	s2 =	spop (v2sf);
	v16, _, _ =	vpop (xrf0)  }
0x5a: {  	v21 =	vsel vm12, $0x1, v0;
	v19 =	vsel vm7, $0x1, v0;
	v23, _, _ =	vpop (xrf0);
	(v2sf) =	vpush v20, $0xF;
	(xrf0) =	vadd.scan.msk.s32 $0xffff, v14;
	s3 =	spop (v2sf)  }
0x5b: {  	vm7 =	veq.s32 v11, $0x0;
	vm9 =	veq.s32 v11, $0x1;
	(xrf0) =	vadd.scan.msk.s32 $0xffff, v21;
	v20, _, _ =	vpop (xrf0);
	s23 =	spop (v2sf);
	(v2sf) =	vpush v16, $0xF  }
0x5c: {  	s5 =	sadd.s32 s26, s30;
	vm8 =	veq.s32 v11, $0x3;
	vm10 =	veq.s32 v11, $0x4;
	(xrf0) =	vadd.scan.msk.s32 $0xffff, v22;
	(v2sf) =	vpush v17, $0xF;
	v14, _, _ =	vpop (xrf0);
	s6 =	spop (v2sf)  }
0x5d: {  	v22 =	vsel vm10, $0x1, v0;
	vm10 =	veq.s32 v11, $0x6;
	(xrf0) =	vadd.scan.msk.s32 $0xffff, v18;
	v16, _, _ =	vpop (xrf0);
	(v2sf) =	vpush v20, $0xF;
	s7 =	spop (v2sf);
	s26 =	sadd.s32 s6, s5  }
0x5e: {  	s0 =	sadd.s32 s1, s0;
	v20 =	vsel vm7, $0x1, v0;
	v18 =	vsel vm8, $0x1, v0;
	(xrf0) =	vadd.scan.msk.s32 $0xffff, v22;
	v29, _, _ =	vpop (xrf0);
	(v2sf) =	vpush v28, $0xF;
	s31 =	spop (v2sf)  }
0x5f: {  	s1 =	sadd.s32 s25, s4;
	s3 =	sadd.s32 s29, s3;
	vm8 =	veq.s32 v12, $0x0;
	v22 =	vsel vm10, $0x1, v0;
	(xrf0) =	vadd.scan.msk.s32 $0xffff, v18;
	v17, _, _ =	vpop (xrf0);
	(v2sf) =	vpush v25, $0xF;
	s4 =	spop (v2sf)  }
.Ltmp2:
0x60: {  	vm11 =	veq.s32 v11, $0x5;
	vm7 =	veq.s32 v12, $0x1;
	(xrf0) =	vadd.scan.msk.s32 $0xffff, v22;
	v21, _, _ =	vpop (xrf0);
	(v2sf) =	vpush v27, $0xF;
	s25 =	sadd.s32 s4, s1;
	s1 =	spop (v2sf);
	(pc) =	sbr.rel @p0 .LBB2_5-.Ltmp2, $4  }
0x61: {  	vm10 =	veq.s32 v11, $0x7;
	v18 =	vsel vm7, $0x1, v0;
	(xrf0) =	vadd.scan.msk.s32 $0xffff, v19;
	v19, _, _ =	vpop (xrf0);
	(v2sf) =	vpush v26, $0xF;
	s29 =	sadd.s32 s1, s3;
	s1 =	spop (v2sf)  }
0x62: {  	vm14 =	veq.s32 v12, $0x6;
	vm15 =	veq.s32 v12, $0x7;
	s3 =	sadd.s32 s21, s22;
	(xrf0) =	vadd.scan.msk.s32 $0xffff, v18;
	v22, _, _ =	vpop (xrf0);
	s30 =	spop (v2sf);
	(v2sf) =	vpush v13, $0xF;
	s1 =	sadd.s32 s1, s0  }
0x63: {  	s13 =	sadd.s32 s13, s2;
	vm13 =	veq.s32 v12, $0x2;
	vm7 =	veq.s32 v12, $0x5;
	s21 =	smov.u32 s7;
	(v2sf) =	vpush v23, $0xF;
	v13, _, _ =	vpop (xrf0);
	(xrf0) =	vadd.scan.msk.s32 $0xffff, v24;
	s0 =	spop (v2sf)  }
0x64: {  	s2 =	smov.u32 s14;
	vm12 =	veq.s32 v12, $0x3;
	v18 =	vsel vm7, $0x1, v0;
	(xrf0) =	vadd.scan.msk.s32 $0xffff, v20;
	v20, _, _ =	vpop (xrf0);
	(v2sf) =	vpush v29, $0xF;
	s22 =	sadd.s32 s3, s0;
	s0 =	spop (v2sf)  }
0x65: {  	(v2sf) =	vpush v21, $0xF  }
0x66: {  	s19 =	spop (v2sf);
	v21, _, _ =	vpop (xrf0);
	(v2sf) =	vpush v22, $0xF  }
0x67: {  	(xrf0) =	vadd.scan.msk.s32 $0xffff, v15;
	s2 =	spop (v2sf);
	v15, _, _ =	vpop (xrf0);
	(v2sf) =	vpush v16, $0xF;
	v16 =	vsel vm15, $0x1, v0  }
0x68: {  	s15 =	spop (v2sf);
	v22, _, _ =	vpop (xrf0);
	(v2sf) =	vpush v19, $0xF;
	v19 =	vsel vm14, $0x1, v0  }
0x69: {  	s18 =	spop (v2sf);
	(v2sf) =	vpush v22, $0xF;
	v22 =	vsel vm9, $0x1, v0  }
0x6a: {  	(xrf0) =	vadd.scan.msk.s32 $0xffff, v16;
	s20 =	spop (v2sf);
	v16, _, _ =	vpop (xrf0);
	(v2sf) =	vpush v20, $0xF;
	v20 =	vsel vm13, $0x1, v0  }
0x6b: {  	(xrf0) =	vadd.scan.msk.s32 $0xffff, v19;
	s3 =	spop (v2sf);
	v19, _, _ =	vpop (xrf0)  }
0x6c: {  	vm7 =	veq.s32 v12, $0x4;
	(xrf0) =	vadd.scan.msk.s32 $0xffff, v22;
	s4 =	spop (v2sf);
	v22, _, _ =	vpop (xrf0);
	(v2sf) =	vpush v19, $0xF  }
0x6d: {  	v12 =	vsel vm12, $0x1, v0;
	[dreg:$0xf] =	wrdreg s18;
	(xrf0) =	vadd.scan.msk.s32 $0xffff, v20;
	v19 =	vsel vm11, $0x1, v0;
	s18 =	spop (v2sf);
	v20, _, _ =	vpop (xrf0);
	(v2sf) =	vpush v15, $0xF  }
0x6e: {  	(xrf0) =	vadd.scan.msk.s32 $0xffff, v19;
	s5 =	spop (v2sf);
	(v2sf) =	vpush v20, $0xF  }
0x6f: {  	v15 =	vsel vm7, $0x1, v0;
	(xrf0) =	vadd.scan.msk.s32 $0xffff, v12;
	s6 =	spop (v2sf);
	(v2sf) =	vpush v16, $0xF  }
0x70: {  	vm7 =	veq.s32 v11, $0x2;
	v12, _, _ =	vpop (xrf0);
	(xrf0) =	vadd.scan.msk.s32 $0xffff, v15;
	s11 =	spop (v2sf);
	(v2sf) =	vpush v21, $0xF  }
0x71: {  	[dreg:$0xc] =	wrdreg s20;
	v11, _, _ =	vpop (xrf0);
	v15 =	vsel vm7, $0x1, v0;
	s20 =	spop (v2sf);
	(v2sf) =	vpush v17, $0xF  }
0x72: {  	(xrf0) =	vadd.scan.msk.s32 $0xffff, v18;
	v16, _, _ =	vpop (xrf0);
	s12 =	spop (v2sf);
	(v2sf) =	vpush v14, $0xF;
	v14 =	vsel vm10, $0x1, v0  }
0x73: {  	[dreg:$0x11] =	wrdreg s15;
	v17, _, _ =	vpop (xrf0);
	(xrf0) =	vadd.scan.msk.s32 $0xffff, v15;
	s15 =	spop (v2sf);
	(v2sf) =	vpush v13, $0xF;
	v13 =	vsel vm8, $0x1, v0  }
0x74: {  	[dreg:$0x13] =	wrdreg s6;
	v15, _, _ =	vpop (xrf0);
	(xrf0) =	vadd.scan.msk.s32 $0xffff, v14;
	s6 =	spop (v2sf);
	(v2sf) =	vpush v22, $0xF  }
0x75: {  	(xrf0) =	vadd.scan.msk.s32 $0xffff, v13;
	s10 =	spop (v2sf);
	v14, _, _ =	vpop (xrf0);
	(v2sf) =	vpush v16, $0xF  }
0x76: {  	[dreg:$0xe] =	wrdreg s5;
	s5 =	spop (v2sf);
	v13, _, _ =	vpop (xrf0);
	(v2sf) =	vpush v15, $0xF  }
0x77: {  	s9 =	spop (v2sf);
	(v2sf) =	vpush v13, $0xF  }
0x78: {  	[dreg:$0x12] =	wrdreg s3;
	v13, _, _ =	vpop (xrf0);
	s3 =	spop (v2sf);
	(v2sf) =	vpush v11, $0xF  }
0x79: {  	s23 =	sadd.s32 s24, s23;
	v11, _, _ =	vpop (xrf0);
	s8 =	spop (v2sf);
	(v2sf) =	vpush v14, $0xF  }
0x7a: {  	s28 =	sadd.s32 s28, s31;
	[dreg:$0xd] =	wrdreg s2;
	s14 =	spop (v2sf);
	(v2sf) =	vpush v11, $0xF;
	v11, _, _ =	vpop (xrf0)  }
0x7b: {  	s26 =	sadd.s32 s26, s30;
	[dreg:$0x10] =	wrdreg s4;
	v14, _, _ =	vpop (xrf0);
	(v2sf) =	vpush v11, $0xF;
	s4 =	spop (v2sf)  }
0x7c: {  	s13 =	sadd.s32 s19, s13;
	s19 =	rddreg [dreg:$0x11];
	(v2sf) =	vpush v14, $0xF;
	s7 =	spop (v2sf)  }
0x7d: {  	s28 =	sadd.s32 s19, s28;
	s19 =	rddreg [dreg:$0xd];
	s2 =	spop (v2sf)  }
0x7e: {  	s0 =	sadd.s32 s1, s0;
	[dreg:$0x14] =	wrdreg s7;
	s7 =	spop (v2sf)  }
0x7f: {  	s21 =	sadd.s32 s21, s22;
	s23 =	sadd.s32 s19, s23;
	(v2sf) =	vpush v17, $0xF;
	s24 =	spop (v2sf)  }
0x80: {  	s19 =	sadd.s32 s18, s26;
	s18 =	rddreg [dreg:$0xf];
	s31 =	spop (v2sf)  }
0x81: {  	s1 =	sadd.s32 s25, s18;
	s18 =	rddreg [dreg:$0x12];
	(v2sf) =	vpush v12, $0xF;
	s30 =	spop (v2sf)  }
0x82: {  	s29 =	sadd.s32 s29, s18;
	s18 =	rddreg [dreg:$0xc];
	(v2sf) =	vpush v13, $0xF;
	s26 =	spop (v2sf)  }
0x83: {  	s1 =	sadd.s32 s11, s1;
	s13 =	sadd.s32 s13, s18;
	s25 =	spop (v2sf)  }
0x84: {  	s18 =	rddreg [dreg:$0x10];
	s20 =	sadd.s32 s20, s29;
	s11 =	spop (v2sf)  }
0x85: {  	s0 =	sadd.s32 s12, s0;
	s6 =	sadd.s32 s21, s6;
	s22 =	spop (v2sf)  }
0x86: {  	s21 =	sadd.s32 s23, s18;
	s18 =	rddreg [dreg:$0x13];
	s12 =	spop (v2sf)  }
0x87: {  	s15 =	sadd.s32 s19, s15;
	s28 =	sadd.s32 s28, s18;
	s23 =	spop (v2sf)  }
0x88: {  	s0 =	sadd.s32 s0, s10;
	s5 =	sadd.s32 s5, s13;
	s13 =	spop (v2sf)  }
0x89: {  	s9 =	sadd.s32 s9, s21;
	s3 =	sadd.s32 s3, s28;
	s18 =	spop (v2sf)  }
0x8a: {  	s1 =	sadd.s32 s1, s8;
	s2 =	sadd.s32 s2, s15;
	s15 =	spop (v2sf)  }
0x8b: {  	s2 =	sadd.s32 s2, s25;
	s25 =	rddreg [dreg:$0xe];
	s21 =	spop (v2sf)  }
0x8c: {  	s14 =	sadd.s32 s5, s14;
	s6 =	sadd.s32 s25, s6;
	s2 =	sadd.s32 s21, s2  }
0x8d: {  	vm7 =	vcmask $0x300;
	s4 =	sadd.s32 s20, s4;
	s1 =	sadd.s32 s31, s1;
	s6 =	sadd.s32 s6, s11;
	v11 =	vmov s2  }
0x8e: {  	s10 =	sadd.s32 s7, s6;
	s1 =	sadd.s32 s1, s18;
	s11 =	spop (v2sf);
	v11 =	vnsel vm7, $0x0, v11  }
0x8f: {  	s3 =	sadd.s32 s3, s24;
	s0 =	sadd.s32 s26, s0;
	s1 =	sadd.s32 s11, s1;
	v11 =	vsel vm0, s10, v11  }
0x90: {  	s0 =	sadd.s32 s0, s22;
	s3 =	sadd.s32 s13, s3;
	s18 =	spop (v2sf);
	v11 =	vsel vm1, s1, v11  }
0x91: {  	s22 =	rddreg [dreg:$0x14];
	s19 =	sadd.s32 s12, s14;
	s20 =	spop (v2sf);
	v11 =	vsel vm2, s3, v11  }
0x92: {  	s21 =	sadd.s32 s30, s4;
	s4 =	sadd.s32 s9, s22;
	s0 =	sadd.s32 s20, s0;
	v11 =	vsel vm3, s19, v11  }
0x93: {  	s23 =	sadd.s32 s23, s4;
	s24 =	sadd.s32 s21, s15;
	v11 =	vsel vm4, s0, v11  }
0x94: {  	s25 =	sadd.s32 s18, s24;
	v11 =	vsel vm5, s23, v11  }
0x95: {  	v11 =	vsel vm6, s25, v11  }
0x96: {  	v11 =	vadd.s32 $0xFF, v11  }
0x97: {  	v12 =	vshra.s32 v11, $0x1F;
	v13 =	vand.u32 $0xFF, v11  }
0x98: {  	vm7 =	vlt.s32 v11, $0x1;
	v12 =	vshrl.u32 v12, $0x18;
	vm8 =	vne.s32 v13, $0x0  }
0x99: {  	v11 =	vadd.s32 v12, v11;
	vm7 =	vmand vm7, vm8  }
0x9a: {  	v11 =	vshra.s32 v11, $0x8;
	v12 =	vsel vm7, $0xFFFFFFFF, v0  }
0x9b: {  	v11 =	vadd.s32 v12, v11  }
0x9c: {  	(xrf0) =	vadd.scan.msk.s32 $0xffff, v11  }
0x9d: {  	vm7 =	vgt.s32 v11, $0x0  }
0x9e: {  	v12 =	vnsel vm7, $0x80000000, v3  }
0x9f: {  	(xrf0) =	vmax.scan.msk.u32 $0xffff, v12;
	_ =	sdelay $0x2  }
0xa0: {  	v12, _, _ =	vpop (xrf0)  }
0xa1: {  	v14 =	vbroadcast v12, $0x0;
	v15 =	vbroadcast v12, $0x1  }
0xa2: {  	v18 =	vbroadcast v12, $0x3;
	v19 =	vbroadcast v12, $0x4;
	v11 =	vsub.s32 v12, v11  }
0xa3: {  	v20 =	vbroadcast v12, $0x5;
	v22 =	vbroadcast v12, $0x7;
	v13, _, _ =	vpop (xrf0);
	v11 =	vshll.u32 v11, $0x8  }
0xa4: {  	(v2sf) =	vpush v13, $0xF;
	vm7 =	vlt.s32 v14, v4;
	vm8 =	vlt.s32 v15, v4  }
0xa5: {  	v13 =	vbroadcast v12, $0x2;
	vm9 =	vlt.s32 v15, v5;
	v16 =	vsel vm7, $0x1, v0  }
0xa6: {  	v17 =	vsel vm8, $0x1, v0;
	vm8 =	vlt.s32 v14, v5;
	(v2sf) =	vpush v11, $0x0  }
0xa7: {  	v16 =	vadd.s32 v17, v16;
	vm7 =	vlt.s32 v13, v4;
	(v2sf) =	vpush v11, $0x1  }
0xa8: {  	v17 =	vsel vm7, $0x1, v0;
	vm7 =	vlt.s32 v18, v4;
	(v2sf) =	vpush v11, $0x2  }
0xa9: {  	v16 =	vadd.s32 v17, v16;
	v17 =	vsel vm7, $0x1, v0;
	vm7 =	vlt.s32 v19, v4  }
0xaa: {  	(v2sf) =	vpush v11, $0x3;
	v16 =	vadd.s32 v17, v16;
	v17 =	vbroadcast v12, $0x6  }
0xab: {  	v21 =	vsel vm7, $0x1, v0;
	vm7 =	vlt.s32 v20, v4;
	(v2sf) =	vpush v11, $0x4  }
0xac: {  	v16 =	vadd.s32 v21, v16;
	v21 =	vsel vm7, $0x1, v0;
	vm7 =	vlt.s32 v17, v4  }
0xad: {  	(v2sf) =	vpush v11, $0x5;
	v16 =	vadd.s32 v21, v16;
	v21 =	vsel vm7, $0x1, v0  }
0xae: {  	(v2sf) =	vpush v11, $0x6;
	vm7 =	vlt.s32 v22, v4;
	v12 =	vadd.s32 v21, v16  }
0xaf: {  	v16 =	vsel vm7, $0x1, v0;
	vm7 =	vgt.s32 v22, v2;
	v21 =	vsel vm9, $0x1, v0  }
0xb0: {  	v12 =	vadd.s32 v16, v12;
	v16 =	vsel vm8, $0x1, v0;
	vm8 =	vlt.s32 v13, v5  }
0xb1: {  	v16 =	vadd.s32 v21, v16;
	v21 =	vsel vm8, $0x1, v0;
	vm8 =	vlt.s32 v18, v5  }
0xb2: {  	v16 =	vadd.s32 v21, v16;
	v21 =	vsel vm8, $0x1, v0;
	vm8 =	vlt.s32 v19, v5  }
0xb3: {  	v16 =	vadd.s32 v21, v16;
	v21 =	vsel vm8, $0x1, v0;
	vm8 =	vlt.s32 v20, v5  }
0xb4: {  	vm9 =	vlt.s32 v22, v7;
	v16 =	vadd.s32 v21, v16;
	v21 =	vsel vm8, $0x1, v0  }
0xb5: {  	v12 =	vmin.u32 v12, $0x7;
	vm8 =	vlt.s32 v17, v5;
	v16 =	vadd.s32 v21, v16  }
0xb6: {  	s26 =	spop (v2sf);
	v21 =	vsel vm8, $0x1, v0;
	vm8 =	vlt.s32 v22, v5;
	(v2sf) =	vpush v11, $0x7  }
0xb7: {  	s0 =	sxor.u32 $0x80000000, s26;
	v16 =	vadd.s32 v21, v16;
	v21 =	vsel vm8, $0x1, v0;
	vm8 =	vlt.s32 v15, v7  }
0xb8: {  	v12 =	vnsel vm7, s0, v12;
	v16 =	vadd.s32 v21, v16;
	vm7 =	vlt.s32 v14, v7  }
0xb9: {  	v23 =	vsel vm8, $0x1, v0;
	vm8 =	vgt.s32 v22, v6;
	v21 =	vsel vm7, $0x1, v0  }
0xba: {  	vm7 =	vlt.s32 v13, v7;
	v16 =	vmin.u32 v16, $0x7;
	v21 =	vadd.s32 v23, v21  }
0xbb: {  	v23 =	vsel vm7, $0x1, v0;
	vm7 =	vlt.s32 v18, v7;
	v16 =	vnsel vm8, s0, v16  }
0xbc: {  	v21 =	vadd.s32 v23, v21;
	v23 =	vsel vm7, $0x1, v0;
	vm7 =	vlt.s32 v19, v7  }
0xbd: {  	v21 =	vadd.s32 v23, v21;
	v23 =	vsel vm7, $0x1, v0;
	vm7 =	vlt.s32 v20, v7  }
0xbe: {  	v21 =	vadd.s32 v23, v21;
	v23 =	vsel vm7, $0x1, v0;
	vm7 =	vlt.s32 v17, v7  }
0xbf: {  	vm8 =	vlt.s32 v15, v9;
	v21 =	vadd.s32 v23, v21;
	v23 =	vsel vm7, $0x1, v0  }
0xc0: {  	v15 =	vsel vm8, $0x1, v0;
	vm7 =	vlt.s32 v14, v9;
	v21 =	vadd.s32 v23, v21  }
0xc1: {  	v14 =	vsel vm7, $0x1, v0;
	v23 =	vsel vm9, $0x1, v0;
	vm7 =	vlt.s32 v13, v9  }
0xc2: {  	v14 =	vadd.s32 v15, v14;
	v13 =	vsel vm7, $0x1, v0;
	vm7 =	vlt.s32 v18, v9  }
0xc3: {  	v11 =	vadd.s32 v13, v14;
	v13 =	vsel vm7, $0x1, v0;
	vm7 =	vlt.s32 v19, v9  }
0xc4: {  	v11 =	vadd.s32 v13, v11;
	v13 =	vsel vm7, $0x1, v0;
	vm7 =	vlt.s32 v20, v9  }
0xc5: {  	v11 =	vadd.s32 v13, v11;
	v13 =	vsel vm7, $0x1, v0;
	vm7 =	vlt.s32 v17, v9  }
0xc6: {  	v11 =	vadd.s32 v13, v11;
	v13 =	vsel vm7, $0x1, v0;
	vm7 =	vlt.s32 v22, v9  }
0xc7: {  	v14 =	vadd.s32 v23, v21;
	v11 =	vadd.s32 v13, v11;
	v13 =	vsel vm7, $0x1, v0  }
0xc8: {  	s25 =	spop (v2sf);
	[tilespmem:$0x6000] =	vst v12;
	v12 =	vmin.u32 v14, $0x7;
	vm7 =	vgt.s32 v22, v8;
	v11 =	vadd.s32 v13, v11  }
0xc9: {  	s28 =	spop (v2sf);
	[tilespmem:$0x6010] =	vst v16;
	v12 =	vnsel vm7, s0, v12;
	vm7 =	vgt.s32 v22, v10;
	v11 =	vmin.u32 v11, $0x7  }
0xca: {  	s29 =	spop (v2sf);
	[tilespmem:$0x6020] =	vst v12;
	v11 =	vnsel vm7, s0, v11  }
0xcb: {  	s21 =	simm.s32 $0x0;
	s26 =	spop (v2sf);
	[tilespmem:$0x6030] =	vst v11  }
0xcc: {  	s23 =	spop (v2sf);
	v13 =	vld [tilespmem:s21+$0x0]  }
0xcd: {  	s22 =	spop (v2sf)  }
0xce: {  	s30 =	spop (v2sf)  }
0xcf: {  	v19 =	vmov s26;
	s24 =	spop (v2sf);
	v12 =	vmov s30  }
0xd0: {  	v16 =	vmov s24;
	v15 =	vadd.s32 $0xFFFFFFFF, v12;
	v12 =	vmov s22  }
0xd1: {  	v11 =	vmov s25;
	v12 =	vadd.s32 $0xFFFFFFFF, v12;
	vm8 =	veq.s32 v13, $0x5  }
0xd2: {  	v15 =	vbroadcast v15, $0x0;
	vm12 =	veq.s32 v13, $0x0;
	v17 =	vsel vm8, $0x1, v0  }
0xd3: {  	v14 =	vadd.s32 $0xFFFFFFFF, v11;
	vm9 =	veq.s32 v13, $0x6;
	v18 =	vsel vm12, $0x1, v0;
	(xrf0) =	vadd.scan.msk.s32 $0xffff, v17  }
0xd4: {  	v11 =	vmov s28;
	vm15 =	veq.s32 v13, $0x1;
	v17 =	vsel vm9, $0x1, v0;
	(xrf0) =	vadd.scan.msk.s32 $0xffff, v18  }
0xd5: {  	vm10 =	veq.s32 v13, $0x3;
	vm11 =	veq.s32 v13, $0x7;
	(xrf0) =	vadd.scan.msk.s32 $0xffff, v17;
	v17 =	vsel vm15, $0x1, v0  }
0xd6: {  	vm14 =	veq.s32 v13, $0x2;
	vm13 =	veq.s32 v13, $0x4;
	v13 =	vsel vm11, $0x1, v0;
	(xrf0) =	vadd.scan.msk.s32 $0xffff, v17  }
0xd7: {  	v11 =	vadd.s32 $0xFFFFFFFF, v11;
	v23 =	vbroadcast v14, $0x0;
	v20 =	vsel vm14, $0x1, v0;
	(xrf0) =	vadd.scan.msk.s32 $0xffff, v13  }
0xd8: {  	v11 =	vbroadcast v11, $0x0;
	v21 =	vsel vm10, $0x1, v0;
	v18 =	vmov s29;
	(xrf0) =	vadd.scan.msk.s32 $0xffff, v20  }
0xd9: {  	s31 =	simm.s32 $0x0;
	v22 =	vsel vm13, $0x1, v0;
	v17 =	vadd.s32 $0xFFFFFFFF, v18;
	v18 =	vadd.s32 $0xFFFFFFFF, v19;
	v14, _, _ =	vpop (xrf0);
	(xrf0) =	vadd.scan.msk.s32 $0xffff, v21  }
0xda: {  	s14 =	simm.s32 $0x2000;
	s13 =	simm.s32 $0x1000;
	s15 =	simm.s32 $0x10;
	v19 =	vmov s23;
	v13 =	vadd.s32 $0xFFFFFFFF, v16;
	v16, _, _ =	vpop (xrf0);
	(v2sf) =	vpush v14, $0xF;
	(xrf0) =	vadd.scan.msk.s32 $0xffff, v22  }
0xdb: {  	s18 =	simm.s32 $0x0;
	s1 =	simm.s32 $0x1000;
	s0 =	simm.s32 $0x2000;
	v20 =	vadd.s32 $0xFFFFFFFF, v19;
	v19 =	vadd.s32 v16, v23;
	(v2sf) =	vpush v16, $0xF;
	v16, _, _ =	vpop (xrf0)  }
.LBB2_7:
0xdc: {  	v20 =	vbroadcast v20, $0x0;
	v12 =	vbroadcast v12, $0x0;
	s18 =	sadd.s32 $0x10, s18;
	s13 =	sadd.s32 $0x10, s13;
	s14 =	sadd.s32 $0x10, s14;
	v21, _, _ =	vpop (xrf0);
	(v2sf) =	vpush v16, $0xF  }
0xdd: {  	p0 =	sne.s32 s15, $0x7F0;
	v17 =	vbroadcast v17, $0x0;
	v24 =	vbroadcast v18, $0x0;
	s2 =	smov.u32 s15;
	s15 =	sadd.s32 $0x10, s15;
	(v2sf) =	vpush v21, $0xF;
	v22, _, _ =	vpop (xrf0)  }
0xde: {  	v23 =	vnsel vm12, $0x0, v19;
	v11 =	vadd.s32 v21, v11;
	v21, _, _ =	vpop (xrf0);
	(v2sf) =	vpush v22, $0xF  }
0xdf: {  	v11 =	vsel vm15, v11, v23;
	v17 =	vadd.s32 v21, v17;
	(v2sf) =	vpush v21, $0xF;
	v19, _, _ =	vpop (xrf0)  }
0xe0: {  	v11 =	vsel vm14, v17, v11;
	v17 =	vadd.s32 v19, v24;
	(v2sf) =	vpush v19, $0xF;
	v18, _, _ =	vpop (xrf0)  }
0xe1: {  	v11 =	vsel vm10, v17, v11;
	v17 =	vadd.s32 v18, v20;
	(v2sf) =	vpush v18, $0xF  }
0xe2: {  	v13 =	vbroadcast v13, $0x0;
	v12 =	vadd.s32 v14, v12;
	v11 =	vsel vm13, v17, v11  }
0xe3: {  	v11 =	vsel vm8, v12, v11;
	v12 =	vadd.s32 v16, v15  }
0xe4: {  	v11 =	vsel vm9, v12, v11;
	v12 =	vadd.s32 v22, v13  }
0xe5: {  	v11 =	vsel vm11, v12, v11  }
0xe6: {  	v12 =	vld [tilespmem:s1+$0x0];
	s1 =	smov.u32 s13;
	_ =	sdelay $0x2  }
0xe7: {  	v13 =	vor.u32 s31, v2;
	s31 =	smov.u32 s2;
	s3 =	spop (v2sf)  }
0xe8: {  	s22 =	sadd.s32 s22, s3;
	[tilespmem:v11+s16+$0x0] =	vst.idx.msk $0xffff, v13;
	s2 =	spop (v2sf)  }
0xe9: {  	s25 =	sadd.s32 s25, s2;
	[tilespmem:v11+s17+$0x0] =	vst.idx.msk $0xffff, v12;
	s2 =	spop (v2sf)  }
0xea: {  	v12 =	vmov s25;
	s30 =	sadd.s32 s30, s2;
	[tilespmem:s0+$0x0] =	vst v11;
	s2 =	spop (v2sf);
	s0 =	smov.u32 s14  }
0xeb: {  	v13 =	vld [tilespmem:s18+$0x0];
	v14 =	vadd.s32 $0xFFFFFFFF, v12;
	v11 =	vmov s30;
	s28 =	sadd.s32 s28, s2;
	s2 =	spop (v2sf)  }
0xec: {  	v15 =	vadd.s32 $0xFFFFFFFF, v11;
	s24 =	sadd.s32 s24, s2;
	s2 =	spop (v2sf)  }
0xed: {  	v11 =	vmov s28;
	s29 =	sadd.s32 s29, s2;
	s2 =	spop (v2sf)  }
0xee: {  	v12 =	vmov s22;
	v11 =	vadd.s32 $0xFFFFFFFF, v11;
	v16 =	vmov s24;
	s26 =	sadd.s32 s26, s2;
	s2 =	spop (v2sf)  }
0xef: {  	v12 =	vadd.s32 $0xFFFFFFFF, v12;
	v11 =	vbroadcast v11, $0x0;
	v18 =	vmov s26;
	s23 =	sadd.s32 s23, s2  }
0xf0: {  	vm12 =	veq.s32 v13, $0x0;
	vm10 =	veq.s32 v13, $0x3;
	vm8 =	veq.s32 v13, $0x5  }
0xf1: {  	vm9 =	veq.s32 v13, $0x6;
	v19 =	vsel vm10, $0x1, v0;
	v17 =	vsel vm8, $0x1, v0  }
0xf2: {  	vm15 =	veq.s32 v13, $0x1;
	vm14 =	veq.s32 v13, $0x2;
	v20 =	vsel vm12, $0x1, v0;
	(xrf0) =	vadd.scan.msk.s32 $0xffff, v17  }
0xf3: {  	v21 =	vsel vm15, $0x1, v0;
	v22 =	vsel vm14, $0x1, v0;
	v17 =	vsel vm9, $0x1, v0;
	(xrf0) =	vadd.scan.msk.s32 $0xffff, v20  }
0xf4: {  	vm13 =	veq.s32 v13, $0x4;
	vm11 =	veq.s32 v13, $0x7;
	v20 =	vmov s29;
	(xrf0) =	vadd.scan.msk.s32 $0xffff, v17  }
0xf5: {  	v23 =	vsel vm13, $0x1, v0;
	v17 =	vadd.s32 $0xFFFFFFFF, v20;
	v20 =	vsel vm11, $0x1, v0;
	(xrf0) =	vadd.scan.msk.s32 $0xffff, v21  }
.Ltmp3:
0xf6: {  	v18 =	vadd.s32 $0xFFFFFFFF, v18;
	v13 =	vadd.s32 $0xFFFFFFFF, v16;
	v21 =	vmov s23;
	(xrf0) =	vadd.scan.msk.s32 $0xffff, v20;
	(pc) =	sbr.rel @p0 .LBB2_7-.Ltmp3, $4  }
0xf7: {  	v20 =	vadd.s32 $0xFFFFFFFF, v21;
	(xrf0) =	vadd.scan.msk.s32 $0xffff, v22  }
0xf8: {  	v22 =	vbroadcast v14, $0x0;
	(xrf0) =	vadd.scan.msk.s32 $0xffff, v19;
	v14, _, _ =	vpop (xrf0)  }
0xf9: {  	v21, _, _ =	vpop (xrf0);
	(xrf0) =	vadd.scan.msk.s32 $0xffff, v23;
	(v2sf) =	vpush v14, $0xF  }
0xfa: {  	v15 =	vbroadcast v15, $0x0;
	v19 =	vadd.s32 v21, v22;
	(v2sf) =	vpush v21, $0xF;
	v16, _, _ =	vpop (xrf0)  }
0xfb: {  	v21, _, _ =	vpop (xrf0);
	(v2sf) =	vpush v16, $0xF;
	v19 =	vnsel vm12, $0x0, v19  }
0xfc: {  	v20 =	vbroadcast v20, $0x0;
	(v2sf) =	vpush v21, $0xF;
	v22, _, _ =	vpop (xrf0)  }
0xfd: {  	v17 =	vbroadcast v17, $0x0;
	v11 =	vadd.s32 v21, v11;
	v62, _, _ =	vpop (xrf0);
	(v2sf) =	vpush v22, $0xF  }
0xfe: {  	v18 =	vbroadcast v18, $0x0;
	v11 =	vsel vm15, v11, v19;
	(v2sf) =	vpush v62, $0xF;
	v19, _, _ =	vpop (xrf0)  }
0xff: {  	v12 =	vbroadcast v12, $0x0;
	v17 =	vadd.s32 v62, v17;
	(v2sf) =	vpush v19, $0xF;
	v63, _, _ =	vpop (xrf0)  }
0x100: {  	v11 =	vsel vm14, v17, v11;
	v17 =	vadd.s32 v19, v18;
	(v2sf) =	vpush v63, $0xF  }
0x101: {  	v11 =	vsel vm10, v17, v11;
	v17 =	vadd.s32 v63, v20  }
0x102: {  	v13 =	vbroadcast v13, $0x0;
	v12 =	vadd.s32 v14, v12;
	v11 =	vsel vm13, v17, v11  }
0x103: {  	v11 =	vsel vm8, v12, v11;
	v12 =	vadd.s32 v16, v15  }
0x104: {  	v11 =	vsel vm9, v12, v11;
	v12 =	vadd.s32 v22, v13  }
0x105: {  	v11 =	vsel vm11, v12, v11  }
0x106: {  	v12 =	vld [tilespmem:s1+$0x0];
	_ =	sdelay $0x1  }
0x107: {  	s15 =	spop (v2sf)  }
0x108: {  	v13 =	vor.u32 s31, v2;
	s2 =	spop (v2sf)  }
0x109: {  	[tilespmem:v11+s16+$0x0] =	vst.idx.msk $0xffff, v13;
	s3 =	spop (v2sf)  }
0x10a: {  	[tilespmem:v11+s17+$0x0] =	vst.idx.msk $0xffff, v12;
	s4 =	spop (v2sf)  }
0x10b: {  	s31 =	simm.s32 $0x800;
	s25 =	sadd.s32 s25, s2;
	[tilespmem:s0+$0x0] =	vst v11;
	s18 =	spop (v2sf)  }
0x10c: {  	v12 =	vmov s25;
	s30 =	sadd.s32 s30, s3;
	v16 =	vld [tilespmem:s31+$0x0];
	s19 =	spop (v2sf)  }
0x10d: {  	s28 =	sadd.s32 s28, s4;
	v15 =	vadd.s32 $0xFFFFFFFF, v12;
	s29 =	sadd.s32 s29, s19;
	s20 =	spop (v2sf)  }
0x10e: {  	v14 =	vmov s30;
	v11 =	vmov s28;
	s13 =	sadd.s32 s26, s20;
	s26 =	spop (v2sf);
	v13 =	vmov s29  }
0x10f: {  	v14 =	vadd.s32 $0xFFFFFFFF, v14;
	s23 =	sadd.s32 s23, s26;
	v12 =	vadd.s32 $0xFFFFFFFF, v13;
	v13 =	vmov s13  }
0x110: {  	v11 =	vadd.s32 $0xFFFFFFFF, v11;
	v13 =	vadd.s32 $0xFFFFFFFF, v13;
	v17 =	vmov s23  }
0x111: {  	s14 =	simm.s32 $0x1800;
	s1 =	simm.s32 $0x1800;
	vm10 =	veq.s32 v16, $0x2;
	vm9 =	veq.s32 v16, $0x6;
	vm8 =	veq.s32 v16, $0x7  }
0x112: {  	s22 =	sadd.s32 s22, s15;
	s15 =	simm.s32 $0x10;
	s0 =	sadd.s32 s24, s18;
	vm11 =	veq.s32 v16, $0x1;
	v19 =	vsel vm10, $0x1, v0;
	v18 =	vsel vm9, $0x1, v0  }
.LBB2_9:
0x113: {  	p0 =	sne.s32 s15, $0x7F0;
	vm15 =	veq.s32 v16, $0x0;
	v20 =	vsel vm11, $0x1, v0;
	vm12 =	veq.s32 v16, $0x3;
	s31 =	sadd.s32 $0x10, s31;
	s14 =	sadd.s32 $0x10, s14;
	(xrf0) =	vadd.scan.msk.s32 $0xffff, v19  }
0x114: {  	vm13 =	veq.s32 v16, $0x4;
	s2 =	smov.u32 s15;
	s15 =	sadd.s32 $0x10, s15;
	v19 =	vsel vm15, $0x1, v0;
	v21 =	vsel vm12, $0x1, v0;
	(xrf0) =	vadd.scan.msk.s32 $0xffff, v20  }
0x115: {  	v17 =	vadd.s32 $0xFFFFFFFF, v17;
	v22 =	vsel vm8, $0x1, v0;
	v20 =	vsel vm13, $0x1, v0;
	(xrf0) =	vadd.scan.msk.s32 $0xffff, v19  }
0x116: {  	vm14 =	veq.s32 v16, $0x5;
	v16 =	vmov s22;
	v19 =	vmov s0;
	(xrf0) =	vadd.scan.msk.s32 $0xffff, v21  }
0x117: {  	v16 =	vadd.s32 $0xFFFFFFFF, v16;
	v21 =	vsel vm14, $0x1, v0;
	v23 =	vadd.s32 $0xFFFFFFFF, v19;
	(xrf0) =	vadd.scan.msk.s32 $0xffff, v18  }
0x118: {  	v14 =	vbroadcast v14, $0x0;
	(xrf0) =	vadd.scan.msk.s32 $0xffff, v20  }
0x119: {  	v13 =	vbroadcast v13, $0x0;
	v18 =	vbroadcast v23, $0x0;
	v19, _, _ =	vpop (xrf0);
	(xrf0) =	vadd.scan.msk.s32 $0xffff, v21  }
0x11a: {  	v15 =	vbroadcast v15, $0x0;
	v12 =	vbroadcast v12, $0x0;
	v20, _, _ =	vpop (xrf0);
	(v2sf) =	vpush v19, $0xF;
	(xrf0) =	vadd.scan.msk.s32 $0xffff, v22  }
0x11b: {  	v11 =	vbroadcast v11, $0x0;
	v16 =	vbroadcast v16, $0x0;
	v21, _, _ =	vpop (xrf0);
	(v2sf) =	vpush v20, $0xF  }
0x11c: {  	v17 =	vbroadcast v17, $0x0;
	v23 =	vadd.s32 v21, v15;
	(v2sf) =	vpush v21, $0xF;
	v21, _, _ =	vpop (xrf0)  }
0x11d: {  	v11 =	vadd.s32 v20, v11;
	v22 =	vnsel vm15, $0x0, v23;
	(v2sf) =	vpush v21, $0xF;
	v20, _, _ =	vpop (xrf0)  }
0x11e: {  	v12 =	vadd.s32 v19, v12;
	v11 =	vsel vm11, v11, v22;
	v15, _, _ =	vpop (xrf0);
	(v2sf) =	vpush v20, $0xF  }
0x11f: {  	v11 =	vsel vm10, v12, v11;
	v12 =	vadd.s32 v21, v13;
	(v2sf) =	vpush v15, $0xF;
	v13, _, _ =	vpop (xrf0)  }
0x120: {  	v11 =	vsel vm12, v12, v11;
	v12 =	vadd.s32 v15, v17;
	(v2sf) =	vpush v13, $0xF;
	v15, _, _ =	vpop (xrf0)  }
0x121: {  	v11 =	vsel vm13, v12, v11;
	v12 =	vadd.s32 v13, v16;
	(v2sf) =	vpush v15, $0xF  }
0x122: {  	v11 =	vsel vm14, v12, v11;
	v12 =	vadd.s32 v20, v14  }
0x123: {  	v11 =	vsel vm9, v12, v11;
	v12 =	vadd.s32 v15, v18  }
0x124: {  	v11 =	vsel vm8, v12, v11  }
0x125: {  	v12 =	vld [tilespmem:s1+$0x0];
	s1 =	smov.u32 s14;
	_ =	sdelay $0x2  }
0x126: {  	v13 =	vor.u32 s21, v2  }
0x127: {  	[tilespmem:v11+s16+$0x0] =	vst.idx.msk $0xffff, v13;
	s3 =	spop (v2sf)  }
0x128: {  	s29 =	sadd.s32 s29, s3;
	[tilespmem:v11+s17+$0x0] =	vst.idx.msk $0xffff, v12;
	s3 =	sand.u32 $0x7F0, s21;
	s4 =	spop (v2sf)  }
0x129: {  	s21 =	smov.u32 s2;
	s28 =	sadd.s32 s28, s4;
	[tilespmem:s3+$0x2800] =	vst v11;
	s3 =	spop (v2sf)  }
0x12a: {  	v16 =	vld [tilespmem:s31+$0x0];
	v11 =	vmov s28;
	s25 =	sadd.s32 s25, s3;
	s2 =	spop (v2sf)  }
0x12b: {  	v13 =	vmov s29;
	v12 =	vmov s25;
	v11 =	vadd.s32 $0xFFFFFFFF, v11;
	s13 =	sadd.s32 s13, s2;
	s2 =	spop (v2sf)  }
.Ltmp4:
0x12c: {  	v15 =	vadd.s32 $0xFFFFFFFF, v12;
	v12 =	vadd.s32 $0xFFFFFFFF, v13;
	v13 =	vmov s13;
	s30 =	sadd.s32 s30, s2;
	s2 =	spop (v2sf);
	(pc) =	sbr.rel @p0 .LBB2_9-.Ltmp4, $4  }
0x12d: {  	v13 =	vadd.s32 $0xFFFFFFFF, v13;
	v14 =	vmov s30;
	s23 =	sadd.s32 s23, s2;
	s2 =	spop (v2sf)  }
0x12e: {  	v17 =	vmov s23;
	v14 =	vadd.s32 $0xFFFFFFFF, v14;
	s22 =	sadd.s32 s22, s2;
	s2 =	spop (v2sf)  }
0x12f: {  	vm10 =	veq.s32 v16, $0x2;
	vm9 =	veq.s32 v16, $0x6;
	vm8 =	veq.s32 v16, $0x7;
	s0 =	sadd.s32 s0, s2  }
0x130: {  	vm11 =	veq.s32 v16, $0x1;
	v19 =	vsel vm10, $0x1, v0;
	v18 =	vsel vm9, $0x1, v0  }
0x131: {  	vm15 =	veq.s32 v16, $0x0;
	v20 =	vsel vm11, $0x1, v0;
	(xrf0) =	vadd.scan.msk.s32 $0xffff, v19  }
0x132: {  	vm12 =	veq.s32 v16, $0x3;
	v44 =	vsel vm15, $0x1, v0;
	(xrf0) =	vadd.scan.msk.s32 $0xffff, v20  }
0x133: {  	v45 =	vsel vm12, $0x1, v0;
	(xrf0) =	vadd.scan.msk.s32 $0xffff, v44  }
0x134: {  	vm13 =	veq.s32 v16, $0x4;
	(xrf0) =	vadd.scan.msk.s32 $0xffff, v45  }
0x135: {  	vm14 =	veq.s32 v16, $0x5;
	v47 =	vsel vm8, $0x1, v0;
	v15 =	vbroadcast v15, $0x0  }
0x136: {  	v17 =	vadd.s32 $0xFFFFFFFF, v17;
	v11 =	vbroadcast v11, $0x0;
	v46 =	vsel vm13, $0x1, v0;
	(xrf0) =	vadd.scan.msk.s32 $0xffff, v18  }
0x137: {  	v12 =	vbroadcast v12, $0x0;
	v53 =	vmov s22;
	v16 =	vsel vm14, $0x1, v0;
	(xrf0) =	vadd.scan.msk.s32 $0xffff, v46;
	v48, _, _ =	vpop (xrf0)  }
0x138: {  	v54 =	vmov s0;
	v13 =	vbroadcast v13, $0x0;
	(xrf0) =	vadd.scan.msk.s32 $0xffff, v16;
	v49, _, _ =	vpop (xrf0);
	(v2sf) =	vpush v48, $0xF  }
0x139: {  	v56 =	vbroadcast v14, $0x0;
	v19 =	vadd.s32 $0xFFFFFFFF, v54;
	(xrf0) =	vadd.scan.msk.s32 $0xffff, v47;
	v50, _, _ =	vpop (xrf0);
	(v2sf) =	vpush v49, $0xF  }
0x13a: {  	v17 =	vbroadcast v17, $0x0;
	v58 =	vbroadcast v19, $0x0;
	(v2sf) =	vpush v50, $0xF;
	v20, _, _ =	vpop (xrf0)  }
0x13b: {  	v12 =	vadd.s32 v48, v12;
	v15 =	vadd.s32 v50, v15;
	(v2sf) =	vpush v20, $0xF  }
0x13c: {  	v11 =	vadd.s32 v49, v11;
	v21, _, _ =	vpop (xrf0);
	v15 =	vnsel vm15, $0x0, v15;
	v55 =	vadd.s32 v20, v13  }
0x13d: {  	v22, _, _ =	vpop (xrf0);
	(v2sf) =	vpush v21, $0xF;
	v11 =	vsel vm11, v11, v15;
	v15 =	vadd.s32 $0xFFFFFFFF, v53  }
0x13e: {  	(v2sf) =	vpush v22, $0xF;
	v51, _, _ =	vpop (xrf0);
	v15 =	vbroadcast v15, $0x0;
	v11 =	vsel vm10, v12, v11  }
0x13f: {  	v57 =	vadd.s32 v22, v17;
	(v2sf) =	vpush v51, $0xF;
	v52, _, _ =	vpop (xrf0);
	v11 =	vsel vm12, v55, v11  }
0x140: {  	(v2sf) =	vpush v52, $0xF;
	v11 =	vsel vm13, v57, v11;
	v59 =	vadd.s32 v51, v15  }
0x141: {  	v60 =	vadd.s32 v21, v56;
	v11 =	vsel vm14, v59, v11  }
0x142: {  	v61 =	vadd.s32 v52, v58;
	v11 =	vsel vm9, v60, v11  }
0x143: {  	v11 =	vsel vm8, v61, v11  }
0x144: {  	v62 =	vld [tilespmem:s1+$0x0];
	_ =	sdelay $0x2  }
0x145: {  	v63 =	vor.u32 s21, v2;
	s15 =	spop (v2sf)  }
0x146: {  	[tilespmem:v11+s16+$0x0] =	vst.idx.msk $0xffff, v63;
	s18 =	spop (v2sf)  }
0x147: {  	s0 =	sand.u32 $0x7F0, s21;
	s1 =	simm.s32 $0x0;
	[tilespmem:v11+s17+$0x0] =	vst.idx.msk $0xffff, v62;
	s19 =	spop (v2sf)  }
0x148: {  	s2 =	simm.s32 $0x2000;
	[tilespmem:s0+$0x2800] =	vst v11;
	s0 =	rddreg [dreg:$0x8];
	s20 =	spop (v2sf)  }
0x149: {  	[hbm4b:s0+s1] =	stream.linear.scatter [tilespmem:s2], [sflag:$0x1], $0x1000, $0x38;
	[tilespmem:$0x6080] =	vst v63  }
0x14a: {  	s22 =	spop (v2sf)  }
0x14b: {  	s23 =	spop (v2sf)  }
0x14c: {  	s24 =	spop (v2sf)  }
0x14d: {  	s2 =	simm.s32 $0x1;
	s25 =	spop (v2sf)  }
0x14e: {  	_ =	swait.ge [sflag:s2], $0x1000  }
0x14f: {  	[sflag:s2] =	ssyncset.done $0x0  }
0x150: {  	[sflag:s2] =	ssyncadd.s32 $0xFFFFF000  }
0x151: {  	s26 =	rddreg [dreg:$0x1]  }
0x152: {  	[hbm4b:s26+s1] =	stream.linear.scatter [tilespmem:s16], [sflag:$0x1], $0x1800, $0x38;
	[tilespmem:$0x6080] =	vst v63  }
0x153: {  	_ =	swait.ge [sflag:s2], $0x1800  }
0x154: {  	[sflag:s2] =	ssyncset.done $0x0  }
0x155: {  	[sflag:s2] =	ssyncadd.s32 $0xFFFFE800  }
0x156: {  	s28 =	rddreg [dreg:$0x2]  }
0x157: {  	[hbm4b:s28+s1] =	stream.linear.scatter [tilespmem:s17], [sflag:$0x1], $0x1800, $0x38;
	[tilespmem:$0x6080] =	vst v63  }
0x158: {  	_ =	swait.ge [sflag:s2], $0x1800  }
0x159: {  	[sflag:s2] =	ssyncset.done $0x0  }
0x15a: {  	s3 =	simm.s32 $0x6000;
	s29 =	rddreg [dreg:$0x9];
	[sflag:s2] =	ssyncadd.s32 $0xFFFFE800  }
0x15b: {  	[hbm4b:s29+s1] =	stream.linear.scatter [tilespmem:s3], [sflag:$0x1], $0x80, $0x38;
	[tilespmem:$0x6080] =	vst v63  }
0x15c: {  	_ =	swait.ge [sflag:s2], $0x80  }
0x15d: {  	s30 =	rddreg [dreg:$0xb]  }
0x15e: {  	s31 =	rddreg [dreg:$0xa];
	s3 =	sadd.s32 $0x1, s30  }
0x15f: {  	p0 =	sne.s32 s3, s31  }
.Ltmp5:
0x160: {  	_ = 	snop;
	(pc) =	sbr.rel @p0 .LBB2_2-.Ltmp5, $3  }
0x161: {  	_ =	sdelay $0x1  }
0x162: {  	[sflag:s2] =	ssyncset.done $0x0  }
0x163: {  	[sflag:s2] =	ssyncadd.s32 $0xFFFFFF80  }
.LBB2_11:
0x164: {  	_ =	sfence.sel $0x180000  }
0x165: {  	[bflag:$0x0] =	sbarrier.arrive $0xFFFF  }
0x166: {  	_ =	strace $0x90000047  }
0x167: {  	s0 =	stileid.u32;
	[bflag:$0x2] =	sbarrier.arrive $0xFFFF  }
0x168: {  	p0 =	sne.s32 s0, $0x0;
	s0 =	rddreg [dreg:$0x3]  }
0x169: {  	s0 =	sadd.s32 @!p0 $0x100000, s0  }
0x16a: {  	[sflag:s0] =	ssyncadd.tile.s32 @!p0 $0x1;
	_ =	shalt  }
.Lfunc_end2:
_tile_overlayer_lowered:
.L_overlay_start_2:
0x16b: {  	(tag) =	ssettag $0x2  }
0x16c: {  	s0 =	rddreg [dreg:$0x0];
	s2 =	stileid.u32  }
0x16d: {  	s1 =	rddreg [dreg:$0x1];
	p0 =	sne.s32 s2, $0x0  }
0x16e: {  	s3 =	rddreg [dreg:$0x2];
	[bflag:$0x3] =	sbarrier.arrive $0xFFFF;
	s2 =	simm.s32 @!p0 $0x1C01  }
0x16f: {  	[timem:s3], [sflag:s2] =	dma.local @!p0 [hbm:s0], s1  }
0x170: {  	s0 =	simm.s32 @!p0 $0x1  }
0x171: {  	_ =	swait.ge @!p0 [sflag:s0], s1  }
0x172: {  	s1 =	ssub.s32 @!p0 $0x0, s1;
	[sflag:s0] =	ssyncset.done @!p0 $0x0  }
0x173: {  	[sflag:s0] =	ssyncadd.s32 @!p0 s1  }
0x174: {  	[bflag:$0x3] =	sbarrier.arrive $0xFFFF  }
0x175: {  	_ =	shalt  }

</sc_bundles>
